<compile_context>
chip_gen: v7x
topology: tpu7x:2x2x1
jax: 0.10.2.dev20260603
libtpu: 0.0.44.dev20260713+nightly
codegen_flags: <defaults>
</compile_context>

<pallas_src>
import jax
import jax.numpy as jnp
from jax import lax
from jax.experimental import pallas as pl
from jax.experimental.pallas import tpu as pltpu
from jax.experimental.pallas import tpu_sc as plsc

_B, _N = 8, 4096
_NB_SC = 2
_NB_TC = _B - _NB_SC
_L = 16
_W = 32
_QPW = (_NB_SC * _N) // _W
_PARTS = _N // _QPW
_QG = 4
_UNROLL = 1
_NBLK = 1024



def _tc_body(x1_ref, x2t_ref, d1_ref, i1_ref, d2_ref, i2_ref):
    i = pl.program_id(1)
    x1 = x1_ref[0]
    x2t = x2t_ref[0]
    m = x2t.shape[1]

    ab = jax.lax.dot_general(
        x1, x2t, dimension_numbers=(((1,), (0,)), ((), ())),
        preferred_element_type=jnp.float32)
    aa = jnp.sum(x1 * x1, axis=1, keepdims=True)
    bb = jnp.sum(x2t * x2t, axis=0, keepdims=True)
    d = jnp.maximum(aa + bb - 2.0 * ab, 0.0)

    rmin = jnp.min(d, axis=1, keepdims=True)
    lane = jax.lax.broadcasted_iota(jnp.int32, d.shape, 1)
    ridx = jnp.min(jnp.where(d == rmin, lane, jnp.int32(m)),
                   axis=1, keepdims=True)
    d1_ref[0] = rmin
    i1_ref[0] = ridx

    cmin = jnp.min(d, axis=0, keepdims=True)
    row = jax.lax.broadcasted_iota(jnp.int32, d.shape, 0) + i * _NBLK
    cidx = jnp.min(jnp.where(d == cmin, row, jnp.int32(1 << 30)),
                   axis=0, keepdims=True)

    @pl.when(i == 0)
    def _():
        d2_ref[0] = cmin
        i2_ref[0] = cidx

    @pl.when(i != 0)
    def _():
        prev_d = d2_ref[0]
        prev_i = i2_ref[0]
        take = cmin < prev_d
        d2_ref[0] = jnp.where(take, cmin, prev_d)
        i2_ref[0] = jnp.where(take, cidx, prev_i)


def _tc_chamfer(xyz1, xyz2):
    b, n, _ = xyz1.shape
    m = xyz2.shape[1]
    x2t = jnp.transpose(xyz2, (0, 2, 1))
    d1, i1, d2, i2 = pl.pallas_call(
        _tc_body,
        grid=(b, n // _NBLK),
        in_specs=[
            pl.BlockSpec((1, _NBLK, 3), lambda bi, ti: (bi, ti, 0)),
            pl.BlockSpec((1, 3, m), lambda bi, ti: (bi, 0, 0)),
        ],
        out_specs=[
            pl.BlockSpec((1, _NBLK, 1), lambda bi, ti: (bi, ti, 0)),
            pl.BlockSpec((1, _NBLK, 1), lambda bi, ti: (bi, ti, 0)),
            pl.BlockSpec((1, 1, m), lambda bi, ti: (bi, 0, 0)),
            pl.BlockSpec((1, 1, m), lambda bi, ti: (bi, 0, 0)),
        ],
        out_shape=[
            jax.ShapeDtypeStruct((b, n, 1), jnp.float32),
            jax.ShapeDtypeStruct((b, n, 1), jnp.int32),
            jax.ShapeDtypeStruct((b, 1, m), jnp.float32),
            jax.ShapeDtypeStruct((b, 1, m), jnp.int32),
        ],
    )(xyz1, x2t)
    return d1[:, :, 0], d2[:, 0, :], i1[:, :, 0], i2[:, 0, :]



def _perm(v, idx):
    dnums = lax.GatherDimensionNumbers(
        offset_dims=(), collapsed_slice_dims=(0,), start_index_map=(0,))
    return lax.gather(v, jnp.reshape(idx, (_L, 1)), dnums, slice_sizes=(1,),
                      mode=lax.GatherScatterMode.PROMISE_IN_BOUNDS)


def _bcast(v, lane):
    return _perm(v, lax.iota(jnp.int32, _L) * 0 + lane)


def _lanemin(v):
    lanes = lax.iota(jnp.int32, _L)
    r = v
    for stride in (8, 4, 2, 1):
        r = jnp.minimum(r, _perm(r, lanes ^ stride))
    return r


def _rbf16(x):
    u = lax.bitcast_convert_type(x, jnp.uint32)
    r = u + jnp.uint32(0x7FFF) + ((u >> jnp.uint32(16)) & jnp.uint32(1))
    return lax.bitcast_convert_type(r & jnp.uint32(0xFFFF0000), jnp.float32)


def _prep(cx_ref, cy_ref, cz_ref, rx_ref, ry_ref, rz_ref, bb_ref, n):
    def body(t, carry):
        sl = pl.ds(t * _L, _L)
        cx = cx_ref[sl]
        cy = cy_ref[sl]
        cz = cz_ref[sl]
        rx_ref[sl] = _rbf16(cx)
        ry_ref[sl] = _rbf16(cy)
        rz_ref[sl] = _rbf16(cz)
        bb_ref[sl] = (cx * cx + cy * cy) + cz * cz
        return carry
    lax.fori_loop(0, n // _L, body, 0)


def _scan_fused(qx_ref, qy_ref, qz_ref, qrx_ref, qry_ref, qrz_ref, q0,
                crx_ref, cry_ref, crz_ref, cbb_ref,
                od_ref, oi_ref, colv_ref, coli_ref, nq, nc):
    nch = nc // _L
    lanes = lax.iota(jnp.int32, _L)
    big = jnp.full((_L,), jnp.float32(3.0e38))
    izero = jnp.zeros((_L,), jnp.int32)

    def block16(b, carry):
        qsl = pl.ds(q0 + b * _L, _L)
        qxv = qx_ref[qsl]
        qyv = qy_ref[qsl]
        qzv = qz_ref[qsl]
        aav16 = (qxv * qxv + qyv * qyv) + qzv * qzv
        qrxv = qrx_ref[qsl]
        qryv = qry_ref[qsl]
        qrzv = qrz_ref[qsl]
        dacc = jnp.zeros((_L,), jnp.float32)
        iacc = izero
        for sub in range(_L // _QG):
            bx = [2.0 * _bcast(qrxv, sub * _QG + k) for k in range(_QG)]
            by = [2.0 * _bcast(qryv, sub * _QG + k) for k in range(_QG)]
            bz = [2.0 * _bcast(qrzv, sub * _QG + k) for k in range(_QG)]
            av = [_bcast(aav16, sub * _QG + k) for k in range(_QG)]
            rid = [q0 + b * _L + (sub * _QG + k) for k in range(_QG)]

            def chunk(t, c, bx=bx, by=by, bz=bz, av=av, rid=rid):
                sl = pl.ds(t * _L, _L)
                cx = crx_ref[sl]
                cy = cry_ref[sl]
                cz = crz_ref[sl]
                bb = cbb_ref[sl]
                cv = colv_ref[sl]
                ci = coli_ref[sl]
                tv = jnp.full((_L,), t, dtype=jnp.int32)
                rms = list(c[:_QG])
                ris = list(c[_QG:])
                for k in range(_QG):
                    ab2 = (bx[k] * cx + by[k] * cy) + bz[k] * cz
                    d = jnp.maximum((av[k] + bb) - ab2, 0.0)
                    rbet = d < rms[k]
                    rms[k] = jnp.where(rbet, d, rms[k])
                    ris[k] = jnp.where(rbet, tv, ris[k])
                    cbet = d < cv
                    cv = jnp.where(cbet, d, cv)
                    ci = jnp.where(cbet,
                                   jnp.full((_L,), rid[k], dtype=jnp.int32),
                                   ci)
                colv_ref[sl] = cv
                coli_ref[sl] = ci
                return tuple(rms + ris)

            fin = lax.fori_loop(0, nch, chunk,
                                tuple([big] * _QG + [izero] * _QG))
            for k in range(_QG):
                rm = fin[k]
                ri = fin[_QG + k]
                pos = sub * _QG + k
                mvalv = _lanemin(rm)
                gidx = ri * _L + lanes
                cand = jnp.where(rm == mvalv, gidx,
                                 jnp.full((_L,), jnp.int32(1 << 30)))
                bidxv = _lanemin(cand)
                sel = lanes == pos
                dacc = jnp.where(sel, mvalv, dacc)
                iacc = jnp.where(sel, bidxv, iacc)
        od_ref[pl.ds(b * _L, _L)] = dacc
        oi_ref[pl.ds(b * _L, _L)] = iacc
        return carry

    lax.fori_loop(0, nq // _L, block16, 0)


def _worker_id():
    return lax.axis_index("c") * 16 + lax.axis_index("s")


def _sc_chamfer(x1x, x1y, x1z, x2x, x2y, x2z,
                d1_ref, d2_ref, i1_ref, i2_ref,
                c1x, c1y, c1z, c2x, c2y, c2z,
                r1x, r1y, r1z, r2x, r2y, r2z, b1, b2,
                colv, coli, od, oi, tv2, ti2, shv, shi):
    w = _worker_id()
    batch = w // _PARTS
    part = w % _PARTS
    cbase = batch * _N
    pltpu.sync_copy(x1x.at[pl.ds(cbase, _N)], c1x)
    pltpu.sync_copy(x1y.at[pl.ds(cbase, _N)], c1y)
    pltpu.sync_copy(x1z.at[pl.ds(cbase, _N)], c1z)
    pltpu.sync_copy(x2x.at[pl.ds(cbase, _N)], c2x)
    pltpu.sync_copy(x2y.at[pl.ds(cbase, _N)], c2y)
    pltpu.sync_copy(x2z.at[pl.ds(cbase, _N)], c2z)
    _prep(c1x, c1y, c1z, r1x, r1y, r1z, b1, _N)
    _prep(c2x, c2y, c2z, r2x, r2y, r2z, b2, _N)

    big = jnp.full((_L,), jnp.float32(3.0e38))
    izero = jnp.zeros((_L,), jnp.int32)

    def initcol(t, carry):
        sl = pl.ds(t * _L, _L)
        colv[sl] = big
        coli[sl] = izero
        return carry
    lax.fori_loop(0, _N // _L, initcol, 0)

    q0 = part * _QPW
    obase = w * _QPW

    _scan_fused(c1x, c1y, c1z, r1x, r1y, r1z, q0,
                r2x, r2y, r2z, b2, od, oi, colv, coli, _QPW, _N)
    pltpu.sync_copy(od, d1_ref.at[pl.ds(obase, _QPW)])
    pltpu.sync_copy(oi, i1_ref.at[pl.ds(obase, _QPW)])

    pltpu.sync_copy(colv, shv.at[part])
    pltpu.sync_copy(coli, shi.at[part])
    plsc.subcore_barrier()

    csl = pl.ds(part * _QPW, _QPW)
    pltpu.sync_copy(shv.at[0, csl], od)
    pltpu.sync_copy(shi.at[0, csl], oi)

    def merge_partial(p, carry):
        pltpu.sync_copy(shv.at[p, csl], tv2)
        pltpu.sync_copy(shi.at[p, csl], ti2)

        def merge_chunk(t, c):
            sl = pl.ds(t * _L, _L)
            cur = od[sl]
            new = tv2[sl]
            take = new < cur
            od[sl] = jnp.where(take, new, cur)
            oi[sl] = jnp.where(take, ti2[sl], oi[sl])
            return c
        lax.fori_loop(0, _QPW // _L, merge_chunk, 0)
        return carry
    lax.fori_loop(1, _PARTS, merge_partial, 0)

    pltpu.sync_copy(od, d2_ref.at[pl.ds(obase, _QPW)])
    pltpu.sync_copy(oi, i2_ref.at[pl.ds(obase, _QPW)])


def _sc_chamfer_call(xyz1, xyz2):
    b, n, _ = xyz1.shape
    x1 = jnp.transpose(xyz1, (2, 0, 1)).reshape(3, b * n)
    x2 = jnp.transpose(xyz2, (2, 0, 1)).reshape(3, b * n)
    mesh = plsc.VectorSubcoreMesh(core_axis_name="c", subcore_axis_name="s",
                                  num_cores=2, num_subcores=16)
    f = pl.kernel(
        _sc_chamfer,
        out_type=[
            jax.ShapeDtypeStruct((b * n,), jnp.float32),
            jax.ShapeDtypeStruct((b * n,), jnp.float32),
            jax.ShapeDtypeStruct((b * n,), jnp.int32),
            jax.ShapeDtypeStruct((b * n,), jnp.int32),
        ],
        mesh=mesh,
        scratch_types=(
            [pltpu.VMEM((n,), jnp.float32) for _ in range(14)]
            + [pltpu.VMEM((n,), jnp.float32),
               pltpu.VMEM((n,), jnp.int32),
               pltpu.VMEM((_QPW,), jnp.float32),
               pltpu.VMEM((_QPW,), jnp.int32),
               pltpu.VMEM((_QPW,), jnp.float32),
               pltpu.VMEM((_QPW,), jnp.int32),
               pltpu.VMEM_SHARED((_PARTS, n), jnp.float32),
               pltpu.VMEM_SHARED((_PARTS, n), jnp.int32)]),
    )
    d1, d2, i1, i2 = f(x1[0], x1[1], x1[2], x2[0], x2[1], x2[2])
    return (d1.reshape(b, n), d2.reshape(b, n),
            i1.reshape(b, n), i2.reshape(b, n))


def kernel(xyz1, xyz2):
    td1, td2, ti1, ti2 = _tc_chamfer(xyz1[:_NB_TC], xyz2[:_NB_TC])
    sd1, sd2, si1, si2 = _sc_chamfer_call(xyz1[_NB_TC:], xyz2[_NB_TC:])
    return (jnp.concatenate([td1, sd1], axis=0),
            jnp.concatenate([td2, sd2], axis=0),
            jnp.concatenate([ti1, si1], axis=0),
            jnp.concatenate([ti2, si2], axis=0))

# --- scband reference (transcript-rebuilt; emitter-appended) ---
"""Pipeline reference for scband-chamfer-function-with-idx-no-grad-78383153152278 (READ-ONLY COPY).

The authoritative reference and input builder live on the scoring server;
editing this copy changes nothing except your own understanding.
"""

import jax, jax.numpy as jnp
import numpy as np


def setup_inputs(seed: int = 0) -> dict:
    key = jax.random.key(seed)
    k1, k2 = jax.random.split(key)
    xyz1 = jax.random.normal(k1, (8, 4096, 3), dtype=jnp.float32)
    xyz2 = jax.random.normal(k2, (8, 4096, 3), dtype=jnp.float32)
    return {"xyz1": xyz1, "xyz2": xyz2}


def _pairwise_sqdist(a, b):
    # squared euclidean distances d[b, i, j] = ||a[b,i] - b[b,j]||^2
    aa = jnp.sum(a * a, axis=-1)[:, :, None]
    bb = jnp.sum(b * b, axis=-1)[:, None, :]
    ab = jnp.einsum('bnd,bmd->bnm', a, b)
    d = aa + bb - 2.0 * ab
    return jnp.maximum(d, 0.0)


def reference(xyz1, xyz2):
    # Faithful chamfer.forward: nearest-neighbor squared distance + index, both directions
    d = _pairwise_sqdist(xyz1, xyz2)  # [B, N, M]
    dist1 = jnp.min(d, axis=2)                      # [B, N] min dist xyz1 -> xyz2
    idx1 = jnp.argmin(d, axis=2).astype(jnp.int32)  # [B, N]
    dist2 = jnp.min(d, axis=1)                      # [B, M] min dist xyz2 -> xyz1
    idx2 = jnp.argmin(d, axis=1).astype(jnp.int32)  # [B, M]
    return (dist1, dist2, idx1, idx2)

if __name__ == "__main__":
    import jax
    _d = setup_inputs()
    print(jax.jit(kernel)(*tuple(_d.values())))

</pallas_src>

<mosaic_0001>
#map = affine_map<(d0, d1) -> (0)>
module attributes {stable_mosaic.version = 14 : i64} {
  func.func @_sc_chamfer(%arg0: i32, %arg1: i32, %arg2: memref<8192xf32, #tpu.memory_space<hbm>>, %arg3: memref<8192xf32, #tpu.memory_space<hbm>>, %arg4: memref<8192xf32, #tpu.memory_space<hbm>>, %arg5: memref<8192xf32, #tpu.memory_space<hbm>>, %arg6: memref<8192xf32, #tpu.memory_space<hbm>>, %arg7: memref<8192xf32, #tpu.memory_space<hbm>>, %arg8: memref<8192xf32, #tpu.memory_space<hbm>>, %arg9: memref<8192xf32, #tpu.memory_space<hbm>>, %arg10: memref<8192xi32, #tpu.memory_space<hbm>>, %arg11: memref<8192xi32, #tpu.memory_space<hbm>>, %arg12: memref<4096xf32, #tpu.memory_space<vmem>>, %arg13: memref<4096xf32, #tpu.memory_space<vmem>>, %arg14: memref<4096xf32, #tpu.memory_space<vmem>>, %arg15: memref<4096xf32, #tpu.memory_space<vmem>>, %arg16: memref<4096xf32, #tpu.memory_space<vmem>>, %arg17: memref<4096xf32, #tpu.memory_space<vmem>>, %arg18: memref<4096xf32, #tpu.memory_space<vmem>>, %arg19: memref<4096xf32, #tpu.memory_space<vmem>>, %arg20: memref<4096xf32, #tpu.memory_space<vmem>>, %arg21: memref<4096xf32, #tpu.memory_space<vmem>>, %arg22: memref<4096xf32, #tpu.memory_space<vmem>>, %arg23: memref<4096xf32, #tpu.memory_space<vmem>>, %arg24: memref<4096xf32, #tpu.memory_space<vmem>>, %arg25: memref<4096xf32, #tpu.memory_space<vmem>>, %arg26: memref<4096xf32, #tpu.memory_space<vmem>>, %arg27: memref<4096xi32, #tpu.memory_space<vmem>>, %arg28: memref<256xf32, #tpu.memory_space<vmem>>, %arg29: memref<256xi32, #tpu.memory_space<vmem>>, %arg30: memref<256xf32, #tpu.memory_space<vmem>>, %arg31: memref<256xi32, #tpu.memory_space<vmem>>, %arg32: memref<16x4096xf32, #tpu.memory_space<vmem_shared>>, %arg33: memref<16x4096xi32, #tpu.memory_space<vmem_shared>>) attributes {dimension_semantics = [#tpu.dimension_semantics<core_parallel>, #tpu.dimension_semantics<subcore_parallel>], iteration_bounds = array<i64: 2, 16>, scalar_prefetch = 0 : i64, scratch_operands = 22 : i64, tpu.core_type = #tpu.core_type<sc_vector_subcore>, window_params = [{transform_indices = #map}, {transform_indices = #map}, {transform_indices = #map}, {transform_indices = #map}, {transform_indices = #map}, {transform_indices = #map}, {transform_indices = #map}, {transform_indices = #map}, {transform_indices = #map}, {transform_indices = #map}]} {
    %mul3A = arith.constant 16 : i32
    %mul3A_0 = arith.muli %arg0, %mul3A : i32
    %add3A = arith.addi %mul3A_0, %arg1 : i32
    %jit3A = arith.constant 16 : i32
    %div3A = arith.divsi %add3A, %jit3A : i32
    %sign3A = arith.constant 0 : i32
    %sign3A_1 = arith.cmpi sgt, %add3A, %sign3A : i32
    %sign3A_2 = arith.extui %sign3A_1 : i1 to i32
    %sign3A_3 = arith.constant 0 : i32
    %sign3A_4 = arith.cmpi slt, %add3A, %sign3A_3 : i32
    %sign3A_5 = arith.extui %sign3A_4 : i1 to i32
    %sign3A_6 = arith.subi %sign3A_2, %sign3A_5 : i32
    %sign3A_7 = arith.constant 0 : i32
    %sign3A_8 = arith.cmpi sgt, %jit3A, %sign3A_7 : i32
    %sign3A_9 = arith.extui %sign3A_8 : i1 to i32
    %sign3A_10 = arith.constant 0 : i32
    %sign3A_11 = arith.cmpi slt, %jit3A, %sign3A_10 : i32
    %sign3A_12 = arith.extui %sign3A_11 : i1 to i32
    %sign3A_13 = arith.subi %sign3A_9, %sign3A_12 : i32
    %ne3A = arith.cmpi ne, %sign3A_6, %sign3A_13 : i32
    %rem3A = arith.remsi %add3A, %jit3A : i32
    %ne3A_14 = arith.constant 0 : i32
    %ne3A_15 = arith.cmpi ne, %rem3A, %ne3A_14 : i32
    %and3A = arith.andi %ne3A, %ne3A_15 : i1
    %sub3A = arith.constant 1 : i32
    %sub3A_16 = arith.subi %div3A, %sub3A : i32
    %select_n3A = arith.select %and3A, %sub3A_16, %div3A : i32
    %jit3A_17 = arith.constant 16 : i32
    %eq3A = arith.constant 0 : i32
    %eq3A_18 = arith.cmpi eq, %jit3A_17, %eq3A : i32
    %jit3A_19 = arith.constant 1 : i32
    %select_n3A_20 = arith.select %eq3A_18, %jit3A_19, %jit3A_17 : i32
    %rem3A_21 = arith.remsi %add3A, %select_n3A_20 : i32
    %ne3A_22 = arith.constant 0 : i32
    %ne3A_23 = arith.cmpi ne, %rem3A_21, %ne3A_22 : i32
    %lt3A = arith.constant 0 : i32
    %lt3A_24 = arith.cmpi slt, %rem3A_21, %lt3A : i32
    %lt3A_25 = arith.constant 0 : i32
    %lt3A_26 = arith.cmpi slt, %select_n3A_20, %lt3A_25 : i32
    %ne3A_27 = arith.xori %lt3A_24, %lt3A_26 : i1
    %and3A_28 = arith.andi %ne3A_27, %ne3A_23 : i1
    %add3A_29 = arith.addi %rem3A_21, %select_n3A_20 : i32
    %select_n3A_30 = arith.select %and3A_28, %add3A_29, %rem3A_21 : i32
    %mul3A_31 = arith.constant 4096 : i32
    %mul3A_32 = arith.muli %select_n3A, %mul3A_31 : i32
    "tpu.region"() ({
      %run_scoped3A_76 = tpu.sem_alloc : memref<!tpu.dma_semaphore, #tpu.memory_space<semaphore_mem>>
      %dma_start3A = tpu.memref_slice %arg2[%mul3A_32] : memref<8192xf32, #tpu.memory_space<hbm>> -> memref<4096xf32, #tpu.memory_space<hbm>>
      %dma_start3A_77 = tpu.memref_slice %arg2[%mul3A_32] : memref<8192xf32, #tpu.memory_space<hbm>> -> memref<4096xf32, #tpu.memory_space<hbm>>
      tpu.enqueue_dma source(%dma_start3A_77 : memref<4096xf32, #tpu.memory_space<hbm>>) target(%arg12 : memref<4096xf32, #tpu.memory_space<vmem>>) target_semaphore(%run_scoped3A_76 : memref<!tpu.dma_semaphore, #tpu.memory_space<semaphore_mem>>)
      %dma_wait3A = tpu.memref_slice %arg2[%mul3A_32] : memref<8192xf32, #tpu.memory_space<hbm>> -> memref<4096xf32, #tpu.memory_space<hbm>>
      %dma_wait3A_78 = tpu.memref_slice %arg2[%mul3A_32] : memref<8192xf32, #tpu.memory_space<hbm>> -> memref<4096xf32, #tpu.memory_space<hbm>>
      tpu.wait_dma2 semaphore(%run_scoped3A_76 : memref<!tpu.dma_semaphore, #tpu.memory_space<semaphore_mem>>) src(%dma_wait3A_78 : memref<4096xf32, #tpu.memory_space<hbm>>) dst(%arg12 : memref<4096xf32, #tpu.memory_space<vmem>>)
      tpu.yield
    }) : () -> ()
    "tpu.region"() ({
      %run_scoped3A_76 = tpu.sem_alloc : memref<!tpu.dma_semaphore, #tpu.memory_space<semaphore_mem>>
      %dma_start3A = tpu.memref_slice %arg3[%mul3A_32] : memref<8192xf32, #tpu.memory_space<hbm>> -> memref<4096xf32, #tpu.memory_space<hbm>>
      %dma_start3A_77 = tpu.memref_slice %arg3[%mul3A_32] : memref<8192xf32, #tpu.memory_space<hbm>> -> memref<4096xf32, #tpu.memory_space<hbm>>
      tpu.enqueue_dma source(%dma_start3A_77 : memref<4096xf32, #tpu.memory_space<hbm>>) target(%arg13 : memref<4096xf32, #tpu.memory_space<vmem>>) target_semaphore(%run_scoped3A_76 : memref<!tpu.dma_semaphore, #tpu.memory_space<semaphore_mem>>)
      %dma_wait3A = tpu.memref_slice %arg3[%mul3A_32] : memref<8192xf32, #tpu.memory_space<hbm>> -> memref<4096xf32, #tpu.memory_space<hbm>>
      %dma_wait3A_78 = tpu.memref_slice %arg3[%mul3A_32] : memref<8192xf32, #tpu.memory_space<hbm>> -> memref<4096xf32, #tpu.memory_space<hbm>>
      tpu.wait_dma2 semaphore(%run_scoped3A_76 : memref<!tpu.dma_semaphore, #tpu.memory_space<semaphore_mem>>) src(%dma_wait3A_78 : memref<4096xf32, #tpu.memory_space<hbm>>) dst(%arg13 : memref<4096xf32, #tpu.memory_space<vmem>>)
      tpu.yield
    }) : () -> ()
    "tpu.region"() ({
      %run_scoped3A_76 = tpu.sem_alloc : memref<!tpu.dma_semaphore, #tpu.memory_space<semaphore_mem>>
      %dma_start3A = tpu.memref_slice %arg4[%mul3A_32] : memref<8192xf32, #tpu.memory_space<hbm>> -> memref<4096xf32, #tpu.memory_space<hbm>>
      %dma_start3A_77 = tpu.memref_slice %arg4[%mul3A_32] : memref<8192xf32, #tpu.memory_space<hbm>> -> memref<4096xf32, #tpu.memory_space<hbm>>
      tpu.enqueue_dma source(%dma_start3A_77 : memref<4096xf32, #tpu.memory_space<hbm>>) target(%arg14 : memref<4096xf32, #tpu.memory_space<vmem>>) target_semaphore(%run_scoped3A_76 : memref<!tpu.dma_semaphore, #tpu.memory_space<semaphore_mem>>)
      %dma_wait3A = tpu.memref_slice %arg4[%mul3A_32] : memref<8192xf32, #tpu.memory_space<hbm>> -> memref<4096xf32, #tpu.memory_space<hbm>>
      %dma_wait3A_78 = tpu.memref_slice %arg4[%mul3A_32] : memref<8192xf32, #tpu.memory_space<hbm>> -> memref<4096xf32, #tpu.memory_space<hbm>>
      tpu.wait_dma2 semaphore(%run_scoped3A_76 : memref<!tpu.dma_semaphore, #tpu.memory_space<semaphore_mem>>) src(%dma_wait3A_78 : memref<4096xf32, #tpu.memory_space<hbm>>) dst(%arg14 : memref<4096xf32, #tpu.memory_space<vmem>>)
      tpu.yield
    }) : () -> ()
    "tpu.region"() ({
      %run_scoped3A_76 = tpu.sem_alloc : memref<!tpu.dma_semaphore, #tpu.memory_space<semaphore_mem>>
      %dma_start3A = tpu.memref_slice %arg5[%mul3A_32] : memref<8192xf32, #tpu.memory_space<hbm>> -> memref<4096xf32, #tpu.memory_space<hbm>>
      %dma_start3A_77 = tpu.memref_slice %arg5[%mul3A_32] : memref<8192xf32, #tpu.memory_space<hbm>> -> memref<4096xf32, #tpu.memory_space<hbm>>
      tpu.enqueue_dma source(%dma_start3A_77 : memref<4096xf32, #tpu.memory_space<hbm>>) target(%arg15 : memref<4096xf32, #tpu.memory_space<vmem>>) target_semaphore(%run_scoped3A_76 : memref<!tpu.dma_semaphore, #tpu.memory_space<semaphore_mem>>)
      %dma_wait3A = tpu.memref_slice %arg5[%mul3A_32] : memref<8192xf32, #tpu.memory_space<hbm>> -> memref<4096xf32, #tpu.memory_space<hbm>>
      %dma_wait3A_78 = tpu.memref_slice %arg5[%mul3A_32] : memref<8192xf32, #tpu.memory_space<hbm>> -> memref<4096xf32, #tpu.memory_space<hbm>>
      tpu.wait_dma2 semaphore(%run_scoped3A_76 : memref<!tpu.dma_semaphore, #tpu.memory_space<semaphore_mem>>) src(%dma_wait3A_78 : memref<4096xf32, #tpu.memory_space<hbm>>) dst(%arg15 : memref<4096xf32, #tpu.memory_space<vmem>>)
      tpu.yield
    }) : () -> ()
    "tpu.region"() ({
      %run_scoped3A_76 = tpu.sem_alloc : memref<!tpu.dma_semaphore, #tpu.memory_space<semaphore_mem>>
      %dma_start3A = tpu.memref_slice %arg6[%mul3A_32] : memref<8192xf32, #tpu.memory_space<hbm>> -> memref<4096xf32, #tpu.memory_space<hbm>>
      %dma_start3A_77 = tpu.memref_slice %arg6[%mul3A_32] : memref<8192xf32, #tpu.memory_space<hbm>> -> memref<4096xf32, #tpu.memory_space<hbm>>
      tpu.enqueue_dma source(%dma_start3A_77 : memref<4096xf32, #tpu.memory_space<hbm>>) target(%arg16 : memref<4096xf32, #tpu.memory_space<vmem>>) target_semaphore(%run_scoped3A_76 : memref<!tpu.dma_semaphore, #tpu.memory_space<semaphore_mem>>)
      %dma_wait3A = tpu.memref_slice %arg6[%mul3A_32] : memref<8192xf32, #tpu.memory_space<hbm>> -> memref<4096xf32, #tpu.memory_space<hbm>>
      %dma_wait3A_78 = tpu.memref_slice %arg6[%mul3A_32] : memref<8192xf32, #tpu.memory_space<hbm>> -> memref<4096xf32, #tpu.memory_space<hbm>>
      tpu.wait_dma2 semaphore(%run_scoped3A_76 : memref<!tpu.dma_semaphore, #tpu.memory_space<semaphore_mem>>) src(%dma_wait3A_78 : memref<4096xf32, #tpu.memory_space<hbm>>) dst(%arg16 : memref<4096xf32, #tpu.memory_space<vmem>>)
      tpu.yield
    }) : () -> ()
    "tpu.region"() ({
      %run_scoped3A_76 = tpu.sem_alloc : memref<!tpu.dma_semaphore, #tpu.memory_space<semaphore_mem>>
      %dma_start3A = tpu.memref_slice %arg7[%mul3A_32] : memref<8192xf32, #tpu.memory_space<hbm>> -> memref<4096xf32, #tpu.memory_space<hbm>>
      %dma_start3A_77 = tpu.memref_slice %arg7[%mul3A_32] : memref<8192xf32, #tpu.memory_space<hbm>> -> memref<4096xf32, #tpu.memory_space<hbm>>
      tpu.enqueue_dma source(%dma_start3A_77 : memref<4096xf32, #tpu.memory_space<hbm>>) target(%arg17 : memref<4096xf32, #tpu.memory_space<vmem>>) target_semaphore(%run_scoped3A_76 : memref<!tpu.dma_semaphore, #tpu.memory_space<semaphore_mem>>)
      %dma_wait3A = tpu.memref_slice %arg7[%mul3A_32] : memref<8192xf32, #tpu.memory_space<hbm>> -> memref<4096xf32, #tpu.memory_space<hbm>>
      %dma_wait3A_78 = tpu.memref_slice %arg7[%mul3A_32] : memref<8192xf32, #tpu.memory_space<hbm>> -> memref<4096xf32, #tpu.memory_space<hbm>>
      tpu.wait_dma2 semaphore(%run_scoped3A_76 : memref<!tpu.dma_semaphore, #tpu.memory_space<semaphore_mem>>) src(%dma_wait3A_78 : memref<4096xf32, #tpu.memory_space<hbm>>) dst(%arg17 : memref<4096xf32, #tpu.memory_space<vmem>>)
      tpu.yield
    }) : () -> ()
    %scan3A = arith.constant 0 : i32
    %scan3A_33 = arith.constant 0 : i32
    %scan3A_34 = arith.constant 256 : i32
    %scan3A_35 = arith.addi %scan3A_33, %scan3A_34 : i32
    %scan3A_36 = arith.constant 1 : i32
    scf.for %scan3A_76 = %scan3A_33 to %scan3A_35 step %scan3A_36  : i32 {
      %mul3A_77 = arith.constant 16 : i32
      %mul3A_78 = arith.muli %scan3A_76, %mul3A_77 : i32
      %get3A = arith.index_cast %mul3A_78 : i32 to index
      %get3A_79 = tpu.vector_load %arg12[%get3A] {strides = array<i32>} : memref<4096xf32, #tpu.memory_space<vmem>>, vector<16xf32>,
      %get3A_80 = vector.shape_cast %get3A_79 : vector<16xf32> to vector<16xf32>
      %get3A_81 = arith.index_cast %mul3A_78 : i32 to index
      %get3A_82 = tpu.vector_load %arg13[%get3A_81] {strides = array<i32>} : memref<4096xf32, #tpu.memory_space<vmem>>, vector<16xf32>,
      %get3A_83 = vector.shape_cast %get3A_82 : vector<16xf32> to vector<16xf32>
      %get3A_84 = arith.index_cast %mul3A_78 : i32 to index
      %get3A_85 = tpu.vector_load %arg14[%get3A_84] {strides = array<i32>} : memref<4096xf32, #tpu.memory_space<vmem>>, vector<16xf32>,
      %get3A_86 = vector.shape_cast %get3A_85 : vector<16xf32> to vector<16xf32>
      %bitcast_convert_type3A = tpu.bitcast %get3A_80 : vector<16xf32> -> vector<16xi32>
      %add3A_87 = arith.constant 32767 : i32
      %add3A_88 = vector.broadcast %add3A_87 : i32 to vector<16xi32>
      %add3A_89 = arith.addi %bitcast_convert_type3A, %add3A_88 : vector<16xi32>
      %shift_right_logical3A = arith.constant 16 : i32
      %shift_right_logical3A_90 = vector.broadcast %shift_right_logical3A : i32 to vector<16xi32>
      %shift_right_logical3A_91 = arith.shrui %bitcast_convert_type3A, %shift_right_logical3A_90 : vector<16xi32>
      %and3A_92 = arith.constant 1 : i32
      %and3A_93 = vector.broadcast %and3A_92 : i32 to vector<16xi32>
      %and3A_94 = arith.andi %shift_right_logical3A_91, %and3A_93 : vector<16xi32>
      %add3A_95 = arith.addi %add3A_89, %and3A_94 : vector<16xi32>
      %and3A_96 = arith.constant -65536 : i32
      %and3A_97 = vector.broadcast %and3A_96 : i32 to vector<16xi32>
      %and3A_98 = arith.andi %add3A_95, %and3A_97 : vector<16xi32>
      %bitcast_convert_type3A_99 = tpu.bitcast %and3A_98 : vector<16xi32> -> vector<16xf32>
      %swap3A = arith.index_cast %mul3A_78 : i32 to index
      %swap3A_100 = tpu.vector_load %arg18[%swap3A] {strides = array<i32>} : memref<4096xf32, #tpu.memory_space<vmem>>, vector<16xf32>,
      %swap3A_101 = vector.shape_cast %swap3A_100 : vector<16xf32> to vector<16xf32>
      %swap3A_102 = vector.shape_cast %bitcast_convert_type3A_99 : vector<16xf32> to vector<16xf32>
      tpu.vector_store %arg18[%swap3A], %swap3A_102 {strides = array<i32>} : memref<4096xf32, #tpu.memory_space<vmem>>, vector<16xf32>,
      %bitcast_convert_type3A_103 = tpu.bitcast %get3A_83 : vector<16xf32> -> vector<16xi32>
      %add3A_104 = arith.constant 32767 : i32
      %add3A_105 = vector.broadcast %add3A_104 : i32 to vector<16xi32>
      %add3A_106 = arith.addi %bitcast_convert_type3A_103, %add3A_105 : vector<16xi32>
      %shift_right_logical3A_107 = arith.constant 16 : i32
      %shift_right_logical3A_108 = vector.broadcast %shift_right_logical3A_107 : i32 to vector<16xi32>
      %shift_right_logical3A_109 = arith.shrui %bitcast_convert_type3A_103, %shift_right_logical3A_108 : vector<16xi32>
      %and3A_110 = arith.constant 1 : i32
      %and3A_111 = vector.broadcast %and3A_110 : i32 to vector<16xi32>
      %and3A_112 = arith.andi %shift_right_logical3A_109, %and3A_111 : vector<16xi32>
      %add3A_113 = arith.addi %add3A_106, %and3A_112 : vector<16xi32>
      %and3A_114 = arith.constant -65536 : i32
      %and3A_115 = vector.broadcast %and3A_114 : i32 to vector<16xi32>
      %and3A_116 = arith.andi %add3A_113, %and3A_115 : vector<16xi32>
      %bitcast_convert_type3A_117 = tpu.bitcast %and3A_116 : vector<16xi32> -> vector<16xf32>
      %swap3A_118 = arith.index_cast %mul3A_78 : i32 to index
      %swap3A_119 = tpu.vector_load %arg19[%swap3A_118] {strides = array<i32>} : memref<4096xf32, #tpu.memory_space<vmem>>, vector<16xf32>,
      %swap3A_120 = vector.shape_cast %swap3A_119 : vector<16xf32> to vector<16xf32>
      %swap3A_121 = vector.shape_cast %bitcast_convert_type3A_117 : vector<16xf32> to vector<16xf32>
      tpu.vector_store %arg19[%swap3A_118], %swap3A_121 {strides = array<i32>} : memref<4096xf32, #tpu.memory_space<vmem>>, vector<16xf32>,
      %bitcast_convert_type3A_122 = tpu.bitcast %get3A_86 : vector<16xf32> -> vector<16xi32>
      %add3A_123 = arith.constant 32767 : i32
      %add3A_124 = vector.broadcast %add3A_123 : i32 to vector<16xi32>
      %add3A_125 = arith.addi %bitcast_convert_type3A_122, %add3A_124 : vector<16xi32>
      %shift_right_logical3A_126 = arith.constant 16 : i32
      %shift_right_logical3A_127 = vector.broadcast %shift_right_logical3A_126 : i32 to vector<16xi32>
      %shift_right_logical3A_128 = arith.shrui %bitcast_convert_type3A_122, %shift_right_logical3A_127 : vector<16xi32>
      %and3A_129 = arith.constant 1 : i32
      %and3A_130 = vector.broadcast %and3A_129 : i32 to vector<16xi32>
      %and3A_131 = arith.andi %shift_right_logical3A_128, %and3A_130 : vector<16xi32>
      %add3A_132 = arith.addi %add3A_125, %and3A_131 : vector<16xi32>
      %and3A_133 = arith.constant -65536 : i32
      %and3A_134 = vector.broadcast %and3A_133 : i32 to vector<16xi32>
      %and3A_135 = arith.andi %add3A_132, %and3A_134 : vector<16xi32>
      %bitcast_convert_type3A_136 = tpu.bitcast %and3A_135 : vector<16xi32> -> vector<16xf32>
      %swap3A_137 = arith.index_cast %mul3A_78 : i32 to index
      %swap3A_138 = tpu.vector_load %arg20[%swap3A_137] {strides = array<i32>} : memref<4096xf32, #tpu.memory_space<vmem>>, vector<16xf32>,
      %swap3A_139 = vector.shape_cast %swap3A_138 : vector<16xf32> to vector<16xf32>
      %swap3A_140 = vector.shape_cast %bitcast_convert_type3A_136 : vector<16xf32> to vector<16xf32>
      tpu.vector_store %arg20[%swap3A_137], %swap3A_140 {strides = array<i32>} : memref<4096xf32, #tpu.memory_space<vmem>>, vector<16xf32>,
      %mul3A_141 = arith.mulf %get3A_80, %get3A_80 : vector<16xf32>
      %mul3A_142 = arith.mulf %get3A_83, %get3A_83 : vector<16xf32>
      %add3A_143 = arith.addf %mul3A_141, %mul3A_142 : vector<16xf32>
      %mul3A_144 = arith.mulf %get3A_86, %get3A_86 : vector<16xf32>
      %add3A_145 = arith.addf %add3A_143, %mul3A_144 : vector<16xf32>
      %swap3A_146 = arith.index_cast %mul3A_78 : i32 to index
      %swap3A_147 = tpu.vector_load %arg24[%swap3A_146] {strides = array<i32>} : memref<4096xf32, #tpu.memory_space<vmem>>, vector<16xf32>,
      %swap3A_148 = vector.shape_cast %swap3A_147 : vector<16xf32> to vector<16xf32>
      %swap3A_149 = vector.shape_cast %add3A_145 : vector<16xf32> to vector<16xf32>
      tpu.vector_store %arg24[%swap3A_146], %swap3A_149 {strides = array<i32>} : memref<4096xf32, #tpu.memory_space<vmem>>, vector<16xf32>,
    }
    %scan3A_37 = arith.constant 256 : i32
    %scan3A_38 = arith.constant 0 : i32
    %scan3A_39 = arith.constant 0 : i32
    %scan3A_40 = arith.constant 256 : i32
    %scan3A_41 = arith.addi %scan3A_39, %scan3A_40 : i32
    %scan3A_42 = arith.constant 1 : i32
    scf.for %scan3A_76 = %scan3A_39 to %scan3A_41 step %scan3A_42  : i32 {
      %mul3A_77 = arith.constant 16 : i32
      %mul3A_78 = arith.muli %scan3A_76, %mul3A_77 : i32
      %get3A = arith.index_cast %mul3A_78 : i32 to index
      %get3A_79 = tpu.vector_load %arg15[%get3A] {strides = array<i32>} : memref<4096xf32, #tpu.memory_space<vmem>>, vector<16xf32>,
      %get3A_80 = vector.shape_cast %get3A_79 : vector<16xf32> to vector<16xf32>
      %get3A_81 = arith.index_cast %mul3A_78 : i32 to index
      %get3A_82 = tpu.vector_load %arg16[%get3A_81] {strides = array<i32>} : memref<4096xf32, #tpu.memory_space<vmem>>, vector<16xf32>,
      %get3A_83 = vector.shape_cast %get3A_82 : vector<16xf32> to vector<16xf32>
      %get3A_84 = arith.index_cast %mul3A_78 : i32 to index
      %get3A_85 = tpu.vector_load %arg17[%get3A_84] {strides = array<i32>} : memref<4096xf32, #tpu.memory_space<vmem>>, vector<16xf32>,
      %get3A_86 = vector.shape_cast %get3A_85 : vector<16xf32> to vector<16xf32>
      %bitcast_convert_type3A = tpu.bitcast %get3A_80 : vector<16xf32> -> vector<16xi32>
      %add3A_87 = arith.constant 32767 : i32
      %add3A_88 = vector.broadcast %add3A_87 : i32 to vector<16xi32>
      %add3A_89 = arith.addi %bitcast_convert_type3A, %add3A_88 : vector<16xi32>
      %shift_right_logical3A = arith.constant 16 : i32
      %shift_right_logical3A_90 = vector.broadcast %shift_right_logical3A : i32 to vector<16xi32>
      %shift_right_logical3A_91 = arith.shrui %bitcast_convert_type3A, %shift_right_logical3A_90 : vector<16xi32>
      %and3A_92 = arith.constant 1 : i32
      %and3A_93 = vector.broadcast %and3A_92 : i32 to vector<16xi32>
      %and3A_94 = arith.andi %shift_right_logical3A_91, %and3A_93 : vector<16xi32>
      %add3A_95 = arith.addi %add3A_89, %and3A_94 : vector<16xi32>
      %and3A_96 = arith.constant -65536 : i32
      %and3A_97 = vector.broadcast %and3A_96 : i32 to vector<16xi32>
      %and3A_98 = arith.andi %add3A_95, %and3A_97 : vector<16xi32>
      %bitcast_convert_type3A_99 = tpu.bitcast %and3A_98 : vector<16xi32> -> vector<16xf32>
      %swap3A = arith.index_cast %mul3A_78 : i32 to index
      %swap3A_100 = tpu.vector_load %arg21[%swap3A] {strides = array<i32>} : memref<4096xf32, #tpu.memory_space<vmem>>, vector<16xf32>,
      %swap3A_101 = vector.shape_cast %swap3A_100 : vector<16xf32> to vector<16xf32>
      %swap3A_102 = vector.shape_cast %bitcast_convert_type3A_99 : vector<16xf32> to vector<16xf32>
      tpu.vector_store %arg21[%swap3A], %swap3A_102 {strides = array<i32>} : memref<4096xf32, #tpu.memory_space<vmem>>, vector<16xf32>,
      %bitcast_convert_type3A_103 = tpu.bitcast %get3A_83 : vector<16xf32> -> vector<16xi32>
      %add3A_104 = arith.constant 32767 : i32
      %add3A_105 = vector.broadcast %add3A_104 : i32 to vector<16xi32>
      %add3A_106 = arith.addi %bitcast_convert_type3A_103, %add3A_105 : vector<16xi32>
      %shift_right_logical3A_107 = arith.constant 16 : i32
      %shift_right_logical3A_108 = vector.broadcast %shift_right_logical3A_107 : i32 to vector<16xi32>
      %shift_right_logical3A_109 = arith.shrui %bitcast_convert_type3A_103, %shift_right_logical3A_108 : vector<16xi32>
      %and3A_110 = arith.constant 1 : i32
      %and3A_111 = vector.broadcast %and3A_110 : i32 to vector<16xi32>
      %and3A_112 = arith.andi %shift_right_logical3A_109, %and3A_111 : vector<16xi32>
      %add3A_113 = arith.addi %add3A_106, %and3A_112 : vector<16xi32>
      %and3A_114 = arith.constant -65536 : i32
      %and3A_115 = vector.broadcast %and3A_114 : i32 to vector<16xi32>
      %and3A_116 = arith.andi %add3A_113, %and3A_115 : vector<16xi32>
      %bitcast_convert_type3A_117 = tpu.bitcast %and3A_116 : vector<16xi32> -> vector<16xf32>
      %swap3A_118 = arith.index_cast %mul3A_78 : i32 to index
      %swap3A_119 = tpu.vector_load %arg22[%swap3A_118] {strides = array<i32>} : memref<4096xf32, #tpu.memory_space<vmem>>, vector<16xf32>,
      %swap3A_120 = vector.shape_cast %swap3A_119 : vector<16xf32> to vector<16xf32>
      %swap3A_121 = vector.shape_cast %bitcast_convert_type3A_117 : vector<16xf32> to vector<16xf32>
      tpu.vector_store %arg22[%swap3A_118], %swap3A_121 {strides = array<i32>} : memref<4096xf32, #tpu.memory_space<vmem>>, vector<16xf32>,
      %bitcast_convert_type3A_122 = tpu.bitcast %get3A_86 : vector<16xf32> -> vector<16xi32>
      %add3A_123 = arith.constant 32767 : i32
      %add3A_124 = vector.broadcast %add3A_123 : i32 to vector<16xi32>
      %add3A_125 = arith.addi %bitcast_convert_type3A_122, %add3A_124 : vector<16xi32>
      %shift_right_logical3A_126 = arith.constant 16 : i32
      %shift_right_logical3A_127 = vector.broadcast %shift_right_logical3A_126 : i32 to vector<16xi32>
      %shift_right_logical3A_128 = arith.shrui %bitcast_convert_type3A_122, %shift_right_logical3A_127 : vector<16xi32>
      %and3A_129 = arith.constant 1 : i32
      %and3A_130 = vector.broadcast %and3A_129 : i32 to vector<16xi32>
      %and3A_131 = arith.andi %shift_right_logical3A_128, %and3A_130 : vector<16xi32>
      %add3A_132 = arith.addi %add3A_125, %and3A_131 : vector<16xi32>
      %and3A_133 = arith.constant -65536 : i32
      %and3A_134 = vector.broadcast %and3A_133 : i32 to vector<16xi32>
      %and3A_135 = arith.andi %add3A_132, %and3A_134 : vector<16xi32>
      %bitcast_convert_type3A_136 = tpu.bitcast %and3A_135 : vector<16xi32> -> vector<16xf32>
      %swap3A_137 = arith.index_cast %mul3A_78 : i32 to index
      %swap3A_138 = tpu.vector_load %arg23[%swap3A_137] {strides = array<i32>} : memref<4096xf32, #tpu.memory_space<vmem>>, vector<16xf32>,
      %swap3A_139 = vector.shape_cast %swap3A_138 : vector<16xf32> to vector<16xf32>
      %swap3A_140 = vector.shape_cast %bitcast_convert_type3A_136 : vector<16xf32> to vector<16xf32>
      tpu.vector_store %arg23[%swap3A_137], %swap3A_140 {strides = array<i32>} : memref<4096xf32, #tpu.memory_space<vmem>>, vector<16xf32>,
      %mul3A_141 = arith.mulf %get3A_80, %get3A_80 : vector<16xf32>
      %mul3A_142 = arith.mulf %get3A_83, %get3A_83 : vector<16xf32>
      %add3A_143 = arith.addf %mul3A_141, %mul3A_142 : vector<16xf32>
      %mul3A_144 = arith.mulf %get3A_86, %get3A_86 : vector<16xf32>
      %add3A_145 = arith.addf %add3A_143, %mul3A_144 : vector<16xf32>
      %swap3A_146 = arith.index_cast %mul3A_78 : i32 to index
      %swap3A_147 = tpu.vector_load %arg25[%swap3A_146] {strides = array<i32>} : memref<4096xf32, #tpu.memory_space<vmem>>, vector<16xf32>,
      %swap3A_148 = vector.shape_cast %swap3A_147 : vector<16xf32> to vector<16xf32>
      %swap3A_149 = vector.shape_cast %add3A_145 : vector<16xf32> to vector<16xf32>
      tpu.vector_store %arg25[%swap3A_146], %swap3A_149 {strides = array<i32>} : memref<4096xf32, #tpu.memory_space<vmem>>, vector<16xf32>,
    }
    %scan3A_43 = arith.constant 256 : i32
    %broadcast_in_dim3A = arith.constant 3.000000e+38 : f32
    %broadcast_in_dim3A_44 = vector.broadcast %broadcast_in_dim3A : f32 to vector<16xf32>
    %broadcast_in_dim3A_45 = arith.constant 0 : i32
    %broadcast_in_dim3A_46 = vector.broadcast %broadcast_in_dim3A_45 : i32 to vector<16xi32>
    %scan3A_47 = arith.constant 0 : i32
    %scan3A_48 = arith.constant 0 : i32
    %scan3A_49 = arith.constant 256 : i32
    %scan3A_50 = arith.addi %scan3A_48, %scan3A_49 : i32
    %scan3A_51 = arith.constant 1 : i32
    scf.for %scan3A_76 = %scan3A_48 to %scan3A_50 step %scan3A_51  : i32 {
      %mul3A_77 = arith.constant 16 : i32
      %mul3A_78 = arith.muli %scan3A_76, %mul3A_77 : i32
      %swap3A = arith.index_cast %mul3A_78 : i32 to index
      %swap3A_79 = tpu.vector_load %arg26[%swap3A] {strides = array<i32>} : memref<4096xf32, #tpu.memory_space<vmem>>, vector<16xf32>,
      %swap3A_80 = vector.shape_cast %swap3A_79 : vector<16xf32> to vector<16xf32>
      %swap3A_81 = vector.shape_cast %broadcast_in_dim3A_44 : vector<16xf32> to vector<16xf32>
      tpu.vector_store %arg26[%swap3A], %swap3A_81 {strides = array<i32>} : memref<4096xf32, #tpu.memory_space<vmem>>, vector<16xf32>,
      %swap3A_82 = arith.index_cast %mul3A_78 : i32 to index
      %swap3A_83 = tpu.vector_load %arg27[%swap3A_82] {strides = array<i32>} : memref<4096xi32, #tpu.memory_space<vmem>>, vector<16xi32>,
      %swap3A_84 = vector.shape_cast %swap3A_83 : vector<16xi32> to vector<16xi32>
      %swap3A_85 = vector.shape_cast %broadcast_in_dim3A_46 : vector<16xi32> to vector<16xi32>
      tpu.vector_store %arg27[%swap3A_82], %swap3A_85 {strides = array<i32>} : memref<4096xi32, #tpu.memory_space<vmem>>, vector<16xi32>,
    }
    %scan3A_52 = arith.constant 256 : i32
    %mul3A_53 = arith.constant 256 : i32
    %mul3A_54 = arith.muli %select_n3A_30, %mul3A_53 : i32
    %mul3A_55 = arith.constant 256 : i32
    %mul3A_56 = arith.muli %add3A, %mul3A_55 : i32
    %iota3A = tpu.iota {dimensions = array<i32: 0>} : vector<16xi32>
    %broadcast_in_dim3A_57 = arith.constant 3.000000e+38 : f32
    %broadcast_in_dim3A_58 = vector.broadcast %broadcast_in_dim3A_57 : f32 to vector<16xf32>
    %broadcast_in_dim3A_59 = arith.constant 0 : i32
    %broadcast_in_dim3A_60 = vector.broadcast %broadcast_in_dim3A_59 : i32 to vector<16xi32>
    %scan3A_61 = arith.constant 0 : i32
    %scan3A_62 = arith.constant 0 : i32
    %scan3A_63 = arith.constant 16 : i32
    %scan3A_64 = arith.addi %scan3A_62, %scan3A_63 : i32
    %scan3A_65 = arith.constant 1 : i32
    scf.for %scan3A_76 = %scan3A_62 to %scan3A_64 step %scan3A_65  : i32 {
      %mul3A_77 = arith.constant 16 : i32
      %mul3A_78 = arith.muli %scan3A_76, %mul3A_77 : i32
      %add3A_79 = arith.addi %mul3A_54, %mul3A_78 : i32
      %get3A = arith.index_cast %add3A_79 : i32 to index
      %get3A_80 = tpu.vector_load %arg12[%get3A] {strides = array<i32>} : memref<4096xf32, #tpu.memory_space<vmem>>, vector<16xf32>,
      %get3A_81 = vector.shape_cast %get3A_80 : vector<16xf32> to vector<16xf32>
      %get3A_82 = arith.index_cast %add3A_79 : i32 to index
      %get3A_83 = tpu.vector_load %arg13[%get3A_82] {strides = array<i32>} : memref<4096xf32, #tpu.memory_space<vmem>>, vector<16xf32>,
      %get3A_84 = vector.shape_cast %get3A_83 : vector<16xf32> to vector<16xf32>
      %get3A_85 = arith.index_cast %add3A_79 : i32 to index
      %get3A_86 = tpu.vector_load %arg14[%get3A_85] {strides = array<i32>} : memref<4096xf32, #tpu.memory_space<vmem>>, vector<16xf32>,
      %get3A_87 = vector.shape_cast %get3A_86 : vector<16xf32> to vector<16xf32>
      %mul3A_88 = arith.mulf %get3A_81, %get3A_81 : vector<16xf32>
      %mul3A_89 = arith.mulf %get3A_84, %get3A_84 : vector<16xf32>
      %add3A_90 = arith.addf %mul3A_88, %mul3A_89 : vector<16xf32>
      %mul3A_91 = arith.mulf %get3A_87, %get3A_87 : vector<16xf32>
      %add3A_92 = arith.addf %add3A_90, %mul3A_91 : vector<16xf32>
      %get3A_93 = arith.index_cast %add3A_79 : i32 to index
      %get3A_94 = tpu.vector_load %arg18[%get3A_93] {strides = array<i32>} : memref<4096xf32, #tpu.memory_space<vmem>>, vector<16xf32>,
      %get3A_95 = vector.shape_cast %get3A_94 : vector<16xf32> to vector<16xf32>
      %get3A_96 = arith.index_cast %add3A_79 : i32 to index
      %get3A_97 = tpu.vector_load %arg19[%get3A_96] {strides = array<i32>} : memref<4096xf32, #tpu.memory_space<vmem>>, vector<16xf32>,
      %get3A_98 = vector.shape_cast %get3A_97 : vector<16xf32> to vector<16xf32>
      %get3A_99 = arith.index_cast %add3A_79 : i32 to index
      %get3A_100 = tpu.vector_load %arg20[%get3A_99] {strides = array<i32>} : memref<4096xf32, #tpu.memory_space<vmem>>, vector<16xf32>,
      %get3A_101 = vector.shape_cast %get3A_100 : vector<16xf32> to vector<16xf32>
      %broadcast_in_dim3A_102 = arith.constant 0.000000e+00 : f32
      %broadcast_in_dim3A_103 = vector.broadcast %broadcast_in_dim3A_102 : f32 to vector<16xf32>
      %iota3A_104 = tpu.iota {dimensions = array<i32: 0>} : vector<16xi32>
      %mul3A_105 = arith.constant 0 : i32
      %mul3A_106 = vector.broadcast %mul3A_105 : i32 to vector<16xi32>
      %mul3A_107 = arith.muli %iota3A_104, %mul3A_106 : vector<16xi32>
      %add3A_108 = arith.constant 0 : i32
      %add3A_109 = vector.broadcast %add3A_108 : i32 to vector<16xi32>
      %add3A_110 = arith.addi %mul3A_107, %add3A_109 : vector<16xi32>
      %reshape3A = vector.shape_cast %add3A_110 : vector<16xi32> to vector<16x1xi32>
      %gather3A = vector.shape_cast %reshape3A : vector<16x1xi32> to vector<16xi32>
      %gather3A_111 = tpu.dynamic_gather %get3A_95[%gather3A] in [0] : vector<16xf32>, vector<16xi32> -> vector<16xf32>
      %mul3A_112 = arith.constant 2.000000e+00 : f32
      %mul3A_113 = vector.broadcast %mul3A_112 : f32 to vector<16xf32>
      %mul3A_114 = arith.mulf %mul3A_113, %gather3A_111 : vector<16xf32>
      %iota3A_115 = tpu.iota {dimensions = array<i32: 0>} : vector<16xi32>
      %mul3A_116 = arith.constant 0 : i32
      %mul3A_117 = vector.broadcast %mul3A_116 : i32 to vector<16xi32>
      %mul3A_118 = arith.muli %iota3A_115, %mul3A_117 : vector<16xi32>
      %add3A_119 = arith.constant 1 : i32
      %add3A_120 = vector.broadcast %add3A_119 : i32 to vector<16xi32>
      %add3A_121 = arith.addi %mul3A_118, %add3A_120 : vector<16xi32>
      %reshape3A_122 = vector.shape_cast %add3A_121 : vector<16xi32> to vector<16x1xi32>
      %gather3A_123 = vector.shape_cast %reshape3A_122 : vector<16x1xi32> to vector<16xi32>
      %gather3A_124 = tpu.dynamic_gather %get3A_95[%gather3A_123] in [0] : vector<16xf32>, vector<16xi32> -> vector<16xf32>
      %mul3A_125 = arith.constant 2.000000e+00 : f32
      %mul3A_126 = vector.broadcast %mul3A_125 : f32 to vector<16xf32>
      %mul3A_127 = arith.mulf %mul3A_126, %gather3A_124 : vector<16xf32>
      %iota3A_128 = tpu.iota {dimensions = array<i32: 0>} : vector<16xi32>
      %mul3A_129 = arith.constant 0 : i32
      %mul3A_130 = vector.broadcast %mul3A_129 : i32 to vector<16xi32>
      %mul3A_131 = arith.muli %iota3A_128, %mul3A_130 : vector<16xi32>
      %add3A_132 = arith.constant 2 : i32
      %add3A_133 = vector.broadcast %add3A_132 : i32 to vector<16xi32>
      %add3A_134 = arith.addi %mul3A_131, %add3A_133 : vector<16xi32>
      %reshape3A_135 = vector.shape_cast %add3A_134 : vector<16xi32> to vector<16x1xi32>
      %gather3A_136 = vector.shape_cast %reshape3A_135 : vector<16x1xi32> to vector<16xi32>
      %gather3A_137 = tpu.dynamic_gather %get3A_95[%gather3A_136] in [0] : vector<16xf32>, vector<16xi32> -> vector<16xf32>
      %mul3A_138 = arith.constant 2.000000e+00 : f32
      %mul3A_139 = vector.broadcast %mul3A_138 : f32 to vector<16xf32>
      %mul3A_140 = arith.mulf %mul3A_139, %gather3A_137 : vector<16xf32>
      %iota3A_141 = tpu.iota {dimensions = array<i32: 0>} : vector<16xi32>
      %mul3A_142 = arith.constant 0 : i32
      %mul3A_143 = vector.broadcast %mul3A_142 : i32 to vector<16xi32>
      %mul3A_144 = arith.muli %iota3A_141, %mul3A_143 : vector<16xi32>
      %add3A_145 = arith.constant 3 : i32
      %add3A_146 = vector.broadcast %add3A_145 : i32 to vector<16xi32>
      %add3A_147 = arith.addi %mul3A_144, %add3A_146 : vector<16xi32>
      %reshape3A_148 = vector.shape_cast %add3A_147 : vector<16xi32> to vector<16x1xi32>
      %gather3A_149 = vector.shape_cast %reshape3A_148 : vector<16x1xi32> to vector<16xi32>
      %gather3A_150 = tpu.dynamic_gather %get3A_95[%gather3A_149] in [0] : vector<16xf32>, vector<16xi32> -> vector<16xf32>
      %mul3A_151 = arith.constant 2.000000e+00 : f32
      %mul3A_152 = vector.broadcast %mul3A_151 : f32 to vector<16xf32>
      %mul3A_153 = arith.mulf %mul3A_152, %gather3A_150 : vector<16xf32>
      %iota3A_154 = tpu.iota {dimensions = array<i32: 0>} : vector<16xi32>
      %mul3A_155 = arith.constant 0 : i32
      %mul3A_156 = vector.broadcast %mul3A_155 : i32 to vector<16xi32>
      %mul3A_157 = arith.muli %iota3A_154, %mul3A_156 : vector<16xi32>
      %add3A_158 = arith.constant 0 : i32
      %add3A_159 = vector.broadcast %add3A_158 : i32 to vector<16xi32>
      %add3A_160 = arith.addi %mul3A_157, %add3A_159 : vector<16xi32>
      %reshape3A_161 = vector.shape_cast %add3A_160 : vector<16xi32> to vector<16x1xi32>
      %gather3A_162 = vector.shape_cast %reshape3A_161 : vector<16x1xi32> to vector<16xi32>
      %gather3A_163 = tpu.dynamic_gather %get3A_98[%gather3A_162] in [0] : vector<16xf32>, vector<16xi32> -> vector<16xf32>
      %mul3A_164 = arith.constant 2.000000e+00 : f32
      %mul3A_165 = vector.broadcast %mul3A_164 : f32 to vector<16xf32>
      %mul3A_166 = arith.mulf %mul3A_165, %gather3A_163 : vector<16xf32>
      %iota3A_167 = tpu.iota {dimensions = array<i32: 0>} : vector<16xi32>
      %mul3A_168 = arith.constant 0 : i32
      %mul3A_169 = vector.broadcast %mul3A_168 : i32 to vector<16xi32>
      %mul3A_170 = arith.muli %iota3A_167, %mul3A_169 : vector<16xi32>
      %add3A_171 = arith.constant 1 : i32
      %add3A_172 = vector.broadcast %add3A_171 : i32 to vector<16xi32>
      %add3A_173 = arith.addi %mul3A_170, %add3A_172 : vector<16xi32>
      %reshape3A_174 = vector.shape_cast %add3A_173 : vector<16xi32> to vector<16x1xi32>
      %gather3A_175 = vector.shape_cast %reshape3A_174 : vector<16x1xi32> to vector<16xi32>
      %gather3A_176 = tpu.dynamic_gather %get3A_98[%gather3A_175] in [0] : vector<16xf32>, vector<16xi32> -> vector<16xf32>
      %mul3A_177 = arith.constant 2.000000e+00 : f32
      %mul3A_178 = vector.broadcast %mul3A_177 : f32 to vector<16xf32>
      %mul3A_179 = arith.mulf %mul3A_178, %gather3A_176 : vector<16xf32>
      %iota3A_180 = tpu.iota {dimensions = array<i32: 0>} : vector<16xi32>
      %mul3A_181 = arith.constant 0 : i32
      %mul3A_182 = vector.broadcast %mul3A_181 : i32 to vector<16xi32>
      %mul3A_183 = arith.muli %iota3A_180, %mul3A_182 : vector<16xi32>
      %add3A_184 = arith.constant 2 : i32
      %add3A_185 = vector.broadcast %add3A_184 : i32 to vector<16xi32>
      %add3A_186 = arith.addi %mul3A_183, %add3A_185 : vector<16xi32>
      %reshape3A_187 = vector.shape_cast %add3A_186 : vector<16xi32> to vector<16x1xi32>
      %gather3A_188 = vector.shape_cast %reshape3A_187 : vector<16x1xi32> to vector<16xi32>
      %gather3A_189 = tpu.dynamic_gather %get3A_98[%gather3A_188] in [0] : vector<16xf32>, vector<16xi32> -> vector<16xf32>
      %mul3A_190 = arith.constant 2.000000e+00 : f32
      %mul3A_191 = vector.broadcast %mul3A_190 : f32 to vector<16xf32>
      %mul3A_192 = arith.mulf %mul3A_191, %gather3A_189 : vector<16xf32>
      %iota3A_193 = tpu.iota {dimensions = array<i32: 0>} : vector<16xi32>
      %mul3A_194 = arith.constant 0 : i32
      %mul3A_195 = vector.broadcast %mul3A_194 : i32 to vector<16xi32>
      %mul3A_196 = arith.muli %iota3A_193, %mul3A_195 : vector<16xi32>
      %add3A_197 = arith.constant 3 : i32
      %add3A_198 = vector.broadcast %add3A_197 : i32 to vector<16xi32>
      %add3A_199 = arith.addi %mul3A_196, %add3A_198 : vector<16xi32>
      %reshape3A_200 = vector.shape_cast %add3A_199 : vector<16xi32> to vector<16x1xi32>
      %gather3A_201 = vector.shape_cast %reshape3A_200 : vector<16x1xi32> to vector<16xi32>
      %gather3A_202 = tpu.dynamic_gather %get3A_98[%gather3A_201] in [0] : vector<16xf32>, vector<16xi32> -> vector<16xf32>
      %mul3A_203 = arith.constant 2.000000e+00 : f32
      %mul3A_204 = vector.broadcast %mul3A_203 : f32 to vector<16xf32>
      %mul3A_205 = arith.mulf %mul3A_204, %gather3A_202 : vector<16xf32>
      %iota3A_206 = tpu.iota {dimensions = array<i32: 0>} : vector<16xi32>
      %mul3A_207 = arith.constant 0 : i32
      %mul3A_208 = vector.broadcast %mul3A_207 : i32 to vector<16xi32>
      %mul3A_209 = arith.muli %iota3A_206, %mul3A_208 : vector<16xi32>
      %add3A_210 = arith.constant 0 : i32
      %add3A_211 = vector.broadcast %add3A_210 : i32 to vector<16xi32>
      %add3A_212 = arith.addi %mul3A_209, %add3A_211 : vector<16xi32>
      %reshape3A_213 = vector.shape_cast %add3A_212 : vector<16xi32> to vector<16x1xi32>
      %gather3A_214 = vector.shape_cast %reshape3A_213 : vector<16x1xi32> to vector<16xi32>
      %gather3A_215 = tpu.dynamic_gather %get3A_101[%gather3A_214] in [0] : vector<16xf32>, vector<16xi32> -> vector<16xf32>
      %mul3A_216 = arith.constant 2.000000e+00 : f32
      %mul3A_217 = vector.broadcast %mul3A_216 : f32 to vector<16xf32>
      %mul3A_218 = arith.mulf %mul3A_217, %gather3A_215 : vector<16xf32>
      %iota3A_219 = tpu.iota {dimensions = array<i32: 0>} : vector<16xi32>
      %mul3A_220 = arith.constant 0 : i32
      %mul3A_221 = vector.broadcast %mul3A_220 : i32 to vector<16xi32>
      %mul3A_222 = arith.muli %iota3A_219, %mul3A_221 : vector<16xi32>
      %add3A_223 = arith.constant 1 : i32
      %add3A_224 = vector.broadcast %add3A_223 : i32 to vector<16xi32>
      %add3A_225 = arith.addi %mul3A_222, %add3A_224 : vector<16xi32>
      %reshape3A_226 = vector.shape_cast %add3A_225 : vector<16xi32> to vector<16x1xi32>
      %gather3A_227 = vector.shape_cast %reshape3A_226 : vector<16x1xi32> to vector<16xi32>
      %gather3A_228 = tpu.dynamic_gather %get3A_101[%gather3A_227] in [0] : vector<16xf32>, vector<16xi32> -> vector<16xf32>
      %mul3A_229 = arith.constant 2.000000e+00 : f32
      %mul3A_230 = vector.broadcast %mul3A_229 : f32 to vector<16xf32>
      %mul3A_231 = arith.mulf %mul3A_230, %gather3A_228 : vector<16xf32>
      %iota3A_232 = tpu.iota {dimensions = array<i32: 0>} : vector<16xi32>
      %mul3A_233 = arith.constant 0 : i32
      %mul3A_234 = vector.broadcast %mul3A_233 : i32 to vector<16xi32>
      %mul3A_235 = arith.muli %iota3A_232, %mul3A_234 : vector<16xi32>
      %add3A_236 = arith.constant 2 : i32
      %add3A_237 = vector.broadcast %add3A_236 : i32 to vector<16xi32>
      %add3A_238 = arith.addi %mul3A_235, %add3A_237 : vector<16xi32>
      %reshape3A_239 = vector.shape_cast %add3A_238 : vector<16xi32> to vector<16x1xi32>
      %gather3A_240 = vector.shape_cast %reshape3A_239 : vector<16x1xi32> to vector<16xi32>
      %gather3A_241 = tpu.dynamic_gather %get3A_101[%gather3A_240] in [0] : vector<16xf32>, vector<16xi32> -> vector<16xf32>
      %mul3A_242 = arith.constant 2.000000e+00 : f32
      %mul3A_243 = vector.broadcast %mul3A_242 : f32 to vector<16xf32>
      %mul3A_244 = arith.mulf %mul3A_243, %gather3A_241 : vector<16xf32>
      %iota3A_245 = tpu.iota {dimensions = array<i32: 0>} : vector<16xi32>
      %mul3A_246 = arith.constant 0 : i32
      %mul3A_247 = vector.broadcast %mul3A_246 : i32 to vector<16xi32>
      %mul3A_248 = arith.muli %iota3A_245, %mul3A_247 : vector<16xi32>
      %add3A_249 = arith.constant 3 : i32
      %add3A_250 = vector.broadcast %add3A_249 : i32 to vector<16xi32>
      %add3A_251 = arith.addi %mul3A_248, %add3A_250 : vector<16xi32>
      %reshape3A_252 = vector.shape_cast %add3A_251 : vector<16xi32> to vector<16x1xi32>
      %gather3A_253 = vector.shape_cast %reshape3A_252 : vector<16x1xi32> to vector<16xi32>
      %gather3A_254 = tpu.dynamic_gather %get3A_101[%gather3A_253] in [0] : vector<16xf32>, vector<16xi32> -> vector<16xf32>
      %mul3A_255 = arith.constant 2.000000e+00 : f32
      %mul3A_256 = vector.broadcast %mul3A_255 : f32 to vector<16xf32>
      %mul3A_257 = arith.mulf %mul3A_256, %gather3A_254 : vector<16xf32>
      %iota3A_258 = tpu.iota {dimensions = array<i32: 0>} : vector<16xi32>
      %mul3A_259 = arith.constant 0 : i32
      %mul3A_260 = vector.broadcast %mul3A_259 : i32 to vector<16xi32>
      %mul3A_261 = arith.muli %iota3A_258, %mul3A_260 : vector<16xi32>
      %add3A_262 = arith.constant 0 : i32
      %add3A_263 = vector.broadcast %add3A_262 : i32 to vector<16xi32>
      %add3A_264 = arith.addi %mul3A_261, %add3A_263 : vector<16xi32>
      %reshape3A_265 = vector.shape_cast %add3A_264 : vector<16xi32> to vector<16x1xi32>
      %gather3A_266 = vector.shape_cast %reshape3A_265 : vector<16x1xi32> to vector<16xi32>
      %gather3A_267 = tpu.dynamic_gather %add3A_92[%gather3A_266] in [0] : vector<16xf32>, vector<16xi32> -> vector<16xf32>
      %iota3A_268 = tpu.iota {dimensions = array<i32: 0>} : vector<16xi32>
      %mul3A_269 = arith.constant 0 : i32
      %mul3A_270 = vector.broadcast %mul3A_269 : i32 to vector<16xi32>
      %mul3A_271 = arith.muli %iota3A_268, %mul3A_270 : vector<16xi32>
      %add3A_272 = arith.constant 1 : i32
      %add3A_273 = vector.broadcast %add3A_272 : i32 to vector<16xi32>
      %add3A_274 = arith.addi %mul3A_271, %add3A_273 : vector<16xi32>
      %reshape3A_275 = vector.shape_cast %add3A_274 : vector<16xi32> to vector<16x1xi32>
      %gather3A_276 = vector.shape_cast %reshape3A_275 : vector<16x1xi32> to vector<16xi32>
      %gather3A_277 = tpu.dynamic_gather %add3A_92[%gather3A_276] in [0] : vector<16xf32>, vector<16xi32> -> vector<16xf32>
      %iota3A_278 = tpu.iota {dimensions = array<i32: 0>} : vector<16xi32>
      %mul3A_279 = arith.constant 0 : i32
      %mul3A_280 = vector.broadcast %mul3A_279 : i32 to vector<16xi32>
      %mul3A_281 = arith.muli %iota3A_278, %mul3A_280 : vector<16xi32>
      %add3A_282 = arith.constant 2 : i32
      %add3A_283 = vector.broadcast %add3A_282 : i32 to vector<16xi32>
      %add3A_284 = arith.addi %mul3A_281, %add3A_283 : vector<16xi32>
      %reshape3A_285 = vector.shape_cast %add3A_284 : vector<16xi32> to vector<16x1xi32>
      %gather3A_286 = vector.shape_cast %reshape3A_285 : vector<16x1xi32> to vector<16xi32>
      %gather3A_287 = tpu.dynamic_gather %add3A_92[%gather3A_286] in [0] : vector<16xf32>, vector<16xi32> -> vector<16xf32>
      %iota3A_288 = tpu.iota {dimensions = array<i32: 0>} : vector<16xi32>
      %mul3A_289 = arith.constant 0 : i32
      %mul3A_290 = vector.broadcast %mul3A_289 : i32 to vector<16xi32>
      %mul3A_291 = arith.muli %iota3A_288, %mul3A_290 : vector<16xi32>
      %add3A_292 = arith.constant 3 : i32
      %add3A_293 = vector.broadcast %add3A_292 : i32 to vector<16xi32>
      %add3A_294 = arith.addi %mul3A_291, %add3A_293 : vector<16xi32>
      %reshape3A_295 = vector.shape_cast %add3A_294 : vector<16xi32> to vector<16x1xi32>
      %gather3A_296 = vector.shape_cast %reshape3A_295 : vector<16x1xi32> to vector<16xi32>
      %gather3A_297 = tpu.dynamic_gather %add3A_92[%gather3A_296] in [0] : vector<16xf32>, vector<16xi32> -> vector<16xf32>
      %mul3A_298 = arith.constant 16 : i32
      %mul3A_299 = arith.muli %scan3A_76, %mul3A_298 : i32
      %add3A_300 = arith.addi %mul3A_54, %mul3A_299 : i32
      %add3A_301 = arith.constant 0 : i32
      %add3A_302 = arith.addi %add3A_300, %add3A_301 : i32
      %mul3A_303 = arith.constant 16 : i32
      %mul3A_304 = arith.muli %scan3A_76, %mul3A_303 : i32
      %add3A_305 = arith.addi %mul3A_54, %mul3A_304 : i32
      %add3A_306 = arith.constant 1 : i32
      %add3A_307 = arith.addi %add3A_305, %add3A_306 : i32
      %mul3A_308 = arith.constant 16 : i32
      %mul3A_309 = arith.muli %scan3A_76, %mul3A_308 : i32
      %add3A_310 = arith.addi %mul3A_54, %mul3A_309 : i32
      %add3A_311 = arith.constant 2 : i32
      %add3A_312 = arith.addi %add3A_310, %add3A_311 : i32
      %mul3A_313 = arith.constant 16 : i32
      %mul3A_314 = arith.muli %scan3A_76, %mul3A_313 : i32
      %add3A_315 = arith.addi %mul3A_54, %mul3A_314 : i32
      %add3A_316 = arith.constant 3 : i32
      %add3A_317 = arith.addi %add3A_315, %add3A_316 : i32
      %scan3A_318 = arith.constant 0 : i32
      %scan3A_319 = arith.constant 256 : i32
      %scan3A_320 = arith.addi %scan3A_318, %scan3A_319 : i32
      %scan3A_321 = arith.constant 1 : i32
      %scan3A_322:8 = scf.for %scan3A_2135 = %scan3A_318 to %scan3A_320 step %scan3A_321 iter_args(%scan3A_2136 = %broadcast_in_dim3A_58, %scan3A_2137 = %broadcast_in_dim3A_58, %scan3A_2138 = %broadcast_in_dim3A_58, %scan3A_2139 = %broadcast_in_dim3A_58, %scan3A_2140 = %broadcast_in_dim3A_60, %scan3A_2141 = %broadcast_in_dim3A_60, %scan3A_2142 = %broadcast_in_dim3A_60, %scan3A_2143 = %broadcast_in_dim3A_60) -> (vector<16xf32>, vector<16xf32>, vector<16xf32>, vector<16xf32>, vector<16xi32>, vector<16xi32>, vector<16xi32>, vector<16xi32>)  : i32 {
        %mul3A_2144 = arith.constant 16 : i32
        %mul3A_2145 = arith.muli %scan3A_2135, %mul3A_2144 : i32
        %get3A_2146 = arith.index_cast %mul3A_2145 : i32 to index
        %get3A_2147 = tpu.vector_load %arg21[%get3A_2146] {strides = array<i32>} : memref<4096xf32, #tpu.memory_space<vmem>>, vector<16xf32>,
        %get3A_2148 = vector.shape_cast %get3A_2147 : vector<16xf32> to vector<16xf32>
        %get3A_2149 = arith.index_cast %mul3A_2145 : i32 to index
        %get3A_2150 = tpu.vector_load %arg22[%get3A_2149] {strides = array<i32>} : memref<4096xf32, #tpu.memory_space<vmem>>, vector<16xf32>,
        %get3A_2151 = vector.shape_cast %get3A_2150 : vector<16xf32> to vector<16xf32>
        %get3A_2152 = arith.index_cast %mul3A_2145 : i32 to index
        %get3A_2153 = tpu.vector_load %arg23[%get3A_2152] {strides = array<i32>} : memref<4096xf32, #tpu.memory_space<vmem>>, vector<16xf32>,
        %get3A_2154 = vector.shape_cast %get3A_2153 : vector<16xf32> to vector<16xf32>
        %get3A_2155 = arith.index_cast %mul3A_2145 : i32 to index
        %get3A_2156 = tpu.vector_load %arg25[%get3A_2155] {strides = array<i32>} : memref<4096xf32, #tpu.memory_space<vmem>>, vector<16xf32>,
        %get3A_2157 = vector.shape_cast %get3A_2156 : vector<16xf32> to vector<16xf32>
        %get3A_2158 = arith.index_cast %mul3A_2145 : i32 to index
        %get3A_2159 = tpu.vector_load %arg26[%get3A_2158] {strides = array<i32>} : memref<4096xf32, #tpu.memory_space<vmem>>, vector<16xf32>,
        %get3A_2160 = vector.shape_cast %get3A_2159 : vector<16xf32> to vector<16xf32>
        %get3A_2161 = arith.index_cast %mul3A_2145 : i32 to index
        %get3A_2162 = tpu.vector_load %arg27[%get3A_2161] {strides = array<i32>} : memref<4096xi32, #tpu.memory_space<vmem>>, vector<16xi32>,
        %get3A_2163 = vector.shape_cast %get3A_2162 : vector<16xi32> to vector<16xi32>
        %broadcast_in_dim3A_2164 = vector.broadcast %scan3A_2135 : i32 to vector<16xi32>
        %mul3A_2165 = arith.mulf %mul3A_114, %get3A_2148 : vector<16xf32>
        %mul3A_2166 = arith.mulf %mul3A_166, %get3A_2151 : vector<16xf32>
        %add3A_2167 = arith.addf %mul3A_2165, %mul3A_2166 : vector<16xf32>
        %mul3A_2168 = arith.mulf %mul3A_218, %get3A_2154 : vector<16xf32>
        %add3A_2169 = arith.addf %add3A_2167, %mul3A_2168 : vector<16xf32>
        %add3A_2170 = arith.addf %gather3A_267, %get3A_2157 : vector<16xf32>
        %sub3A_2171 = arith.subf %add3A_2170, %add3A_2169 : vector<16xf32>
        %max3A = arith.constant 0.000000e+00 : f32
        %max3A_2172 = vector.broadcast %max3A : f32 to vector<16xf32>
        %max3A_2173 = arith.maximumf %sub3A_2171, %max3A_2172 : vector<16xf32>
        %lt3A_2174 = arith.cmpf olt, %max3A_2173, %scan3A_2136 : vector<16xf32>
        %select_n3A_2175 = arith.select %lt3A_2174, %max3A_2173, %scan3A_2136 : vector<16xi1>, vector<16xf32>
        %select_n3A_2176 = arith.select %lt3A_2174, %broadcast_in_dim3A_2164, %scan3A_2140 : vector<16xi1>, vector<16xi32>
        %lt3A_2177 = arith.cmpf olt, %max3A_2173, %get3A_2160 : vector<16xf32>
        %select_n3A_2178 = arith.select %lt3A_2177, %max3A_2173, %get3A_2160 : vector<16xi1>, vector<16xf32>
        %broadcast_in_dim3A_2179 = vector.broadcast %add3A_302 : i32 to vector<16xi32>
        %select_n3A_2180 = arith.select %lt3A_2177, %broadcast_in_dim3A_2179, %get3A_2163 : vector<16xi1>, vector<16xi32>
        %mul3A_2181 = arith.mulf %mul3A_127, %get3A_2148 : vector<16xf32>
        %mul3A_2182 = arith.mulf %mul3A_179, %get3A_2151 : vector<16xf32>
        %add3A_2183 = arith.addf %mul3A_2181, %mul3A_2182 : vector<16xf32>
        %mul3A_2184 = arith.mulf %mul3A_231, %get3A_2154 : vector<16xf32>
        %add3A_2185 = arith.addf %add3A_2183, %mul3A_2184 : vector<16xf32>
        %add3A_2186 = arith.addf %gather3A_277, %get3A_2157 : vector<16xf32>
        %sub3A_2187 = arith.subf %add3A_2186, %add3A_2185 : vector<16xf32>
        %max3A_2188 = arith.constant 0.000000e+00 : f32
        %max3A_2189 = vector.broadcast %max3A_2188 : f32 to vector<16xf32>
        %max3A_2190 = arith.maximumf %sub3A_2187, %max3A_2189 : vector<16xf32>
        %lt3A_2191 = arith.cmpf olt, %max3A_2190, %scan3A_2137 : vector<16xf32>
        %select_n3A_2192 = arith.select %lt3A_2191, %max3A_2190, %scan3A_2137 : vector<16xi1>, vector<16xf32>
        %select_n3A_2193 = arith.select %lt3A_2191, %broadcast_in_dim3A_2164, %scan3A_2141 : vector<16xi1>, vector<16xi32>
        %lt3A_2194 = arith.cmpf olt, %max3A_2190, %select_n3A_2178 : vector<16xf32>
        %select_n3A_2195 = arith.select %lt3A_2194, %max3A_2190, %select_n3A_2178 : vector<16xi1>, vector<16xf32>
        %broadcast_in_dim3A_2196 = vector.broadcast %add3A_307 : i32 to vector<16xi32>
        %select_n3A_2197 = arith.select %lt3A_2194, %broadcast_in_dim3A_2196, %select_n3A_2180 : vector<16xi1>, vector<16xi32>
        %mul3A_2198 = arith.mulf %mul3A_140, %get3A_2148 : vector<16xf32>
        %mul3A_2199 = arith.mulf %mul3A_192, %get3A_2151 : vector<16xf32>
        %add3A_2200 = arith.addf %mul3A_2198, %mul3A_2199 : vector<16xf32>
        %mul3A_2201 = arith.mulf %mul3A_244, %get3A_2154 : vector<16xf32>
        %add3A_2202 = arith.addf %add3A_2200, %mul3A_2201 : vector<16xf32>
        %add3A_2203 = arith.addf %gather3A_287, %get3A_2157 : vector<16xf32>
        %sub3A_2204 = arith.subf %add3A_2203, %add3A_2202 : vector<16xf32>
        %max3A_2205 = arith.constant 0.000000e+00 : f32
        %max3A_2206 = vector.broadcast %max3A_2205 : f32 to vector<16xf32>
        %max3A_2207 = arith.maximumf %sub3A_2204, %max3A_2206 : vector<16xf32>
        %lt3A_2208 = arith.cmpf olt, %max3A_2207, %scan3A_2138 : vector<16xf32>
        %select_n3A_2209 = arith.select %lt3A_2208, %max3A_2207, %scan3A_2138 : vector<16xi1>, vector<16xf32>
        %select_n3A_2210 = arith.select %lt3A_2208, %broadcast_in_dim3A_2164, %scan3A_2142 : vector<16xi1>, vector<16xi32>
        %lt3A_2211 = arith.cmpf olt, %max3A_2207, %select_n3A_2195 : vector<16xf32>
        %select_n3A_2212 = arith.select %lt3A_2211, %max3A_2207, %select_n3A_2195 : vector<16xi1>, vector<16xf32>
        %broadcast_in_dim3A_2213 = vector.broadcast %add3A_312 : i32 to vector<16xi32>
        %select_n3A_2214 = arith.select %lt3A_2211, %broadcast_in_dim3A_2213, %select_n3A_2197 : vector<16xi1>, vector<16xi32>
        %mul3A_2215 = arith.mulf %mul3A_153, %get3A_2148 : vector<16xf32>
        %mul3A_2216 = arith.mulf %mul3A_205, %get3A_2151 : vector<16xf32>
        %add3A_2217 = arith.addf %mul3A_2215, %mul3A_2216 : vector<16xf32>
        %mul3A_2218 = arith.mulf %mul3A_257, %get3A_2154 : vector<16xf32>
        %add3A_2219 = arith.addf %add3A_2217, %mul3A_2218 : vector<16xf32>
        %add3A_2220 = arith.addf %gather3A_297, %get3A_2157 : vector<16xf32>
        %sub3A_2221 = arith.subf %add3A_2220, %add3A_2219 : vector<16xf32>
        %max3A_2222 = arith.constant 0.000000e+00 : f32
        %max3A_2223 = vector.broadcast %max3A_2222 : f32 to vector<16xf32>
        %max3A_2224 = arith.maximumf %sub3A_2221, %max3A_2223 : vector<16xf32>
        %lt3A_2225 = arith.cmpf olt, %max3A_2224, %scan3A_2139 : vector<16xf32>
        %select_n3A_2226 = arith.select %lt3A_2225, %max3A_2224, %scan3A_2139 : vector<16xi1>, vector<16xf32>
        %select_n3A_2227 = arith.select %lt3A_2225, %broadcast_in_dim3A_2164, %scan3A_2143 : vector<16xi1>, vector<16xi32>
        %lt3A_2228 = arith.cmpf olt, %max3A_2224, %select_n3A_2212 : vector<16xf32>
        %select_n3A_2229 = arith.select %lt3A_2228, %max3A_2224, %select_n3A_2212 : vector<16xi1>, vector<16xf32>
        %broadcast_in_dim3A_2230 = vector.broadcast %add3A_317 : i32 to vector<16xi32>
        %select_n3A_2231 = arith.select %lt3A_2228, %broadcast_in_dim3A_2230, %select_n3A_2214 : vector<16xi1>, vector<16xi32>
        %swap3A_2232 = arith.index_cast %mul3A_2145 : i32 to index
        %swap3A_2233 = tpu.vector_load %arg26[%swap3A_2232] {strides = array<i32>} : memref<4096xf32, #tpu.memory_space<vmem>>, vector<16xf32>,
        %swap3A_2234 = vector.shape_cast %swap3A_2233 : vector<16xf32> to vector<16xf32>
        %swap3A_2235 = vector.shape_cast %select_n3A_2229 : vector<16xf32> to vector<16xf32>
        tpu.vector_store %arg26[%swap3A_2232], %swap3A_2235 {strides = array<i32>} : memref<4096xf32, #tpu.memory_space<vmem>>, vector<16xf32>,
        %swap3A_2236 = arith.index_cast %mul3A_2145 : i32 to index
        %swap3A_2237 = tpu.vector_load %arg27[%swap3A_2236] {strides = array<i32>} : memref<4096xi32, #tpu.memory_space<vmem>>, vector<16xi32>,
        %swap3A_2238 = vector.shape_cast %swap3A_2237 : vector<16xi32> to vector<16xi32>
        %swap3A_2239 = vector.shape_cast %select_n3A_2231 : vector<16xi32> to vector<16xi32>
        tpu.vector_store %arg27[%swap3A_2236], %swap3A_2239 {strides = array<i32>} : memref<4096xi32, #tpu.memory_space<vmem>>, vector<16xi32>,
        scf.yield %select_n3A_2175, %select_n3A_2192, %select_n3A_2209, %select_n3A_2226, %select_n3A_2176, %select_n3A_2193, %select_n3A_2210, %select_n3A_2227 : vector<16xf32>, vector<16xf32>, vector<16xf32>, vector<16xf32>, vector<16xi32>, vector<16xi32>, vector<16xi32>, vector<16xi32>
      }
      %scan3A_323 = arith.constant 256 : i32
      %iota3A_324 = tpu.iota {dimensions = array<i32: 0>} : vector<16xi32>
      %xor3A = arith.constant 8 : i32
      %xor3A_325 = vector.broadcast %xor3A : i32 to vector<16xi32>
      %xor3A_326 = arith.xori %iota3A_324, %xor3A_325 : vector<16xi32>
      %reshape3A_327 = vector.shape_cast %xor3A_326 : vector<16xi32> to vector<16x1xi32>
      %gather3A_328 = vector.shape_cast %reshape3A_327 : vector<16x1xi32> to vector<16xi32>
      %gather3A_329 = tpu.dynamic_gather %scan3A_322#0[%gather3A_328] in [0] : vector<16xf32>, vector<16xi32> -> vector<16xf32>
      %min3A = arith.minimumf %scan3A_322#0, %gather3A_329 : vector<16xf32>
      %xor3A_330 = arith.constant 4 : i32
      %xor3A_331 = vector.broadcast %xor3A_330 : i32 to vector<16xi32>
      %xor3A_332 = arith.xori %iota3A_324, %xor3A_331 : vector<16xi32>
      %reshape3A_333 = vector.shape_cast %xor3A_332 : vector<16xi32> to vector<16x1xi32>
      %gather3A_334 = vector.shape_cast %reshape3A_333 : vector<16x1xi32> to vector<16xi32>
      %gather3A_335 = tpu.dynamic_gather %min3A[%gather3A_334] in [0] : vector<16xf32>, vector<16xi32> -> vector<16xf32>
      %min3A_336 = arith.minimumf %min3A, %gather3A_335 : vector<16xf32>
      %xor3A_337 = arith.constant 2 : i32
      %xor3A_338 = vector.broadcast %xor3A_337 : i32 to vector<16xi32>
      %xor3A_339 = arith.xori %iota3A_324, %xor3A_338 : vector<16xi32>
      %reshape3A_340 = vector.shape_cast %xor3A_339 : vector<16xi32> to vector<16x1xi32>
      %gather3A_341 = vector.shape_cast %reshape3A_340 : vector<16x1xi32> to vector<16xi32>
      %gather3A_342 = tpu.dynamic_gather %min3A_336[%gather3A_341] in [0] : vector<16xf32>, vector<16xi32> -> vector<16xf32>
      %min3A_343 = arith.minimumf %min3A_336, %gather3A_342 : vector<16xf32>
      %xor3A_344 = arith.constant 1 : i32
      %xor3A_345 = vector.broadcast %xor3A_344 : i32 to vector<16xi32>
      %xor3A_346 = arith.xori %iota3A_324, %xor3A_345 : vector<16xi32>
      %reshape3A_347 = vector.shape_cast %xor3A_346 : vector<16xi32> to vector<16x1xi32>
      %gather3A_348 = vector.shape_cast %reshape3A_347 : vector<16x1xi32> to vector<16xi32>
      %gather3A_349 = tpu.dynamic_gather %min3A_343[%gather3A_348] in [0] : vector<16xf32>, vector<16xi32> -> vector<16xf32>
      %min3A_350 = arith.minimumf %min3A_343, %gather3A_349 : vector<16xf32>
      %mul3A_351 = arith.constant 16 : i32
      %mul3A_352 = vector.broadcast %mul3A_351 : i32 to vector<16xi32>
      %mul3A_353 = arith.muli %scan3A_322#4, %mul3A_352 : vector<16xi32>
      %add3A_354 = arith.addi %mul3A_353, %iota3A : vector<16xi32>
      %eq3A_355 = arith.cmpf oeq, %scan3A_322#0, %min3A_350 : vector<16xf32>
      %broadcast_in_dim3A_356 = arith.constant 1073741824 : i32
      %broadcast_in_dim3A_357 = vector.broadcast %broadcast_in_dim3A_356 : i32 to vector<16xi32>
      %select_n3A_358 = arith.select %eq3A_355, %add3A_354, %broadcast_in_dim3A_357 : vector<16xi1>, vector<16xi32>
      %iota3A_359 = tpu.iota {dimensions = array<i32: 0>} : vector<16xi32>
      %xor3A_360 = arith.constant 8 : i32
      %xor3A_361 = vector.broadcast %xor3A_360 : i32 to vector<16xi32>
      %xor3A_362 = arith.xori %iota3A_359, %xor3A_361 : vector<16xi32>
      %reshape3A_363 = vector.shape_cast %xor3A_362 : vector<16xi32> to vector<16x1xi32>
      %gather3A_364 = vector.shape_cast %reshape3A_363 : vector<16x1xi32> to vector<16xi32>
      %gather3A_365 = tpu.dynamic_gather %select_n3A_358[%gather3A_364] in [0] : vector<16xi32>, vector<16xi32> -> vector<16xi32>
      %min3A_366 = arith.minsi %select_n3A_358, %gather3A_365 : vector<16xi32>
      %xor3A_367 = arith.constant 4 : i32
      %xor3A_368 = vector.broadcast %xor3A_367 : i32 to vector<16xi32>
      %xor3A_369 = arith.xori %iota3A_359, %xor3A_368 : vector<16xi32>
      %reshape3A_370 = vector.shape_cast %xor3A_369 : vector<16xi32> to vector<16x1xi32>
      %gather3A_371 = vector.shape_cast %reshape3A_370 : vector<16x1xi32> to vector<16xi32>
      %gather3A_372 = tpu.dynamic_gather %min3A_366[%gather3A_371] in [0] : vector<16xi32>, vector<16xi32> -> vector<16xi32>
      %min3A_373 = arith.minsi %min3A_366, %gather3A_372 : vector<16xi32>
      %xor3A_374 = arith.constant 2 : i32
      %xor3A_375 = vector.broadcast %xor3A_374 : i32 to vector<16xi32>
      %xor3A_376 = arith.xori %iota3A_359, %xor3A_375 : vector<16xi32>
      %reshape3A_377 = vector.shape_cast %xor3A_376 : vector<16xi32> to vector<16x1xi32>
      %gather3A_378 = vector.shape_cast %reshape3A_377 : vector<16x1xi32> to vector<16xi32>
      %gather3A_379 = tpu.dynamic_gather %min3A_373[%gather3A_378] in [0] : vector<16xi32>, vector<16xi32> -> vector<16xi32>
      %min3A_380 = arith.minsi %min3A_373, %gather3A_379 : vector<16xi32>
      %xor3A_381 = arith.constant 1 : i32
      %xor3A_382 = vector.broadcast %xor3A_381 : i32 to vector<16xi32>
      %xor3A_383 = arith.xori %iota3A_359, %xor3A_382 : vector<16xi32>
      %reshape3A_384 = vector.shape_cast %xor3A_383 : vector<16xi32> to vector<16x1xi32>
      %gather3A_385 = vector.shape_cast %reshape3A_384 : vector<16x1xi32> to vector<16xi32>
      %gather3A_386 = tpu.dynamic_gather %min3A_380[%gather3A_385] in [0] : vector<16xi32>, vector<16xi32> -> vector<16xi32>
      %min3A_387 = arith.minsi %min3A_380, %gather3A_386 : vector<16xi32>
      %eq3A_388 = arith.constant 0 : i32
      %eq3A_389 = vector.broadcast %eq3A_388 : i32 to vector<16xi32>
      %eq3A_390 = arith.cmpi eq, %iota3A, %eq3A_389 : vector<16xi32>
      %select_n3A_391 = arith.select %eq3A_390, %min3A_350, %broadcast_in_dim3A_103 : vector<16xi1>, vector<16xf32>
      %select_n3A_392 = arith.select %eq3A_390, %min3A_387, %broadcast_in_dim3A_60 : vector<16xi1>, vector<16xi32>
      %iota3A_393 = tpu.iota {dimensions = array<i32: 0>} : vector<16xi32>
      %xor3A_394 = arith.constant 8 : i32
      %xor3A_395 = vector.broadcast %xor3A_394 : i32 to vector<16xi32>
      %xor3A_396 = arith.xori %iota3A_393, %xor3A_395 : vector<16xi32>
      %reshape3A_397 = vector.shape_cast %xor3A_396 : vector<16xi32> to vector<16x1xi32>
      %gather3A_398 = vector.shape_cast %reshape3A_397 : vector<16x1xi32> to vector<16xi32>
      %gather3A_399 = tpu.dynamic_gather %scan3A_322#1[%gather3A_398] in [0] : vector<16xf32>, vector<16xi32> -> vector<16xf32>
      %min3A_400 = arith.minimumf %scan3A_322#1, %gather3A_399 : vector<16xf32>
      %xor3A_401 = arith.constant 4 : i32
      %xor3A_402 = vector.broadcast %xor3A_401 : i32 to vector<16xi32>
      %xor3A_403 = arith.xori %iota3A_393, %xor3A_402 : vector<16xi32>
      %reshape3A_404 = vector.shape_cast %xor3A_403 : vector<16xi32> to vector<16x1xi32>
      %gather3A_405 = vector.shape_cast %reshape3A_404 : vector<16x1xi32> to vector<16xi32>
      %gather3A_406 = tpu.dynamic_gather %min3A_400[%gather3A_405] in [0] : vector<16xf32>, vector<16xi32> -> vector<16xf32>
      %min3A_407 = arith.minimumf %min3A_400, %gather3A_406 : vector<16xf32>
      %xor3A_408 = arith.constant 2 : i32
      %xor3A_409 = vector.broadcast %xor3A_408 : i32 to vector<16xi32>
      %xor3A_410 = arith.xori %iota3A_393, %xor3A_409 : vector<16xi32>
      %reshape3A_411 = vector.shape_cast %xor3A_410 : vector<16xi32> to vector<16x1xi32>
      %gather3A_412 = vector.shape_cast %reshape3A_411 : vector<16x1xi32> to vector<16xi32>
      %gather3A_413 = tpu.dynamic_gather %min3A_407[%gather3A_412] in [0] : vector<16xf32>, vector<16xi32> -> vector<16xf32>
      %min3A_414 = arith.minimumf %min3A_407, %gather3A_413 : vector<16xf32>
      %xor3A_415 = arith.constant 1 : i32
      %xor3A_416 = vector.broadcast %xor3A_415 : i32 to vector<16xi32>
      %xor3A_417 = arith.xori %iota3A_393, %xor3A_416 : vector<16xi32>
      %reshape3A_418 = vector.shape_cast %xor3A_417 : vector<16xi32> to vector<16x1xi32>
      %gather3A_419 = vector.shape_cast %reshape3A_418 : vector<16x1xi32> to vector<16xi32>
      %gather3A_420 = tpu.dynamic_gather %min3A_414[%gather3A_419] in [0] : vector<16xf32>, vector<16xi32> -> vector<16xf32>
      %min3A_421 = arith.minimumf %min3A_414, %gather3A_420 : vector<16xf32>
      %mul3A_422 = arith.constant 16 : i32
      %mul3A_423 = vector.broadcast %mul3A_422 : i32 to vector<16xi32>
      %mul3A_424 = arith.muli %scan3A_322#5, %mul3A_423 : vector<16xi32>
      %add3A_425 = arith.addi %mul3A_424, %iota3A : vector<16xi32>
      %eq3A_426 = arith.cmpf oeq, %scan3A_322#1, %min3A_421 : vector<16xf32>
      %broadcast_in_dim3A_427 = arith.constant 1073741824 : i32
      %broadcast_in_dim3A_428 = vector.broadcast %broadcast_in_dim3A_427 : i32 to vector<16xi32>
      %select_n3A_429 = arith.select %eq3A_426, %add3A_425, %broadcast_in_dim3A_428 : vector<16xi1>, vector<16xi32>
      %iota3A_430 = tpu.iota {dimensions = array<i32: 0>} : vector<16xi32>
      %xor3A_431 = arith.constant 8 : i32
      %xor3A_432 = vector.broadcast %xor3A_431 : i32 to vector<16xi32>
      %xor3A_433 = arith.xori %iota3A_430, %xor3A_432 : vector<16xi32>
      %reshape3A_434 = vector.shape_cast %xor3A_433 : vector<16xi32> to vector<16x1xi32>
      %gather3A_435 = vector.shape_cast %reshape3A_434 : vector<16x1xi32> to vector<16xi32>
      %gather3A_436 = tpu.dynamic_gather %select_n3A_429[%gather3A_435] in [0] : vector<16xi32>, vector<16xi32> -> vector<16xi32>
      %min3A_437 = arith.minsi %select_n3A_429, %gather3A_436 : vector<16xi32>
      %xor3A_438 = arith.constant 4 : i32
      %xor3A_439 = vector.broadcast %xor3A_438 : i32 to vector<16xi32>
      %xor3A_440 = arith.xori %iota3A_430, %xor3A_439 : vector<16xi32>
      %reshape3A_441 = vector.shape_cast %xor3A_440 : vector<16xi32> to vector<16x1xi32>
      %gather3A_442 = vector.shape_cast %reshape3A_441 : vector<16x1xi32> to vector<16xi32>
      %gather3A_443 = tpu.dynamic_gather %min3A_437[%gather3A_442] in [0] : vector<16xi32>, vector<16xi32> -> vector<16xi32>
      %min3A_444 = arith.minsi %min3A_437, %gather3A_443 : vector<16xi32>
      %xor3A_445 = arith.constant 2 : i32
      %xor3A_446 = vector.broadcast %xor3A_445 : i32 to vector<16xi32>
      %xor3A_447 = arith.xori %iota3A_430, %xor3A_446 : vector<16xi32>
      %reshape3A_448 = vector.shape_cast %xor3A_447 : vector<16xi32> to vector<16x1xi32>
      %gather3A_449 = vector.shape_cast %reshape3A_448 : vector<16x1xi32> to vector<16xi32>
      %gather3A_450 = tpu.dynamic_gather %min3A_444[%gather3A_449] in [0] : vector<16xi32>, vector<16xi32> -> vector<16xi32>
      %min3A_451 = arith.minsi %min3A_444, %gather3A_450 : vector<16xi32>
      %xor3A_452 = arith.constant 1 : i32
      %xor3A_453 = vector.broadcast %xor3A_452 : i32 to vector<16xi32>
      %xor3A_454 = arith.xori %iota3A_430, %xor3A_453 : vector<16xi32>
      %reshape3A_455 = vector.shape_cast %xor3A_454 : vector<16xi32> to vector<16x1xi32>
      %gather3A_456 = vector.shape_cast %reshape3A_455 : vector<16x1xi32> to vector<16xi32>
      %gather3A_457 = tpu.dynamic_gather %min3A_451[%gather3A_456] in [0] : vector<16xi32>, vector<16xi32> -> vector<16xi32>
      %min3A_458 = arith.minsi %min3A_451, %gather3A_457 : vector<16xi32>
      %eq3A_459 = arith.constant 1 : i32
      %eq3A_460 = vector.broadcast %eq3A_459 : i32 to vector<16xi32>
      %eq3A_461 = arith.cmpi eq, %iota3A, %eq3A_460 : vector<16xi32>
      %select_n3A_462 = arith.select %eq3A_461, %min3A_421, %select_n3A_391 : vector<16xi1>, vector<16xf32>
      %select_n3A_463 = arith.select %eq3A_461, %min3A_458, %select_n3A_392 : vector<16xi1>, vector<16xi32>
      %iota3A_464 = tpu.iota {dimensions = array<i32: 0>} : vector<16xi32>
      %xor3A_465 = arith.constant 8 : i32
      %xor3A_466 = vector.broadcast %xor3A_465 : i32 to vector<16xi32>
      %xor3A_467 = arith.xori %iota3A_464, %xor3A_466 : vector<16xi32>
      %reshape3A_468 = vector.shape_cast %xor3A_467 : vector<16xi32> to vector<16x1xi32>
      %gather3A_469 = vector.shape_cast %reshape3A_468 : vector<16x1xi32> to vector<16xi32>
      %gather3A_470 = tpu.dynamic_gather %scan3A_322#2[%gather3A_469] in [0] : vector<16xf32>, vector<16xi32> -> vector<16xf32>
      %min3A_471 = arith.minimumf %scan3A_322#2, %gather3A_470 : vector<16xf32>
      %xor3A_472 = arith.constant 4 : i32
      %xor3A_473 = vector.broadcast %xor3A_472 : i32 to vector<16xi32>
      %xor3A_474 = arith.xori %iota3A_464, %xor3A_473 : vector<16xi32>
      %reshape3A_475 = vector.shape_cast %xor3A_474 : vector<16xi32> to vector<16x1xi32>
      %gather3A_476 = vector.shape_cast %reshape3A_475 : vector<16x1xi32> to vector<16xi32>
      %gather3A_477 = tpu.dynamic_gather %min3A_471[%gather3A_476] in [0] : vector<16xf32>, vector<16xi32> -> vector<16xf32>
      %min3A_478 = arith.minimumf %min3A_471, %gather3A_477 : vector<16xf32>
      %xor3A_479 = arith.constant 2 : i32
      %xor3A_480 = vector.broadcast %xor3A_479 : i32 to vector<16xi32>
      %xor3A_481 = arith.xori %iota3A_464, %xor3A_480 : vector<16xi32>
      %reshape3A_482 = vector.shape_cast %xor3A_481 : vector<16xi32> to vector<16x1xi32>
      %gather3A_483 = vector.shape_cast %reshape3A_482 : vector<16x1xi32> to vector<16xi32>
      %gather3A_484 = tpu.dynamic_gather %min3A_478[%gather3A_483] in [0] : vector<16xf32>, vector<16xi32> -> vector<16xf32>
      %min3A_485 = arith.minimumf %min3A_478, %gather3A_484 : vector<16xf32>
      %xor3A_486 = arith.constant 1 : i32
      %xor3A_487 = vector.broadcast %xor3A_486 : i32 to vector<16xi32>
      %xor3A_488 = arith.xori %iota3A_464, %xor3A_487 : vector<16xi32>
      %reshape3A_489 = vector.shape_cast %xor3A_488 : vector<16xi32> to vector<16x1xi32>
      %gather3A_490 = vector.shape_cast %reshape3A_489 : vector<16x1xi32> to vector<16xi32>
      %gather3A_491 = tpu.dynamic_gather %min3A_485[%gather3A_490] in [0] : vector<16xf32>, vector<16xi32> -> vector<16xf32>
      %min3A_492 = arith.minimumf %min3A_485, %gather3A_491 : vector<16xf32>
      %mul3A_493 = arith.constant 16 : i32
      %mul3A_494 = vector.broadcast %mul3A_493 : i32 to vector<16xi32>
      %mul3A_495 = arith.muli %scan3A_322#6, %mul3A_494 : vector<16xi32>
      %add3A_496 = arith.addi %mul3A_495, %iota3A : vector<16xi32>
      %eq3A_497 = arith.cmpf oeq, %scan3A_322#2, %min3A_492 : vector<16xf32>
      %broadcast_in_dim3A_498 = arith.constant 1073741824 : i32
      %broadcast_in_dim3A_499 = vector.broadcast %broadcast_in_dim3A_498 : i32 to vector<16xi32>
      %select_n3A_500 = arith.select %eq3A_497, %add3A_496, %broadcast_in_dim3A_499 : vector<16xi1>, vector<16xi32>
      %iota3A_501 = tpu.iota {dimensions = array<i32: 0>} : vector<16xi32>
      %xor3A_502 = arith.constant 8 : i32
      %xor3A_503 = vector.broadcast %xor3A_502 : i32 to vector<16xi32>
      %xor3A_504 = arith.xori %iota3A_501, %xor3A_503 : vector<16xi32>
      %reshape3A_505 = vector.shape_cast %xor3A_504 : vector<16xi32> to vector<16x1xi32>
      %gather3A_506 = vector.shape_cast %reshape3A_505 : vector<16x1xi32> to vector<16xi32>
      %gather3A_507 = tpu.dynamic_gather %select_n3A_500[%gather3A_506] in [0] : vector<16xi32>, vector<16xi32> -> vector<16xi32>
      %min3A_508 = arith.minsi %select_n3A_500, %gather3A_507 : vector<16xi32>
      %xor3A_509 = arith.constant 4 : i32
      %xor3A_510 = vector.broadcast %xor3A_509 : i32 to vector<16xi32>
      %xor3A_511 = arith.xori %iota3A_501, %xor3A_510 : vector<16xi32>
      %reshape3A_512 = vector.shape_cast %xor3A_511 : vector<16xi32> to vector<16x1xi32>
      %gather3A_513 = vector.shape_cast %reshape3A_512 : vector<16x1xi32> to vector<16xi32>
      %gather3A_514 = tpu.dynamic_gather %min3A_508[%gather3A_513] in [0] : vector<16xi32>, vector<16xi32> -> vector<16xi32>
      %min3A_515 = arith.minsi %min3A_508, %gather3A_514 : vector<16xi32>
      %xor3A_516 = arith.constant 2 : i32
      %xor3A_517 = vector.broadcast %xor3A_516 : i32 to vector<16xi32>
      %xor3A_518 = arith.xori %iota3A_501, %xor3A_517 : vector<16xi32>
      %reshape3A_519 = vector.shape_cast %xor3A_518 : vector<16xi32> to vector<16x1xi32>
      %gather3A_520 = vector.shape_cast %reshape3A_519 : vector<16x1xi32> to vector<16xi32>
      %gather3A_521 = tpu.dynamic_gather %min3A_515[%gather3A_520] in [0] : vector<16xi32>, vector<16xi32> -> vector<16xi32>
      %min3A_522 = arith.minsi %min3A_515, %gather3A_521 : vector<16xi32>
      %xor3A_523 = arith.constant 1 : i32
      %xor3A_524 = vector.broadcast %xor3A_523 : i32 to vector<16xi32>
      %xor3A_525 = arith.xori %iota3A_501, %xor3A_524 : vector<16xi32>
      %reshape3A_526 = vector.shape_cast %xor3A_525 : vector<16xi32> to vector<16x1xi32>
      %gather3A_527 = vector.shape_cast %reshape3A_526 : vector<16x1xi32> to vector<16xi32>
      %gather3A_528 = tpu.dynamic_gather %min3A_522[%gather3A_527] in [0] : vector<16xi32>, vector<16xi32> -> vector<16xi32>
      %min3A_529 = arith.minsi %min3A_522, %gather3A_528 : vector<16xi32>
      %eq3A_530 = arith.constant 2 : i32
      %eq3A_531 = vector.broadcast %eq3A_530 : i32 to vector<16xi32>
      %eq3A_532 = arith.cmpi eq, %iota3A, %eq3A_531 : vector<16xi32>
      %select_n3A_533 = arith.select %eq3A_532, %min3A_492, %select_n3A_462 : vector<16xi1>, vector<16xf32>
      %select_n3A_534 = arith.select %eq3A_532, %min3A_529, %select_n3A_463 : vector<16xi1>, vector<16xi32>
      %iota3A_535 = tpu.iota {dimensions = array<i32: 0>} : vector<16xi32>
      %xor3A_536 = arith.constant 8 : i32
      %xor3A_537 = vector.broadcast %xor3A_536 : i32 to vector<16xi32>
      %xor3A_538 = arith.xori %iota3A_535, %xor3A_537 : vector<16xi32>
      %reshape3A_539 = vector.shape_cast %xor3A_538 : vector<16xi32> to vector<16x1xi32>
      %gather3A_540 = vector.shape_cast %reshape3A_539 : vector<16x1xi32> to vector<16xi32>
      %gather3A_541 = tpu.dynamic_gather %scan3A_322#3[%gather3A_540] in [0] : vector<16xf32>, vector<16xi32> -> vector<16xf32>
      %min3A_542 = arith.minimumf %scan3A_322#3, %gather3A_541 : vector<16xf32>
      %xor3A_543 = arith.constant 4 : i32
      %xor3A_544 = vector.broadcast %xor3A_543 : i32 to vector<16xi32>
      %xor3A_545 = arith.xori %iota3A_535, %xor3A_544 : vector<16xi32>
      %reshape3A_546 = vector.shape_cast %xor3A_545 : vector<16xi32> to vector<16x1xi32>
      %gather3A_547 = vector.shape_cast %reshape3A_546 : vector<16x1xi32> to vector<16xi32>
      %gather3A_548 = tpu.dynamic_gather %min3A_542[%gather3A_547] in [0] : vector<16xf32>, vector<16xi32> -> vector<16xf32>
      %min3A_549 = arith.minimumf %min3A_542, %gather3A_548 : vector<16xf32>
      %xor3A_550 = arith.constant 2 : i32
      %xor3A_551 = vector.broadcast %xor3A_550 : i32 to vector<16xi32>
      %xor3A_552 = arith.xori %iota3A_535, %xor3A_551 : vector<16xi32>
      %reshape3A_553 = vector.shape_cast %xor3A_552 : vector<16xi32> to vector<16x1xi32>
      %gather3A_554 = vector.shape_cast %reshape3A_553 : vector<16x1xi32> to vector<16xi32>
      %gather3A_555 = tpu.dynamic_gather %min3A_549[%gather3A_554] in [0] : vector<16xf32>, vector<16xi32> -> vector<16xf32>
      %min3A_556 = arith.minimumf %min3A_549, %gather3A_555 : vector<16xf32>
      %xor3A_557 = arith.constant 1 : i32
      %xor3A_558 = vector.broadcast %xor3A_557 : i32 to vector<16xi32>
      %xor3A_559 = arith.xori %iota3A_535, %xor3A_558 : vector<16xi32>
      %reshape3A_560 = vector.shape_cast %xor3A_559 : vector<16xi32> to vector<16x1xi32>
      %gather3A_561 = vector.shape_cast %reshape3A_560 : vector<16x1xi32> to vector<16xi32>
      %gather3A_562 = tpu.dynamic_gather %min3A_556[%gather3A_561] in [0] : vector<16xf32>, vector<16xi32> -> vector<16xf32>
      %min3A_563 = arith.minimumf %min3A_556, %gather3A_562 : vector<16xf32>
      %mul3A_564 = arith.constant 16 : i32
      %mul3A_565 = vector.broadcast %mul3A_564 : i32 to vector<16xi32>
      %mul3A_566 = arith.muli %scan3A_322#7, %mul3A_565 : vector<16xi32>
      %add3A_567 = arith.addi %mul3A_566, %iota3A : vector<16xi32>
      %eq3A_568 = arith.cmpf oeq, %scan3A_322#3, %min3A_563 : vector<16xf32>
      %broadcast_in_dim3A_569 = arith.constant 1073741824 : i32
      %broadcast_in_dim3A_570 = vector.broadcast %broadcast_in_dim3A_569 : i32 to vector<16xi32>
      %select_n3A_571 = arith.select %eq3A_568, %add3A_567, %broadcast_in_dim3A_570 : vector<16xi1>, vector<16xi32>
      %iota3A_572 = tpu.iota {dimensions = array<i32: 0>} : vector<16xi32>
      %xor3A_573 = arith.constant 8 : i32
      %xor3A_574 = vector.broadcast %xor3A_573 : i32 to vector<16xi32>
      %xor3A_575 = arith.xori %iota3A_572, %xor3A_574 : vector<16xi32>
      %reshape3A_576 = vector.shape_cast %xor3A_575 : vector<16xi32> to vector<16x1xi32>
      %gather3A_577 = vector.shape_cast %reshape3A_576 : vector<16x1xi32> to vector<16xi32>
      %gather3A_578 = tpu.dynamic_gather %select_n3A_571[%gather3A_577] in [0] : vector<16xi32>, vector<16xi32> -> vector<16xi32>
      %min3A_579 = arith.minsi %select_n3A_571, %gather3A_578 : vector<16xi32>
      %xor3A_580 = arith.constant 4 : i32
      %xor3A_581 = vector.broadcast %xor3A_580 : i32 to vector<16xi32>
      %xor3A_582 = arith.xori %iota3A_572, %xor3A_581 : vector<16xi32>
      %reshape3A_583 = vector.shape_cast %xor3A_582 : vector<16xi32> to vector<16x1xi32>
      %gather3A_584 = vector.shape_cast %reshape3A_583 : vector<16x1xi32> to vector<16xi32>
      %gather3A_585 = tpu.dynamic_gather %min3A_579[%gather3A_584] in [0] : vector<16xi32>, vector<16xi32> -> vector<16xi32>
      %min3A_586 = arith.minsi %min3A_579, %gather3A_585 : vector<16xi32>
      %xor3A_587 = arith.constant 2 : i32
      %xor3A_588 = vector.broadcast %xor3A_587 : i32 to vector<16xi32>
      %xor3A_589 = arith.xori %iota3A_572, %xor3A_588 : vector<16xi32>
      %reshape3A_590 = vector.shape_cast %xor3A_589 : vector<16xi32> to vector<16x1xi32>
      %gather3A_591 = vector.shape_cast %reshape3A_590 : vector<16x1xi32> to vector<16xi32>
      %gather3A_592 = tpu.dynamic_gather %min3A_586[%gather3A_591] in [0] : vector<16xi32>, vector<16xi32> -> vector<16xi32>
      %min3A_593 = arith.minsi %min3A_586, %gather3A_592 : vector<16xi32>
      %xor3A_594 = arith.constant 1 : i32
      %xor3A_595 = vector.broadcast %xor3A_594 : i32 to vector<16xi32>
      %xor3A_596 = arith.xori %iota3A_572, %xor3A_595 : vector<16xi32>
      %reshape3A_597 = vector.shape_cast %xor3A_596 : vector<16xi32> to vector<16x1xi32>
      %gather3A_598 = vector.shape_cast %reshape3A_597 : vector<16x1xi32> to vector<16xi32>
      %gather3A_599 = tpu.dynamic_gather %min3A_593[%gather3A_598] in [0] : vector<16xi32>, vector<16xi32> -> vector<16xi32>
      %min3A_600 = arith.minsi %min3A_593, %gather3A_599 : vector<16xi32>
      %eq3A_601 = arith.constant 3 : i32
      %eq3A_602 = vector.broadcast %eq3A_601 : i32 to vector<16xi32>
      %eq3A_603 = arith.cmpi eq, %iota3A, %eq3A_602 : vector<16xi32>
      %select_n3A_604 = arith.select %eq3A_603, %min3A_563, %select_n3A_533 : vector<16xi1>, vector<16xf32>
      %select_n3A_605 = arith.select %eq3A_603, %min3A_600, %select_n3A_534 : vector<16xi1>, vector<16xi32>
      %iota3A_606 = tpu.iota {dimensions = array<i32: 0>} : vector<16xi32>
      %mul3A_607 = arith.constant 0 : i32
      %mul3A_608 = vector.broadcast %mul3A_607 : i32 to vector<16xi32>
      %mul3A_609 = arith.muli %iota3A_606, %mul3A_608 : vector<16xi32>
      %add3A_610 = arith.constant 4 : i32
      %add3A_611 = vector.broadcast %add3A_610 : i32 to vector<16xi32>
      %add3A_612 = arith.addi %mul3A_609, %add3A_611 : vector<16xi32>
      %reshape3A_613 = vector.shape_cast %add3A_612 : vector<16xi32> to vector<16x1xi32>
      %gather3A_614 = vector.shape_cast %reshape3A_613 : vector<16x1xi32> to vector<16xi32>
      %gather3A_615 = tpu.dynamic_gather %get3A_95[%gather3A_614] in [0] : vector<16xf32>, vector<16xi32> -> vector<16xf32>
      %mul3A_616 = arith.constant 2.000000e+00 : f32
      %mul3A_617 = vector.broadcast %mul3A_616 : f32 to vector<16xf32>
      %mul3A_618 = arith.mulf %mul3A_617, %gather3A_615 : vector<16xf32>
      %iota3A_619 = tpu.iota {dimensions = array<i32: 0>} : vector<16xi32>
      %mul3A_620 = arith.constant 0 : i32
      %mul3A_621 = vector.broadcast %mul3A_620 : i32 to vector<16xi32>
      %mul3A_622 = arith.muli %iota3A_619, %mul3A_621 : vector<16xi32>
      %add3A_623 = arith.constant 5 : i32
      %add3A_624 = vector.broadcast %add3A_623 : i32 to vector<16xi32>
      %add3A_625 = arith.addi %mul3A_622, %add3A_624 : vector<16xi32>
      %reshape3A_626 = vector.shape_cast %add3A_625 : vector<16xi32> to vector<16x1xi32>
      %gather3A_627 = vector.shape_cast %reshape3A_626 : vector<16x1xi32> to vector<16xi32>
      %gather3A_628 = tpu.dynamic_gather %get3A_95[%gather3A_627] in [0] : vector<16xf32>, vector<16xi32> -> vector<16xf32>
      %mul3A_629 = arith.constant 2.000000e+00 : f32
      %mul3A_630 = vector.broadcast %mul3A_629 : f32 to vector<16xf32>
      %mul3A_631 = arith.mulf %mul3A_630, %gather3A_628 : vector<16xf32>
      %iota3A_632 = tpu.iota {dimensions = array<i32: 0>} : vector<16xi32>
      %mul3A_633 = arith.constant 0 : i32
      %mul3A_634 = vector.broadcast %mul3A_633 : i32 to vector<16xi32>
      %mul3A_635 = arith.muli %iota3A_632, %mul3A_634 : vector<16xi32>
      %add3A_636 = arith.constant 6 : i32
      %add3A_637 = vector.broadcast %add3A_636 : i32 to vector<16xi32>
      %add3A_638 = arith.addi %mul3A_635, %add3A_637 : vector<16xi32>
      %reshape3A_639 = vector.shape_cast %add3A_638 : vector<16xi32> to vector<16x1xi32>
      %gather3A_640 = vector.shape_cast %reshape3A_639 : vector<16x1xi32> to vector<16xi32>
      %gather3A_641 = tpu.dynamic_gather %get3A_95[%gather3A_640] in [0] : vector<16xf32>, vector<16xi32> -> vector<16xf32>
      %mul3A_642 = arith.constant 2.000000e+00 : f32
      %mul3A_643 = vector.broadcast %mul3A_642 : f32 to vector<16xf32>
      %mul3A_644 = arith.mulf %mul3A_643, %gather3A_641 : vector<16xf32>
      %iota3A_645 = tpu.iota {dimensions = array<i32: 0>} : vector<16xi32>
      %mul3A_646 = arith.constant 0 : i32
      %mul3A_647 = vector.broadcast %mul3A_646 : i32 to vector<16xi32>
      %mul3A_648 = arith.muli %iota3A_645, %mul3A_647 : vector<16xi32>
      %add3A_649 = arith.constant 7 : i32
      %add3A_650 = vector.broadcast %add3A_649 : i32 to vector<16xi32>
      %add3A_651 = arith.addi %mul3A_648, %add3A_650 : vector<16xi32>
      %reshape3A_652 = vector.shape_cast %add3A_651 : vector<16xi32> to vector<16x1xi32>
      %gather3A_653 = vector.shape_cast %reshape3A_652 : vector<16x1xi32> to vector<16xi32>
      %gather3A_654 = tpu.dynamic_gather %get3A_95[%gather3A_653] in [0] : vector<16xf32>, vector<16xi32> -> vector<16xf32>
      %mul3A_655 = arith.constant 2.000000e+00 : f32
      %mul3A_656 = vector.broadcast %mul3A_655 : f32 to vector<16xf32>
      %mul3A_657 = arith.mulf %mul3A_656, %gather3A_654 : vector<16xf32>
      %iota3A_658 = tpu.iota {dimensions = array<i32: 0>} : vector<16xi32>
      %mul3A_659 = arith.constant 0 : i32
      %mul3A_660 = vector.broadcast %mul3A_659 : i32 to vector<16xi32>
      %mul3A_661 = arith.muli %iota3A_658, %mul3A_660 : vector<16xi32>
      %add3A_662 = arith.constant 4 : i32
      %add3A_663 = vector.broadcast %add3A_662 : i32 to vector<16xi32>
      %add3A_664 = arith.addi %mul3A_661, %add3A_663 : vector<16xi32>
      %reshape3A_665 = vector.shape_cast %add3A_664 : vector<16xi32> to vector<16x1xi32>
      %gather3A_666 = vector.shape_cast %reshape3A_665 : vector<16x1xi32> to vector<16xi32>
      %gather3A_667 = tpu.dynamic_gather %get3A_98[%gather3A_666] in [0] : vector<16xf32>, vector<16xi32> -> vector<16xf32>
      %mul3A_668 = arith.constant 2.000000e+00 : f32
      %mul3A_669 = vector.broadcast %mul3A_668 : f32 to vector<16xf32>
      %mul3A_670 = arith.mulf %mul3A_669, %gather3A_667 : vector<16xf32>
      %iota3A_671 = tpu.iota {dimensions = array<i32: 0>} : vector<16xi32>
      %mul3A_672 = arith.constant 0 : i32
      %mul3A_673 = vector.broadcast %mul3A_672 : i32 to vector<16xi32>
      %mul3A_674 = arith.muli %iota3A_671, %mul3A_673 : vector<16xi32>
      %add3A_675 = arith.constant 5 : i32
      %add3A_676 = vector.broadcast %add3A_675 : i32 to vector<16xi32>
      %add3A_677 = arith.addi %mul3A_674, %add3A_676 : vector<16xi32>
      %reshape3A_678 = vector.shape_cast %add3A_677 : vector<16xi32> to vector<16x1xi32>
      %gather3A_679 = vector.shape_cast %reshape3A_678 : vector<16x1xi32> to vector<16xi32>
      %gather3A_680 = tpu.dynamic_gather %get3A_98[%gather3A_679] in [0] : vector<16xf32>, vector<16xi32> -> vector<16xf32>
      %mul3A_681 = arith.constant 2.000000e+00 : f32
      %mul3A_682 = vector.broadcast %mul3A_681 : f32 to vector<16xf32>
      %mul3A_683 = arith.mulf %mul3A_682, %gather3A_680 : vector<16xf32>
      %iota3A_684 = tpu.iota {dimensions = array<i32: 0>} : vector<16xi32>
      %mul3A_685 = arith.constant 0 : i32
      %mul3A_686 = vector.broadcast %mul3A_685 : i32 to vector<16xi32>
      %mul3A_687 = arith.muli %iota3A_684, %mul3A_686 : vector<16xi32>
      %add3A_688 = arith.constant 6 : i32
      %add3A_689 = vector.broadcast %add3A_688 : i32 to vector<16xi32>
      %add3A_690 = arith.addi %mul3A_687, %add3A_689 : vector<16xi32>
      %reshape3A_691 = vector.shape_cast %add3A_690 : vector<16xi32> to vector<16x1xi32>
      %gather3A_692 = vector.shape_cast %reshape3A_691 : vector<16x1xi32> to vector<16xi32>
      %gather3A_693 = tpu.dynamic_gather %get3A_98[%gather3A_692] in [0] : vector<16xf32>, vector<16xi32> -> vector<16xf32>
      %mul3A_694 = arith.constant 2.000000e+00 : f32
      %mul3A_695 = vector.broadcast %mul3A_694 : f32 to vector<16xf32>
      %mul3A_696 = arith.mulf %mul3A_695, %gather3A_693 : vector<16xf32>
      %iota3A_697 = tpu.iota {dimensions = array<i32: 0>} : vector<16xi32>
      %mul3A_698 = arith.constant 0 : i32
      %mul3A_699 = vector.broadcast %mul3A_698 : i32 to vector<16xi32>
      %mul3A_700 = arith.muli %iota3A_697, %mul3A_699 : vector<16xi32>
      %add3A_701 = arith.constant 7 : i32
      %add3A_702 = vector.broadcast %add3A_701 : i32 to vector<16xi32>
      %add3A_703 = arith.addi %mul3A_700, %add3A_702 : vector<16xi32>
      %reshape3A_704 = vector.shape_cast %add3A_703 : vector<16xi32> to vector<16x1xi32>
      %gather3A_705 = vector.shape_cast %reshape3A_704 : vector<16x1xi32> to vector<16xi32>
      %gather3A_706 = tpu.dynamic_gather %get3A_98[%gather3A_705] in [0] : vector<16xf32>, vector<16xi32> -> vector<16xf32>
      %mul3A_707 = arith.constant 2.000000e+00 : f32
      %mul3A_708 = vector.broadcast %mul3A_707 : f32 to vector<16xf32>
      %mul3A_709 = arith.mulf %mul3A_708, %gather3A_706 : vector<16xf32>
      %iota3A_710 = tpu.iota {dimensions = array<i32: 0>} : vector<16xi32>
      %mul3A_711 = arith.constant 0 : i32
      %mul3A_712 = vector.broadcast %mul3A_711 : i32 to vector<16xi32>
      %mul3A_713 = arith.muli %iota3A_710, %mul3A_712 : vector<16xi32>
      %add3A_714 = arith.constant 4 : i32
      %add3A_715 = vector.broadcast %add3A_714 : i32 to vector<16xi32>
      %add3A_716 = arith.addi %mul3A_713, %add3A_715 : vector<16xi32>
      %reshape3A_717 = vector.shape_cast %add3A_716 : vector<16xi32> to vector<16x1xi32>
      %gather3A_718 = vector.shape_cast %reshape3A_717 : vector<16x1xi32> to vector<16xi32>
      %gather3A_719 = tpu.dynamic_gather %get3A_101[%gather3A_718] in [0] : vector<16xf32>, vector<16xi32> -> vector<16xf32>
      %mul3A_720 = arith.constant 2.000000e+00 : f32
      %mul3A_721 = vector.broadcast %mul3A_720 : f32 to vector<16xf32>
      %mul3A_722 = arith.mulf %mul3A_721, %gather3A_719 : vector<16xf32>
      %iota3A_723 = tpu.iota {dimensions = array<i32: 0>} : vector<16xi32>
      %mul3A_724 = arith.constant 0 : i32
      %mul3A_725 = vector.broadcast %mul3A_724 : i32 to vector<16xi32>
      %mul3A_726 = arith.muli %iota3A_723, %mul3A_725 : vector<16xi32>
      %add3A_727 = arith.constant 5 : i32
      %add3A_728 = vector.broadcast %add3A_727 : i32 to vector<16xi32>
      %add3A_729 = arith.addi %mul3A_726, %add3A_728 : vector<16xi32>
      %reshape3A_730 = vector.shape_cast %add3A_729 : vector<16xi32> to vector<16x1xi32>
      %gather3A_731 = vector.shape_cast %reshape3A_730 : vector<16x1xi32> to vector<16xi32>
      %gather3A_732 = tpu.dynamic_gather %get3A_101[%gather3A_731] in [0] : vector<16xf32>, vector<16xi32> -> vector<16xf32>
      %mul3A_733 = arith.constant 2.000000e+00 : f32
      %mul3A_734 = vector.broadcast %mul3A_733 : f32 to vector<16xf32>
      %mul3A_735 = arith.mulf %mul3A_734, %gather3A_732 : vector<16xf32>
      %iota3A_736 = tpu.iota {dimensions = array<i32: 0>} : vector<16xi32>
      %mul3A_737 = arith.constant 0 : i32
      %mul3A_738 = vector.broadcast %mul3A_737 : i32 to vector<16xi32>
      %mul3A_739 = arith.muli %iota3A_736, %mul3A_738 : vector<16xi32>
      %add3A_740 = arith.constant 6 : i32
      %add3A_741 = vector.broadcast %add3A_740 : i32 to vector<16xi32>
      %add3A_742 = arith.addi %mul3A_739, %add3A_741 : vector<16xi32>
      %reshape3A_743 = vector.shape_cast %add3A_742 : vector<16xi32> to vector<16x1xi32>
      %gather3A_744 = vector.shape_cast %reshape3A_743 : vector<16x1xi32> to vector<16xi32>
      %gather3A_745 = tpu.dynamic_gather %get3A_101[%gather3A_744] in [0] : vector<16xf32>, vector<16xi32> -> vector<16xf32>
      %mul3A_746 = arith.constant 2.000000e+00 : f32
      %mul3A_747 = vector.broadcast %mul3A_746 : f32 to vector<16xf32>
      %mul3A_748 = arith.mulf %mul3A_747, %gather3A_745 : vector<16xf32>
      %iota3A_749 = tpu.iota {dimensions = array<i32: 0>} : vector<16xi32>
      %mul3A_750 = arith.constant 0 : i32
      %mul3A_751 = vector.broadcast %mul3A_750 : i32 to vector<16xi32>
      %mul3A_752 = arith.muli %iota3A_749, %mul3A_751 : vector<16xi32>
      %add3A_753 = arith.constant 7 : i32
      %add3A_754 = vector.broadcast %add3A_753 : i32 to vector<16xi32>
      %add3A_755 = arith.addi %mul3A_752, %add3A_754 : vector<16xi32>
      %reshape3A_756 = vector.shape_cast %add3A_755 : vector<16xi32> to vector<16x1xi32>
      %gather3A_757 = vector.shape_cast %reshape3A_756 : vector<16x1xi32> to vector<16xi32>
      %gather3A_758 = tpu.dynamic_gather %get3A_101[%gather3A_757] in [0] : vector<16xf32>, vector<16xi32> -> vector<16xf32>
      %mul3A_759 = arith.constant 2.000000e+00 : f32
      %mul3A_760 = vector.broadcast %mul3A_759 : f32 to vector<16xf32>
      %mul3A_761 = arith.mulf %mul3A_760, %gather3A_758 : vector<16xf32>
      %iota3A_762 = tpu.iota {dimensions = array<i32: 0>} : vector<16xi32>
      %mul3A_763 = arith.constant 0 : i32
      %mul3A_764 = vector.broadcast %mul3A_763 : i32 to vector<16xi32>
      %mul3A_765 = arith.muli %iota3A_762, %mul3A_764 : vector<16xi32>
      %add3A_766 = arith.constant 4 : i32
      %add3A_767 = vector.broadcast %add3A_766 : i32 to vector<16xi32>
      %add3A_768 = arith.addi %mul3A_765, %add3A_767 : vector<16xi32>
      %reshape3A_769 = vector.shape_cast %add3A_768 : vector<16xi32> to vector<16x1xi32>
      %gather3A_770 = vector.shape_cast %reshape3A_769 : vector<16x1xi32> to vector<16xi32>
      %gather3A_771 = tpu.dynamic_gather %add3A_92[%gather3A_770] in [0] : vector<16xf32>, vector<16xi32> -> vector<16xf32>
      %iota3A_772 = tpu.iota {dimensions = array<i32: 0>} : vector<16xi32>
      %mul3A_773 = arith.constant 0 : i32
      %mul3A_774 = vector.broadcast %mul3A_773 : i32 to vector<16xi32>
      %mul3A_775 = arith.muli %iota3A_772, %mul3A_774 : vector<16xi32>
      %add3A_776 = arith.constant 5 : i32
      %add3A_777 = vector.broadcast %add3A_776 : i32 to vector<16xi32>
      %add3A_778 = arith.addi %mul3A_775, %add3A_777 : vector<16xi32>
      %reshape3A_779 = vector.shape_cast %add3A_778 : vector<16xi32> to vector<16x1xi32>
      %gather3A_780 = vector.shape_cast %reshape3A_779 : vector<16x1xi32> to vector<16xi32>
      %gather3A_781 = tpu.dynamic_gather %add3A_92[%gather3A_780] in [0] : vector<16xf32>, vector<16xi32> -> vector<16xf32>
      %iota3A_782 = tpu.iota {dimensions = array<i32: 0>} : vector<16xi32>
      %mul3A_783 = arith.constant 0 : i32
      %mul3A_784 = vector.broadcast %mul3A_783 : i32 to vector<16xi32>
      %mul3A_785 = arith.muli %iota3A_782, %mul3A_784 : vector<16xi32>
      %add3A_786 = arith.constant 6 : i32
      %add3A_787 = vector.broadcast %add3A_786 : i32 to vector<16xi32>
      %add3A_788 = arith.addi %mul3A_785, %add3A_787 : vector<16xi32>
      %reshape3A_789 = vector.shape_cast %add3A_788 : vector<16xi32> to vector<16x1xi32>
      %gather3A_790 = vector.shape_cast %reshape3A_789 : vector<16x1xi32> to vector<16xi32>
      %gather3A_791 = tpu.dynamic_gather %add3A_92[%gather3A_790] in [0] : vector<16xf32>, vector<16xi32> -> vector<16xf32>
      %iota3A_792 = tpu.iota {dimensions = array<i32: 0>} : vector<16xi32>
      %mul3A_793 = arith.constant 0 : i32
      %mul3A_794 = vector.broadcast %mul3A_793 : i32 to vector<16xi32>
      %mul3A_795 = arith.muli %iota3A_792, %mul3A_794 : vector<16xi32>
      %add3A_796 = arith.constant 7 : i32
      %add3A_797 = vector.broadcast %add3A_796 : i32 to vector<16xi32>
      %add3A_798 = arith.addi %mul3A_795, %add3A_797 : vector<16xi32>
      %reshape3A_799 = vector.shape_cast %add3A_798 : vector<16xi32> to vector<16x1xi32>
      %gather3A_800 = vector.shape_cast %reshape3A_799 : vector<16x1xi32> to vector<16xi32>
      %gather3A_801 = tpu.dynamic_gather %add3A_92[%gather3A_800] in [0] : vector<16xf32>, vector<16xi32> -> vector<16xf32>
      %mul3A_802 = arith.constant 16 : i32
      %mul3A_803 = arith.muli %scan3A_76, %mul3A_802 : i32
      %add3A_804 = arith.addi %mul3A_54, %mul3A_803 : i32
      %add3A_805 = arith.constant 4 : i32
      %add3A_806 = arith.addi %add3A_804, %add3A_805 : i32
      %mul3A_807 = arith.constant 16 : i32
      %mul3A_808 = arith.muli %scan3A_76, %mul3A_807 : i32
      %add3A_809 = arith.addi %mul3A_54, %mul3A_808 : i32
      %add3A_810 = arith.constant 5 : i32
      %add3A_811 = arith.addi %add3A_809, %add3A_810 : i32
      %mul3A_812 = arith.constant 16 : i32
      %mul3A_813 = arith.muli %scan3A_76, %mul3A_812 : i32
      %add3A_814 = arith.addi %mul3A_54, %mul3A_813 : i32
      %add3A_815 = arith.constant 6 : i32
      %add3A_816 = arith.addi %add3A_814, %add3A_815 : i32
      %mul3A_817 = arith.constant 16 : i32
      %mul3A_818 = arith.muli %scan3A_76, %mul3A_817 : i32
      %add3A_819 = arith.addi %mul3A_54, %mul3A_818 : i32
      %add3A_820 = arith.constant 7 : i32
      %add3A_821 = arith.addi %add3A_819, %add3A_820 : i32
      %scan3A_822 = arith.constant 0 : i32
      %scan3A_823 = arith.constant 256 : i32
      %scan3A_824 = arith.addi %scan3A_822, %scan3A_823 : i32
      %scan3A_825 = arith.constant 1 : i32
      %scan3A_826:8 = scf.for %scan3A_2135 = %scan3A_822 to %scan3A_824 step %scan3A_825 iter_args(%scan3A_2136 = %broadcast_in_dim3A_58, %scan3A_2137 = %broadcast_in_dim3A_58, %scan3A_2138 = %broadcast_in_dim3A_58, %scan3A_2139 = %broadcast_in_dim3A_58, %scan3A_2140 = %broadcast_in_dim3A_60, %scan3A_2141 = %broadcast_in_dim3A_60, %scan3A_2142 = %broadcast_in_dim3A_60, %scan3A_2143 = %broadcast_in_dim3A_60) -> (vector<16xf32>, vector<16xf32>, vector<16xf32>, vector<16xf32>, vector<16xi32>, vector<16xi32>, vector<16xi32>, vector<16xi32>)  : i32 {
        %mul3A_2144 = arith.constant 16 : i32
        %mul3A_2145 = arith.muli %scan3A_2135, %mul3A_2144 : i32
        %get3A_2146 = arith.index_cast %mul3A_2145 : i32 to index
        %get3A_2147 = tpu.vector_load %arg21[%get3A_2146] {strides = array<i32>} : memref<4096xf32, #tpu.memory_space<vmem>>, vector<16xf32>,
        %get3A_2148 = vector.shape_cast %get3A_2147 : vector<16xf32> to vector<16xf32>
        %get3A_2149 = arith.index_cast %mul3A_2145 : i32 to index
        %get3A_2150 = tpu.vector_load %arg22[%get3A_2149] {strides = array<i32>} : memref<4096xf32, #tpu.memory_space<vmem>>, vector<16xf32>,
        %get3A_2151 = vector.shape_cast %get3A_2150 : vector<16xf32> to vector<16xf32>
        %get3A_2152 = arith.index_cast %mul3A_2145 : i32 to index
        %get3A_2153 = tpu.vector_load %arg23[%get3A_2152] {strides = array<i32>} : memref<4096xf32, #tpu.memory_space<vmem>>, vector<16xf32>,
        %get3A_2154 = vector.shape_cast %get3A_2153 : vector<16xf32> to vector<16xf32>
        %get3A_2155 = arith.index_cast %mul3A_2145 : i32 to index
        %get3A_2156 = tpu.vector_load %arg25[%get3A_2155] {strides = array<i32>} : memref<4096xf32, #tpu.memory_space<vmem>>, vector<16xf32>,
        %get3A_2157 = vector.shape_cast %get3A_2156 : vector<16xf32> to vector<16xf32>
        %get3A_2158 = arith.index_cast %mul3A_2145 : i32 to index
        %get3A_2159 = tpu.vector_load %arg26[%get3A_2158] {strides = array<i32>} : memref<4096xf32, #tpu.memory_space<vmem>>, vector<16xf32>,
        %get3A_2160 = vector.shape_cast %get3A_2159 : vector<16xf32> to vector<16xf32>
        %get3A_2161 = arith.index_cast %mul3A_2145 : i32 to index
        %get3A_2162 = tpu.vector_load %arg27[%get3A_2161] {strides = array<i32>} : memref<4096xi32, #tpu.memory_space<vmem>>, vector<16xi32>,
        %get3A_2163 = vector.shape_cast %get3A_2162 : vector<16xi32> to vector<16xi32>
        %broadcast_in_dim3A_2164 = vector.broadcast %scan3A_2135 : i32 to vector<16xi32>
        %mul3A_2165 = arith.mulf %mul3A_618, %get3A_2148 : vector<16xf32>
        %mul3A_2166 = arith.mulf %mul3A_670, %get3A_2151 : vector<16xf32>
        %add3A_2167 = arith.addf %mul3A_2165, %mul3A_2166 : vector<16xf32>
        %mul3A_2168 = arith.mulf %mul3A_722, %get3A_2154 : vector<16xf32>
        %add3A_2169 = arith.addf %add3A_2167, %mul3A_2168 : vector<16xf32>
        %add3A_2170 = arith.addf %gather3A_771, %get3A_2157 : vector<16xf32>
        %sub3A_2171 = arith.subf %add3A_2170, %add3A_2169 : vector<16xf32>
        %max3A = arith.constant 0.000000e+00 : f32
        %max3A_2172 = vector.broadcast %max3A : f32 to vector<16xf32>
        %max3A_2173 = arith.maximumf %sub3A_2171, %max3A_2172 : vector<16xf32>
        %lt3A_2174 = arith.cmpf olt, %max3A_2173, %scan3A_2136 : vector<16xf32>
        %select_n3A_2175 = arith.select %lt3A_2174, %max3A_2173, %scan3A_2136 : vector<16xi1>, vector<16xf32>
        %select_n3A_2176 = arith.select %lt3A_2174, %broadcast_in_dim3A_2164, %scan3A_2140 : vector<16xi1>, vector<16xi32>
        %lt3A_2177 = arith.cmpf olt, %max3A_2173, %get3A_2160 : vector<16xf32>
        %select_n3A_2178 = arith.select %lt3A_2177, %max3A_2173, %get3A_2160 : vector<16xi1>, vector<16xf32>
        %broadcast_in_dim3A_2179 = vector.broadcast %add3A_806 : i32 to vector<16xi32>
        %select_n3A_2180 = arith.select %lt3A_2177, %broadcast_in_dim3A_2179, %get3A_2163 : vector<16xi1>, vector<16xi32>
        %mul3A_2181 = arith.mulf %mul3A_631, %get3A_2148 : vector<16xf32>
        %mul3A_2182 = arith.mulf %mul3A_683, %get3A_2151 : vector<16xf32>
        %add3A_2183 = arith.addf %mul3A_2181, %mul3A_2182 : vector<16xf32>
        %mul3A_2184 = arith.mulf %mul3A_735, %get3A_2154 : vector<16xf32>
        %add3A_2185 = arith.addf %add3A_2183, %mul3A_2184 : vector<16xf32>
        %add3A_2186 = arith.addf %gather3A_781, %get3A_2157 : vector<16xf32>
        %sub3A_2187 = arith.subf %add3A_2186, %add3A_2185 : vector<16xf32>
        %max3A_2188 = arith.constant 0.000000e+00 : f32
        %max3A_2189 = vector.broadcast %max3A_2188 : f32 to vector<16xf32>
        %max3A_2190 = arith.maximumf %sub3A_2187, %max3A_2189 : vector<16xf32>
        %lt3A_2191 = arith.cmpf olt, %max3A_2190, %scan3A_2137 : vector<16xf32>
        %select_n3A_2192 = arith.select %lt3A_2191, %max3A_2190, %scan3A_2137 : vector<16xi1>, vector<16xf32>
        %select_n3A_2193 = arith.select %lt3A_2191, %broadcast_in_dim3A_2164, %scan3A_2141 : vector<16xi1>, vector<16xi32>
        %lt3A_2194 = arith.cmpf olt, %max3A_2190, %select_n3A_2178 : vector<16xf32>
        %select_n3A_2195 = arith.select %lt3A_2194, %max3A_2190, %select_n3A_2178 : vector<16xi1>, vector<16xf32>
        %broadcast_in_dim3A_2196 = vector.broadcast %add3A_811 : i32 to vector<16xi32>
        %select_n3A_2197 = arith.select %lt3A_2194, %broadcast_in_dim3A_2196, %select_n3A_2180 : vector<16xi1>, vector<16xi32>
        %mul3A_2198 = arith.mulf %mul3A_644, %get3A_2148 : vector<16xf32>
        %mul3A_2199 = arith.mulf %mul3A_696, %get3A_2151 : vector<16xf32>
        %add3A_2200 = arith.addf %mul3A_2198, %mul3A_2199 : vector<16xf32>
        %mul3A_2201 = arith.mulf %mul3A_748, %get3A_2154 : vector<16xf32>
        %add3A_2202 = arith.addf %add3A_2200, %mul3A_2201 : vector<16xf32>
        %add3A_2203 = arith.addf %gather3A_791, %get3A_2157 : vector<16xf32>
        %sub3A_2204 = arith.subf %add3A_2203, %add3A_2202 : vector<16xf32>
        %max3A_2205 = arith.constant 0.000000e+00 : f32
        %max3A_2206 = vector.broadcast %max3A_2205 : f32 to vector<16xf32>
        %max3A_2207 = arith.maximumf %sub3A_2204, %max3A_2206 : vector<16xf32>
        %lt3A_2208 = arith.cmpf olt, %max3A_2207, %scan3A_2138 : vector<16xf32>
        %select_n3A_2209 = arith.select %lt3A_2208, %max3A_2207, %scan3A_2138 : vector<16xi1>, vector<16xf32>
        %select_n3A_2210 = arith.select %lt3A_2208, %broadcast_in_dim3A_2164, %scan3A_2142 : vector<16xi1>, vector<16xi32>
        %lt3A_2211 = arith.cmpf olt, %max3A_2207, %select_n3A_2195 : vector<16xf32>
        %select_n3A_2212 = arith.select %lt3A_2211, %max3A_2207, %select_n3A_2195 : vector<16xi1>, vector<16xf32>
        %broadcast_in_dim3A_2213 = vector.broadcast %add3A_816 : i32 to vector<16xi32>
        %select_n3A_2214 = arith.select %lt3A_2211, %broadcast_in_dim3A_2213, %select_n3A_2197 : vector<16xi1>, vector<16xi32>
        %mul3A_2215 = arith.mulf %mul3A_657, %get3A_2148 : vector<16xf32>
        %mul3A_2216 = arith.mulf %mul3A_709, %get3A_2151 : vector<16xf32>
        %add3A_2217 = arith.addf %mul3A_2215, %mul3A_2216 : vector<16xf32>
        %mul3A_2218 = arith.mulf %mul3A_761, %get3A_2154 : vector<16xf32>
        %add3A_2219 = arith.addf %add3A_2217, %mul3A_2218 : vector<16xf32>
        %add3A_2220 = arith.addf %gather3A_801, %get3A_2157 : vector<16xf32>
        %sub3A_2221 = arith.subf %add3A_2220, %add3A_2219 : vector<16xf32>
        %max3A_2222 = arith.constant 0.000000e+00 : f32
        %max3A_2223 = vector.broadcast %max3A_2222 : f32 to vector<16xf32>
        %max3A_2224 = arith.maximumf %sub3A_2221, %max3A_2223 : vector<16xf32>
        %lt3A_2225 = arith.cmpf olt, %max3A_2224, %scan3A_2139 : vector<16xf32>
        %select_n3A_2226 = arith.select %lt3A_2225, %max3A_2224, %scan3A_2139 : vector<16xi1>, vector<16xf32>
        %select_n3A_2227 = arith.select %lt3A_2225, %broadcast_in_dim3A_2164, %scan3A_2143 : vector<16xi1>, vector<16xi32>
        %lt3A_2228 = arith.cmpf olt, %max3A_2224, %select_n3A_2212 : vector<16xf32>
        %select_n3A_2229 = arith.select %lt3A_2228, %max3A_2224, %select_n3A_2212 : vector<16xi1>, vector<16xf32>
        %broadcast_in_dim3A_2230 = vector.broadcast %add3A_821 : i32 to vector<16xi32>
        %select_n3A_2231 = arith.select %lt3A_2228, %broadcast_in_dim3A_2230, %select_n3A_2214 : vector<16xi1>, vector<16xi32>
        %swap3A_2232 = arith.index_cast %mul3A_2145 : i32 to index
        %swap3A_2233 = tpu.vector_load %arg26[%swap3A_2232] {strides = array<i32>} : memref<4096xf32, #tpu.memory_space<vmem>>, vector<16xf32>,
        %swap3A_2234 = vector.shape_cast %swap3A_2233 : vector<16xf32> to vector<16xf32>
        %swap3A_2235 = vector.shape_cast %select_n3A_2229 : vector<16xf32> to vector<16xf32>
        tpu.vector_store %arg26[%swap3A_2232], %swap3A_2235 {strides = array<i32>} : memref<4096xf32, #tpu.memory_space<vmem>>, vector<16xf32>,
        %swap3A_2236 = arith.index_cast %mul3A_2145 : i32 to index
        %swap3A_2237 = tpu.vector_load %arg27[%swap3A_2236] {strides = array<i32>} : memref<4096xi32, #tpu.memory_space<vmem>>, vector<16xi32>,
        %swap3A_2238 = vector.shape_cast %swap3A_2237 : vector<16xi32> to vector<16xi32>
        %swap3A_2239 = vector.shape_cast %select_n3A_2231 : vector<16xi32> to vector<16xi32>
        tpu.vector_store %arg27[%swap3A_2236], %swap3A_2239 {strides = array<i32>} : memref<4096xi32, #tpu.memory_space<vmem>>, vector<16xi32>,
        scf.yield %select_n3A_2175, %select_n3A_2192, %select_n3A_2209, %select_n3A_2226, %select_n3A_2176, %select_n3A_2193, %select_n3A_2210, %select_n3A_2227 : vector<16xf32>, vector<16xf32>, vector<16xf32>, vector<16xf32>, vector<16xi32>, vector<16xi32>, vector<16xi32>, vector<16xi32>
      }
      %scan3A_827 = arith.constant 256 : i32
      %iota3A_828 = tpu.iota {dimensions = array<i32: 0>} : vector<16xi32>
      %xor3A_829 = arith.constant 8 : i32
      %xor3A_830 = vector.broadcast %xor3A_829 : i32 to vector<16xi32>
      %xor3A_831 = arith.xori %iota3A_828, %xor3A_830 : vector<16xi32>
      %reshape3A_832 = vector.shape_cast %xor3A_831 : vector<16xi32> to vector<16x1xi32>
      %gather3A_833 = vector.shape_cast %reshape3A_832 : vector<16x1xi32> to vector<16xi32>
      %gather3A_834 = tpu.dynamic_gather %scan3A_826#0[%gather3A_833] in [0] : vector<16xf32>, vector<16xi32> -> vector<16xf32>
      %min3A_835 = arith.minimumf %scan3A_826#0, %gather3A_834 : vector<16xf32>
      %xor3A_836 = arith.constant 4 : i32
      %xor3A_837 = vector.broadcast %xor3A_836 : i32 to vector<16xi32>
      %xor3A_838 = arith.xori %iota3A_828, %xor3A_837 : vector<16xi32>
      %reshape3A_839 = vector.shape_cast %xor3A_838 : vector<16xi32> to vector<16x1xi32>
      %gather3A_840 = vector.shape_cast %reshape3A_839 : vector<16x1xi32> to vector<16xi32>
      %gather3A_841 = tpu.dynamic_gather %min3A_835[%gather3A_840] in [0] : vector<16xf32>, vector<16xi32> -> vector<16xf32>
      %min3A_842 = arith.minimumf %min3A_835, %gather3A_841 : vector<16xf32>
      %xor3A_843 = arith.constant 2 : i32
      %xor3A_844 = vector.broadcast %xor3A_843 : i32 to vector<16xi32>
      %xor3A_845 = arith.xori %iota3A_828, %xor3A_844 : vector<16xi32>
      %reshape3A_846 = vector.shape_cast %xor3A_845 : vector<16xi32> to vector<16x1xi32>
      %gather3A_847 = vector.shape_cast %reshape3A_846 : vector<16x1xi32> to vector<16xi32>
      %gather3A_848 = tpu.dynamic_gather %min3A_842[%gather3A_847] in [0] : vector<16xf32>, vector<16xi32> -> vector<16xf32>
      %min3A_849 = arith.minimumf %min3A_842, %gather3A_848 : vector<16xf32>
      %xor3A_850 = arith.constant 1 : i32
      %xor3A_851 = vector.broadcast %xor3A_850 : i32 to vector<16xi32>
      %xor3A_852 = arith.xori %iota3A_828, %xor3A_851 : vector<16xi32>
      %reshape3A_853 = vector.shape_cast %xor3A_852 : vector<16xi32> to vector<16x1xi32>
      %gather3A_854 = vector.shape_cast %reshape3A_853 : vector<16x1xi32> to vector<16xi32>
      %gather3A_855 = tpu.dynamic_gather %min3A_849[%gather3A_854] in [0] : vector<16xf32>, vector<16xi32> -> vector<16xf32>
      %min3A_856 = arith.minimumf %min3A_849, %gather3A_855 : vector<16xf32>
      %mul3A_857 = arith.constant 16 : i32
      %mul3A_858 = vector.broadcast %mul3A_857 : i32 to vector<16xi32>
      %mul3A_859 = arith.muli %scan3A_826#4, %mul3A_858 : vector<16xi32>
      %add3A_860 = arith.addi %mul3A_859, %iota3A : vector<16xi32>
      %eq3A_861 = arith.cmpf oeq, %scan3A_826#0, %min3A_856 : vector<16xf32>
      %broadcast_in_dim3A_862 = arith.constant 1073741824 : i32
      %broadcast_in_dim3A_863 = vector.broadcast %broadcast_in_dim3A_862 : i32 to vector<16xi32>
      %select_n3A_864 = arith.select %eq3A_861, %add3A_860, %broadcast_in_dim3A_863 : vector<16xi1>, vector<16xi32>
      %iota3A_865 = tpu.iota {dimensions = array<i32: 0>} : vector<16xi32>
      %xor3A_866 = arith.constant 8 : i32
      %xor3A_867 = vector.broadcast %xor3A_866 : i32 to vector<16xi32>
      %xor3A_868 = arith.xori %iota3A_865, %xor3A_867 : vector<16xi32>
      %reshape3A_869 = vector.shape_cast %xor3A_868 : vector<16xi32> to vector<16x1xi32>
      %gather3A_870 = vector.shape_cast %reshape3A_869 : vector<16x1xi32> to vector<16xi32>
      %gather3A_871 = tpu.dynamic_gather %select_n3A_864[%gather3A_870] in [0] : vector<16xi32>, vector<16xi32> -> vector<16xi32>
      %min3A_872 = arith.minsi %select_n3A_864, %gather3A_871 : vector<16xi32>
      %xor3A_873 = arith.constant 4 : i32
      %xor3A_874 = vector.broadcast %xor3A_873 : i32 to vector<16xi32>
      %xor3A_875 = arith.xori %iota3A_865, %xor3A_874 : vector<16xi32>
      %reshape3A_876 = vector.shape_cast %xor3A_875 : vector<16xi32> to vector<16x1xi32>
      %gather3A_877 = vector.shape_cast %reshape3A_876 : vector<16x1xi32> to vector<16xi32>
      %gather3A_878 = tpu.dynamic_gather %min3A_872[%gather3A_877] in [0] : vector<16xi32>, vector<16xi32> -> vector<16xi32>
      %min3A_879 = arith.minsi %min3A_872, %gather3A_878 : vector<16xi32>
      %xor3A_880 = arith.constant 2 : i32
      %xor3A_881 = vector.broadcast %xor3A_880 : i32 to vector<16xi32>
      %xor3A_882 = arith.xori %iota3A_865, %xor3A_881 : vector<16xi32>
      %reshape3A_883 = vector.shape_cast %xor3A_882 : vector<16xi32> to vector<16x1xi32>
      %gather3A_884 = vector.shape_cast %reshape3A_883 : vector<16x1xi32> to vector<16xi32>
      %gather3A_885 = tpu.dynamic_gather %min3A_879[%gather3A_884] in [0] : vector<16xi32>, vector<16xi32> -> vector<16xi32>
      %min3A_886 = arith.minsi %min3A_879, %gather3A_885 : vector<16xi32>
      %xor3A_887 = arith.constant 1 : i32
      %xor3A_888 = vector.broadcast %xor3A_887 : i32 to vector<16xi32>
      %xor3A_889 = arith.xori %iota3A_865, %xor3A_888 : vector<16xi32>
      %reshape3A_890 = vector.shape_cast %xor3A_889 : vector<16xi32> to vector<16x1xi32>
      %gather3A_891 = vector.shape_cast %reshape3A_890 : vector<16x1xi32> to vector<16xi32>
      %gather3A_892 = tpu.dynamic_gather %min3A_886[%gather3A_891] in [0] : vector<16xi32>, vector<16xi32> -> vector<16xi32>
      %min3A_893 = arith.minsi %min3A_886, %gather3A_892 : vector<16xi32>
      %eq3A_894 = arith.constant 4 : i32
      %eq3A_895 = vector.broadcast %eq3A_894 : i32 to vector<16xi32>
      %eq3A_896 = arith.cmpi eq, %iota3A, %eq3A_895 : vector<16xi32>
      %select_n3A_897 = arith.select %eq3A_896, %min3A_856, %select_n3A_604 : vector<16xi1>, vector<16xf32>
      %select_n3A_898 = arith.select %eq3A_896, %min3A_893, %select_n3A_605 : vector<16xi1>, vector<16xi32>
      %iota3A_899 = tpu.iota {dimensions = array<i32: 0>} : vector<16xi32>
      %xor3A_900 = arith.constant 8 : i32
      %xor3A_901 = vector.broadcast %xor3A_900 : i32 to vector<16xi32>
      %xor3A_902 = arith.xori %iota3A_899, %xor3A_901 : vector<16xi32>
      %reshape3A_903 = vector.shape_cast %xor3A_902 : vector<16xi32> to vector<16x1xi32>
      %gather3A_904 = vector.shape_cast %reshape3A_903 : vector<16x1xi32> to vector<16xi32>
      %gather3A_905 = tpu.dynamic_gather %scan3A_826#1[%gather3A_904] in [0] : vector<16xf32>, vector<16xi32> -> vector<16xf32>
      %min3A_906 = arith.minimumf %scan3A_826#1, %gather3A_905 : vector<16xf32>
      %xor3A_907 = arith.constant 4 : i32
      %xor3A_908 = vector.broadcast %xor3A_907 : i32 to vector<16xi32>
      %xor3A_909 = arith.xori %iota3A_899, %xor3A_908 : vector<16xi32>
      %reshape3A_910 = vector.shape_cast %xor3A_909 : vector<16xi32> to vector<16x1xi32>
      %gather3A_911 = vector.shape_cast %reshape3A_910 : vector<16x1xi32> to vector<16xi32>
      %gather3A_912 = tpu.dynamic_gather %min3A_906[%gather3A_911] in [0] : vector<16xf32>, vector<16xi32> -> vector<16xf32>
      %min3A_913 = arith.minimumf %min3A_906, %gather3A_912 : vector<16xf32>
      %xor3A_914 = arith.constant 2 : i32
      %xor3A_915 = vector.broadcast %xor3A_914 : i32 to vector<16xi32>
      %xor3A_916 = arith.xori %iota3A_899, %xor3A_915 : vector<16xi32>
      %reshape3A_917 = vector.shape_cast %xor3A_916 : vector<16xi32> to vector<16x1xi32>
      %gather3A_918 = vector.shape_cast %reshape3A_917 : vector<16x1xi32> to vector<16xi32>
      %gather3A_919 = tpu.dynamic_gather %min3A_913[%gather3A_918] in [0] : vector<16xf32>, vector<16xi32> -> vector<16xf32>
      %min3A_920 = arith.minimumf %min3A_913, %gather3A_919 : vector<16xf32>
      %xor3A_921 = arith.constant 1 : i32
      %xor3A_922 = vector.broadcast %xor3A_921 : i32 to vector<16xi32>
      %xor3A_923 = arith.xori %iota3A_899, %xor3A_922 : vector<16xi32>
      %reshape3A_924 = vector.shape_cast %xor3A_923 : vector<16xi32> to vector<16x1xi32>
      %gather3A_925 = vector.shape_cast %reshape3A_924 : vector<16x1xi32> to vector<16xi32>
      %gather3A_926 = tpu.dynamic_gather %min3A_920[%gather3A_925] in [0] : vector<16xf32>, vector<16xi32> -> vector<16xf32>
      %min3A_927 = arith.minimumf %min3A_920, %gather3A_926 : vector<16xf32>
      %mul3A_928 = arith.constant 16 : i32
      %mul3A_929 = vector.broadcast %mul3A_928 : i32 to vector<16xi32>
      %mul3A_930 = arith.muli %scan3A_826#5, %mul3A_929 : vector<16xi32>
      %add3A_931 = arith.addi %mul3A_930, %iota3A : vector<16xi32>
      %eq3A_932 = arith.cmpf oeq, %scan3A_826#1, %min3A_927 : vector<16xf32>
      %broadcast_in_dim3A_933 = arith.constant 1073741824 : i32
      %broadcast_in_dim3A_934 = vector.broadcast %broadcast_in_dim3A_933 : i32 to vector<16xi32>
      %select_n3A_935 = arith.select %eq3A_932, %add3A_931, %broadcast_in_dim3A_934 : vector<16xi1>, vector<16xi32>
      %iota3A_936 = tpu.iota {dimensions = array<i32: 0>} : vector<16xi32>
      %xor3A_937 = arith.constant 8 : i32
      %xor3A_938 = vector.broadcast %xor3A_937 : i32 to vector<16xi32>
      %xor3A_939 = arith.xori %iota3A_936, %xor3A_938 : vector<16xi32>
      %reshape3A_940 = vector.shape_cast %xor3A_939 : vector<16xi32> to vector<16x1xi32>
      %gather3A_941 = vector.shape_cast %reshape3A_940 : vector<16x1xi32> to vector<16xi32>
      %gather3A_942 = tpu.dynamic_gather %select_n3A_935[%gather3A_941] in [0] : vector<16xi32>, vector<16xi32> -> vector<16xi32>
      %min3A_943 = arith.minsi %select_n3A_935, %gather3A_942 : vector<16xi32>
      %xor3A_944 = arith.constant 4 : i32
      %xor3A_945 = vector.broadcast %xor3A_944 : i32 to vector<16xi32>
      %xor3A_946 = arith.xori %iota3A_936, %xor3A_945 : vector<16xi32>
      %reshape3A_947 = vector.shape_cast %xor3A_946 : vector<16xi32> to vector<16x1xi32>
      %gather3A_948 = vector.shape_cast %reshape3A_947 : vector<16x1xi32> to vector<16xi32>
      %gather3A_949 = tpu.dynamic_gather %min3A_943[%gather3A_948] in [0] : vector<16xi32>, vector<16xi32> -> vector<16xi32>
      %min3A_950 = arith.minsi %min3A_943, %gather3A_949 : vector<16xi32>
      %xor3A_951 = arith.constant 2 : i32
      %xor3A_952 = vector.broadcast %xor3A_951 : i32 to vector<16xi32>
      %xor3A_953 = arith.xori %iota3A_936, %xor3A_952 : vector<16xi32>
      %reshape3A_954 = vector.shape_cast %xor3A_953 : vector<16xi32> to vector<16x1xi32>
      %gather3A_955 = vector.shape_cast %reshape3A_954 : vector<16x1xi32> to vector<16xi32>
      %gather3A_956 = tpu.dynamic_gather %min3A_950[%gather3A_955] in [0] : vector<16xi32>, vector<16xi32> -> vector<16xi32>
      %min3A_957 = arith.minsi %min3A_950, %gather3A_956 : vector<16xi32>
      %xor3A_958 = arith.constant 1 : i32
      %xor3A_959 = vector.broadcast %xor3A_958 : i32 to vector<16xi32>
      %xor3A_960 = arith.xori %iota3A_936, %xor3A_959 : vector<16xi32>
      %reshape3A_961 = vector.shape_cast %xor3A_960 : vector<16xi32> to vector<16x1xi32>
      %gather3A_962 = vector.shape_cast %reshape3A_961 : vector<16x1xi32> to vector<16xi32>
      %gather3A_963 = tpu.dynamic_gather %min3A_957[%gather3A_962] in [0] : vector<16xi32>, vector<16xi32> -> vector<16xi32>
      %min3A_964 = arith.minsi %min3A_957, %gather3A_963 : vector<16xi32>
      %eq3A_965 = arith.constant 5 : i32
      %eq3A_966 = vector.broadcast %eq3A_965 : i32 to vector<16xi32>
      %eq3A_967 = arith.cmpi eq, %iota3A, %eq3A_966 : vector<16xi32>
      %select_n3A_968 = arith.select %eq3A_967, %min3A_927, %select_n3A_897 : vector<16xi1>, vector<16xf32>
      %select_n3A_969 = arith.select %eq3A_967, %min3A_964, %select_n3A_898 : vector<16xi1>, vector<16xi32>
      %iota3A_970 = tpu.iota {dimensions = array<i32: 0>} : vector<16xi32>
      %xor3A_971 = arith.constant 8 : i32
      %xor3A_972 = vector.broadcast %xor3A_971 : i32 to vector<16xi32>
      %xor3A_973 = arith.xori %iota3A_970, %xor3A_972 : vector<16xi32>
      %reshape3A_974 = vector.shape_cast %xor3A_973 : vector<16xi32> to vector<16x1xi32>
      %gather3A_975 = vector.shape_cast %reshape3A_974 : vector<16x1xi32> to vector<16xi32>
      %gather3A_976 = tpu.dynamic_gather %scan3A_826#2[%gather3A_975] in [0] : vector<16xf32>, vector<16xi32> -> vector<16xf32>
      %min3A_977 = arith.minimumf %scan3A_826#2, %gather3A_976 : vector<16xf32>
      %xor3A_978 = arith.constant 4 : i32
      %xor3A_979 = vector.broadcast %xor3A_978 : i32 to vector<16xi32>
      %xor3A_980 = arith.xori %iota3A_970, %xor3A_979 : vector<16xi32>
      %reshape3A_981 = vector.shape_cast %xor3A_980 : vector<16xi32> to vector<16x1xi32>
      %gather3A_982 = vector.shape_cast %reshape3A_981 : vector<16x1xi32> to vector<16xi32>
      %gather3A_983 = tpu.dynamic_gather %min3A_977[%gather3A_982] in [0] : vector<16xf32>, vector<16xi32> -> vector<16xf32>
      %min3A_984 = arith.minimumf %min3A_977, %gather3A_983 : vector<16xf32>
      %xor3A_985 = arith.constant 2 : i32
      %xor3A_986 = vector.broadcast %xor3A_985 : i32 to vector<16xi32>
      %xor3A_987 = arith.xori %iota3A_970, %xor3A_986 : vector<16xi32>
      %reshape3A_988 = vector.shape_cast %xor3A_987 : vector<16xi32> to vector<16x1xi32>
      %gather3A_989 = vector.shape_cast %reshape3A_988 : vector<16x1xi32> to vector<16xi32>
      %gather3A_990 = tpu.dynamic_gather %min3A_984[%gather3A_989] in [0] : vector<16xf32>, vector<16xi32> -> vector<16xf32>
      %min3A_991 = arith.minimumf %min3A_984, %gather3A_990 : vector<16xf32>
      %xor3A_992 = arith.constant 1 : i32
      %xor3A_993 = vector.broadcast %xor3A_992 : i32 to vector<16xi32>
      %xor3A_994 = arith.xori %iota3A_970, %xor3A_993 : vector<16xi32>
      %reshape3A_995 = vector.shape_cast %xor3A_994 : vector<16xi32> to vector<16x1xi32>
      %gather3A_996 = vector.shape_cast %reshape3A_995 : vector<16x1xi32> to vector<16xi32>
      %gather3A_997 = tpu.dynamic_gather %min3A_991[%gather3A_996] in [0] : vector<16xf32>, vector<16xi32> -> vector<16xf32>
      %min3A_998 = arith.minimumf %min3A_991, %gather3A_997 : vector<16xf32>
      %mul3A_999 = arith.constant 16 : i32
      %mul3A_1000 = vector.broadcast %mul3A_999 : i32 to vector<16xi32>
      %mul3A_1001 = arith.muli %scan3A_826#6, %mul3A_1000 : vector<16xi32>
      %add3A_1002 = arith.addi %mul3A_1001, %iota3A : vector<16xi32>
      %eq3A_1003 = arith.cmpf oeq, %scan3A_826#2, %min3A_998 : vector<16xf32>
      %broadcast_in_dim3A_1004 = arith.constant 1073741824 : i32
      %broadcast_in_dim3A_1005 = vector.broadcast %broadcast_in_dim3A_1004 : i32 to vector<16xi32>
      %select_n3A_1006 = arith.select %eq3A_1003, %add3A_1002, %broadcast_in_dim3A_1005 : vector<16xi1>, vector<16xi32>
      %iota3A_1007 = tpu.iota {dimensions = array<i32: 0>} : vector<16xi32>
      %xor3A_1008 = arith.constant 8 : i32
      %xor3A_1009 = vector.broadcast %xor3A_1008 : i32 to vector<16xi32>
      %xor3A_1010 = arith.xori %iota3A_1007, %xor3A_1009 : vector<16xi32>
      %reshape3A_1011 = vector.shape_cast %xor3A_1010 : vector<16xi32> to vector<16x1xi32>
      %gather3A_1012 = vector.shape_cast %reshape3A_1011 : vector<16x1xi32> to vector<16xi32>
      %gather3A_1013 = tpu.dynamic_gather %select_n3A_1006[%gather3A_1012] in [0] : vector<16xi32>, vector<16xi32> -> vector<16xi32>
      %min3A_1014 = arith.minsi %select_n3A_1006, %gather3A_1013 : vector<16xi32>
      %xor3A_1015 = arith.constant 4 : i32
      %xor3A_1016 = vector.broadcast %xor3A_1015 : i32 to vector<16xi32>
      %xor3A_1017 = arith.xori %iota3A_1007, %xor3A_1016 : vector<16xi32>
      %reshape3A_1018 = vector.shape_cast %xor3A_1017 : vector<16xi32> to vector<16x1xi32>
      %gather3A_1019 = vector.shape_cast %reshape3A_1018 : vector<16x1xi32> to vector<16xi32>
      %gather3A_1020 = tpu.dynamic_gather %min3A_1014[%gather3A_1019] in [0] : vector<16xi32>, vector<16xi32> -> vector<16xi32>
      %min3A_1021 = arith.minsi %min3A_1014, %gather3A_1020 : vector<16xi32>
      %xor3A_1022 = arith.constant 2 : i32
      %xor3A_1023 = vector.broadcast %xor3A_1022 : i32 to vector<16xi32>
      %xor3A_1024 = arith.xori %iota3A_1007, %xor3A_1023 : vector<16xi32>
      %reshape3A_1025 = vector.shape_cast %xor3A_1024 : vector<16xi32> to vector<16x1xi32>
      %gather3A_1026 = vector.shape_cast %reshape3A_1025 : vector<16x1xi32> to vector<16xi32>
      %gather3A_1027 = tpu.dynamic_gather %min3A_1021[%gather3A_1026] in [0] : vector<16xi32>, vector<16xi32> -> vector<16xi32>
      %min3A_1028 = arith.minsi %min3A_1021, %gather3A_1027 : vector<16xi32>
      %xor3A_1029 = arith.constant 1 : i32
      %xor3A_1030 = vector.broadcast %xor3A_1029 : i32 to vector<16xi32>
      %xor3A_1031 = arith.xori %iota3A_1007, %xor3A_1030 : vector<16xi32>
      %reshape3A_1032 = vector.shape_cast %xor3A_1031 : vector<16xi32> to vector<16x1xi32>
      %gather3A_1033 = vector.shape_cast %reshape3A_1032 : vector<16x1xi32> to vector<16xi32>
      %gather3A_1034 = tpu.dynamic_gather %min3A_1028[%gather3A_1033] in [0] : vector<16xi32>, vector<16xi32> -> vector<16xi32>
      %min3A_1035 = arith.minsi %min3A_1028, %gather3A_1034 : vector<16xi32>
      %eq3A_1036 = arith.constant 6 : i32
      %eq3A_1037 = vector.broadcast %eq3A_1036 : i32 to vector<16xi32>
      %eq3A_1038 = arith.cmpi eq, %iota3A, %eq3A_1037 : vector<16xi32>
      %select_n3A_1039 = arith.select %eq3A_1038, %min3A_998, %select_n3A_968 : vector<16xi1>, vector<16xf32>
      %select_n3A_1040 = arith.select %eq3A_1038, %min3A_1035, %select_n3A_969 : vector<16xi1>, vector<16xi32>
      %iota3A_1041 = tpu.iota {dimensions = array<i32: 0>} : vector<16xi32>
      %xor3A_1042 = arith.constant 8 : i32
      %xor3A_1043 = vector.broadcast %xor3A_1042 : i32 to vector<16xi32>
      %xor3A_1044 = arith.xori %iota3A_1041, %xor3A_1043 : vector<16xi32>
      %reshape3A_1045 = vector.shape_cast %xor3A_1044 : vector<16xi32> to vector<16x1xi32>
      %gather3A_1046 = vector.shape_cast %reshape3A_1045 : vector<16x1xi32> to vector<16xi32>
      %gather3A_1047 = tpu.dynamic_gather %scan3A_826#3[%gather3A_1046] in [0] : vector<16xf32>, vector<16xi32> -> vector<16xf32>
      %min3A_1048 = arith.minimumf %scan3A_826#3, %gather3A_1047 : vector<16xf32>
      %xor3A_1049 = arith.constant 4 : i32
      %xor3A_1050 = vector.broadcast %xor3A_1049 : i32 to vector<16xi32>
      %xor3A_1051 = arith.xori %iota3A_1041, %xor3A_1050 : vector<16xi32>
      %reshape3A_1052 = vector.shape_cast %xor3A_1051 : vector<16xi32> to vector<16x1xi32>
      %gather3A_1053 = vector.shape_cast %reshape3A_1052 : vector<16x1xi32> to vector<16xi32>
      %gather3A_1054 = tpu.dynamic_gather %min3A_1048[%gather3A_1053] in [0] : vector<16xf32>, vector<16xi32> -> vector<16xf32>
      %min3A_1055 = arith.minimumf %min3A_1048, %gather3A_1054 : vector<16xf32>
      %xor3A_1056 = arith.constant 2 : i32
      %xor3A_1057 = vector.broadcast %xor3A_1056 : i32 to vector<16xi32>
      %xor3A_1058 = arith.xori %iota3A_1041, %xor3A_1057 : vector<16xi32>
      %reshape3A_1059 = vector.shape_cast %xor3A_1058 : vector<16xi32> to vector<16x1xi32>
      %gather3A_1060 = vector.shape_cast %reshape3A_1059 : vector<16x1xi32> to vector<16xi32>
      %gather3A_1061 = tpu.dynamic_gather %min3A_1055[%gather3A_1060] in [0] : vector<16xf32>, vector<16xi32> -> vector<16xf32>
      %min3A_1062 = arith.minimumf %min3A_1055, %gather3A_1061 : vector<16xf32>
      %xor3A_1063 = arith.constant 1 : i32
      %xor3A_1064 = vector.broadcast %xor3A_1063 : i32 to vector<16xi32>
      %xor3A_1065 = arith.xori %iota3A_1041, %xor3A_1064 : vector<16xi32>
      %reshape3A_1066 = vector.shape_cast %xor3A_1065 : vector<16xi32> to vector<16x1xi32>
      %gather3A_1067 = vector.shape_cast %reshape3A_1066 : vector<16x1xi32> to vector<16xi32>
      %gather3A_1068 = tpu.dynamic_gather %min3A_1062[%gather3A_1067] in [0] : vector<16xf32>, vector<16xi32> -> vector<16xf32>
      %min3A_1069 = arith.minimumf %min3A_1062, %gather3A_1068 : vector<16xf32>
      %mul3A_1070 = arith.constant 16 : i32
      %mul3A_1071 = vector.broadcast %mul3A_1070 : i32 to vector<16xi32>
      %mul3A_1072 = arith.muli %scan3A_826#7, %mul3A_1071 : vector<16xi32>
      %add3A_1073 = arith.addi %mul3A_1072, %iota3A : vector<16xi32>
      %eq3A_1074 = arith.cmpf oeq, %scan3A_826#3, %min3A_1069 : vector<16xf32>
      %broadcast_in_dim3A_1075 = arith.constant 1073741824 : i32
      %broadcast_in_dim3A_1076 = vector.broadcast %broadcast_in_dim3A_1075 : i32 to vector<16xi32>
      %select_n3A_1077 = arith.select %eq3A_1074, %add3A_1073, %broadcast_in_dim3A_1076 : vector<16xi1>, vector<16xi32>
      %iota3A_1078 = tpu.iota {dimensions = array<i32: 0>} : vector<16xi32>
      %xor3A_1079 = arith.constant 8 : i32
      %xor3A_1080 = vector.broadcast %xor3A_1079 : i32 to vector<16xi32>
      %xor3A_1081 = arith.xori %iota3A_1078, %xor3A_1080 : vector<16xi32>
      %reshape3A_1082 = vector.shape_cast %xor3A_1081 : vector<16xi32> to vector<16x1xi32>
      %gather3A_1083 = vector.shape_cast %reshape3A_1082 : vector<16x1xi32> to vector<16xi32>
      %gather3A_1084 = tpu.dynamic_gather %select_n3A_1077[%gather3A_1083] in [0] : vector<16xi32>, vector<16xi32> -> vector<16xi32>
      %min3A_1085 = arith.minsi %select_n3A_1077, %gather3A_1084 : vector<16xi32>
      %xor3A_1086 = arith.constant 4 : i32
      %xor3A_1087 = vector.broadcast %xor3A_1086 : i32 to vector<16xi32>
      %xor3A_1088 = arith.xori %iota3A_1078, %xor3A_1087 : vector<16xi32>
      %reshape3A_1089 = vector.shape_cast %xor3A_1088 : vector<16xi32> to vector<16x1xi32>
      %gather3A_1090 = vector.shape_cast %reshape3A_1089 : vector<16x1xi32> to vector<16xi32>
      %gather3A_1091 = tpu.dynamic_gather %min3A_1085[%gather3A_1090] in [0] : vector<16xi32>, vector<16xi32> -> vector<16xi32>
      %min3A_1092 = arith.minsi %min3A_1085, %gather3A_1091 : vector<16xi32>
      %xor3A_1093 = arith.constant 2 : i32
      %xor3A_1094 = vector.broadcast %xor3A_1093 : i32 to vector<16xi32>
      %xor3A_1095 = arith.xori %iota3A_1078, %xor3A_1094 : vector<16xi32>
      %reshape3A_1096 = vector.shape_cast %xor3A_1095 : vector<16xi32> to vector<16x1xi32>
      %gather3A_1097 = vector.shape_cast %reshape3A_1096 : vector<16x1xi32> to vector<16xi32>
      %gather3A_1098 = tpu.dynamic_gather %min3A_1092[%gather3A_1097] in [0] : vector<16xi32>, vector<16xi32> -> vector<16xi32>
      %min3A_1099 = arith.minsi %min3A_1092, %gather3A_1098 : vector<16xi32>
      %xor3A_1100 = arith.constant 1 : i32
      %xor3A_1101 = vector.broadcast %xor3A_1100 : i32 to vector<16xi32>
      %xor3A_1102 = arith.xori %iota3A_1078, %xor3A_1101 : vector<16xi32>
      %reshape3A_1103 = vector.shape_cast %xor3A_1102 : vector<16xi32> to vector<16x1xi32>
      %gather3A_1104 = vector.shape_cast %reshape3A_1103 : vector<16x1xi32> to vector<16xi32>
      %gather3A_1105 = tpu.dynamic_gather %min3A_1099[%gather3A_1104] in [0] : vector<16xi32>, vector<16xi32> -> vector<16xi32>
      %min3A_1106 = arith.minsi %min3A_1099, %gather3A_1105 : vector<16xi32>
      %eq3A_1107 = arith.constant 7 : i32
      %eq3A_1108 = vector.broadcast %eq3A_1107 : i32 to vector<16xi32>
      %eq3A_1109 = arith.cmpi eq, %iota3A, %eq3A_1108 : vector<16xi32>
      %select_n3A_1110 = arith.select %eq3A_1109, %min3A_1069, %select_n3A_1039 : vector<16xi1>, vector<16xf32>
      %select_n3A_1111 = arith.select %eq3A_1109, %min3A_1106, %select_n3A_1040 : vector<16xi1>, vector<16xi32>
      %iota3A_1112 = tpu.iota {dimensions = array<i32: 0>} : vector<16xi32>
      %mul3A_1113 = arith.constant 0 : i32
      %mul3A_1114 = vector.broadcast %mul3A_1113 : i32 to vector<16xi32>
      %mul3A_1115 = arith.muli %iota3A_1112, %mul3A_1114 : vector<16xi32>
      %add3A_1116 = arith.constant 8 : i32
      %add3A_1117 = vector.broadcast %add3A_1116 : i32 to vector<16xi32>
      %add3A_1118 = arith.addi %mul3A_1115, %add3A_1117 : vector<16xi32>
      %reshape3A_1119 = vector.shape_cast %add3A_1118 : vector<16xi32> to vector<16x1xi32>
      %gather3A_1120 = vector.shape_cast %reshape3A_1119 : vector<16x1xi32> to vector<16xi32>
      %gather3A_1121 = tpu.dynamic_gather %get3A_95[%gather3A_1120] in [0] : vector<16xf32>, vector<16xi32> -> vector<16xf32>
      %mul3A_1122 = arith.constant 2.000000e+00 : f32
      %mul3A_1123 = vector.broadcast %mul3A_1122 : f32 to vector<16xf32>
      %mul3A_1124 = arith.mulf %mul3A_1123, %gather3A_1121 : vector<16xf32>
      %iota3A_1125 = tpu.iota {dimensions = array<i32: 0>} : vector<16xi32>
      %mul3A_1126 = arith.constant 0 : i32
      %mul3A_1127 = vector.broadcast %mul3A_1126 : i32 to vector<16xi32>
      %mul3A_1128 = arith.muli %iota3A_1125, %mul3A_1127 : vector<16xi32>
      %add3A_1129 = arith.constant 9 : i32
      %add3A_1130 = vector.broadcast %add3A_1129 : i32 to vector<16xi32>
      %add3A_1131 = arith.addi %mul3A_1128, %add3A_1130 : vector<16xi32>
      %reshape3A_1132 = vector.shape_cast %add3A_1131 : vector<16xi32> to vector<16x1xi32>
      %gather3A_1133 = vector.shape_cast %reshape3A_1132 : vector<16x1xi32> to vector<16xi32>
      %gather3A_1134 = tpu.dynamic_gather %get3A_95[%gather3A_1133] in [0] : vector<16xf32>, vector<16xi32> -> vector<16xf32>
      %mul3A_1135 = arith.constant 2.000000e+00 : f32
      %mul3A_1136 = vector.broadcast %mul3A_1135 : f32 to vector<16xf32>
      %mul3A_1137 = arith.mulf %mul3A_1136, %gather3A_1134 : vector<16xf32>
      %iota3A_1138 = tpu.iota {dimensions = array<i32: 0>} : vector<16xi32>
      %mul3A_1139 = arith.constant 0 : i32
      %mul3A_1140 = vector.broadcast %mul3A_1139 : i32 to vector<16xi32>
      %mul3A_1141 = arith.muli %iota3A_1138, %mul3A_1140 : vector<16xi32>
      %add3A_1142 = arith.constant 10 : i32
      %add3A_1143 = vector.broadcast %add3A_1142 : i32 to vector<16xi32>
      %add3A_1144 = arith.addi %mul3A_1141, %add3A_1143 : vector<16xi32>
      %reshape3A_1145 = vector.shape_cast %add3A_1144 : vector<16xi32> to vector<16x1xi32>
      %gather3A_1146 = vector.shape_cast %reshape3A_1145 : vector<16x1xi32> to vector<16xi32>
      %gather3A_1147 = tpu.dynamic_gather %get3A_95[%gather3A_1146] in [0] : vector<16xf32>, vector<16xi32> -> vector<16xf32>
      %mul3A_1148 = arith.constant 2.000000e+00 : f32
      %mul3A_1149 = vector.broadcast %mul3A_1148 : f32 to vector<16xf32>
      %mul3A_1150 = arith.mulf %mul3A_1149, %gather3A_1147 : vector<16xf32>
      %iota3A_1151 = tpu.iota {dimensions = array<i32: 0>} : vector<16xi32>
      %mul3A_1152 = arith.constant 0 : i32
      %mul3A_1153 = vector.broadcast %mul3A_1152 : i32 to vector<16xi32>
      %mul3A_1154 = arith.muli %iota3A_1151, %mul3A_1153 : vector<16xi32>
      %add3A_1155 = arith.constant 11 : i32
      %add3A_1156 = vector.broadcast %add3A_1155 : i32 to vector<16xi32>
      %add3A_1157 = arith.addi %mul3A_1154, %add3A_1156 : vector<16xi32>
      %reshape3A_1158 = vector.shape_cast %add3A_1157 : vector<16xi32> to vector<16x1xi32>
      %gather3A_1159 = vector.shape_cast %reshape3A_1158 : vector<16x1xi32> to vector<16xi32>
      %gather3A_1160 = tpu.dynamic_gather %get3A_95[%gather3A_1159] in [0] : vector<16xf32>, vector<16xi32> -> vector<16xf32>
      %mul3A_1161 = arith.constant 2.000000e+00 : f32
      %mul3A_1162 = vector.broadcast %mul3A_1161 : f32 to vector<16xf32>
      %mul3A_1163 = arith.mulf %mul3A_1162, %gather3A_1160 : vector<16xf32>
      %iota3A_1164 = tpu.iota {dimensions = array<i32: 0>} : vector<16xi32>
      %mul3A_1165 = arith.constant 0 : i32
      %mul3A_1166 = vector.broadcast %mul3A_1165 : i32 to vector<16xi32>
      %mul3A_1167 = arith.muli %iota3A_1164, %mul3A_1166 : vector<16xi32>
      %add3A_1168 = arith.constant 8 : i32
      %add3A_1169 = vector.broadcast %add3A_1168 : i32 to vector<16xi32>
      %add3A_1170 = arith.addi %mul3A_1167, %add3A_1169 : vector<16xi32>
      %reshape3A_1171 = vector.shape_cast %add3A_1170 : vector<16xi32> to vector<16x1xi32>
      %gather3A_1172 = vector.shape_cast %reshape3A_1171 : vector<16x1xi32> to vector<16xi32>
      %gather3A_1173 = tpu.dynamic_gather %get3A_98[%gather3A_1172] in [0] : vector<16xf32>, vector<16xi32> -> vector<16xf32>
      %mul3A_1174 = arith.constant 2.000000e+00 : f32
      %mul3A_1175 = vector.broadcast %mul3A_1174 : f32 to vector<16xf32>
      %mul3A_1176 = arith.mulf %mul3A_1175, %gather3A_1173 : vector<16xf32>
      %iota3A_1177 = tpu.iota {dimensions = array<i32: 0>} : vector<16xi32>
      %mul3A_1178 = arith.constant 0 : i32
      %mul3A_1179 = vector.broadcast %mul3A_1178 : i32 to vector<16xi32>
      %mul3A_1180 = arith.muli %iota3A_1177, %mul3A_1179 : vector<16xi32>
      %add3A_1181 = arith.constant 9 : i32
      %add3A_1182 = vector.broadcast %add3A_1181 : i32 to vector<16xi32>
      %add3A_1183 = arith.addi %mul3A_1180, %add3A_1182 : vector<16xi32>
      %reshape3A_1184 = vector.shape_cast %add3A_1183 : vector<16xi32> to vector<16x1xi32>
      %gather3A_1185 = vector.shape_cast %reshape3A_1184 : vector<16x1xi32> to vector<16xi32>
      %gather3A_1186 = tpu.dynamic_gather %get3A_98[%gather3A_1185] in [0] : vector<16xf32>, vector<16xi32> -> vector<16xf32>
      %mul3A_1187 = arith.constant 2.000000e+00 : f32
      %mul3A_1188 = vector.broadcast %mul3A_1187 : f32 to vector<16xf32>
      %mul3A_1189 = arith.mulf %mul3A_1188, %gather3A_1186 : vector<16xf32>
      %iota3A_1190 = tpu.iota {dimensions = array<i32: 0>} : vector<16xi32>
      %mul3A_1191 = arith.constant 0 : i32
      %mul3A_1192 = vector.broadcast %mul3A_1191 : i32 to vector<16xi32>
      %mul3A_1193 = arith.muli %iota3A_1190, %mul3A_1192 : vector<16xi32>
      %add3A_1194 = arith.constant 10 : i32
      %add3A_1195 = vector.broadcast %add3A_1194 : i32 to vector<16xi32>
      %add3A_1196 = arith.addi %mul3A_1193, %add3A_1195 : vector<16xi32>
      %reshape3A_1197 = vector.shape_cast %add3A_1196 : vector<16xi32> to vector<16x1xi32>
      %gather3A_1198 = vector.shape_cast %reshape3A_1197 : vector<16x1xi32> to vector<16xi32>
      %gather3A_1199 = tpu.dynamic_gather %get3A_98[%gather3A_1198] in [0] : vector<16xf32>, vector<16xi32> -> vector<16xf32>
      %mul3A_1200 = arith.constant 2.000000e+00 : f32
      %mul3A_1201 = vector.broadcast %mul3A_1200 : f32 to vector<16xf32>
      %mul3A_1202 = arith.mulf %mul3A_1201, %gather3A_1199 : vector<16xf32>
      %iota3A_1203 = tpu.iota {dimensions = array<i32: 0>} : vector<16xi32>
      %mul3A_1204 = arith.constant 0 : i32
      %mul3A_1205 = vector.broadcast %mul3A_1204 : i32 to vector<16xi32>
      %mul3A_1206 = arith.muli %iota3A_1203, %mul3A_1205 : vector<16xi32>
      %add3A_1207 = arith.constant 11 : i32
      %add3A_1208 = vector.broadcast %add3A_1207 : i32 to vector<16xi32>
      %add3A_1209 = arith.addi %mul3A_1206, %add3A_1208 : vector<16xi32>
      %reshape3A_1210 = vector.shape_cast %add3A_1209 : vector<16xi32> to vector<16x1xi32>
      %gather3A_1211 = vector.shape_cast %reshape3A_1210 : vector<16x1xi32> to vector<16xi32>
      %gather3A_1212 = tpu.dynamic_gather %get3A_98[%gather3A_1211] in [0] : vector<16xf32>, vector<16xi32> -> vector<16xf32>
      %mul3A_1213 = arith.constant 2.000000e+00 : f32
      %mul3A_1214 = vector.broadcast %mul3A_1213 : f32 to vector<16xf32>
      %mul3A_1215 = arith.mulf %mul3A_1214, %gather3A_1212 : vector<16xf32>
      %iota3A_1216 = tpu.iota {dimensions = array<i32: 0>} : vector<16xi32>
      %mul3A_1217 = arith.constant 0 : i32
      %mul3A_1218 = vector.broadcast %mul3A_1217 : i32 to vector<16xi32>
      %mul3A_1219 = arith.muli %iota3A_1216, %mul3A_1218 : vector<16xi32>
      %add3A_1220 = arith.constant 8 : i32
      %add3A_1221 = vector.broadcast %add3A_1220 : i32 to vector<16xi32>
      %add3A_1222 = arith.addi %mul3A_1219, %add3A_1221 : vector<16xi32>
      %reshape3A_1223 = vector.shape_cast %add3A_1222 : vector<16xi32> to vector<16x1xi32>
      %gather3A_1224 = vector.shape_cast %reshape3A_1223 : vector<16x1xi32> to vector<16xi32>
      %gather3A_1225 = tpu.dynamic_gather %get3A_101[%gather3A_1224] in [0] : vector<16xf32>, vector<16xi32> -> vector<16xf32>
      %mul3A_1226 = arith.constant 2.000000e+00 : f32
      %mul3A_1227 = vector.broadcast %mul3A_1226 : f32 to vector<16xf32>
      %mul3A_1228 = arith.mulf %mul3A_1227, %gather3A_1225 : vector<16xf32>
      %iota3A_1229 = tpu.iota {dimensions = array<i32: 0>} : vector<16xi32>
      %mul3A_1230 = arith.constant 0 : i32
      %mul3A_1231 = vector.broadcast %mul3A_1230 : i32 to vector<16xi32>
      %mul3A_1232 = arith.muli %iota3A_1229, %mul3A_1231 : vector<16xi32>
      %add3A_1233 = arith.constant 9 : i32
      %add3A_1234 = vector.broadcast %add3A_1233 : i32 to vector<16xi32>
      %add3A_1235 = arith.addi %mul3A_1232, %add3A_1234 : vector<16xi32>
      %reshape3A_1236 = vector.shape_cast %add3A_1235 : vector<16xi32> to vector<16x1xi32>
      %gather3A_1237 = vector.shape_cast %reshape3A_1236 : vector<16x1xi32> to vector<16xi32>
      %gather3A_1238 = tpu.dynamic_gather %get3A_101[%gather3A_1237] in [0] : vector<16xf32>, vector<16xi32> -> vector<16xf32>
      %mul3A_1239 = arith.constant 2.000000e+00 : f32
      %mul3A_1240 = vector.broadcast %mul3A_1239 : f32 to vector<16xf32>
      %mul3A_1241 = arith.mulf %mul3A_1240, %gather3A_1238 : vector<16xf32>
      %iota3A_1242 = tpu.iota {dimensions = array<i32: 0>} : vector<16xi32>
      %mul3A_1243 = arith.constant 0 : i32
      %mul3A_1244 = vector.broadcast %mul3A_1243 : i32 to vector<16xi32>
      %mul3A_1245 = arith.muli %iota3A_1242, %mul3A_1244 : vector<16xi32>
      %add3A_1246 = arith.constant 10 : i32
      %add3A_1247 = vector.broadcast %add3A_1246 : i32 to vector<16xi32>
      %add3A_1248 = arith.addi %mul3A_1245, %add3A_1247 : vector<16xi32>
      %reshape3A_1249 = vector.shape_cast %add3A_1248 : vector<16xi32> to vector<16x1xi32>
      %gather3A_1250 = vector.shape_cast %reshape3A_1249 : vector<16x1xi32> to vector<16xi32>
      %gather3A_1251 = tpu.dynamic_gather %get3A_101[%gather3A_1250] in [0] : vector<16xf32>, vector<16xi32> -> vector<16xf32>
      %mul3A_1252 = arith.constant 2.000000e+00 : f32
      %mul3A_1253 = vector.broadcast %mul3A_1252 : f32 to vector<16xf32>
      %mul3A_1254 = arith.mulf %mul3A_1253, %gather3A_1251 : vector<16xf32>
      %iota3A_1255 = tpu.iota {dimensions = array<i32: 0>} : vector<16xi32>
      %mul3A_1256 = arith.constant 0 : i32
      %mul3A_1257 = vector.broadcast %mul3A_1256 : i32 to vector<16xi32>
      %mul3A_1258 = arith.muli %iota3A_1255, %mul3A_1257 : vector<16xi32>
      %add3A_1259 = arith.constant 11 : i32
      %add3A_1260 = vector.broadcast %add3A_1259 : i32 to vector<16xi32>
      %add3A_1261 = arith.addi %mul3A_1258, %add3A_1260 : vector<16xi32>
      %reshape3A_1262 = vector.shape_cast %add3A_1261 : vector<16xi32> to vector<16x1xi32>
      %gather3A_1263 = vector.shape_cast %reshape3A_1262 : vector<16x1xi32> to vector<16xi32>
      %gather3A_1264 = tpu.dynamic_gather %get3A_101[%gather3A_1263] in [0] : vector<16xf32>, vector<16xi32> -> vector<16xf32>
      %mul3A_1265 = arith.constant 2.000000e+00 : f32
      %mul3A_1266 = vector.broadcast %mul3A_1265 : f32 to vector<16xf32>
      %mul3A_1267 = arith.mulf %mul3A_1266, %gather3A_1264 : vector<16xf32>
      %iota3A_1268 = tpu.iota {dimensions = array<i32: 0>} : vector<16xi32>
      %mul3A_1269 = arith.constant 0 : i32
      %mul3A_1270 = vector.broadcast %mul3A_1269 : i32 to vector<16xi32>
      %mul3A_1271 = arith.muli %iota3A_1268, %mul3A_1270 : vector<16xi32>
      %add3A_1272 = arith.constant 8 : i32
      %add3A_1273 = vector.broadcast %add3A_1272 : i32 to vector<16xi32>
      %add3A_1274 = arith.addi %mul3A_1271, %add3A_1273 : vector<16xi32>
      %reshape3A_1275 = vector.shape_cast %add3A_1274 : vector<16xi32> to vector<16x1xi32>
      %gather3A_1276 = vector.shape_cast %reshape3A_1275 : vector<16x1xi32> to vector<16xi32>
      %gather3A_1277 = tpu.dynamic_gather %add3A_92[%gather3A_1276] in [0] : vector<16xf32>, vector<16xi32> -> vector<16xf32>
      %iota3A_1278 = tpu.iota {dimensions = array<i32: 0>} : vector<16xi32>
      %mul3A_1279 = arith.constant 0 : i32
      %mul3A_1280 = vector.broadcast %mul3A_1279 : i32 to vector<16xi32>
      %mul3A_1281 = arith.muli %iota3A_1278, %mul3A_1280 : vector<16xi32>
      %add3A_1282 = arith.constant 9 : i32
      %add3A_1283 = vector.broadcast %add3A_1282 : i32 to vector<16xi32>
      %add3A_1284 = arith.addi %mul3A_1281, %add3A_1283 : vector<16xi32>
      %reshape3A_1285 = vector.shape_cast %add3A_1284 : vector<16xi32> to vector<16x1xi32>
      %gather3A_1286 = vector.shape_cast %reshape3A_1285 : vector<16x1xi32> to vector<16xi32>
      %gather3A_1287 = tpu.dynamic_gather %add3A_92[%gather3A_1286] in [0] : vector<16xf32>, vector<16xi32> -> vector<16xf32>
      %iota3A_1288 = tpu.iota {dimensions = array<i32: 0>} : vector<16xi32>
      %mul3A_1289 = arith.constant 0 : i32
      %mul3A_1290 = vector.broadcast %mul3A_1289 : i32 to vector<16xi32>
      %mul3A_1291 = arith.muli %iota3A_1288, %mul3A_1290 : vector<16xi32>
      %add3A_1292 = arith.constant 10 : i32
      %add3A_1293 = vector.broadcast %add3A_1292 : i32 to vector<16xi32>
      %add3A_1294 = arith.addi %mul3A_1291, %add3A_1293 : vector<16xi32>
      %reshape3A_1295 = vector.shape_cast %add3A_1294 : vector<16xi32> to vector<16x1xi32>
      %gather3A_1296 = vector.shape_cast %reshape3A_1295 : vector<16x1xi32> to vector<16xi32>
      %gather3A_1297 = tpu.dynamic_gather %add3A_92[%gather3A_1296] in [0] : vector<16xf32>, vector<16xi32> -> vector<16xf32>
      %iota3A_1298 = tpu.iota {dimensions = array<i32: 0>} : vector<16xi32>
      %mul3A_1299 = arith.constant 0 : i32
      %mul3A_1300 = vector.broadcast %mul3A_1299 : i32 to vector<16xi32>
      %mul3A_1301 = arith.muli %iota3A_1298, %mul3A_1300 : vector<16xi32>
      %add3A_1302 = arith.constant 11 : i32
      %add3A_1303 = vector.broadcast %add3A_1302 : i32 to vector<16xi32>
      %add3A_1304 = arith.addi %mul3A_1301, %add3A_1303 : vector<16xi32>
      %reshape3A_1305 = vector.shape_cast %add3A_1304 : vector<16xi32> to vector<16x1xi32>
      %gather3A_1306 = vector.shape_cast %reshape3A_1305 : vector<16x1xi32> to vector<16xi32>
      %gather3A_1307 = tpu.dynamic_gather %add3A_92[%gather3A_1306] in [0] : vector<16xf32>, vector<16xi32> -> vector<16xf32>
      %mul3A_1308 = arith.constant 16 : i32
      %mul3A_1309 = arith.muli %scan3A_76, %mul3A_1308 : i32
      %add3A_1310 = arith.addi %mul3A_54, %mul3A_1309 : i32
      %add3A_1311 = arith.constant 8 : i32
      %add3A_1312 = arith.addi %add3A_1310, %add3A_1311 : i32
      %mul3A_1313 = arith.constant 16 : i32
      %mul3A_1314 = arith.muli %scan3A_76, %mul3A_1313 : i32
      %add3A_1315 = arith.addi %mul3A_54, %mul3A_1314 : i32
      %add3A_1316 = arith.constant 9 : i32
      %add3A_1317 = arith.addi %add3A_1315, %add3A_1316 : i32
      %mul3A_1318 = arith.constant 16 : i32
      %mul3A_1319 = arith.muli %scan3A_76, %mul3A_1318 : i32
      %add3A_1320 = arith.addi %mul3A_54, %mul3A_1319 : i32
      %add3A_1321 = arith.constant 10 : i32
      %add3A_1322 = arith.addi %add3A_1320, %add3A_1321 : i32
      %mul3A_1323 = arith.constant 16 : i32
      %mul3A_1324 = arith.muli %scan3A_76, %mul3A_1323 : i32
      %add3A_1325 = arith.addi %mul3A_54, %mul3A_1324 : i32
      %add3A_1326 = arith.constant 11 : i32
      %add3A_1327 = arith.addi %add3A_1325, %add3A_1326 : i32
      %scan3A_1328 = arith.constant 0 : i32
      %scan3A_1329 = arith.constant 256 : i32
      %scan3A_1330 = arith.addi %scan3A_1328, %scan3A_1329 : i32
      %scan3A_1331 = arith.constant 1 : i32
      %scan3A_1332:8 = scf.for %scan3A_2135 = %scan3A_1328 to %scan3A_1330 step %scan3A_1331 iter_args(%scan3A_2136 = %broadcast_in_dim3A_58, %scan3A_2137 = %broadcast_in_dim3A_58, %scan3A_2138 = %broadcast_in_dim3A_58, %scan3A_2139 = %broadcast_in_dim3A_58, %scan3A_2140 = %broadcast_in_dim3A_60, %scan3A_2141 = %broadcast_in_dim3A_60, %scan3A_2142 = %broadcast_in_dim3A_60, %scan3A_2143 = %broadcast_in_dim3A_60) -> (vector<16xf32>, vector<16xf32>, vector<16xf32>, vector<16xf32>, vector<16xi32>, vector<16xi32>, vector<16xi32>, vector<16xi32>)  : i32 {
        %mul3A_2144 = arith.constant 16 : i32
        %mul3A_2145 = arith.muli %scan3A_2135, %mul3A_2144 : i32
        %get3A_2146 = arith.index_cast %mul3A_2145 : i32 to index
        %get3A_2147 = tpu.vector_load %arg21[%get3A_2146] {strides = array<i32>} : memref<4096xf32, #tpu.memory_space<vmem>>, vector<16xf32>,
        %get3A_2148 = vector.shape_cast %get3A_2147 : vector<16xf32> to vector<16xf32>
        %get3A_2149 = arith.index_cast %mul3A_2145 : i32 to index
        %get3A_2150 = tpu.vector_load %arg22[%get3A_2149] {strides = array<i32>} : memref<4096xf32, #tpu.memory_space<vmem>>, vector<16xf32>,
        %get3A_2151 = vector.shape_cast %get3A_2150 : vector<16xf32> to vector<16xf32>
        %get3A_2152 = arith.index_cast %mul3A_2145 : i32 to index
        %get3A_2153 = tpu.vector_load %arg23[%get3A_2152] {strides = array<i32>} : memref<4096xf32, #tpu.memory_space<vmem>>, vector<16xf32>,
        %get3A_2154 = vector.shape_cast %get3A_2153 : vector<16xf32> to vector<16xf32>
        %get3A_2155 = arith.index_cast %mul3A_2145 : i32 to index
        %get3A_2156 = tpu.vector_load %arg25[%get3A_2155] {strides = array<i32>} : memref<4096xf32, #tpu.memory_space<vmem>>, vector<16xf32>,
        %get3A_2157 = vector.shape_cast %get3A_2156 : vector<16xf32> to vector<16xf32>
        %get3A_2158 = arith.index_cast %mul3A_2145 : i32 to index
        %get3A_2159 = tpu.vector_load %arg26[%get3A_2158] {strides = array<i32>} : memref<4096xf32, #tpu.memory_space<vmem>>, vector<16xf32>,
        %get3A_2160 = vector.shape_cast %get3A_2159 : vector<16xf32> to vector<16xf32>
        %get3A_2161 = arith.index_cast %mul3A_2145 : i32 to index
        %get3A_2162 = tpu.vector_load %arg27[%get3A_2161] {strides = array<i32>} : memref<4096xi32, #tpu.memory_space<vmem>>, vector<16xi32>,
        %get3A_2163 = vector.shape_cast %get3A_2162 : vector<16xi32> to vector<16xi32>
        %broadcast_in_dim3A_2164 = vector.broadcast %scan3A_2135 : i32 to vector<16xi32>
        %mul3A_2165 = arith.mulf %mul3A_1124, %get3A_2148 : vector<16xf32>
        %mul3A_2166 = arith.mulf %mul3A_1176, %get3A_2151 : vector<16xf32>
        %add3A_2167 = arith.addf %mul3A_2165, %mul3A_2166 : vector<16xf32>
        %mul3A_2168 = arith.mulf %mul3A_1228, %get3A_2154 : vector<16xf32>
        %add3A_2169 = arith.addf %add3A_2167, %mul3A_2168 : vector<16xf32>
        %add3A_2170 = arith.addf %gather3A_1277, %get3A_2157 : vector<16xf32>
        %sub3A_2171 = arith.subf %add3A_2170, %add3A_2169 : vector<16xf32>
        %max3A = arith.constant 0.000000e+00 : f32
        %max3A_2172 = vector.broadcast %max3A : f32 to vector<16xf32>
        %max3A_2173 = arith.maximumf %sub3A_2171, %max3A_2172 : vector<16xf32>
        %lt3A_2174 = arith.cmpf olt, %max3A_2173, %scan3A_2136 : vector<16xf32>
        %select_n3A_2175 = arith.select %lt3A_2174, %max3A_2173, %scan3A_2136 : vector<16xi1>, vector<16xf32>
        %select_n3A_2176 = arith.select %lt3A_2174, %broadcast_in_dim3A_2164, %scan3A_2140 : vector<16xi1>, vector<16xi32>
        %lt3A_2177 = arith.cmpf olt, %max3A_2173, %get3A_2160 : vector<16xf32>
        %select_n3A_2178 = arith.select %lt3A_2177, %max3A_2173, %get3A_2160 : vector<16xi1>, vector<16xf32>
        %broadcast_in_dim3A_2179 = vector.broadcast %add3A_1312 : i32 to vector<16xi32>
        %select_n3A_2180 = arith.select %lt3A_2177, %broadcast_in_dim3A_2179, %get3A_2163 : vector<16xi1>, vector<16xi32>
        %mul3A_2181 = arith.mulf %mul3A_1137, %get3A_2148 : vector<16xf32>
        %mul3A_2182 = arith.mulf %mul3A_1189, %get3A_2151 : vector<16xf32>
        %add3A_2183 = arith.addf %mul3A_2181, %mul3A_2182 : vector<16xf32>
        %mul3A_2184 = arith.mulf %mul3A_1241, %get3A_2154 : vector<16xf32>
        %add3A_2185 = arith.addf %add3A_2183, %mul3A_2184 : vector<16xf32>
        %add3A_2186 = arith.addf %gather3A_1287, %get3A_2157 : vector<16xf32>
        %sub3A_2187 = arith.subf %add3A_2186, %add3A_2185 : vector<16xf32>
        %max3A_2188 = arith.constant 0.000000e+00 : f32
        %max3A_2189 = vector.broadcast %max3A_2188 : f32 to vector<16xf32>
        %max3A_2190 = arith.maximumf %sub3A_2187, %max3A_2189 : vector<16xf32>
        %lt3A_2191 = arith.cmpf olt, %max3A_2190, %scan3A_2137 : vector<16xf32>
        %select_n3A_2192 = arith.select %lt3A_2191, %max3A_2190, %scan3A_2137 : vector<16xi1>, vector<16xf32>
        %select_n3A_2193 = arith.select %lt3A_2191, %broadcast_in_dim3A_2164, %scan3A_2141 : vector<16xi1>, vector<16xi32>
        %lt3A_2194 = arith.cmpf olt, %max3A_2190, %select_n3A_2178 : vector<16xf32>
        %select_n3A_2195 = arith.select %lt3A_2194, %max3A_2190, %select_n3A_2178 : vector<16xi1>, vector<16xf32>
        %broadcast_in_dim3A_2196 = vector.broadcast %add3A_1317 : i32 to vector<16xi32>
        %select_n3A_2197 = arith.select %lt3A_2194, %broadcast_in_dim3A_2196, %select_n3A_2180 : vector<16xi1>, vector<16xi32>
        %mul3A_2198 = arith.mulf %mul3A_1150, %get3A_2148 : vector<16xf32>
        %mul3A_2199 = arith.mulf %mul3A_1202, %get3A_2151 : vector<16xf32>
        %add3A_2200 = arith.addf %mul3A_2198, %mul3A_2199 : vector<16xf32>
        %mul3A_2201 = arith.mulf %mul3A_1254, %get3A_2154 : vector<16xf32>
        %add3A_2202 = arith.addf %add3A_2200, %mul3A_2201 : vector<16xf32>
        %add3A_2203 = arith.addf %gather3A_1297, %get3A_2157 : vector<16xf32>
        %sub3A_2204 = arith.subf %add3A_2203, %add3A_2202 : vector<16xf32>
        %max3A_2205 = arith.constant 0.000000e+00 : f32
        %max3A_2206 = vector.broadcast %max3A_2205 : f32 to vector<16xf32>
        %max3A_2207 = arith.maximumf %sub3A_2204, %max3A_2206 : vector<16xf32>
        %lt3A_2208 = arith.cmpf olt, %max3A_2207, %scan3A_2138 : vector<16xf32>
        %select_n3A_2209 = arith.select %lt3A_2208, %max3A_2207, %scan3A_2138 : vector<16xi1>, vector<16xf32>
        %select_n3A_2210 = arith.select %lt3A_2208, %broadcast_in_dim3A_2164, %scan3A_2142 : vector<16xi1>, vector<16xi32>
        %lt3A_2211 = arith.cmpf olt, %max3A_2207, %select_n3A_2195 : vector<16xf32>
        %select_n3A_2212 = arith.select %lt3A_2211, %max3A_2207, %select_n3A_2195 : vector<16xi1>, vector<16xf32>
        %broadcast_in_dim3A_2213 = vector.broadcast %add3A_1322 : i32 to vector<16xi32>
        %select_n3A_2214 = arith.select %lt3A_2211, %broadcast_in_dim3A_2213, %select_n3A_2197 : vector<16xi1>, vector<16xi32>
        %mul3A_2215 = arith.mulf %mul3A_1163, %get3A_2148 : vector<16xf32>
        %mul3A_2216 = arith.mulf %mul3A_1215, %get3A_2151 : vector<16xf32>
        %add3A_2217 = arith.addf %mul3A_2215, %mul3A_2216 : vector<16xf32>
        %mul3A_2218 = arith.mulf %mul3A_1267, %get3A_2154 : vector<16xf32>
        %add3A_2219 = arith.addf %add3A_2217, %mul3A_2218 : vector<16xf32>
        %add3A_2220 = arith.addf %gather3A_1307, %get3A_2157 : vector<16xf32>
        %sub3A_2221 = arith.subf %add3A_2220, %add3A_2219 : vector<16xf32>
        %max3A_2222 = arith.constant 0.000000e+00 : f32
        %max3A_2223 = vector.broadcast %max3A_2222 : f32 to vector<16xf32>
        %max3A_2224 = arith.maximumf %sub3A_2221, %max3A_2223 : vector<16xf32>
        %lt3A_2225 = arith.cmpf olt, %max3A_2224, %scan3A_2139 : vector<16xf32>
        %select_n3A_2226 = arith.select %lt3A_2225, %max3A_2224, %scan3A_2139 : vector<16xi1>, vector<16xf32>
        %select_n3A_2227 = arith.select %lt3A_2225, %broadcast_in_dim3A_2164, %scan3A_2143 : vector<16xi1>, vector<16xi32>
        %lt3A_2228 = arith.cmpf olt, %max3A_2224, %select_n3A_2212 : vector<16xf32>
        %select_n3A_2229 = arith.select %lt3A_2228, %max3A_2224, %select_n3A_2212 : vector<16xi1>, vector<16xf32>
        %broadcast_in_dim3A_2230 = vector.broadcast %add3A_1327 : i32 to vector<16xi32>
        %select_n3A_2231 = arith.select %lt3A_2228, %broadcast_in_dim3A_2230, %select_n3A_2214 : vector<16xi1>, vector<16xi32>
        %swap3A_2232 = arith.index_cast %mul3A_2145 : i32 to index
        %swap3A_2233 = tpu.vector_load %arg26[%swap3A_2232] {strides = array<i32>} : memref<4096xf32, #tpu.memory_space<vmem>>, vector<16xf32>,
        %swap3A_2234 = vector.shape_cast %swap3A_2233 : vector<16xf32> to vector<16xf32>
        %swap3A_2235 = vector.shape_cast %select_n3A_2229 : vector<16xf32> to vector<16xf32>
        tpu.vector_store %arg26[%swap3A_2232], %swap3A_2235 {strides = array<i32>} : memref<4096xf32, #tpu.memory_space<vmem>>, vector<16xf32>,
        %swap3A_2236 = arith.index_cast %mul3A_2145 : i32 to index
        %swap3A_2237 = tpu.vector_load %arg27[%swap3A_2236] {strides = array<i32>} : memref<4096xi32, #tpu.memory_space<vmem>>, vector<16xi32>,
        %swap3A_2238 = vector.shape_cast %swap3A_2237 : vector<16xi32> to vector<16xi32>
        %swap3A_2239 = vector.shape_cast %select_n3A_2231 : vector<16xi32> to vector<16xi32>
        tpu.vector_store %arg27[%swap3A_2236], %swap3A_2239 {strides = array<i32>} : memref<4096xi32, #tpu.memory_space<vmem>>, vector<16xi32>,
        scf.yield %select_n3A_2175, %select_n3A_2192, %select_n3A_2209, %select_n3A_2226, %select_n3A_2176, %select_n3A_2193, %select_n3A_2210, %select_n3A_2227 : vector<16xf32>, vector<16xf32>, vector<16xf32>, vector<16xf32>, vector<16xi32>, vector<16xi32>, vector<16xi32>, vector<16xi32>
      }
      %scan3A_1333 = arith.constant 256 : i32
      %iota3A_1334 = tpu.iota {dimensions = array<i32: 0>} : vector<16xi32>
      %xor3A_1335 = arith.constant 8 : i32
      %xor3A_1336 = vector.broadcast %xor3A_1335 : i32 to vector<16xi32>
      %xor3A_1337 = arith.xori %iota3A_1334, %xor3A_1336 : vector<16xi32>
      %reshape3A_1338 = vector.shape_cast %xor3A_1337 : vector<16xi32> to vector<16x1xi32>
      %gather3A_1339 = vector.shape_cast %reshape3A_1338 : vector<16x1xi32> to vector<16xi32>
      %gather3A_1340 = tpu.dynamic_gather %scan3A_1332#0[%gather3A_1339] in [0] : vector<16xf32>, vector<16xi32> -> vector<16xf32>
      %min3A_1341 = arith.minimumf %scan3A_1332#0, %gather3A_1340 : vector<16xf32>
      %xor3A_1342 = arith.constant 4 : i32
      %xor3A_1343 = vector.broadcast %xor3A_1342 : i32 to vector<16xi32>
      %xor3A_1344 = arith.xori %iota3A_1334, %xor3A_1343 : vector<16xi32>
      %reshape3A_1345 = vector.shape_cast %xor3A_1344 : vector<16xi32> to vector<16x1xi32>
      %gather3A_1346 = vector.shape_cast %reshape3A_1345 : vector<16x1xi32> to vector<16xi32>
      %gather3A_1347 = tpu.dynamic_gather %min3A_1341[%gather3A_1346] in [0] : vector<16xf32>, vector<16xi32> -> vector<16xf32>
      %min3A_1348 = arith.minimumf %min3A_1341, %gather3A_1347 : vector<16xf32>
      %xor3A_1349 = arith.constant 2 : i32
      %xor3A_1350 = vector.broadcast %xor3A_1349 : i32 to vector<16xi32>
      %xor3A_1351 = arith.xori %iota3A_1334, %xor3A_1350 : vector<16xi32>
      %reshape3A_1352 = vector.shape_cast %xor3A_1351 : vector<16xi32> to vector<16x1xi32>
      %gather3A_1353 = vector.shape_cast %reshape3A_1352 : vector<16x1xi32> to vector<16xi32>
      %gather3A_1354 = tpu.dynamic_gather %min3A_1348[%gather3A_1353] in [0] : vector<16xf32>, vector<16xi32> -> vector<16xf32>
      %min3A_1355 = arith.minimumf %min3A_1348, %gather3A_1354 : vector<16xf32>
      %xor3A_1356 = arith.constant 1 : i32
      %xor3A_1357 = vector.broadcast %xor3A_1356 : i32 to vector<16xi32>
      %xor3A_1358 = arith.xori %iota3A_1334, %xor3A_1357 : vector<16xi32>
      %reshape3A_1359 = vector.shape_cast %xor3A_1358 : vector<16xi32> to vector<16x1xi32>
      %gather3A_1360 = vector.shape_cast %reshape3A_1359 : vector<16x1xi32> to vector<16xi32>
      %gather3A_1361 = tpu.dynamic_gather %min3A_1355[%gather3A_1360] in [0] : vector<16xf32>, vector<16xi32> -> vector<16xf32>
      %min3A_1362 = arith.minimumf %min3A_1355, %gather3A_1361 : vector<16xf32>
      %mul3A_1363 = arith.constant 16 : i32
      %mul3A_1364 = vector.broadcast %mul3A_1363 : i32 to vector<16xi32>
      %mul3A_1365 = arith.muli %scan3A_1332#4, %mul3A_1364 : vector<16xi32>
      %add3A_1366 = arith.addi %mul3A_1365, %iota3A : vector<16xi32>
      %eq3A_1367 = arith.cmpf oeq, %scan3A_1332#0, %min3A_1362 : vector<16xf32>
      %broadcast_in_dim3A_1368 = arith.constant 1073741824 : i32
      %broadcast_in_dim3A_1369 = vector.broadcast %broadcast_in_dim3A_1368 : i32 to vector<16xi32>
      %select_n3A_1370 = arith.select %eq3A_1367, %add3A_1366, %broadcast_in_dim3A_1369 : vector<16xi1>, vector<16xi32>
      %iota3A_1371 = tpu.iota {dimensions = array<i32: 0>} : vector<16xi32>
      %xor3A_1372 = arith.constant 8 : i32
      %xor3A_1373 = vector.broadcast %xor3A_1372 : i32 to vector<16xi32>
      %xor3A_1374 = arith.xori %iota3A_1371, %xor3A_1373 : vector<16xi32>
      %reshape3A_1375 = vector.shape_cast %xor3A_1374 : vector<16xi32> to vector<16x1xi32>
      %gather3A_1376 = vector.shape_cast %reshape3A_1375 : vector<16x1xi32> to vector<16xi32>
      %gather3A_1377 = tpu.dynamic_gather %select_n3A_1370[%gather3A_1376] in [0] : vector<16xi32>, vector<16xi32> -> vector<16xi32>
      %min3A_1378 = arith.minsi %select_n3A_1370, %gather3A_1377 : vector<16xi32>
      %xor3A_1379 = arith.constant 4 : i32
      %xor3A_1380 = vector.broadcast %xor3A_1379 : i32 to vector<16xi32>
      %xor3A_1381 = arith.xori %iota3A_1371, %xor3A_1380 : vector<16xi32>
      %reshape3A_1382 = vector.shape_cast %xor3A_1381 : vector<16xi32> to vector<16x1xi32>
      %gather3A_1383 = vector.shape_cast %reshape3A_1382 : vector<16x1xi32> to vector<16xi32>
      %gather3A_1384 = tpu.dynamic_gather %min3A_1378[%gather3A_1383] in [0] : vector<16xi32>, vector<16xi32> -> vector<16xi32>
      %min3A_1385 = arith.minsi %min3A_1378, %gather3A_1384 : vector<16xi32>
      %xor3A_1386 = arith.constant 2 : i32
      %xor3A_1387 = vector.broadcast %xor3A_1386 : i32 to vector<16xi32>
      %xor3A_1388 = arith.xori %iota3A_1371, %xor3A_1387 : vector<16xi32>
      %reshape3A_1389 = vector.shape_cast %xor3A_1388 : vector<16xi32> to vector<16x1xi32>
      %gather3A_1390 = vector.shape_cast %reshape3A_1389 : vector<16x1xi32> to vector<16xi32>
      %gather3A_1391 = tpu.dynamic_gather %min3A_1385[%gather3A_1390] in [0] : vector<16xi32>, vector<16xi32> -> vector<16xi32>
      %min3A_1392 = arith.minsi %min3A_1385, %gather3A_1391 : vector<16xi32>
      %xor3A_1393 = arith.constant 1 : i32
      %xor3A_1394 = vector.broadcast %xor3A_1393 : i32 to vector<16xi32>
      %xor3A_1395 = arith.xori %iota3A_1371, %xor3A_1394 : vector<16xi32>
      %reshape3A_1396 = vector.shape_cast %xor3A_1395 : vector<16xi32> to vector<16x1xi32>
      %gather3A_1397 = vector.shape_cast %reshape3A_1396 : vector<16x1xi32> to vector<16xi32>
      %gather3A_1398 = tpu.dynamic_gather %min3A_1392[%gather3A_1397] in [0] : vector<16xi32>, vector<16xi32> -> vector<16xi32>
      %min3A_1399 = arith.minsi %min3A_1392, %gather3A_1398 : vector<16xi32>
      %eq3A_1400 = arith.constant 8 : i32
      %eq3A_1401 = vector.broadcast %eq3A_1400 : i32 to vector<16xi32>
      %eq3A_1402 = arith.cmpi eq, %iota3A, %eq3A_1401 : vector<16xi32>
      %select_n3A_1403 = arith.select %eq3A_1402, %min3A_1362, %select_n3A_1110 : vector<16xi1>, vector<16xf32>
      %select_n3A_1404 = arith.select %eq3A_1402, %min3A_1399, %select_n3A_1111 : vector<16xi1>, vector<16xi32>
      %iota3A_1405 = tpu.iota {dimensions = array<i32: 0>} : vector<16xi32>
      %xor3A_1406 = arith.constant 8 : i32
      %xor3A_1407 = vector.broadcast %xor3A_1406 : i32 to vector<16xi32>
      %xor3A_1408 = arith.xori %iota3A_1405, %xor3A_1407 : vector<16xi32>
      %reshape3A_1409 = vector.shape_cast %xor3A_1408 : vector<16xi32> to vector<16x1xi32>
      %gather3A_1410 = vector.shape_cast %reshape3A_1409 : vector<16x1xi32> to vector<16xi32>
      %gather3A_1411 = tpu.dynamic_gather %scan3A_1332#1[%gather3A_1410] in [0] : vector<16xf32>, vector<16xi32> -> vector<16xf32>
      %min3A_1412 = arith.minimumf %scan3A_1332#1, %gather3A_1411 : vector<16xf32>
      %xor3A_1413 = arith.constant 4 : i32
      %xor3A_1414 = vector.broadcast %xor3A_1413 : i32 to vector<16xi32>
      %xor3A_1415 = arith.xori %iota3A_1405, %xor3A_1414 : vector<16xi32>
      %reshape3A_1416 = vector.shape_cast %xor3A_1415 : vector<16xi32> to vector<16x1xi32>
      %gather3A_1417 = vector.shape_cast %reshape3A_1416 : vector<16x1xi32> to vector<16xi32>
      %gather3A_1418 = tpu.dynamic_gather %min3A_1412[%gather3A_1417] in [0] : vector<16xf32>, vector<16xi32> -> vector<16xf32>
      %min3A_1419 = arith.minimumf %min3A_1412, %gather3A_1418 : vector<16xf32>
      %xor3A_1420 = arith.constant 2 : i32
      %xor3A_1421 = vector.broadcast %xor3A_1420 : i32 to vector<16xi32>
      %xor3A_1422 = arith.xori %iota3A_1405, %xor3A_1421 : vector<16xi32>
      %reshape3A_1423 = vector.shape_cast %xor3A_1422 : vector<16xi32> to vector<16x1xi32>
      %gather3A_1424 = vector.shape_cast %reshape3A_1423 : vector<16x1xi32> to vector<16xi32>
      %gather3A_1425 = tpu.dynamic_gather %min3A_1419[%gather3A_1424] in [0] : vector<16xf32>, vector<16xi32> -> vector<16xf32>
      %min3A_1426 = arith.minimumf %min3A_1419, %gather3A_1425 : vector<16xf32>
      %xor3A_1427 = arith.constant 1 : i32
      %xor3A_1428 = vector.broadcast %xor3A_1427 : i32 to vector<16xi32>
      %xor3A_1429 = arith.xori %iota3A_1405, %xor3A_1428 : vector<16xi32>
      %reshape3A_1430 = vector.shape_cast %xor3A_1429 : vector<16xi32> to vector<16x1xi32>
      %gather3A_1431 = vector.shape_cast %reshape3A_1430 : vector<16x1xi32> to vector<16xi32>
      %gather3A_1432 = tpu.dynamic_gather %min3A_1426[%gather3A_1431] in [0] : vector<16xf32>, vector<16xi32> -> vector<16xf32>
      %min3A_1433 = arith.minimumf %min3A_1426, %gather3A_1432 : vector<16xf32>
      %mul3A_1434 = arith.constant 16 : i32
      %mul3A_1435 = vector.broadcast %mul3A_1434 : i32 to vector<16xi32>
      %mul3A_1436 = arith.muli %scan3A_1332#5, %mul3A_1435 : vector<16xi32>
      %add3A_1437 = arith.addi %mul3A_1436, %iota3A : vector<16xi32>
      %eq3A_1438 = arith.cmpf oeq, %scan3A_1332#1, %min3A_1433 : vector<16xf32>
      %broadcast_in_dim3A_1439 = arith.constant 1073741824 : i32
      %broadcast_in_dim3A_1440 = vector.broadcast %broadcast_in_dim3A_1439 : i32 to vector<16xi32>
      %select_n3A_1441 = arith.select %eq3A_1438, %add3A_1437, %broadcast_in_dim3A_1440 : vector<16xi1>, vector<16xi32>
      %iota3A_1442 = tpu.iota {dimensions = array<i32: 0>} : vector<16xi32>
      %xor3A_1443 = arith.constant 8 : i32
      %xor3A_1444 = vector.broadcast %xor3A_1443 : i32 to vector<16xi32>
      %xor3A_1445 = arith.xori %iota3A_1442, %xor3A_1444 : vector<16xi32>
      %reshape3A_1446 = vector.shape_cast %xor3A_1445 : vector<16xi32> to vector<16x1xi32>
      %gather3A_1447 = vector.shape_cast %reshape3A_1446 : vector<16x1xi32> to vector<16xi32>
      %gather3A_1448 = tpu.dynamic_gather %select_n3A_1441[%gather3A_1447] in [0] : vector<16xi32>, vector<16xi32> -> vector<16xi32>
      %min3A_1449 = arith.minsi %select_n3A_1441, %gather3A_1448 : vector<16xi32>
      %xor3A_1450 = arith.constant 4 : i32
      %xor3A_1451 = vector.broadcast %xor3A_1450 : i32 to vector<16xi32>
      %xor3A_1452 = arith.xori %iota3A_1442, %xor3A_1451 : vector<16xi32>
      %reshape3A_1453 = vector.shape_cast %xor3A_1452 : vector<16xi32> to vector<16x1xi32>
      %gather3A_1454 = vector.shape_cast %reshape3A_1453 : vector<16x1xi32> to vector<16xi32>
      %gather3A_1455 = tpu.dynamic_gather %min3A_1449[%gather3A_1454] in [0] : vector<16xi32>, vector<16xi32> -> vector<16xi32>
      %min3A_1456 = arith.minsi %min3A_1449, %gather3A_1455 : vector<16xi32>
      %xor3A_1457 = arith.constant 2 : i32
      %xor3A_1458 = vector.broadcast %xor3A_1457 : i32 to vector<16xi32>
      %xor3A_1459 = arith.xori %iota3A_1442, %xor3A_1458 : vector<16xi32>
      %reshape3A_1460 = vector.shape_cast %xor3A_1459 : vector<16xi32> to vector<16x1xi32>
      %gather3A_1461 = vector.shape_cast %reshape3A_1460 : vector<16x1xi32> to vector<16xi32>
      %gather3A_1462 = tpu.dynamic_gather %min3A_1456[%gather3A_1461] in [0] : vector<16xi32>, vector<16xi32> -> vector<16xi32>
      %min3A_1463 = arith.minsi %min3A_1456, %gather3A_1462 : vector<16xi32>
      %xor3A_1464 = arith.constant 1 : i32
      %xor3A_1465 = vector.broadcast %xor3A_1464 : i32 to vector<16xi32>
      %xor3A_1466 = arith.xori %iota3A_1442, %xor3A_1465 : vector<16xi32>
      %reshape3A_1467 = vector.shape_cast %xor3A_1466 : vector<16xi32> to vector<16x1xi32>
      %gather3A_1468 = vector.shape_cast %reshape3A_1467 : vector<16x1xi32> to vector<16xi32>
      %gather3A_1469 = tpu.dynamic_gather %min3A_1463[%gather3A_1468] in [0] : vector<16xi32>, vector<16xi32> -> vector<16xi32>
      %min3A_1470 = arith.minsi %min3A_1463, %gather3A_1469 : vector<16xi32>
      %eq3A_1471 = arith.constant 9 : i32
      %eq3A_1472 = vector.broadcast %eq3A_1471 : i32 to vector<16xi32>
      %eq3A_1473 = arith.cmpi eq, %iota3A, %eq3A_1472 : vector<16xi32>
      %select_n3A_1474 = arith.select %eq3A_1473, %min3A_1433, %select_n3A_1403 : vector<16xi1>, vector<16xf32>
      %select_n3A_1475 = arith.select %eq3A_1473, %min3A_1470, %select_n3A_1404 : vector<16xi1>, vector<16xi32>
      %iota3A_1476 = tpu.iota {dimensions = array<i32: 0>} : vector<16xi32>
      %xor3A_1477 = arith.constant 8 : i32
      %xor3A_1478 = vector.broadcast %xor3A_1477 : i32 to vector<16xi32>
      %xor3A_1479 = arith.xori %iota3A_1476, %xor3A_1478 : vector<16xi32>
      %reshape3A_1480 = vector.shape_cast %xor3A_1479 : vector<16xi32> to vector<16x1xi32>
      %gather3A_1481 = vector.shape_cast %reshape3A_1480 : vector<16x1xi32> to vector<16xi32>
      %gather3A_1482 = tpu.dynamic_gather %scan3A_1332#2[%gather3A_1481] in [0] : vector<16xf32>, vector<16xi32> -> vector<16xf32>
      %min3A_1483 = arith.minimumf %scan3A_1332#2, %gather3A_1482 : vector<16xf32>
      %xor3A_1484 = arith.constant 4 : i32
      %xor3A_1485 = vector.broadcast %xor3A_1484 : i32 to vector<16xi32>
      %xor3A_1486 = arith.xori %iota3A_1476, %xor3A_1485 : vector<16xi32>
      %reshape3A_1487 = vector.shape_cast %xor3A_1486 : vector<16xi32> to vector<16x1xi32>
      %gather3A_1488 = vector.shape_cast %reshape3A_1487 : vector<16x1xi32> to vector<16xi32>
      %gather3A_1489 = tpu.dynamic_gather %min3A_1483[%gather3A_1488] in [0] : vector<16xf32>, vector<16xi32> -> vector<16xf32>
      %min3A_1490 = arith.minimumf %min3A_1483, %gather3A_1489 : vector<16xf32>
      %xor3A_1491 = arith.constant 2 : i32
      %xor3A_1492 = vector.broadcast %xor3A_1491 : i32 to vector<16xi32>
      %xor3A_1493 = arith.xori %iota3A_1476, %xor3A_1492 : vector<16xi32>
      %reshape3A_1494 = vector.shape_cast %xor3A_1493 : vector<16xi32> to vector<16x1xi32>
      %gather3A_1495 = vector.shape_cast %reshape3A_1494 : vector<16x1xi32> to vector<16xi32>
      %gather3A_1496 = tpu.dynamic_gather %min3A_1490[%gather3A_1495] in [0] : vector<16xf32>, vector<16xi32> -> vector<16xf32>
      %min3A_1497 = arith.minimumf %min3A_1490, %gather3A_1496 : vector<16xf32>
      %xor3A_1498 = arith.constant 1 : i32
      %xor3A_1499 = vector.broadcast %xor3A_1498 : i32 to vector<16xi32>
      %xor3A_1500 = arith.xori %iota3A_1476, %xor3A_1499 : vector<16xi32>
      %reshape3A_1501 = vector.shape_cast %xor3A_1500 : vector<16xi32> to vector<16x1xi32>
      %gather3A_1502 = vector.shape_cast %reshape3A_1501 : vector<16x1xi32> to vector<16xi32>
      %gather3A_1503 = tpu.dynamic_gather %min3A_1497[%gather3A_1502] in [0] : vector<16xf32>, vector<16xi32> -> vector<16xf32>
      %min3A_1504 = arith.minimumf %min3A_1497, %gather3A_1503 : vector<16xf32>
      %mul3A_1505 = arith.constant 16 : i32
      %mul3A_1506 = vector.broadcast %mul3A_1505 : i32 to vector<16xi32>
      %mul3A_1507 = arith.muli %scan3A_1332#6, %mul3A_1506 : vector<16xi32>
      %add3A_1508 = arith.addi %mul3A_1507, %iota3A : vector<16xi32>
      %eq3A_1509 = arith.cmpf oeq, %scan3A_1332#2, %min3A_1504 : vector<16xf32>
      %broadcast_in_dim3A_1510 = arith.constant 1073741824 : i32
      %broadcast_in_dim3A_1511 = vector.broadcast %broadcast_in_dim3A_1510 : i32 to vector<16xi32>
      %select_n3A_1512 = arith.select %eq3A_1509, %add3A_1508, %broadcast_in_dim3A_1511 : vector<16xi1>, vector<16xi32>
      %iota3A_1513 = tpu.iota {dimensions = array<i32: 0>} : vector<16xi32>
      %xor3A_1514 = arith.constant 8 : i32
      %xor3A_1515 = vector.broadcast %xor3A_1514 : i32 to vector<16xi32>
      %xor3A_1516 = arith.xori %iota3A_1513, %xor3A_1515 : vector<16xi32>
      %reshape3A_1517 = vector.shape_cast %xor3A_1516 : vector<16xi32> to vector<16x1xi32>
      %gather3A_1518 = vector.shape_cast %reshape3A_1517 : vector<16x1xi32> to vector<16xi32>
      %gather3A_1519 = tpu.dynamic_gather %select_n3A_1512[%gather3A_1518] in [0] : vector<16xi32>, vector<16xi32> -> vector<16xi32>
      %min3A_1520 = arith.minsi %select_n3A_1512, %gather3A_1519 : vector<16xi32>
      %xor3A_1521 = arith.constant 4 : i32
      %xor3A_1522 = vector.broadcast %xor3A_1521 : i32 to vector<16xi32>
      %xor3A_1523 = arith.xori %iota3A_1513, %xor3A_1522 : vector<16xi32>
      %reshape3A_1524 = vector.shape_cast %xor3A_1523 : vector<16xi32> to vector<16x1xi32>
      %gather3A_1525 = vector.shape_cast %reshape3A_1524 : vector<16x1xi32> to vector<16xi32>
      %gather3A_1526 = tpu.dynamic_gather %min3A_1520[%gather3A_1525] in [0] : vector<16xi32>, vector<16xi32> -> vector<16xi32>
      %min3A_1527 = arith.minsi %min3A_1520, %gather3A_1526 : vector<16xi32>
      %xor3A_1528 = arith.constant 2 : i32
      %xor3A_1529 = vector.broadcast %xor3A_1528 : i32 to vector<16xi32>
      %xor3A_1530 = arith.xori %iota3A_1513, %xor3A_1529 : vector<16xi32>
      %reshape3A_1531 = vector.shape_cast %xor3A_1530 : vector<16xi32> to vector<16x1xi32>
      %gather3A_1532 = vector.shape_cast %reshape3A_1531 : vector<16x1xi32> to vector<16xi32>
      %gather3A_1533 = tpu.dynamic_gather %min3A_1527[%gather3A_1532] in [0] : vector<16xi32>, vector<16xi32> -> vector<16xi32>
      %min3A_1534 = arith.minsi %min3A_1527, %gather3A_1533 : vector<16xi32>
      %xor3A_1535 = arith.constant 1 : i32
      %xor3A_1536 = vector.broadcast %xor3A_1535 : i32 to vector<16xi32>
      %xor3A_1537 = arith.xori %iota3A_1513, %xor3A_1536 : vector<16xi32>
      %reshape3A_1538 = vector.shape_cast %xor3A_1537 : vector<16xi32> to vector<16x1xi32>
      %gather3A_1539 = vector.shape_cast %reshape3A_1538 : vector<16x1xi32> to vector<16xi32>
      %gather3A_1540 = tpu.dynamic_gather %min3A_1534[%gather3A_1539] in [0] : vector<16xi32>, vector<16xi32> -> vector<16xi32>
      %min3A_1541 = arith.minsi %min3A_1534, %gather3A_1540 : vector<16xi32>
      %eq3A_1542 = arith.constant 10 : i32
      %eq3A_1543 = vector.broadcast %eq3A_1542 : i32 to vector<16xi32>
      %eq3A_1544 = arith.cmpi eq, %iota3A, %eq3A_1543 : vector<16xi32>
      %select_n3A_1545 = arith.select %eq3A_1544, %min3A_1504, %select_n3A_1474 : vector<16xi1>, vector<16xf32>
      %select_n3A_1546 = arith.select %eq3A_1544, %min3A_1541, %select_n3A_1475 : vector<16xi1>, vector<16xi32>
      %iota3A_1547 = tpu.iota {dimensions = array<i32: 0>} : vector<16xi32>
      %xor3A_1548 = arith.constant 8 : i32
      %xor3A_1549 = vector.broadcast %xor3A_1548 : i32 to vector<16xi32>
      %xor3A_1550 = arith.xori %iota3A_1547, %xor3A_1549 : vector<16xi32>
      %reshape3A_1551 = vector.shape_cast %xor3A_1550 : vector<16xi32> to vector<16x1xi32>
      %gather3A_1552 = vector.shape_cast %reshape3A_1551 : vector<16x1xi32> to vector<16xi32>
      %gather3A_1553 = tpu.dynamic_gather %scan3A_1332#3[%gather3A_1552] in [0] : vector<16xf32>, vector<16xi32> -> vector<16xf32>
      %min3A_1554 = arith.minimumf %scan3A_1332#3, %gather3A_1553 : vector<16xf32>
      %xor3A_1555 = arith.constant 4 : i32
      %xor3A_1556 = vector.broadcast %xor3A_1555 : i32 to vector<16xi32>
      %xor3A_1557 = arith.xori %iota3A_1547, %xor3A_1556 : vector<16xi32>
      %reshape3A_1558 = vector.shape_cast %xor3A_1557 : vector<16xi32> to vector<16x1xi32>
      %gather3A_1559 = vector.shape_cast %reshape3A_1558 : vector<16x1xi32> to vector<16xi32>
      %gather3A_1560 = tpu.dynamic_gather %min3A_1554[%gather3A_1559] in [0] : vector<16xf32>, vector<16xi32> -> vector<16xf32>
      %min3A_1561 = arith.minimumf %min3A_1554, %gather3A_1560 : vector<16xf32>
      %xor3A_1562 = arith.constant 2 : i32
      %xor3A_1563 = vector.broadcast %xor3A_1562 : i32 to vector<16xi32>
      %xor3A_1564 = arith.xori %iota3A_1547, %xor3A_1563 : vector<16xi32>
      %reshape3A_1565 = vector.shape_cast %xor3A_1564 : vector<16xi32> to vector<16x1xi32>
      %gather3A_1566 = vector.shape_cast %reshape3A_1565 : vector<16x1xi32> to vector<16xi32>
      %gather3A_1567 = tpu.dynamic_gather %min3A_1561[%gather3A_1566] in [0] : vector<16xf32>, vector<16xi32> -> vector<16xf32>
      %min3A_1568 = arith.minimumf %min3A_1561, %gather3A_1567 : vector<16xf32>
      %xor3A_1569 = arith.constant 1 : i32
      %xor3A_1570 = vector.broadcast %xor3A_1569 : i32 to vector<16xi32>
      %xor3A_1571 = arith.xori %iota3A_1547, %xor3A_1570 : vector<16xi32>
      %reshape3A_1572 = vector.shape_cast %xor3A_1571 : vector<16xi32> to vector<16x1xi32>
      %gather3A_1573 = vector.shape_cast %reshape3A_1572 : vector<16x1xi32> to vector<16xi32>
      %gather3A_1574 = tpu.dynamic_gather %min3A_1568[%gather3A_1573] in [0] : vector<16xf32>, vector<16xi32> -> vector<16xf32>
      %min3A_1575 = arith.minimumf %min3A_1568, %gather3A_1574 : vector<16xf32>
      %mul3A_1576 = arith.constant 16 : i32
      %mul3A_1577 = vector.broadcast %mul3A_1576 : i32 to vector<16xi32>
      %mul3A_1578 = arith.muli %scan3A_1332#7, %mul3A_1577 : vector<16xi32>
      %add3A_1579 = arith.addi %mul3A_1578, %iota3A : vector<16xi32>
      %eq3A_1580 = arith.cmpf oeq, %scan3A_1332#3, %min3A_1575 : vector<16xf32>
      %broadcast_in_dim3A_1581 = arith.constant 1073741824 : i32
      %broadcast_in_dim3A_1582 = vector.broadcast %broadcast_in_dim3A_1581 : i32 to vector<16xi32>
      %select_n3A_1583 = arith.select %eq3A_1580, %add3A_1579, %broadcast_in_dim3A_1582 : vector<16xi1>, vector<16xi32>
      %iota3A_1584 = tpu.iota {dimensions = array<i32: 0>} : vector<16xi32>
      %xor3A_1585 = arith.constant 8 : i32
      %xor3A_1586 = vector.broadcast %xor3A_1585 : i32 to vector<16xi32>
      %xor3A_1587 = arith.xori %iota3A_1584, %xor3A_1586 : vector<16xi32>
      %reshape3A_1588 = vector.shape_cast %xor3A_1587 : vector<16xi32> to vector<16x1xi32>
      %gather3A_1589 = vector.shape_cast %reshape3A_1588 : vector<16x1xi32> to vector<16xi32>
      %gather3A_1590 = tpu.dynamic_gather %select_n3A_1583[%gather3A_1589] in [0] : vector<16xi32>, vector<16xi32> -> vector<16xi32>
      %min3A_1591 = arith.minsi %select_n3A_1583, %gather3A_1590 : vector<16xi32>
      %xor3A_1592 = arith.constant 4 : i32
      %xor3A_1593 = vector.broadcast %xor3A_1592 : i32 to vector<16xi32>
      %xor3A_1594 = arith.xori %iota3A_1584, %xor3A_1593 : vector<16xi32>
      %reshape3A_1595 = vector.shape_cast %xor3A_1594 : vector<16xi32> to vector<16x1xi32>
      %gather3A_1596 = vector.shape_cast %reshape3A_1595 : vector<16x1xi32> to vector<16xi32>
      %gather3A_1597 = tpu.dynamic_gather %min3A_1591[%gather3A_1596] in [0] : vector<16xi32>, vector<16xi32> -> vector<16xi32>
      %min3A_1598 = arith.minsi %min3A_1591, %gather3A_1597 : vector<16xi32>
      %xor3A_1599 = arith.constant 2 : i32
      %xor3A_1600 = vector.broadcast %xor3A_1599 : i32 to vector<16xi32>
      %xor3A_1601 = arith.xori %iota3A_1584, %xor3A_1600 : vector<16xi32>
      %reshape3A_1602 = vector.shape_cast %xor3A_1601 : vector<16xi32> to vector<16x1xi32>
      %gather3A_1603 = vector.shape_cast %reshape3A_1602 : vector<16x1xi32> to vector<16xi32>
      %gather3A_1604 = tpu.dynamic_gather %min3A_1598[%gather3A_1603] in [0] : vector<16xi32>, vector<16xi32> -> vector<16xi32>
      %min3A_1605 = arith.minsi %min3A_1598, %gather3A_1604 : vector<16xi32>
      %xor3A_1606 = arith.constant 1 : i32
      %xor3A_1607 = vector.broadcast %xor3A_1606 : i32 to vector<16xi32>
      %xor3A_1608 = arith.xori %iota3A_1584, %xor3A_1607 : vector<16xi32>
      %reshape3A_1609 = vector.shape_cast %xor3A_1608 : vector<16xi32> to vector<16x1xi32>
      %gather3A_1610 = vector.shape_cast %reshape3A_1609 : vector<16x1xi32> to vector<16xi32>
      %gather3A_1611 = tpu.dynamic_gather %min3A_1605[%gather3A_1610] in [0] : vector<16xi32>, vector<16xi32> -> vector<16xi32>
      %min3A_1612 = arith.minsi %min3A_1605, %gather3A_1611 : vector<16xi32>
      %eq3A_1613 = arith.constant 11 : i32
      %eq3A_1614 = vector.broadcast %eq3A_1613 : i32 to vector<16xi32>
      %eq3A_1615 = arith.cmpi eq, %iota3A, %eq3A_1614 : vector<16xi32>
      %select_n3A_1616 = arith.select %eq3A_1615, %min3A_1575, %select_n3A_1545 : vector<16xi1>, vector<16xf32>
      %select_n3A_1617 = arith.select %eq3A_1615, %min3A_1612, %select_n3A_1546 : vector<16xi1>, vector<16xi32>
      %iota3A_1618 = tpu.iota {dimensions = array<i32: 0>} : vector<16xi32>
      %mul3A_1619 = arith.constant 0 : i32
      %mul3A_1620 = vector.broadcast %mul3A_1619 : i32 to vector<16xi32>
      %mul3A_1621 = arith.muli %iota3A_1618, %mul3A_1620 : vector<16xi32>
      %add3A_1622 = arith.constant 12 : i32
      %add3A_1623 = vector.broadcast %add3A_1622 : i32 to vector<16xi32>
      %add3A_1624 = arith.addi %mul3A_1621, %add3A_1623 : vector<16xi32>
      %reshape3A_1625 = vector.shape_cast %add3A_1624 : vector<16xi32> to vector<16x1xi32>
      %gather3A_1626 = vector.shape_cast %reshape3A_1625 : vector<16x1xi32> to vector<16xi32>
      %gather3A_1627 = tpu.dynamic_gather %get3A_95[%gather3A_1626] in [0] : vector<16xf32>, vector<16xi32> -> vector<16xf32>
      %mul3A_1628 = arith.constant 2.000000e+00 : f32
      %mul3A_1629 = vector.broadcast %mul3A_1628 : f32 to vector<16xf32>
      %mul3A_1630 = arith.mulf %mul3A_1629, %gather3A_1627 : vector<16xf32>
      %iota3A_1631 = tpu.iota {dimensions = array<i32: 0>} : vector<16xi32>
      %mul3A_1632 = arith.constant 0 : i32
      %mul3A_1633 = vector.broadcast %mul3A_1632 : i32 to vector<16xi32>
      %mul3A_1634 = arith.muli %iota3A_1631, %mul3A_1633 : vector<16xi32>
      %add3A_1635 = arith.constant 13 : i32
      %add3A_1636 = vector.broadcast %add3A_1635 : i32 to vector<16xi32>
      %add3A_1637 = arith.addi %mul3A_1634, %add3A_1636 : vector<16xi32>
      %reshape3A_1638 = vector.shape_cast %add3A_1637 : vector<16xi32> to vector<16x1xi32>
      %gather3A_1639 = vector.shape_cast %reshape3A_1638 : vector<16x1xi32> to vector<16xi32>
      %gather3A_1640 = tpu.dynamic_gather %get3A_95[%gather3A_1639] in [0] : vector<16xf32>, vector<16xi32> -> vector<16xf32>
      %mul3A_1641 = arith.constant 2.000000e+00 : f32
      %mul3A_1642 = vector.broadcast %mul3A_1641 : f32 to vector<16xf32>
      %mul3A_1643 = arith.mulf %mul3A_1642, %gather3A_1640 : vector<16xf32>
      %iota3A_1644 = tpu.iota {dimensions = array<i32: 0>} : vector<16xi32>
      %mul3A_1645 = arith.constant 0 : i32
      %mul3A_1646 = vector.broadcast %mul3A_1645 : i32 to vector<16xi32>
      %mul3A_1647 = arith.muli %iota3A_1644, %mul3A_1646 : vector<16xi32>
      %add3A_1648 = arith.constant 14 : i32
      %add3A_1649 = vector.broadcast %add3A_1648 : i32 to vector<16xi32>
      %add3A_1650 = arith.addi %mul3A_1647, %add3A_1649 : vector<16xi32>
      %reshape3A_1651 = vector.shape_cast %add3A_1650 : vector<16xi32> to vector<16x1xi32>
      %gather3A_1652 = vector.shape_cast %reshape3A_1651 : vector<16x1xi32> to vector<16xi32>
      %gather3A_1653 = tpu.dynamic_gather %get3A_95[%gather3A_1652] in [0] : vector<16xf32>, vector<16xi32> -> vector<16xf32>
      %mul3A_1654 = arith.constant 2.000000e+00 : f32
      %mul3A_1655 = vector.broadcast %mul3A_1654 : f32 to vector<16xf32>
      %mul3A_1656 = arith.mulf %mul3A_1655, %gather3A_1653 : vector<16xf32>
      %iota3A_1657 = tpu.iota {dimensions = array<i32: 0>} : vector<16xi32>
      %mul3A_1658 = arith.constant 0 : i32
      %mul3A_1659 = vector.broadcast %mul3A_1658 : i32 to vector<16xi32>
      %mul3A_1660 = arith.muli %iota3A_1657, %mul3A_1659 : vector<16xi32>
      %add3A_1661 = arith.constant 15 : i32
      %add3A_1662 = vector.broadcast %add3A_1661 : i32 to vector<16xi32>
      %add3A_1663 = arith.addi %mul3A_1660, %add3A_1662 : vector<16xi32>
      %reshape3A_1664 = vector.shape_cast %add3A_1663 : vector<16xi32> to vector<16x1xi32>
      %gather3A_1665 = vector.shape_cast %reshape3A_1664 : vector<16x1xi32> to vector<16xi32>
      %gather3A_1666 = tpu.dynamic_gather %get3A_95[%gather3A_1665] in [0] : vector<16xf32>, vector<16xi32> -> vector<16xf32>
      %mul3A_1667 = arith.constant 2.000000e+00 : f32
      %mul3A_1668 = vector.broadcast %mul3A_1667 : f32 to vector<16xf32>
      %mul3A_1669 = arith.mulf %mul3A_1668, %gather3A_1666 : vector<16xf32>
      %iota3A_1670 = tpu.iota {dimensions = array<i32: 0>} : vector<16xi32>
      %mul3A_1671 = arith.constant 0 : i32
      %mul3A_1672 = vector.broadcast %mul3A_1671 : i32 to vector<16xi32>
      %mul3A_1673 = arith.muli %iota3A_1670, %mul3A_1672 : vector<16xi32>
      %add3A_1674 = arith.constant 12 : i32
      %add3A_1675 = vector.broadcast %add3A_1674 : i32 to vector<16xi32>
      %add3A_1676 = arith.addi %mul3A_1673, %add3A_1675 : vector<16xi32>
      %reshape3A_1677 = vector.shape_cast %add3A_1676 : vector<16xi32> to vector<16x1xi32>
      %gather3A_1678 = vector.shape_cast %reshape3A_1677 : vector<16x1xi32> to vector<16xi32>
      %gather3A_1679 = tpu.dynamic_gather %get3A_98[%gather3A_1678] in [0] : vector<16xf32>, vector<16xi32> -> vector<16xf32>
      %mul3A_1680 = arith.constant 2.000000e+00 : f32
      %mul3A_1681 = vector.broadcast %mul3A_1680 : f32 to vector<16xf32>
      %mul3A_1682 = arith.mulf %mul3A_1681, %gather3A_1679 : vector<16xf32>
      %iota3A_1683 = tpu.iota {dimensions = array<i32: 0>} : vector<16xi32>
      %mul3A_1684 = arith.constant 0 : i32
      %mul3A_1685 = vector.broadcast %mul3A_1684 : i32 to vector<16xi32>
      %mul3A_1686 = arith.muli %iota3A_1683, %mul3A_1685 : vector<16xi32>
      %add3A_1687 = arith.constant 13 : i32
      %add3A_1688 = vector.broadcast %add3A_1687 : i32 to vector<16xi32>
      %add3A_1689 = arith.addi %mul3A_1686, %add3A_1688 : vector<16xi32>
      %reshape3A_1690 = vector.shape_cast %add3A_1689 : vector<16xi32> to vector<16x1xi32>
      %gather3A_1691 = vector.shape_cast %reshape3A_1690 : vector<16x1xi32> to vector<16xi32>
      %gather3A_1692 = tpu.dynamic_gather %get3A_98[%gather3A_1691] in [0] : vector<16xf32>, vector<16xi32> -> vector<16xf32>
      %mul3A_1693 = arith.constant 2.000000e+00 : f32
      %mul3A_1694 = vector.broadcast %mul3A_1693 : f32 to vector<16xf32>
      %mul3A_1695 = arith.mulf %mul3A_1694, %gather3A_1692 : vector<16xf32>
      %iota3A_1696 = tpu.iota {dimensions = array<i32: 0>} : vector<16xi32>
      %mul3A_1697 = arith.constant 0 : i32
      %mul3A_1698 = vector.broadcast %mul3A_1697 : i32 to vector<16xi32>
      %mul3A_1699 = arith.muli %iota3A_1696, %mul3A_1698 : vector<16xi32>
      %add3A_1700 = arith.constant 14 : i32
      %add3A_1701 = vector.broadcast %add3A_1700 : i32 to vector<16xi32>
      %add3A_1702 = arith.addi %mul3A_1699, %add3A_1701 : vector<16xi32>
      %reshape3A_1703 = vector.shape_cast %add3A_1702 : vector<16xi32> to vector<16x1xi32>
      %gather3A_1704 = vector.shape_cast %reshape3A_1703 : vector<16x1xi32> to vector<16xi32>
      %gather3A_1705 = tpu.dynamic_gather %get3A_98[%gather3A_1704] in [0] : vector<16xf32>, vector<16xi32> -> vector<16xf32>
      %mul3A_1706 = arith.constant 2.000000e+00 : f32
      %mul3A_1707 = vector.broadcast %mul3A_1706 : f32 to vector<16xf32>
      %mul3A_1708 = arith.mulf %mul3A_1707, %gather3A_1705 : vector<16xf32>
      %iota3A_1709 = tpu.iota {dimensions = array<i32: 0>} : vector<16xi32>
      %mul3A_1710 = arith.constant 0 : i32
      %mul3A_1711 = vector.broadcast %mul3A_1710 : i32 to vector<16xi32>
      %mul3A_1712 = arith.muli %iota3A_1709, %mul3A_1711 : vector<16xi32>
      %add3A_1713 = arith.constant 15 : i32
      %add3A_1714 = vector.broadcast %add3A_1713 : i32 to vector<16xi32>
      %add3A_1715 = arith.addi %mul3A_1712, %add3A_1714 : vector<16xi32>
      %reshape3A_1716 = vector.shape_cast %add3A_1715 : vector<16xi32> to vector<16x1xi32>
      %gather3A_1717 = vector.shape_cast %reshape3A_1716 : vector<16x1xi32> to vector<16xi32>
      %gather3A_1718 = tpu.dynamic_gather %get3A_98[%gather3A_1717] in [0] : vector<16xf32>, vector<16xi32> -> vector<16xf32>
      %mul3A_1719 = arith.constant 2.000000e+00 : f32
      %mul3A_1720 = vector.broadcast %mul3A_1719 : f32 to vector<16xf32>
      %mul3A_1721 = arith.mulf %mul3A_1720, %gather3A_1718 : vector<16xf32>
      %iota3A_1722 = tpu.iota {dimensions = array<i32: 0>} : vector<16xi32>
      %mul3A_1723 = arith.constant 0 : i32
      %mul3A_1724 = vector.broadcast %mul3A_1723 : i32 to vector<16xi32>
      %mul3A_1725 = arith.muli %iota3A_1722, %mul3A_1724 : vector<16xi32>
      %add3A_1726 = arith.constant 12 : i32
      %add3A_1727 = vector.broadcast %add3A_1726 : i32 to vector<16xi32>
      %add3A_1728 = arith.addi %mul3A_1725, %add3A_1727 : vector<16xi32>
      %reshape3A_1729 = vector.shape_cast %add3A_1728 : vector<16xi32> to vector<16x1xi32>
      %gather3A_1730 = vector.shape_cast %reshape3A_1729 : vector<16x1xi32> to vector<16xi32>
      %gather3A_1731 = tpu.dynamic_gather %get3A_101[%gather3A_1730] in [0] : vector<16xf32>, vector<16xi32> -> vector<16xf32>
      %mul3A_1732 = arith.constant 2.000000e+00 : f32
      %mul3A_1733 = vector.broadcast %mul3A_1732 : f32 to vector<16xf32>
      %mul3A_1734 = arith.mulf %mul3A_1733, %gather3A_1731 : vector<16xf32>
      %iota3A_1735 = tpu.iota {dimensions = array<i32: 0>} : vector<16xi32>
      %mul3A_1736 = arith.constant 0 : i32
      %mul3A_1737 = vector.broadcast %mul3A_1736 : i32 to vector<16xi32>
      %mul3A_1738 = arith.muli %iota3A_1735, %mul3A_1737 : vector<16xi32>
      %add3A_1739 = arith.constant 13 : i32
      %add3A_1740 = vector.broadcast %add3A_1739 : i32 to vector<16xi32>
      %add3A_1741 = arith.addi %mul3A_1738, %add3A_1740 : vector<16xi32>
      %reshape3A_1742 = vector.shape_cast %add3A_1741 : vector<16xi32> to vector<16x1xi32>
      %gather3A_1743 = vector.shape_cast %reshape3A_1742 : vector<16x1xi32> to vector<16xi32>
      %gather3A_1744 = tpu.dynamic_gather %get3A_101[%gather3A_1743] in [0] : vector<16xf32>, vector<16xi32> -> vector<16xf32>
      %mul3A_1745 = arith.constant 2.000000e+00 : f32
      %mul3A_1746 = vector.broadcast %mul3A_1745 : f32 to vector<16xf32>
      %mul3A_1747 = arith.mulf %mul3A_1746, %gather3A_1744 : vector<16xf32>
      %iota3A_1748 = tpu.iota {dimensions = array<i32: 0>} : vector<16xi32>
      %mul3A_1749 = arith.constant 0 : i32
      %mul3A_1750 = vector.broadcast %mul3A_1749 : i32 to vector<16xi32>
      %mul3A_1751 = arith.muli %iota3A_1748, %mul3A_1750 : vector<16xi32>
      %add3A_1752 = arith.constant 14 : i32
      %add3A_1753 = vector.broadcast %add3A_1752 : i32 to vector<16xi32>
      %add3A_1754 = arith.addi %mul3A_1751, %add3A_1753 : vector<16xi32>
      %reshape3A_1755 = vector.shape_cast %add3A_1754 : vector<16xi32> to vector<16x1xi32>
      %gather3A_1756 = vector.shape_cast %reshape3A_1755 : vector<16x1xi32> to vector<16xi32>
      %gather3A_1757 = tpu.dynamic_gather %get3A_101[%gather3A_1756] in [0] : vector<16xf32>, vector<16xi32> -> vector<16xf32>
      %mul3A_1758 = arith.constant 2.000000e+00 : f32
      %mul3A_1759 = vector.broadcast %mul3A_1758 : f32 to vector<16xf32>
      %mul3A_1760 = arith.mulf %mul3A_1759, %gather3A_1757 : vector<16xf32>
      %iota3A_1761 = tpu.iota {dimensions = array<i32: 0>} : vector<16xi32>
      %mul3A_1762 = arith.constant 0 : i32
      %mul3A_1763 = vector.broadcast %mul3A_1762 : i32 to vector<16xi32>
      %mul3A_1764 = arith.muli %iota3A_1761, %mul3A_1763 : vector<16xi32>
      %add3A_1765 = arith.constant 15 : i32
      %add3A_1766 = vector.broadcast %add3A_1765 : i32 to vector<16xi32>
      %add3A_1767 = arith.addi %mul3A_1764, %add3A_1766 : vector<16xi32>
      %reshape3A_1768 = vector.shape_cast %add3A_1767 : vector<16xi32> to vector<16x1xi32>
      %gather3A_1769 = vector.shape_cast %reshape3A_1768 : vector<16x1xi32> to vector<16xi32>
      %gather3A_1770 = tpu.dynamic_gather %get3A_101[%gather3A_1769] in [0] : vector<16xf32>, vector<16xi32> -> vector<16xf32>
      %mul3A_1771 = arith.constant 2.000000e+00 : f32
      %mul3A_1772 = vector.broadcast %mul3A_1771 : f32 to vector<16xf32>
      %mul3A_1773 = arith.mulf %mul3A_1772, %gather3A_1770 : vector<16xf32>
      %iota3A_1774 = tpu.iota {dimensions = array<i32: 0>} : vector<16xi32>
      %mul3A_1775 = arith.constant 0 : i32
      %mul3A_1776 = vector.broadcast %mul3A_1775 : i32 to vector<16xi32>
      %mul3A_1777 = arith.muli %iota3A_1774, %mul3A_1776 : vector<16xi32>
      %add3A_1778 = arith.constant 12 : i32
      %add3A_1779 = vector.broadcast %add3A_1778 : i32 to vector<16xi32>
      %add3A_1780 = arith.addi %mul3A_1777, %add3A_1779 : vector<16xi32>
      %reshape3A_1781 = vector.shape_cast %add3A_1780 : vector<16xi32> to vector<16x1xi32>
      %gather3A_1782 = vector.shape_cast %reshape3A_1781 : vector<16x1xi32> to vector<16xi32>
      %gather3A_1783 = tpu.dynamic_gather %add3A_92[%gather3A_1782] in [0] : vector<16xf32>, vector<16xi32> -> vector<16xf32>
      %iota3A_1784 = tpu.iota {dimensions = array<i32: 0>} : vector<16xi32>
      %mul3A_1785 = arith.constant 0 : i32
      %mul3A_1786 = vector.broadcast %mul3A_1785 : i32 to vector<16xi32>
      %mul3A_1787 = arith.muli %iota3A_1784, %mul3A_1786 : vector<16xi32>
      %add3A_1788 = arith.constant 13 : i32
      %add3A_1789 = vector.broadcast %add3A_1788 : i32 to vector<16xi32>
      %add3A_1790 = arith.addi %mul3A_1787, %add3A_1789 : vector<16xi32>
      %reshape3A_1791 = vector.shape_cast %add3A_1790 : vector<16xi32> to vector<16x1xi32>
      %gather3A_1792 = vector.shape_cast %reshape3A_1791 : vector<16x1xi32> to vector<16xi32>
      %gather3A_1793 = tpu.dynamic_gather %add3A_92[%gather3A_1792] in [0] : vector<16xf32>, vector<16xi32> -> vector<16xf32>
      %iota3A_1794 = tpu.iota {dimensions = array<i32: 0>} : vector<16xi32>
      %mul3A_1795 = arith.constant 0 : i32
      %mul3A_1796 = vector.broadcast %mul3A_1795 : i32 to vector<16xi32>
      %mul3A_1797 = arith.muli %iota3A_1794, %mul3A_1796 : vector<16xi32>
      %add3A_1798 = arith.constant 14 : i32
      %add3A_1799 = vector.broadcast %add3A_1798 : i32 to vector<16xi32>
      %add3A_1800 = arith.addi %mul3A_1797, %add3A_1799 : vector<16xi32>
      %reshape3A_1801 = vector.shape_cast %add3A_1800 : vector<16xi32> to vector<16x1xi32>
      %gather3A_1802 = vector.shape_cast %reshape3A_1801 : vector<16x1xi32> to vector<16xi32>
      %gather3A_1803 = tpu.dynamic_gather %add3A_92[%gather3A_1802] in [0] : vector<16xf32>, vector<16xi32> -> vector<16xf32>
      %iota3A_1804 = tpu.iota {dimensions = array<i32: 0>} : vector<16xi32>
      %mul3A_1805 = arith.constant 0 : i32
      %mul3A_1806 = vector.broadcast %mul3A_1805 : i32 to vector<16xi32>
      %mul3A_1807 = arith.muli %iota3A_1804, %mul3A_1806 : vector<16xi32>
      %add3A_1808 = arith.constant 15 : i32
      %add3A_1809 = vector.broadcast %add3A_1808 : i32 to vector<16xi32>
      %add3A_1810 = arith.addi %mul3A_1807, %add3A_1809 : vector<16xi32>
      %reshape3A_1811 = vector.shape_cast %add3A_1810 : vector<16xi32> to vector<16x1xi32>
      %gather3A_1812 = vector.shape_cast %reshape3A_1811 : vector<16x1xi32> to vector<16xi32>
      %gather3A_1813 = tpu.dynamic_gather %add3A_92[%gather3A_1812] in [0] : vector<16xf32>, vector<16xi32> -> vector<16xf32>
      %mul3A_1814 = arith.constant 16 : i32
      %mul3A_1815 = arith.muli %scan3A_76, %mul3A_1814 : i32
      %add3A_1816 = arith.addi %mul3A_54, %mul3A_1815 : i32
      %add3A_1817 = arith.constant 12 : i32
      %add3A_1818 = arith.addi %add3A_1816, %add3A_1817 : i32
      %mul3A_1819 = arith.constant 16 : i32
      %mul3A_1820 = arith.muli %scan3A_76, %mul3A_1819 : i32
      %add3A_1821 = arith.addi %mul3A_54, %mul3A_1820 : i32
      %add3A_1822 = arith.constant 13 : i32
      %add3A_1823 = arith.addi %add3A_1821, %add3A_1822 : i32
      %mul3A_1824 = arith.constant 16 : i32
      %mul3A_1825 = arith.muli %scan3A_76, %mul3A_1824 : i32
      %add3A_1826 = arith.addi %mul3A_54, %mul3A_1825 : i32
      %add3A_1827 = arith.constant 14 : i32
      %add3A_1828 = arith.addi %add3A_1826, %add3A_1827 : i32
      %mul3A_1829 = arith.constant 16 : i32
      %mul3A_1830 = arith.muli %scan3A_76, %mul3A_1829 : i32
      %add3A_1831 = arith.addi %mul3A_54, %mul3A_1830 : i32
      %add3A_1832 = arith.constant 15 : i32
      %add3A_1833 = arith.addi %add3A_1831, %add3A_1832 : i32
      %scan3A_1834 = arith.constant 0 : i32
      %scan3A_1835 = arith.constant 256 : i32
      %scan3A_1836 = arith.addi %scan3A_1834, %scan3A_1835 : i32
      %scan3A_1837 = arith.constant 1 : i32
      %scan3A_1838:8 = scf.for %scan3A_2135 = %scan3A_1834 to %scan3A_1836 step %scan3A_1837 iter_args(%scan3A_2136 = %broadcast_in_dim3A_58, %scan3A_2137 = %broadcast_in_dim3A_58, %scan3A_2138 = %broadcast_in_dim3A_58, %scan3A_2139 = %broadcast_in_dim3A_58, %scan3A_2140 = %broadcast_in_dim3A_60, %scan3A_2141 = %broadcast_in_dim3A_60, %scan3A_2142 = %broadcast_in_dim3A_60, %scan3A_2143 = %broadcast_in_dim3A_60) -> (vector<16xf32>, vector<16xf32>, vector<16xf32>, vector<16xf32>, vector<16xi32>, vector<16xi32>, vector<16xi32>, vector<16xi32>)  : i32 {
        %mul3A_2144 = arith.constant 16 : i32
        %mul3A_2145 = arith.muli %scan3A_2135, %mul3A_2144 : i32
        %get3A_2146 = arith.index_cast %mul3A_2145 : i32 to index
        %get3A_2147 = tpu.vector_load %arg21[%get3A_2146] {strides = array<i32>} : memref<4096xf32, #tpu.memory_space<vmem>>, vector<16xf32>,
        %get3A_2148 = vector.shape_cast %get3A_2147 : vector<16xf32> to vector<16xf32>
        %get3A_2149 = arith.index_cast %mul3A_2145 : i32 to index
        %get3A_2150 = tpu.vector_load %arg22[%get3A_2149] {strides = array<i32>} : memref<4096xf32, #tpu.memory_space<vmem>>, vector<16xf32>,
        %get3A_2151 = vector.shape_cast %get3A_2150 : vector<16xf32> to vector<16xf32>
        %get3A_2152 = arith.index_cast %mul3A_2145 : i32 to index
        %get3A_2153 = tpu.vector_load %arg23[%get3A_2152] {strides = array<i32>} : memref<4096xf32, #tpu.memory_space<vmem>>, vector<16xf32>,
        %get3A_2154 = vector.shape_cast %get3A_2153 : vector<16xf32> to vector<16xf32>
        %get3A_2155 = arith.index_cast %mul3A_2145 : i32 to index
        %get3A_2156 = tpu.vector_load %arg25[%get3A_2155] {strides = array<i32>} : memref<4096xf32, #tpu.memory_space<vmem>>, vector<16xf32>,
        %get3A_2157 = vector.shape_cast %get3A_2156 : vector<16xf32> to vector<16xf32>
        %get3A_2158 = arith.index_cast %mul3A_2145 : i32 to index
        %get3A_2159 = tpu.vector_load %arg26[%get3A_2158] {strides = array<i32>} : memref<4096xf32, #tpu.memory_space<vmem>>, vector<16xf32>,
        %get3A_2160 = vector.shape_cast %get3A_2159 : vector<16xf32> to vector<16xf32>
        %get3A_2161 = arith.index_cast %mul3A_2145 : i32 to index
        %get3A_2162 = tpu.vector_load %arg27[%get3A_2161] {strides = array<i32>} : memref<4096xi32, #tpu.memory_space<vmem>>, vector<16xi32>,
        %get3A_2163 = vector.shape_cast %get3A_2162 : vector<16xi32> to vector<16xi32>
        %broadcast_in_dim3A_2164 = vector.broadcast %scan3A_2135 : i32 to vector<16xi32>
        %mul3A_2165 = arith.mulf %mul3A_1630, %get3A_2148 : vector<16xf32>
        %mul3A_2166 = arith.mulf %mul3A_1682, %get3A_2151 : vector<16xf32>
        %add3A_2167 = arith.addf %mul3A_2165, %mul3A_2166 : vector<16xf32>
        %mul3A_2168 = arith.mulf %mul3A_1734, %get3A_2154 : vector<16xf32>
        %add3A_2169 = arith.addf %add3A_2167, %mul3A_2168 : vector<16xf32>
        %add3A_2170 = arith.addf %gather3A_1783, %get3A_2157 : vector<16xf32>
        %sub3A_2171 = arith.subf %add3A_2170, %add3A_2169 : vector<16xf32>
        %max3A = arith.constant 0.000000e+00 : f32
        %max3A_2172 = vector.broadcast %max3A : f32 to vector<16xf32>
        %max3A_2173 = arith.maximumf %sub3A_2171, %max3A_2172 : vector<16xf32>
        %lt3A_2174 = arith.cmpf olt, %max3A_2173, %scan3A_2136 : vector<16xf32>
        %select_n3A_2175 = arith.select %lt3A_2174, %max3A_2173, %scan3A_2136 : vector<16xi1>, vector<16xf32>
        %select_n3A_2176 = arith.select %lt3A_2174, %broadcast_in_dim3A_2164, %scan3A_2140 : vector<16xi1>, vector<16xi32>
        %lt3A_2177 = arith.cmpf olt, %max3A_2173, %get3A_2160 : vector<16xf32>
        %select_n3A_2178 = arith.select %lt3A_2177, %max3A_2173, %get3A_2160 : vector<16xi1>, vector<16xf32>
        %broadcast_in_dim3A_2179 = vector.broadcast %add3A_1818 : i32 to vector<16xi32>
        %select_n3A_2180 = arith.select %lt3A_2177, %broadcast_in_dim3A_2179, %get3A_2163 : vector<16xi1>, vector<16xi32>
        %mul3A_2181 = arith.mulf %mul3A_1643, %get3A_2148 : vector<16xf32>
        %mul3A_2182 = arith.mulf %mul3A_1695, %get3A_2151 : vector<16xf32>
        %add3A_2183 = arith.addf %mul3A_2181, %mul3A_2182 : vector<16xf32>
        %mul3A_2184 = arith.mulf %mul3A_1747, %get3A_2154 : vector<16xf32>
        %add3A_2185 = arith.addf %add3A_2183, %mul3A_2184 : vector<16xf32>
        %add3A_2186 = arith.addf %gather3A_1793, %get3A_2157 : vector<16xf32>
        %sub3A_2187 = arith.subf %add3A_2186, %add3A_2185 : vector<16xf32>
        %max3A_2188 = arith.constant 0.000000e+00 : f32
        %max3A_2189 = vector.broadcast %max3A_2188 : f32 to vector<16xf32>
        %max3A_2190 = arith.maximumf %sub3A_2187, %max3A_2189 : vector<16xf32>
        %lt3A_2191 = arith.cmpf olt, %max3A_2190, %scan3A_2137 : vector<16xf32>
        %select_n3A_2192 = arith.select %lt3A_2191, %max3A_2190, %scan3A_2137 : vector<16xi1>, vector<16xf32>
        %select_n3A_2193 = arith.select %lt3A_2191, %broadcast_in_dim3A_2164, %scan3A_2141 : vector<16xi1>, vector<16xi32>
        %lt3A_2194 = arith.cmpf olt, %max3A_2190, %select_n3A_2178 : vector<16xf32>
        %select_n3A_2195 = arith.select %lt3A_2194, %max3A_2190, %select_n3A_2178 : vector<16xi1>, vector<16xf32>
        %broadcast_in_dim3A_2196 = vector.broadcast %add3A_1823 : i32 to vector<16xi32>
        %select_n3A_2197 = arith.select %lt3A_2194, %broadcast_in_dim3A_2196, %select_n3A_2180 : vector<16xi1>, vector<16xi32>
        %mul3A_2198 = arith.mulf %mul3A_1656, %get3A_2148 : vector<16xf32>
        %mul3A_2199 = arith.mulf %mul3A_1708, %get3A_2151 : vector<16xf32>
        %add3A_2200 = arith.addf %mul3A_2198, %mul3A_2199 : vector<16xf32>
        %mul3A_2201 = arith.mulf %mul3A_1760, %get3A_2154 : vector<16xf32>
        %add3A_2202 = arith.addf %add3A_2200, %mul3A_2201 : vector<16xf32>
        %add3A_2203 = arith.addf %gather3A_1803, %get3A_2157 : vector<16xf32>
        %sub3A_2204 = arith.subf %add3A_2203, %add3A_2202 : vector<16xf32>
        %max3A_2205 = arith.constant 0.000000e+00 : f32
        %max3A_2206 = vector.broadcast %max3A_2205 : f32 to vector<16xf32>
        %max3A_2207 = arith.maximumf %sub3A_2204, %max3A_2206 : vector<16xf32>
        %lt3A_2208 = arith.cmpf olt, %max3A_2207, %scan3A_2138 : vector<16xf32>
        %select_n3A_2209 = arith.select %lt3A_2208, %max3A_2207, %scan3A_2138 : vector<16xi1>, vector<16xf32>
        %select_n3A_2210 = arith.select %lt3A_2208, %broadcast_in_dim3A_2164, %scan3A_2142 : vector<16xi1>, vector<16xi32>
        %lt3A_2211 = arith.cmpf olt, %max3A_2207, %select_n3A_2195 : vector<16xf32>
        %select_n3A_2212 = arith.select %lt3A_2211, %max3A_2207, %select_n3A_2195 : vector<16xi1>, vector<16xf32>
        %broadcast_in_dim3A_2213 = vector.broadcast %add3A_1828 : i32 to vector<16xi32>
        %select_n3A_2214 = arith.select %lt3A_2211, %broadcast_in_dim3A_2213, %select_n3A_2197 : vector<16xi1>, vector<16xi32>
        %mul3A_2215 = arith.mulf %mul3A_1669, %get3A_2148 : vector<16xf32>
        %mul3A_2216 = arith.mulf %mul3A_1721, %get3A_2151 : vector<16xf32>
        %add3A_2217 = arith.addf %mul3A_2215, %mul3A_2216 : vector<16xf32>
        %mul3A_2218 = arith.mulf %mul3A_1773, %get3A_2154 : vector<16xf32>
        %add3A_2219 = arith.addf %add3A_2217, %mul3A_2218 : vector<16xf32>
        %add3A_2220 = arith.addf %gather3A_1813, %get3A_2157 : vector<16xf32>
        %sub3A_2221 = arith.subf %add3A_2220, %add3A_2219 : vector<16xf32>
        %max3A_2222 = arith.constant 0.000000e+00 : f32
        %max3A_2223 = vector.broadcast %max3A_2222 : f32 to vector<16xf32>
        %max3A_2224 = arith.maximumf %sub3A_2221, %max3A_2223 : vector<16xf32>
        %lt3A_2225 = arith.cmpf olt, %max3A_2224, %scan3A_2139 : vector<16xf32>
        %select_n3A_2226 = arith.select %lt3A_2225, %max3A_2224, %scan3A_2139 : vector<16xi1>, vector<16xf32>
        %select_n3A_2227 = arith.select %lt3A_2225, %broadcast_in_dim3A_2164, %scan3A_2143 : vector<16xi1>, vector<16xi32>
        %lt3A_2228 = arith.cmpf olt, %max3A_2224, %select_n3A_2212 : vector<16xf32>
        %select_n3A_2229 = arith.select %lt3A_2228, %max3A_2224, %select_n3A_2212 : vector<16xi1>, vector<16xf32>
        %broadcast_in_dim3A_2230 = vector.broadcast %add3A_1833 : i32 to vector<16xi32>
        %select_n3A_2231 = arith.select %lt3A_2228, %broadcast_in_dim3A_2230, %select_n3A_2214 : vector<16xi1>, vector<16xi32>
        %swap3A_2232 = arith.index_cast %mul3A_2145 : i32 to index
        %swap3A_2233 = tpu.vector_load %arg26[%swap3A_2232] {strides = array<i32>} : memref<4096xf32, #tpu.memory_space<vmem>>, vector<16xf32>,
        %swap3A_2234 = vector.shape_cast %swap3A_2233 : vector<16xf32> to vector<16xf32>
        %swap3A_2235 = vector.shape_cast %select_n3A_2229 : vector<16xf32> to vector<16xf32>
        tpu.vector_store %arg26[%swap3A_2232], %swap3A_2235 {strides = array<i32>} : memref<4096xf32, #tpu.memory_space<vmem>>, vector<16xf32>,
        %swap3A_2236 = arith.index_cast %mul3A_2145 : i32 to index
        %swap3A_2237 = tpu.vector_load %arg27[%swap3A_2236] {strides = array<i32>} : memref<4096xi32, #tpu.memory_space<vmem>>, vector<16xi32>,
        %swap3A_2238 = vector.shape_cast %swap3A_2237 : vector<16xi32> to vector<16xi32>
        %swap3A_2239 = vector.shape_cast %select_n3A_2231 : vector<16xi32> to vector<16xi32>
        tpu.vector_store %arg27[%swap3A_2236], %swap3A_2239 {strides = array<i32>} : memref<4096xi32, #tpu.memory_space<vmem>>, vector<16xi32>,
        scf.yield %select_n3A_2175, %select_n3A_2192, %select_n3A_2209, %select_n3A_2226, %select_n3A_2176, %select_n3A_2193, %select_n3A_2210, %select_n3A_2227 : vector<16xf32>, vector<16xf32>, vector<16xf32>, vector<16xf32>, vector<16xi32>, vector<16xi32>, vector<16xi32>, vector<16xi32>
      }
      %scan3A_1839 = arith.constant 256 : i32
      %iota3A_1840 = tpu.iota {dimensions = array<i32: 0>} : vector<16xi32>
      %xor3A_1841 = arith.constant 8 : i32
      %xor3A_1842 = vector.broadcast %xor3A_1841 : i32 to vector<16xi32>
      %xor3A_1843 = arith.xori %iota3A_1840, %xor3A_1842 : vector<16xi32>
      %reshape3A_1844 = vector.shape_cast %xor3A_1843 : vector<16xi32> to vector<16x1xi32>
      %gather3A_1845 = vector.shape_cast %reshape3A_1844 : vector<16x1xi32> to vector<16xi32>
      %gather3A_1846 = tpu.dynamic_gather %scan3A_1838#0[%gather3A_1845] in [0] : vector<16xf32>, vector<16xi32> -> vector<16xf32>
      %min3A_1847 = arith.minimumf %scan3A_1838#0, %gather3A_1846 : vector<16xf32>
      %xor3A_1848 = arith.constant 4 : i32
      %xor3A_1849 = vector.broadcast %xor3A_1848 : i32 to vector<16xi32>
      %xor3A_1850 = arith.xori %iota3A_1840, %xor3A_1849 : vector<16xi32>
      %reshape3A_1851 = vector.shape_cast %xor3A_1850 : vector<16xi32> to vector<16x1xi32>
      %gather3A_1852 = vector.shape_cast %reshape3A_1851 : vector<16x1xi32> to vector<16xi32>
      %gather3A_1853 = tpu.dynamic_gather %min3A_1847[%gather3A_1852] in [0] : vector<16xf32>, vector<16xi32> -> vector<16xf32>
      %min3A_1854 = arith.minimumf %min3A_1847, %gather3A_1853 : vector<16xf32>
      %xor3A_1855 = arith.constant 2 : i32
      %xor3A_1856 = vector.broadcast %xor3A_1855 : i32 to vector<16xi32>
      %xor3A_1857 = arith.xori %iota3A_1840, %xor3A_1856 : vector<16xi32>
      %reshape3A_1858 = vector.shape_cast %xor3A_1857 : vector<16xi32> to vector<16x1xi32>
      %gather3A_1859 = vector.shape_cast %reshape3A_1858 : vector<16x1xi32> to vector<16xi32>
      %gather3A_1860 = tpu.dynamic_gather %min3A_1854[%gather3A_1859] in [0] : vector<16xf32>, vector<16xi32> -> vector<16xf32>
      %min3A_1861 = arith.minimumf %min3A_1854, %gather3A_1860 : vector<16xf32>
      %xor3A_1862 = arith.constant 1 : i32
      %xor3A_1863 = vector.broadcast %xor3A_1862 : i32 to vector<16xi32>
      %xor3A_1864 = arith.xori %iota3A_1840, %xor3A_1863 : vector<16xi32>
      %reshape3A_1865 = vector.shape_cast %xor3A_1864 : vector<16xi32> to vector<16x1xi32>
      %gather3A_1866 = vector.shape_cast %reshape3A_1865 : vector<16x1xi32> to vector<16xi32>
      %gather3A_1867 = tpu.dynamic_gather %min3A_1861[%gather3A_1866] in [0] : vector<16xf32>, vector<16xi32> -> vector<16xf32>
      %min3A_1868 = arith.minimumf %min3A_1861, %gather3A_1867 : vector<16xf32>
      %mul3A_1869 = arith.constant 16 : i32
      %mul3A_1870 = vector.broadcast %mul3A_1869 : i32 to vector<16xi32>
      %mul3A_1871 = arith.muli %scan3A_1838#4, %mul3A_1870 : vector<16xi32>
      %add3A_1872 = arith.addi %mul3A_1871, %iota3A : vector<16xi32>
      %eq3A_1873 = arith.cmpf oeq, %scan3A_1838#0, %min3A_1868 : vector<16xf32>
      %broadcast_in_dim3A_1874 = arith.constant 1073741824 : i32
      %broadcast_in_dim3A_1875 = vector.broadcast %broadcast_in_dim3A_1874 : i32 to vector<16xi32>
      %select_n3A_1876 = arith.select %eq3A_1873, %add3A_1872, %broadcast_in_dim3A_1875 : vector<16xi1>, vector<16xi32>
      %iota3A_1877 = tpu.iota {dimensions = array<i32: 0>} : vector<16xi32>
      %xor3A_1878 = arith.constant 8 : i32
      %xor3A_1879 = vector.broadcast %xor3A_1878 : i32 to vector<16xi32>
      %xor3A_1880 = arith.xori %iota3A_1877, %xor3A_1879 : vector<16xi32>
      %reshape3A_1881 = vector.shape_cast %xor3A_1880 : vector<16xi32> to vector<16x1xi32>
      %gather3A_1882 = vector.shape_cast %reshape3A_1881 : vector<16x1xi32> to vector<16xi32>
      %gather3A_1883 = tpu.dynamic_gather %select_n3A_1876[%gather3A_1882] in [0] : vector<16xi32>, vector<16xi32> -> vector<16xi32>
      %min3A_1884 = arith.minsi %select_n3A_1876, %gather3A_1883 : vector<16xi32>
      %xor3A_1885 = arith.constant 4 : i32
      %xor3A_1886 = vector.broadcast %xor3A_1885 : i32 to vector<16xi32>
      %xor3A_1887 = arith.xori %iota3A_1877, %xor3A_1886 : vector<16xi32>
      %reshape3A_1888 = vector.shape_cast %xor3A_1887 : vector<16xi32> to vector<16x1xi32>
      %gather3A_1889 = vector.shape_cast %reshape3A_1888 : vector<16x1xi32> to vector<16xi32>
      %gather3A_1890 = tpu.dynamic_gather %min3A_1884[%gather3A_1889] in [0] : vector<16xi32>, vector<16xi32> -> vector<16xi32>
      %min3A_1891 = arith.minsi %min3A_1884, %gather3A_1890 : vector<16xi32>
      %xor3A_1892 = arith.constant 2 : i32
      %xor3A_1893 = vector.broadcast %xor3A_1892 : i32 to vector<16xi32>
      %xor3A_1894 = arith.xori %iota3A_1877, %xor3A_1893 : vector<16xi32>
      %reshape3A_1895 = vector.shape_cast %xor3A_1894 : vector<16xi32> to vector<16x1xi32>
      %gather3A_1896 = vector.shape_cast %reshape3A_1895 : vector<16x1xi32> to vector<16xi32>
      %gather3A_1897 = tpu.dynamic_gather %min3A_1891[%gather3A_1896] in [0] : vector<16xi32>, vector<16xi32> -> vector<16xi32>
      %min3A_1898 = arith.minsi %min3A_1891, %gather3A_1897 : vector<16xi32>
      %xor3A_1899 = arith.constant 1 : i32
      %xor3A_1900 = vector.broadcast %xor3A_1899 : i32 to vector<16xi32>
      %xor3A_1901 = arith.xori %iota3A_1877, %xor3A_1900 : vector<16xi32>
      %reshape3A_1902 = vector.shape_cast %xor3A_1901 : vector<16xi32> to vector<16x1xi32>
      %gather3A_1903 = vector.shape_cast %reshape3A_1902 : vector<16x1xi32> to vector<16xi32>
      %gather3A_1904 = tpu.dynamic_gather %min3A_1898[%gather3A_1903] in [0] : vector<16xi32>, vector<16xi32> -> vector<16xi32>
      %min3A_1905 = arith.minsi %min3A_1898, %gather3A_1904 : vector<16xi32>
      %eq3A_1906 = arith.constant 12 : i32
      %eq3A_1907 = vector.broadcast %eq3A_1906 : i32 to vector<16xi32>
      %eq3A_1908 = arith.cmpi eq, %iota3A, %eq3A_1907 : vector<16xi32>
      %select_n3A_1909 = arith.select %eq3A_1908, %min3A_1868, %select_n3A_1616 : vector<16xi1>, vector<16xf32>
      %select_n3A_1910 = arith.select %eq3A_1908, %min3A_1905, %select_n3A_1617 : vector<16xi1>, vector<16xi32>
      %iota3A_1911 = tpu.iota {dimensions = array<i32: 0>} : vector<16xi32>
      %xor3A_1912 = arith.constant 8 : i32
      %xor3A_1913 = vector.broadcast %xor3A_1912 : i32 to vector<16xi32>
      %xor3A_1914 = arith.xori %iota3A_1911, %xor3A_1913 : vector<16xi32>
      %reshape3A_1915 = vector.shape_cast %xor3A_1914 : vector<16xi32> to vector<16x1xi32>
      %gather3A_1916 = vector.shape_cast %reshape3A_1915 : vector<16x1xi32> to vector<16xi32>
      %gather3A_1917 = tpu.dynamic_gather %scan3A_1838#1[%gather3A_1916] in [0] : vector<16xf32>, vector<16xi32> -> vector<16xf32>
      %min3A_1918 = arith.minimumf %scan3A_1838#1, %gather3A_1917 : vector<16xf32>
      %xor3A_1919 = arith.constant 4 : i32
      %xor3A_1920 = vector.broadcast %xor3A_1919 : i32 to vector<16xi32>
      %xor3A_1921 = arith.xori %iota3A_1911, %xor3A_1920 : vector<16xi32>
      %reshape3A_1922 = vector.shape_cast %xor3A_1921 : vector<16xi32> to vector<16x1xi32>
      %gather3A_1923 = vector.shape_cast %reshape3A_1922 : vector<16x1xi32> to vector<16xi32>
      %gather3A_1924 = tpu.dynamic_gather %min3A_1918[%gather3A_1923] in [0] : vector<16xf32>, vector<16xi32> -> vector<16xf32>
      %min3A_1925 = arith.minimumf %min3A_1918, %gather3A_1924 : vector<16xf32>
      %xor3A_1926 = arith.constant 2 : i32
      %xor3A_1927 = vector.broadcast %xor3A_1926 : i32 to vector<16xi32>
      %xor3A_1928 = arith.xori %iota3A_1911, %xor3A_1927 : vector<16xi32>
      %reshape3A_1929 = vector.shape_cast %xor3A_1928 : vector<16xi32> to vector<16x1xi32>
      %gather3A_1930 = vector.shape_cast %reshape3A_1929 : vector<16x1xi32> to vector<16xi32>
      %gather3A_1931 = tpu.dynamic_gather %min3A_1925[%gather3A_1930] in [0] : vector<16xf32>, vector<16xi32> -> vector<16xf32>
      %min3A_1932 = arith.minimumf %min3A_1925, %gather3A_1931 : vector<16xf32>
      %xor3A_1933 = arith.constant 1 : i32
      %xor3A_1934 = vector.broadcast %xor3A_1933 : i32 to vector<16xi32>
      %xor3A_1935 = arith.xori %iota3A_1911, %xor3A_1934 : vector<16xi32>
      %reshape3A_1936 = vector.shape_cast %xor3A_1935 : vector<16xi32> to vector<16x1xi32>
      %gather3A_1937 = vector.shape_cast %reshape3A_1936 : vector<16x1xi32> to vector<16xi32>
      %gather3A_1938 = tpu.dynamic_gather %min3A_1932[%gather3A_1937] in [0] : vector<16xf32>, vector<16xi32> -> vector<16xf32>
      %min3A_1939 = arith.minimumf %min3A_1932, %gather3A_1938 : vector<16xf32>
      %mul3A_1940 = arith.constant 16 : i32
      %mul3A_1941 = vector.broadcast %mul3A_1940 : i32 to vector<16xi32>
      %mul3A_1942 = arith.muli %scan3A_1838#5, %mul3A_1941 : vector<16xi32>
      %add3A_1943 = arith.addi %mul3A_1942, %iota3A : vector<16xi32>
      %eq3A_1944 = arith.cmpf oeq, %scan3A_1838#1, %min3A_1939 : vector<16xf32>
      %broadcast_in_dim3A_1945 = arith.constant 1073741824 : i32
      %broadcast_in_dim3A_1946 = vector.broadcast %broadcast_in_dim3A_1945 : i32 to vector<16xi32>
      %select_n3A_1947 = arith.select %eq3A_1944, %add3A_1943, %broadcast_in_dim3A_1946 : vector<16xi1>, vector<16xi32>
      %iota3A_1948 = tpu.iota {dimensions = array<i32: 0>} : vector<16xi32>
      %xor3A_1949 = arith.constant 8 : i32
      %xor3A_1950 = vector.broadcast %xor3A_1949 : i32 to vector<16xi32>
      %xor3A_1951 = arith.xori %iota3A_1948, %xor3A_1950 : vector<16xi32>
      %reshape3A_1952 = vector.shape_cast %xor3A_1951 : vector<16xi32> to vector<16x1xi32>
      %gather3A_1953 = vector.shape_cast %reshape3A_1952 : vector<16x1xi32> to vector<16xi32>
      %gather3A_1954 = tpu.dynamic_gather %select_n3A_1947[%gather3A_1953] in [0] : vector<16xi32>, vector<16xi32> -> vector<16xi32>
      %min3A_1955 = arith.minsi %select_n3A_1947, %gather3A_1954 : vector<16xi32>
      %xor3A_1956 = arith.constant 4 : i32
      %xor3A_1957 = vector.broadcast %xor3A_1956 : i32 to vector<16xi32>
      %xor3A_1958 = arith.xori %iota3A_1948, %xor3A_1957 : vector<16xi32>
      %reshape3A_1959 = vector.shape_cast %xor3A_1958 : vector<16xi32> to vector<16x1xi32>
      %gather3A_1960 = vector.shape_cast %reshape3A_1959 : vector<16x1xi32> to vector<16xi32>
      %gather3A_1961 = tpu.dynamic_gather %min3A_1955[%gather3A_1960] in [0] : vector<16xi32>, vector<16xi32> -> vector<16xi32>
      %min3A_1962 = arith.minsi %min3A_1955, %gather3A_1961 : vector<16xi32>
      %xor3A_1963 = arith.constant 2 : i32
      %xor3A_1964 = vector.broadcast %xor3A_1963 : i32 to vector<16xi32>
      %xor3A_1965 = arith.xori %iota3A_1948, %xor3A_1964 : vector<16xi32>
      %reshape3A_1966 = vector.shape_cast %xor3A_1965 : vector<16xi32> to vector<16x1xi32>
      %gather3A_1967 = vector.shape_cast %reshape3A_1966 : vector<16x1xi32> to vector<16xi32>
      %gather3A_1968 = tpu.dynamic_gather %min3A_1962[%gather3A_1967] in [0] : vector<16xi32>, vector<16xi32> -> vector<16xi32>
      %min3A_1969 = arith.minsi %min3A_1962, %gather3A_1968 : vector<16xi32>
      %xor3A_1970 = arith.constant 1 : i32
      %xor3A_1971 = vector.broadcast %xor3A_1970 : i32 to vector<16xi32>
      %xor3A_1972 = arith.xori %iota3A_1948, %xor3A_1971 : vector<16xi32>
      %reshape3A_1973 = vector.shape_cast %xor3A_1972 : vector<16xi32> to vector<16x1xi32>
      %gather3A_1974 = vector.shape_cast %reshape3A_1973 : vector<16x1xi32> to vector<16xi32>
      %gather3A_1975 = tpu.dynamic_gather %min3A_1969[%gather3A_1974] in [0] : vector<16xi32>, vector<16xi32> -> vector<16xi32>
      %min3A_1976 = arith.minsi %min3A_1969, %gather3A_1975 : vector<16xi32>
      %eq3A_1977 = arith.constant 13 : i32
      %eq3A_1978 = vector.broadcast %eq3A_1977 : i32 to vector<16xi32>
      %eq3A_1979 = arith.cmpi eq, %iota3A, %eq3A_1978 : vector<16xi32>
      %select_n3A_1980 = arith.select %eq3A_1979, %min3A_1939, %select_n3A_1909 : vector<16xi1>, vector<16xf32>
      %select_n3A_1981 = arith.select %eq3A_1979, %min3A_1976, %select_n3A_1910 : vector<16xi1>, vector<16xi32>
      %iota3A_1982 = tpu.iota {dimensions = array<i32: 0>} : vector<16xi32>
      %xor3A_1983 = arith.constant 8 : i32
      %xor3A_1984 = vector.broadcast %xor3A_1983 : i32 to vector<16xi32>
      %xor3A_1985 = arith.xori %iota3A_1982, %xor3A_1984 : vector<16xi32>
      %reshape3A_1986 = vector.shape_cast %xor3A_1985 : vector<16xi32> to vector<16x1xi32>
      %gather3A_1987 = vector.shape_cast %reshape3A_1986 : vector<16x1xi32> to vector<16xi32>
      %gather3A_1988 = tpu.dynamic_gather %scan3A_1838#2[%gather3A_1987] in [0] : vector<16xf32>, vector<16xi32> -> vector<16xf32>
      %min3A_1989 = arith.minimumf %scan3A_1838#2, %gather3A_1988 : vector<16xf32>
      %xor3A_1990 = arith.constant 4 : i32
      %xor3A_1991 = vector.broadcast %xor3A_1990 : i32 to vector<16xi32>
      %xor3A_1992 = arith.xori %iota3A_1982, %xor3A_1991 : vector<16xi32>
      %reshape3A_1993 = vector.shape_cast %xor3A_1992 : vector<16xi32> to vector<16x1xi32>
      %gather3A_1994 = vector.shape_cast %reshape3A_1993 : vector<16x1xi32> to vector<16xi32>
      %gather3A_1995 = tpu.dynamic_gather %min3A_1989[%gather3A_1994] in [0] : vector<16xf32>, vector<16xi32> -> vector<16xf32>
      %min3A_1996 = arith.minimumf %min3A_1989, %gather3A_1995 : vector<16xf32>
      %xor3A_1997 = arith.constant 2 : i32
      %xor3A_1998 = vector.broadcast %xor3A_1997 : i32 to vector<16xi32>
      %xor3A_1999 = arith.xori %iota3A_1982, %xor3A_1998 : vector<16xi32>
      %reshape3A_2000 = vector.shape_cast %xor3A_1999 : vector<16xi32> to vector<16x1xi32>
      %gather3A_2001 = vector.shape_cast %reshape3A_2000 : vector<16x1xi32> to vector<16xi32>
      %gather3A_2002 = tpu.dynamic_gather %min3A_1996[%gather3A_2001] in [0] : vector<16xf32>, vector<16xi32> -> vector<16xf32>
      %min3A_2003 = arith.minimumf %min3A_1996, %gather3A_2002 : vector<16xf32>
      %xor3A_2004 = arith.constant 1 : i32
      %xor3A_2005 = vector.broadcast %xor3A_2004 : i32 to vector<16xi32>
      %xor3A_2006 = arith.xori %iota3A_1982, %xor3A_2005 : vector<16xi32>
      %reshape3A_2007 = vector.shape_cast %xor3A_2006 : vector<16xi32> to vector<16x1xi32>
      %gather3A_2008 = vector.shape_cast %reshape3A_2007 : vector<16x1xi32> to vector<16xi32>
      %gather3A_2009 = tpu.dynamic_gather %min3A_2003[%gather3A_2008] in [0] : vector<16xf32>, vector<16xi32> -> vector<16xf32>
      %min3A_2010 = arith.minimumf %min3A_2003, %gather3A_2009 : vector<16xf32>
      %mul3A_2011 = arith.constant 16 : i32
      %mul3A_2012 = vector.broadcast %mul3A_2011 : i32 to vector<16xi32>
      %mul3A_2013 = arith.muli %scan3A_1838#6, %mul3A_2012 : vector<16xi32>
      %add3A_2014 = arith.addi %mul3A_2013, %iota3A : vector<16xi32>
      %eq3A_2015 = arith.cmpf oeq, %scan3A_1838#2, %min3A_2010 : vector<16xf32>
      %broadcast_in_dim3A_2016 = arith.constant 1073741824 : i32
      %broadcast_in_dim3A_2017 = vector.broadcast %broadcast_in_dim3A_2016 : i32 to vector<16xi32>
      %select_n3A_2018 = arith.select %eq3A_2015, %add3A_2014, %broadcast_in_dim3A_2017 : vector<16xi1>, vector<16xi32>
      %iota3A_2019 = tpu.iota {dimensions = array<i32: 0>} : vector<16xi32>
      %xor3A_2020 = arith.constant 8 : i32
      %xor3A_2021 = vector.broadcast %xor3A_2020 : i32 to vector<16xi32>
      %xor3A_2022 = arith.xori %iota3A_2019, %xor3A_2021 : vector<16xi32>
      %reshape3A_2023 = vector.shape_cast %xor3A_2022 : vector<16xi32> to vector<16x1xi32>
      %gather3A_2024 = vector.shape_cast %reshape3A_2023 : vector<16x1xi32> to vector<16xi32>
      %gather3A_2025 = tpu.dynamic_gather %select_n3A_2018[%gather3A_2024] in [0] : vector<16xi32>, vector<16xi32> -> vector<16xi32>
      %min3A_2026 = arith.minsi %select_n3A_2018, %gather3A_2025 : vector<16xi32>
      %xor3A_2027 = arith.constant 4 : i32
      %xor3A_2028 = vector.broadcast %xor3A_2027 : i32 to vector<16xi32>
      %xor3A_2029 = arith.xori %iota3A_2019, %xor3A_2028 : vector<16xi32>
      %reshape3A_2030 = vector.shape_cast %xor3A_2029 : vector<16xi32> to vector<16x1xi32>
      %gather3A_2031 = vector.shape_cast %reshape3A_2030 : vector<16x1xi32> to vector<16xi32>
      %gather3A_2032 = tpu.dynamic_gather %min3A_2026[%gather3A_2031] in [0] : vector<16xi32>, vector<16xi32> -> vector<16xi32>
      %min3A_2033 = arith.minsi %min3A_2026, %gather3A_2032 : vector<16xi32>
      %xor3A_2034 = arith.constant 2 : i32
      %xor3A_2035 = vector.broadcast %xor3A_2034 : i32 to vector<16xi32>
      %xor3A_2036 = arith.xori %iota3A_2019, %xor3A_2035 : vector<16xi32>
      %reshape3A_2037 = vector.shape_cast %xor3A_2036 : vector<16xi32> to vector<16x1xi32>
      %gather3A_2038 = vector.shape_cast %reshape3A_2037 : vector<16x1xi32> to vector<16xi32>
      %gather3A_2039 = tpu.dynamic_gather %min3A_2033[%gather3A_2038] in [0] : vector<16xi32>, vector<16xi32> -> vector<16xi32>
      %min3A_2040 = arith.minsi %min3A_2033, %gather3A_2039 : vector<16xi32>
      %xor3A_2041 = arith.constant 1 : i32
      %xor3A_2042 = vector.broadcast %xor3A_2041 : i32 to vector<16xi32>
      %xor3A_2043 = arith.xori %iota3A_2019, %xor3A_2042 : vector<16xi32>
      %reshape3A_2044 = vector.shape_cast %xor3A_2043 : vector<16xi32> to vector<16x1xi32>
      %gather3A_2045 = vector.shape_cast %reshape3A_2044 : vector<16x1xi32> to vector<16xi32>
      %gather3A_2046 = tpu.dynamic_gather %min3A_2040[%gather3A_2045] in [0] : vector<16xi32>, vector<16xi32> -> vector<16xi32>
      %min3A_2047 = arith.minsi %min3A_2040, %gather3A_2046 : vector<16xi32>
      %eq3A_2048 = arith.constant 14 : i32
      %eq3A_2049 = vector.broadcast %eq3A_2048 : i32 to vector<16xi32>
      %eq3A_2050 = arith.cmpi eq, %iota3A, %eq3A_2049 : vector<16xi32>
      %select_n3A_2051 = arith.select %eq3A_2050, %min3A_2010, %select_n3A_1980 : vector<16xi1>, vector<16xf32>
      %select_n3A_2052 = arith.select %eq3A_2050, %min3A_2047, %select_n3A_1981 : vector<16xi1>, vector<16xi32>
      %iota3A_2053 = tpu.iota {dimensions = array<i32: 0>} : vector<16xi32>
      %xor3A_2054 = arith.constant 8 : i32
      %xor3A_2055 = vector.broadcast %xor3A_2054 : i32 to vector<16xi32>
      %xor3A_2056 = arith.xori %iota3A_2053, %xor3A_2055 : vector<16xi32>
      %reshape3A_2057 = vector.shape_cast %xor3A_2056 : vector<16xi32> to vector<16x1xi32>
      %gather3A_2058 = vector.shape_cast %reshape3A_2057 : vector<16x1xi32> to vector<16xi32>
      %gather3A_2059 = tpu.dynamic_gather %scan3A_1838#3[%gather3A_2058] in [0] : vector<16xf32>, vector<16xi32> -> vector<16xf32>
      %min3A_2060 = arith.minimumf %scan3A_1838#3, %gather3A_2059 : vector<16xf32>
      %xor3A_2061 = arith.constant 4 : i32
      %xor3A_2062 = vector.broadcast %xor3A_2061 : i32 to vector<16xi32>
      %xor3A_2063 = arith.xori %iota3A_2053, %xor3A_2062 : vector<16xi32>
      %reshape3A_2064 = vector.shape_cast %xor3A_2063 : vector<16xi32> to vector<16x1xi32>
      %gather3A_2065 = vector.shape_cast %reshape3A_2064 : vector<16x1xi32> to vector<16xi32>
      %gather3A_2066 = tpu.dynamic_gather %min3A_2060[%gather3A_2065] in [0] : vector<16xf32>, vector<16xi32> -> vector<16xf32>
      %min3A_2067 = arith.minimumf %min3A_2060, %gather3A_2066 : vector<16xf32>
      %xor3A_2068 = arith.constant 2 : i32
      %xor3A_2069 = vector.broadcast %xor3A_2068 : i32 to vector<16xi32>
      %xor3A_2070 = arith.xori %iota3A_2053, %xor3A_2069 : vector<16xi32>
      %reshape3A_2071 = vector.shape_cast %xor3A_2070 : vector<16xi32> to vector<16x1xi32>
      %gather3A_2072 = vector.shape_cast %reshape3A_2071 : vector<16x1xi32> to vector<16xi32>
      %gather3A_2073 = tpu.dynamic_gather %min3A_2067[%gather3A_2072] in [0] : vector<16xf32>, vector<16xi32> -> vector<16xf32>
      %min3A_2074 = arith.minimumf %min3A_2067, %gather3A_2073 : vector<16xf32>
      %xor3A_2075 = arith.constant 1 : i32
      %xor3A_2076 = vector.broadcast %xor3A_2075 : i32 to vector<16xi32>
      %xor3A_2077 = arith.xori %iota3A_2053, %xor3A_2076 : vector<16xi32>
      %reshape3A_2078 = vector.shape_cast %xor3A_2077 : vector<16xi32> to vector<16x1xi32>
      %gather3A_2079 = vector.shape_cast %reshape3A_2078 : vector<16x1xi32> to vector<16xi32>
      %gather3A_2080 = tpu.dynamic_gather %min3A_2074[%gather3A_2079] in [0] : vector<16xf32>, vector<16xi32> -> vector<16xf32>
      %min3A_2081 = arith.minimumf %min3A_2074, %gather3A_2080 : vector<16xf32>
      %mul3A_2082 = arith.constant 16 : i32
      %mul3A_2083 = vector.broadcast %mul3A_2082 : i32 to vector<16xi32>
      %mul3A_2084 = arith.muli %scan3A_1838#7, %mul3A_2083 : vector<16xi32>
      %add3A_2085 = arith.addi %mul3A_2084, %iota3A : vector<16xi32>
      %eq3A_2086 = arith.cmpf oeq, %scan3A_1838#3, %min3A_2081 : vector<16xf32>
      %broadcast_in_dim3A_2087 = arith.constant 1073741824 : i32
      %broadcast_in_dim3A_2088 = vector.broadcast %broadcast_in_dim3A_2087 : i32 to vector<16xi32>
      %select_n3A_2089 = arith.select %eq3A_2086, %add3A_2085, %broadcast_in_dim3A_2088 : vector<16xi1>, vector<16xi32>
      %iota3A_2090 = tpu.iota {dimensions = array<i32: 0>} : vector<16xi32>
      %xor3A_2091 = arith.constant 8 : i32
      %xor3A_2092 = vector.broadcast %xor3A_2091 : i32 to vector<16xi32>
      %xor3A_2093 = arith.xori %iota3A_2090, %xor3A_2092 : vector<16xi32>
      %reshape3A_2094 = vector.shape_cast %xor3A_2093 : vector<16xi32> to vector<16x1xi32>
      %gather3A_2095 = vector.shape_cast %reshape3A_2094 : vector<16x1xi32> to vector<16xi32>
      %gather3A_2096 = tpu.dynamic_gather %select_n3A_2089[%gather3A_2095] in [0] : vector<16xi32>, vector<16xi32> -> vector<16xi32>
      %min3A_2097 = arith.minsi %select_n3A_2089, %gather3A_2096 : vector<16xi32>
      %xor3A_2098 = arith.constant 4 : i32
      %xor3A_2099 = vector.broadcast %xor3A_2098 : i32 to vector<16xi32>
      %xor3A_2100 = arith.xori %iota3A_2090, %xor3A_2099 : vector<16xi32>
      %reshape3A_2101 = vector.shape_cast %xor3A_2100 : vector<16xi32> to vector<16x1xi32>
      %gather3A_2102 = vector.shape_cast %reshape3A_2101 : vector<16x1xi32> to vector<16xi32>
      %gather3A_2103 = tpu.dynamic_gather %min3A_2097[%gather3A_2102] in [0] : vector<16xi32>, vector<16xi32> -> vector<16xi32>
      %min3A_2104 = arith.minsi %min3A_2097, %gather3A_2103 : vector<16xi32>
      %xor3A_2105 = arith.constant 2 : i32
      %xor3A_2106 = vector.broadcast %xor3A_2105 : i32 to vector<16xi32>
      %xor3A_2107 = arith.xori %iota3A_2090, %xor3A_2106 : vector<16xi32>
      %reshape3A_2108 = vector.shape_cast %xor3A_2107 : vector<16xi32> to vector<16x1xi32>
      %gather3A_2109 = vector.shape_cast %reshape3A_2108 : vector<16x1xi32> to vector<16xi32>
      %gather3A_2110 = tpu.dynamic_gather %min3A_2104[%gather3A_2109] in [0] : vector<16xi32>, vector<16xi32> -> vector<16xi32>
      %min3A_2111 = arith.minsi %min3A_2104, %gather3A_2110 : vector<16xi32>
      %xor3A_2112 = arith.constant 1 : i32
      %xor3A_2113 = vector.broadcast %xor3A_2112 : i32 to vector<16xi32>
      %xor3A_2114 = arith.xori %iota3A_2090, %xor3A_2113 : vector<16xi32>
      %reshape3A_2115 = vector.shape_cast %xor3A_2114 : vector<16xi32> to vector<16x1xi32>
      %gather3A_2116 = vector.shape_cast %reshape3A_2115 : vector<16x1xi32> to vector<16xi32>
      %gather3A_2117 = tpu.dynamic_gather %min3A_2111[%gather3A_2116] in [0] : vector<16xi32>, vector<16xi32> -> vector<16xi32>
      %min3A_2118 = arith.minsi %min3A_2111, %gather3A_2117 : vector<16xi32>
      %eq3A_2119 = arith.constant 15 : i32
      %eq3A_2120 = vector.broadcast %eq3A_2119 : i32 to vector<16xi32>
      %eq3A_2121 = arith.cmpi eq, %iota3A, %eq3A_2120 : vector<16xi32>
      %select_n3A_2122 = arith.select %eq3A_2121, %min3A_2081, %select_n3A_2051 : vector<16xi1>, vector<16xf32>
      %select_n3A_2123 = arith.select %eq3A_2121, %min3A_2118, %select_n3A_2052 : vector<16xi1>, vector<16xi32>
      %mul3A_2124 = arith.constant 16 : i32
      %mul3A_2125 = arith.muli %scan3A_76, %mul3A_2124 : i32
      %swap3A = arith.index_cast %mul3A_2125 : i32 to index
      %swap3A_2126 = tpu.vector_load %arg28[%swap3A] {strides = array<i32>} : memref<256xf32, #tpu.memory_space<vmem>>, vector<16xf32>,
      %swap3A_2127 = vector.shape_cast %swap3A_2126 : vector<16xf32> to vector<16xf32>
      %swap3A_2128 = vector.shape_cast %select_n3A_2122 : vector<16xf32> to vector<16xf32>
      tpu.vector_store %arg28[%swap3A], %swap3A_2128 {strides = array<i32>} : memref<256xf32, #tpu.memory_space<vmem>>, vector<16xf32>,
      %mul3A_2129 = arith.constant 16 : i32
      %mul3A_2130 = arith.muli %scan3A_76, %mul3A_2129 : i32
      %swap3A_2131 = arith.index_cast %mul3A_2130 : i32 to index
      %swap3A_2132 = tpu.vector_load %arg29[%swap3A_2131] {strides = array<i32>} : memref<256xi32, #tpu.memory_space<vmem>>, vector<16xi32>,
      %swap3A_2133 = vector.shape_cast %swap3A_2132 : vector<16xi32> to vector<16xi32>
      %swap3A_2134 = vector.shape_cast %select_n3A_2123 : vector<16xi32> to vector<16xi32>
      tpu.vector_store %arg29[%swap3A_2131], %swap3A_2134 {strides = array<i32>} : memref<256xi32, #tpu.memory_space<vmem>>, vector<16xi32>,
    }
    %scan3A_66 = arith.constant 16 : i32
    "tpu.region"() ({
      %run_scoped3A_76 = tpu.sem_alloc : memref<!tpu.dma_semaphore, #tpu.memory_space<semaphore_mem>>
      %dma_start3A = tpu.memref_slice %arg8[%mul3A_56] : memref<8192xf32, #tpu.memory_space<hbm>> -> memref<256xf32, #tpu.memory_space<hbm>>
      %dma_start3A_77 = tpu.memref_slice %arg8[%mul3A_56] : memref<8192xf32, #tpu.memory_space<hbm>> -> memref<256xf32, #tpu.memory_space<hbm>>
      tpu.enqueue_dma source(%arg28 : memref<256xf32, #tpu.memory_space<vmem>>) target(%dma_start3A_77 : memref<256xf32, #tpu.memory_space<hbm>>) target_semaphore(%run_scoped3A_76 : memref<!tpu.dma_semaphore, #tpu.memory_space<semaphore_mem>>)
      %dma_wait3A = tpu.memref_slice %arg8[%mul3A_56] : memref<8192xf32, #tpu.memory_space<hbm>> -> memref<256xf32, #tpu.memory_space<hbm>>
      %dma_wait3A_78 = tpu.memref_slice %arg8[%mul3A_56] : memref<8192xf32, #tpu.memory_space<hbm>> -> memref<256xf32, #tpu.memory_space<hbm>>
      tpu.wait_dma2 semaphore(%run_scoped3A_76 : memref<!tpu.dma_semaphore, #tpu.memory_space<semaphore_mem>>) src(%arg28 : memref<256xf32, #tpu.memory_space<vmem>>) dst(%dma_wait3A_78 : memref<256xf32, #tpu.memory_space<hbm>>)
      tpu.yield
    }) : () -> ()
    "tpu.region"() ({
      %run_scoped3A_76 = tpu.sem_alloc : memref<!tpu.dma_semaphore, #tpu.memory_space<semaphore_mem>>
      %dma_start3A = tpu.memref_slice %arg10[%mul3A_56] : memref<8192xi32, #tpu.memory_space<hbm>> -> memref<256xi32, #tpu.memory_space<hbm>>
      %dma_start3A_77 = tpu.memref_slice %arg10[%mul3A_56] : memref<8192xi32, #tpu.memory_space<hbm>> -> memref<256xi32, #tpu.memory_space<hbm>>
      tpu.enqueue_dma source(%arg29 : memref<256xi32, #tpu.memory_space<vmem>>) target(%dma_start3A_77 : memref<256xi32, #tpu.memory_space<hbm>>) target_semaphore(%run_scoped3A_76 : memref<!tpu.dma_semaphore, #tpu.memory_space<semaphore_mem>>)
      %dma_wait3A = tpu.memref_slice %arg10[%mul3A_56] : memref<8192xi32, #tpu.memory_space<hbm>> -> memref<256xi32, #tpu.memory_space<hbm>>
      %dma_wait3A_78 = tpu.memref_slice %arg10[%mul3A_56] : memref<8192xi32, #tpu.memory_space<hbm>> -> memref<256xi32, #tpu.memory_space<hbm>>
      tpu.wait_dma2 semaphore(%run_scoped3A_76 : memref<!tpu.dma_semaphore, #tpu.memory_space<semaphore_mem>>) src(%arg29 : memref<256xi32, #tpu.memory_space<vmem>>) dst(%dma_wait3A_78 : memref<256xi32, #tpu.memory_space<hbm>>)
      tpu.yield
    }) : () -> ()
    "tpu.region"() ({
      %run_scoped3A_76 = tpu.sem_alloc : memref<!tpu.dma_semaphore, #tpu.memory_space<semaphore_mem>>
      %dma_start3A = arith.constant 0 : i32
      %dma_start3A_77 = tpu.memref_slice %arg32[%select_n3A_30, %dma_start3A] : memref<16x4096xf32, #tpu.memory_space<vmem_shared>> -> memref<1x4096xf32, #tpu.memory_space<vmem_shared>>
      %dma_start3A_78 = tpu.memref_squeeze %dma_start3A_77 : memref<1x4096xf32, #tpu.memory_space<vmem_shared>> -> memref<4096xf32, #tpu.memory_space<vmem_shared>>
      %dma_start3A_79 = arith.constant 0 : i32
      %dma_start3A_80 = tpu.memref_slice %arg32[%select_n3A_30, %dma_start3A_79] : memref<16x4096xf32, #tpu.memory_space<vmem_shared>> -> memref<1x4096xf32, #tpu.memory_space<vmem_shared>>
      %dma_start3A_81 = tpu.memref_squeeze %dma_start3A_80 : memref<1x4096xf32, #tpu.memory_space<vmem_shared>> -> memref<4096xf32, #tpu.memory_space<vmem_shared>>
      tpu.enqueue_dma source(%arg26 : memref<4096xf32, #tpu.memory_space<vmem>>) target(%dma_start3A_81 : memref<4096xf32, #tpu.memory_space<vmem_shared>>) target_semaphore(%run_scoped3A_76 : memref<!tpu.dma_semaphore, #tpu.memory_space<semaphore_mem>>)
      %dma_wait3A = arith.constant 0 : i32
      %dma_wait3A_82 = tpu.memref_slice %arg32[%select_n3A_30, %dma_wait3A] : memref<16x4096xf32, #tpu.memory_space<vmem_shared>> -> memref<1x4096xf32, #tpu.memory_space<vmem_shared>>
      %dma_wait3A_83 = tpu.memref_squeeze %dma_wait3A_82 : memref<1x4096xf32, #tpu.memory_space<vmem_shared>> -> memref<4096xf32, #tpu.memory_space<vmem_shared>>
      %dma_wait3A_84 = arith.constant 0 : i32
      %dma_wait3A_85 = tpu.memref_slice %arg32[%select_n3A_30, %dma_wait3A_84] : memref<16x4096xf32, #tpu.memory_space<vmem_shared>> -> memref<1x4096xf32, #tpu.memory_space<vmem_shared>>
      %dma_wait3A_86 = tpu.memref_squeeze %dma_wait3A_85 : memref<1x4096xf32, #tpu.memory_space<vmem_shared>> -> memref<4096xf32, #tpu.memory_space<vmem_shared>>
      tpu.wait_dma2 semaphore(%run_scoped3A_76 : memref<!tpu.dma_semaphore, #tpu.memory_space<semaphore_mem>>) src(%arg26 : memref<4096xf32, #tpu.memory_space<vmem>>) dst(%dma_wait3A_86 : memref<4096xf32, #tpu.memory_space<vmem_shared>>)
      tpu.yield
    }) : () -> ()
    "tpu.region"() ({
      %run_scoped3A_76 = tpu.sem_alloc : memref<!tpu.dma_semaphore, #tpu.memory_space<semaphore_mem>>
      %dma_start3A = arith.constant 0 : i32
      %dma_start3A_77 = tpu.memref_slice %arg33[%select_n3A_30, %dma_start3A] : memref<16x4096xi32, #tpu.memory_space<vmem_shared>> -> memref<1x4096xi32, #tpu.memory_space<vmem_shared>>
      %dma_start3A_78 = tpu.memref_squeeze %dma_start3A_77 : memref<1x4096xi32, #tpu.memory_space<vmem_shared>> -> memref<4096xi32, #tpu.memory_space<vmem_shared>>
      %dma_start3A_79 = arith.constant 0 : i32
      %dma_start3A_80 = tpu.memref_slice %arg33[%select_n3A_30, %dma_start3A_79] : memref<16x4096xi32, #tpu.memory_space<vmem_shared>> -> memref<1x4096xi32, #tpu.memory_space<vmem_shared>>
      %dma_start3A_81 = tpu.memref_squeeze %dma_start3A_80 : memref<1x4096xi32, #tpu.memory_space<vmem_shared>> -> memref<4096xi32, #tpu.memory_space<vmem_shared>>
      tpu.enqueue_dma source(%arg27 : memref<4096xi32, #tpu.memory_space<vmem>>) target(%dma_start3A_81 : memref<4096xi32, #tpu.memory_space<vmem_shared>>) target_semaphore(%run_scoped3A_76 : memref<!tpu.dma_semaphore, #tpu.memory_space<semaphore_mem>>)
      %dma_wait3A = arith.constant 0 : i32
      %dma_wait3A_82 = tpu.memref_slice %arg33[%select_n3A_30, %dma_wait3A] : memref<16x4096xi32, #tpu.memory_space<vmem_shared>> -> memref<1x4096xi32, #tpu.memory_space<vmem_shared>>
      %dma_wait3A_83 = tpu.memref_squeeze %dma_wait3A_82 : memref<1x4096xi32, #tpu.memory_space<vmem_shared>> -> memref<4096xi32, #tpu.memory_space<vmem_shared>>
      %dma_wait3A_84 = arith.constant 0 : i32
      %dma_wait3A_85 = tpu.memref_slice %arg33[%select_n3A_30, %dma_wait3A_84] : memref<16x4096xi32, #tpu.memory_space<vmem_shared>> -> memref<1x4096xi32, #tpu.memory_space<vmem_shared>>
      %dma_wait3A_86 = tpu.memref_squeeze %dma_wait3A_85 : memref<1x4096xi32, #tpu.memory_space<vmem_shared>> -> memref<4096xi32, #tpu.memory_space<vmem_shared>>
      tpu.wait_dma2 semaphore(%run_scoped3A_76 : memref<!tpu.dma_semaphore, #tpu.memory_space<semaphore_mem>>) src(%arg27 : memref<4096xi32, #tpu.memory_space<vmem>>) dst(%dma_wait3A_86 : memref<4096xi32, #tpu.memory_space<vmem_shared>>)
      tpu.yield
    }) : () -> ()
    %barrier3A = arith.constant 0 : index
    tpu.barrier barrier_id(%barrier3A)
    %mul3A_67 = arith.constant 256 : i32
    %mul3A_68 = arith.muli %select_n3A_30, %mul3A_67 : i32
    %run_scoped3A = arith.constant 0 : i32
    "tpu.region"() ({
      %run_scoped3A_76 = tpu.sem_alloc : memref<!tpu.dma_semaphore, #tpu.memory_space<semaphore_mem>>
      %dma_start3A = tpu.memref_slice %arg32[%run_scoped3A, %mul3A_68] : memref<16x4096xf32, #tpu.memory_space<vmem_shared>> -> memref<1x256xf32, #tpu.memory_space<vmem_shared>>
      %dma_start3A_77 = tpu.memref_squeeze %dma_start3A : memref<1x256xf32, #tpu.memory_space<vmem_shared>> -> memref<256xf32, #tpu.memory_space<vmem_shared>>
      %dma_start3A_78 = tpu.memref_slice %arg32[%run_scoped3A, %mul3A_68] : memref<16x4096xf32, #tpu.memory_space<vmem_shared>> -> memref<1x256xf32, #tpu.memory_space<vmem_shared>>
      %dma_start3A_79 = tpu.memref_squeeze %dma_start3A_78 : memref<1x256xf32, #tpu.memory_space<vmem_shared>> -> memref<256xf32, #tpu.memory_space<vmem_shared>>
      tpu.enqueue_dma source(%dma_start3A_79 : memref<256xf32, #tpu.memory_space<vmem_shared>>) target(%arg28 : memref<256xf32, #tpu.memory_space<vmem>>) target_semaphore(%run_scoped3A_76 : memref<!tpu.dma_semaphore, #tpu.memory_space<semaphore_mem>>)
      %dma_wait3A = tpu.memref_slice %arg32[%run_scoped3A, %mul3A_68] : memref<16x4096xf32, #tpu.memory_space<vmem_shared>> -> memref<1x256xf32, #tpu.memory_space<vmem_shared>>
      %dma_wait3A_80 = tpu.memref_squeeze %dma_wait3A : memref<1x256xf32, #tpu.memory_space<vmem_shared>> -> memref<256xf32, #tpu.memory_space<vmem_shared>>
      %dma_wait3A_81 = tpu.memref_slice %arg32[%run_scoped3A, %mul3A_68] : memref<16x4096xf32, #tpu.memory_space<vmem_shared>> -> memref<1x256xf32, #tpu.memory_space<vmem_shared>>
      %dma_wait3A_82 = tpu.memref_squeeze %dma_wait3A_81 : memref<1x256xf32, #tpu.memory_space<vmem_shared>> -> memref<256xf32, #tpu.memory_space<vmem_shared>>
      tpu.wait_dma2 semaphore(%run_scoped3A_76 : memref<!tpu.dma_semaphore, #tpu.memory_space<semaphore_mem>>) src(%dma_wait3A_82 : memref<256xf32, #tpu.memory_space<vmem_shared>>) dst(%arg28 : memref<256xf32, #tpu.memory_space<vmem>>)
      tpu.yield
    }) : () -> ()
    %run_scoped3A_69 = arith.constant 0 : i32
    "tpu.region"() ({
      %run_scoped3A_76 = tpu.sem_alloc : memref<!tpu.dma_semaphore, #tpu.memory_space<semaphore_mem>>
      %dma_start3A = tpu.memref_slice %arg33[%run_scoped3A_69, %mul3A_68] : memref<16x4096xi32, #tpu.memory_space<vmem_shared>> -> memref<1x256xi32, #tpu.memory_space<vmem_shared>>
      %dma_start3A_77 = tpu.memref_squeeze %dma_start3A : memref<1x256xi32, #tpu.memory_space<vmem_shared>> -> memref<256xi32, #tpu.memory_space<vmem_shared>>
      %dma_start3A_78 = tpu.memref_slice %arg33[%run_scoped3A_69, %mul3A_68] : memref<16x4096xi32, #tpu.memory_space<vmem_shared>> -> memref<1x256xi32, #tpu.memory_space<vmem_shared>>
      %dma_start3A_79 = tpu.memref_squeeze %dma_start3A_78 : memref<1x256xi32, #tpu.memory_space<vmem_shared>> -> memref<256xi32, #tpu.memory_space<vmem_shared>>
      tpu.enqueue_dma source(%dma_start3A_79 : memref<256xi32, #tpu.memory_space<vmem_shared>>) target(%arg29 : memref<256xi32, #tpu.memory_space<vmem>>) target_semaphore(%run_scoped3A_76 : memref<!tpu.dma_semaphore, #tpu.memory_space<semaphore_mem>>)
      %dma_wait3A = tpu.memref_slice %arg33[%run_scoped3A_69, %mul3A_68] : memref<16x4096xi32, #tpu.memory_space<vmem_shared>> -> memref<1x256xi32, #tpu.memory_space<vmem_shared>>
      %dma_wait3A_80 = tpu.memref_squeeze %dma_wait3A : memref<1x256xi32, #tpu.memory_space<vmem_shared>> -> memref<256xi32, #tpu.memory_space<vmem_shared>>
      %dma_wait3A_81 = tpu.memref_slice %arg33[%run_scoped3A_69, %mul3A_68] : memref<16x4096xi32, #tpu.memory_space<vmem_shared>> -> memref<1x256xi32, #tpu.memory_space<vmem_shared>>
      %dma_wait3A_82 = tpu.memref_squeeze %dma_wait3A_81 : memref<1x256xi32, #tpu.memory_space<vmem_shared>> -> memref<256xi32, #tpu.memory_space<vmem_shared>>
      tpu.wait_dma2 semaphore(%run_scoped3A_76 : memref<!tpu.dma_semaphore, #tpu.memory_space<semaphore_mem>>) src(%dma_wait3A_82 : memref<256xi32, #tpu.memory_space<vmem_shared>>) dst(%arg29 : memref<256xi32, #tpu.memory_space<vmem>>)
      tpu.yield
    }) : () -> ()
    %scan3A_70 = arith.constant 0 : i32
    %scan3A_71 = arith.constant 1 : i32
    %scan3A_72 = arith.constant 15 : i32
    %scan3A_73 = arith.addi %scan3A_71, %scan3A_72 : i32
    %scan3A_74 = arith.constant 1 : i32
    scf.for %scan3A_76 = %scan3A_71 to %scan3A_73 step %scan3A_74  : i32 {
      "tpu.region"() ({
        %run_scoped3A_83 = tpu.sem_alloc : memref<!tpu.dma_semaphore, #tpu.memory_space<semaphore_mem>>
        %dma_start3A = tpu.memref_slice %arg32[%scan3A_76, %mul3A_68] : memref<16x4096xf32, #tpu.memory_space<vmem_shared>> -> memref<1x256xf32, #tpu.memory_space<vmem_shared>>
        %dma_start3A_84 = tpu.memref_squeeze %dma_start3A : memref<1x256xf32, #tpu.memory_space<vmem_shared>> -> memref<256xf32, #tpu.memory_space<vmem_shared>>
        %dma_start3A_85 = tpu.memref_slice %arg32[%scan3A_76, %mul3A_68] : memref<16x4096xf32, #tpu.memory_space<vmem_shared>> -> memref<1x256xf32, #tpu.memory_space<vmem_shared>>
        %dma_start3A_86 = tpu.memref_squeeze %dma_start3A_85 : memref<1x256xf32, #tpu.memory_space<vmem_shared>> -> memref<256xf32, #tpu.memory_space<vmem_shared>>
        tpu.enqueue_dma source(%dma_start3A_86 : memref<256xf32, #tpu.memory_space<vmem_shared>>) target(%arg30 : memref<256xf32, #tpu.memory_space<vmem>>) target_semaphore(%run_scoped3A_83 : memref<!tpu.dma_semaphore, #tpu.memory_space<semaphore_mem>>)
        %dma_wait3A = tpu.memref_slice %arg32[%scan3A_76, %mul3A_68] : memref<16x4096xf32, #tpu.memory_space<vmem_shared>> -> memref<1x256xf32, #tpu.memory_space<vmem_shared>>
        %dma_wait3A_87 = tpu.memref_squeeze %dma_wait3A : memref<1x256xf32, #tpu.memory_space<vmem_shared>> -> memref<256xf32, #tpu.memory_space<vmem_shared>>
        %dma_wait3A_88 = tpu.memref_slice %arg32[%scan3A_76, %mul3A_68] : memref<16x4096xf32, #tpu.memory_space<vmem_shared>> -> memref<1x256xf32, #tpu.memory_space<vmem_shared>>
        %dma_wait3A_89 = tpu.memref_squeeze %dma_wait3A_88 : memref<1x256xf32, #tpu.memory_space<vmem_shared>> -> memref<256xf32, #tpu.memory_space<vmem_shared>>
        tpu.wait_dma2 semaphore(%run_scoped3A_83 : memref<!tpu.dma_semaphore, #tpu.memory_space<semaphore_mem>>) src(%dma_wait3A_89 : memref<256xf32, #tpu.memory_space<vmem_shared>>) dst(%arg30 : memref<256xf32, #tpu.memory_space<vmem>>)
        tpu.yield
      }) : () -> ()
      "tpu.region"() ({
        %run_scoped3A_83 = tpu.sem_alloc : memref<!tpu.dma_semaphore, #tpu.memory_space<semaphore_mem>>
        %dma_start3A = tpu.memref_slice %arg33[%scan3A_76, %mul3A_68] : memref<16x4096xi32, #tpu.memory_space<vmem_shared>> -> memref<1x256xi32, #tpu.memory_space<vmem_shared>>
        %dma_start3A_84 = tpu.memref_squeeze %dma_start3A : memref<1x256xi32, #tpu.memory_space<vmem_shared>> -> memref<256xi32, #tpu.memory_space<vmem_shared>>
        %dma_start3A_85 = tpu.memref_slice %arg33[%scan3A_76, %mul3A_68] : memref<16x4096xi32, #tpu.memory_space<vmem_shared>> -> memref<1x256xi32, #tpu.memory_space<vmem_shared>>
        %dma_start3A_86 = tpu.memref_squeeze %dma_start3A_85 : memref<1x256xi32, #tpu.memory_space<vmem_shared>> -> memref<256xi32, #tpu.memory_space<vmem_shared>>
        tpu.enqueue_dma source(%dma_start3A_86 : memref<256xi32, #tpu.memory_space<vmem_shared>>) target(%arg31 : memref<256xi32, #tpu.memory_space<vmem>>) target_semaphore(%run_scoped3A_83 : memref<!tpu.dma_semaphore, #tpu.memory_space<semaphore_mem>>)
        %dma_wait3A = tpu.memref_slice %arg33[%scan3A_76, %mul3A_68] : memref<16x4096xi32, #tpu.memory_space<vmem_shared>> -> memref<1x256xi32, #tpu.memory_space<vmem_shared>>
        %dma_wait3A_87 = tpu.memref_squeeze %dma_wait3A : memref<1x256xi32, #tpu.memory_space<vmem_shared>> -> memref<256xi32, #tpu.memory_space<vmem_shared>>
        %dma_wait3A_88 = tpu.memref_slice %arg33[%scan3A_76, %mul3A_68] : memref<16x4096xi32, #tpu.memory_space<vmem_shared>> -> memref<1x256xi32, #tpu.memory_space<vmem_shared>>
        %dma_wait3A_89 = tpu.memref_squeeze %dma_wait3A_88 : memref<1x256xi32, #tpu.memory_space<vmem_shared>> -> memref<256xi32, #tpu.memory_space<vmem_shared>>
        tpu.wait_dma2 semaphore(%run_scoped3A_83 : memref<!tpu.dma_semaphore, #tpu.memory_space<semaphore_mem>>) src(%dma_wait3A_89 : memref<256xi32, #tpu.memory_space<vmem_shared>>) dst(%arg31 : memref<256xi32, #tpu.memory_space<vmem>>)
        tpu.yield
      }) : () -> ()
      %scan3A_77 = arith.constant 0 : i32
      %scan3A_78 = arith.constant 0 : i32
      %scan3A_79 = arith.constant 16 : i32
      %scan3A_80 = arith.addi %scan3A_78, %scan3A_79 : i32
      %scan3A_81 = arith.constant 1 : i32
      scf.for %scan3A_83 = %scan3A_78 to %scan3A_80 step %scan3A_81  : i32 {
        %mul3A_84 = arith.constant 16 : i32
        %mul3A_85 = arith.muli %scan3A_83, %mul3A_84 : i32
        %get3A = arith.index_cast %mul3A_85 : i32 to index
        %get3A_86 = tpu.vector_load %arg28[%get3A] {strides = array<i32>} : memref<256xf32, #tpu.memory_space<vmem>>, vector<16xf32>,
        %get3A_87 = vector.shape_cast %get3A_86 : vector<16xf32> to vector<16xf32>
        %get3A_88 = arith.index_cast %mul3A_85 : i32 to index
        %get3A_89 = tpu.vector_load %arg30[%get3A_88] {strides = array<i32>} : memref<256xf32, #tpu.memory_space<vmem>>, vector<16xf32>,
        %get3A_90 = vector.shape_cast %get3A_89 : vector<16xf32> to vector<16xf32>
        %lt3A_91 = arith.cmpf olt, %get3A_90, %get3A_87 : vector<16xf32>
        %select_n3A_92 = arith.select %lt3A_91, %get3A_90, %get3A_87 : vector<16xi1>, vector<16xf32>
        %swap3A = arith.index_cast %mul3A_85 : i32 to index
        %swap3A_93 = tpu.vector_load %arg28[%swap3A] {strides = array<i32>} : memref<256xf32, #tpu.memory_space<vmem>>, vector<16xf32>,
        %swap3A_94 = vector.shape_cast %swap3A_93 : vector<16xf32> to vector<16xf32>
        %swap3A_95 = vector.shape_cast %select_n3A_92 : vector<16xf32> to vector<16xf32>
        tpu.vector_store %arg28[%swap3A], %swap3A_95 {strides = array<i32>} : memref<256xf32, #tpu.memory_space<vmem>>, vector<16xf32>,
        %get3A_96 = arith.index_cast %mul3A_85 : i32 to index
        %get3A_97 = tpu.vector_load %arg31[%get3A_96] {strides = array<i32>} : memref<256xi32, #tpu.memory_space<vmem>>, vector<16xi32>,
        %get3A_98 = vector.shape_cast %get3A_97 : vector<16xi32> to vector<16xi32>
        %get3A_99 = arith.index_cast %mul3A_85 : i32 to index
        %get3A_100 = tpu.vector_load %arg29[%get3A_99] {strides = array<i32>} : memref<256xi32, #tpu.memory_space<vmem>>, vector<16xi32>,
        %get3A_101 = vector.shape_cast %get3A_100 : vector<16xi32> to vector<16xi32>
        %select_n3A_102 = arith.select %lt3A_91, %get3A_98, %get3A_101 : vector<16xi1>, vector<16xi32>
        %swap3A_103 = arith.index_cast %mul3A_85 : i32 to index
        %swap3A_104 = tpu.vector_load %arg29[%swap3A_103] {strides = array<i32>} : memref<256xi32, #tpu.memory_space<vmem>>, vector<16xi32>,
        %swap3A_105 = vector.shape_cast %swap3A_104 : vector<16xi32> to vector<16xi32>
        %swap3A_106 = vector.shape_cast %select_n3A_102 : vector<16xi32> to vector<16xi32>
        tpu.vector_store %arg29[%swap3A_103], %swap3A_106 {strides = array<i32>} : memref<256xi32, #tpu.memory_space<vmem>>, vector<16xi32>,
      }
      %scan3A_82 = arith.constant 16 : i32
    }
    %scan3A_75 = arith.constant 15 : i32
    "tpu.region"() ({
      %run_scoped3A_76 = tpu.sem_alloc : memref<!tpu.dma_semaphore, #tpu.memory_space<semaphore_mem>>
      %dma_start3A = tpu.memref_slice %arg9[%mul3A_56] : memref<8192xf32, #tpu.memory_space<hbm>> -> memref<256xf32, #tpu.memory_space<hbm>>
      %dma_start3A_77 = tpu.memref_slice %arg9[%mul3A_56] : memref<8192xf32, #tpu.memory_space<hbm>> -> memref<256xf32, #tpu.memory_space<hbm>>
      tpu.enqueue_dma source(%arg28 : memref<256xf32, #tpu.memory_space<vmem>>) target(%dma_start3A_77 : memref<256xf32, #tpu.memory_space<hbm>>) target_semaphore(%run_scoped3A_76 : memref<!tpu.dma_semaphore, #tpu.memory_space<semaphore_mem>>)
      %dma_wait3A = tpu.memref_slice %arg9[%mul3A_56] : memref<8192xf32, #tpu.memory_space<hbm>> -> memref<256xf32, #tpu.memory_space<hbm>>
      %dma_wait3A_78 = tpu.memref_slice %arg9[%mul3A_56] : memref<8192xf32, #tpu.memory_space<hbm>> -> memref<256xf32, #tpu.memory_space<hbm>>
      tpu.wait_dma2 semaphore(%run_scoped3A_76 : memref<!tpu.dma_semaphore, #tpu.memory_space<semaphore_mem>>) src(%arg28 : memref<256xf32, #tpu.memory_space<vmem>>) dst(%dma_wait3A_78 : memref<256xf32, #tpu.memory_space<hbm>>)
      tpu.yield
    }) : () -> ()
    "tpu.region"() ({
      %run_scoped3A_76 = tpu.sem_alloc : memref<!tpu.dma_semaphore, #tpu.memory_space<semaphore_mem>>
      %dma_start3A = tpu.memref_slice %arg11[%mul3A_56] : memref<8192xi32, #tpu.memory_space<hbm>> -> memref<256xi32, #tpu.memory_space<hbm>>
      %dma_start3A_77 = tpu.memref_slice %arg11[%mul3A_56] : memref<8192xi32, #tpu.memory_space<hbm>> -> memref<256xi32, #tpu.memory_space<hbm>>
      tpu.enqueue_dma source(%arg29 : memref<256xi32, #tpu.memory_space<vmem>>) target(%dma_start3A_77 : memref<256xi32, #tpu.memory_space<hbm>>) target_semaphore(%run_scoped3A_76 : memref<!tpu.dma_semaphore, #tpu.memory_space<semaphore_mem>>)
      %dma_wait3A = tpu.memref_slice %arg11[%mul3A_56] : memref<8192xi32, #tpu.memory_space<hbm>> -> memref<256xi32, #tpu.memory_space<hbm>>
      %dma_wait3A_78 = tpu.memref_slice %arg11[%mul3A_56] : memref<8192xi32, #tpu.memory_space<hbm>> -> memref<256xi32, #tpu.memory_space<hbm>>
      tpu.wait_dma2 semaphore(%run_scoped3A_76 : memref<!tpu.dma_semaphore, #tpu.memory_space<semaphore_mem>>) src(%arg29 : memref<256xi32, #tpu.memory_space<vmem>>) dst(%dma_wait3A_78 : memref<256xi32, #tpu.memory_space<hbm>>)
      tpu.yield
    }) : () -> ()
    return
  }
}

module attributes {stable_mosaic.version = 14 : i64} {
  func.func @_tc_body(%arg0: i32, %arg1: i32, %arg2: memref<1x1024x3xf32, #tpu.memory_space<vmem>>, %arg3: memref<1x3x4096xf32, #tpu.memory_space<vmem>>, %arg4: memref<1x1024x1xf32, #tpu.memory_space<vmem>>, %arg5: memref<1x1024x1xi32, #tpu.memory_space<vmem>>, %arg6: memref<1x1x4096xf32, #tpu.memory_space<vmem>>, %arg7: memref<1x1x4096xi32, #tpu.memory_space<vmem>>) attributes {dimension_semantics = [#tpu.dimension_semantics<arbitrary>, #tpu.dimension_semantics<arbitrary>], iteration_bounds = array<i64: 6, 4>, scalar_prefetch = 0 : i64, scratch_operands = 0 : i64, tpu.core_type = #tpu.core_type<tc>, window_params = [{transform_indices = @transform_0, window_bounds = array<i64: 1, 1024, 3>}, {transform_indices = @transform_1, window_bounds = array<i64: 1, 3, 4096>}, {transform_indices = @transform_2, window_bounds = array<i64: 1, 1024, 1>}, {transform_indices = @transform_3, window_bounds = array<i64: 1, 1024, 1>}, {transform_indices = @transform_4, window_bounds = array<i64: 1, 1, 4096>}, {transform_indices = @transform_5, window_bounds = array<i64: 1, 1, 4096>}]} {
    %get3A = arith.constant 0 : index
    %get3A_0 = arith.constant 0 : index
    %get3A_1 = arith.constant 0 : index
    %get3A_2 = vector.load %arg2[%get3A, %get3A_0, %get3A_1] : memref<1x1024x3xf32, #tpu.memory_space<vmem>>, vector<1x1024x3xf32>
    %get3A_3 = vector.shape_cast %get3A_2 : vector<1x1024x3xf32> to vector<1024x3xf32>
    %get3A_4 = arith.constant 0 : index
    %get3A_5 = arith.constant 0 : index
    %get3A_6 = arith.constant 0 : index
    %get3A_7 = vector.load %arg3[%get3A_4, %get3A_5, %get3A_6] : memref<1x3x4096xf32, #tpu.memory_space<vmem>>, vector<1x3x4096xf32>
    %get3A_8 = vector.shape_cast %get3A_7 : vector<1x3x4096xf32> to vector<3x4096xf32>
    %dot_general3A = arith.constant dense<0.000000e+00> : vector<1024x4096xf32>
    %dot_general3A_9 = tpu.matmul %get3A_3, %get3A_8, %dot_general3A {dimension_numbers = #tpu.dot_dimension_numbers<[1], [0], [0], [1], [0, 0, 1, 1], [], []>, transpose_lhs_hint = false} : vector<1024x3xf32>, vector<3x4096xf32>, vector<1024x4096xf32> -> vector<1024x4096xf32>
    %mul3A = arith.mulf %get3A_3, %get3A_3 : vector<1024x3xf32>
    %reduce_sum3A = arith.constant dense<0.000000e+00> : vector<1024xf32>
    %reduce_sum3A_10 = vector.multi_reduction <add>, %mul3A, %reduce_sum3A [1] : vector<1024x3xf32> to vector<1024xf32>
    %broadcast_in_dim3A = vector.shape_cast %reduce_sum3A_10 : vector<1024xf32> to vector<1024x1xf32>
    %mul3A_11 = arith.mulf %get3A_8, %get3A_8 : vector<3x4096xf32>
    %reduce_sum3A_12 = arith.constant dense<0.000000e+00> : vector<4096xf32>
    %reduce_sum3A_13 = vector.multi_reduction <add>, %mul3A_11, %reduce_sum3A_12 [0] : vector<3x4096xf32> to vector<4096xf32>
    %broadcast_in_dim3A_14 = vector.shape_cast %reduce_sum3A_13 : vector<4096xf32> to vector<1x4096xf32>
    %add3A = vector.broadcast %broadcast_in_dim3A : vector<1024x1xf32> to vector<1024x4096xf32>
    %add3A_15 = vector.broadcast %broadcast_in_dim3A_14 : vector<1x4096xf32> to vector<1024x4096xf32>
    %add3A_16 = arith.addf %add3A, %add3A_15 : vector<1024x4096xf32>
    %mul3A_17 = arith.constant 2.000000e+00 : f32
    %mul3A_18 = vector.broadcast %mul3A_17 : f32 to vector<1024x4096xf32>
    %mul3A_19 = arith.mulf %mul3A_18, %dot_general3A_9 : vector<1024x4096xf32>
    %sub3A = arith.subf %add3A_16, %mul3A_19 : vector<1024x4096xf32>
    %max3A = arith.constant 0.000000e+00 : f32
    %max3A_20 = vector.broadcast %max3A : f32 to vector<1024x4096xf32>
    %max3A_21 = arith.maximumf %sub3A, %max3A_20 : vector<1024x4096xf32>
    %reduce_min3A = arith.constant dense<0x7F800000> : vector<1024xf32>
    %reduce_min3A_22 = vector.multi_reduction <minimumf>, %max3A_21, %reduce_min3A [1] : vector<1024x4096xf32> to vector<1024xf32>
    %broadcast_in_dim3A_23 = vector.shape_cast %reduce_min3A_22 : vector<1024xf32> to vector<1024x1xf32>
    %iota3A = tpu.iota {dimensions = array<i32: 1>} : vector<1024x4096xi32>
    %eq3A = vector.broadcast %broadcast_in_dim3A_23 : vector<1024x1xf32> to vector<1024x4096xf32>
    %eq3A_24 = arith.cmpf oeq, %max3A_21, %eq3A : vector<1024x4096xf32>
    %jit3A = arith.constant 4096 : i32
    %broadcast_in_dim3A_25 = vector.broadcast %jit3A : i32 to vector<1024x4096xi32>
    %select_n3A = arith.select %eq3A_24, %iota3A, %broadcast_in_dim3A_25 : vector<1024x4096xi1>, vector<1024x4096xi32>
    %reduce_min3A_26 = arith.constant dense<2147483647> : vector<1024xi32>
    %reduce_min3A_27 = vector.multi_reduction <minsi>, %select_n3A, %reduce_min3A_26 [1] : vector<1024x4096xi32> to vector<1024xi32>
    %broadcast_in_dim3A_28 = vector.shape_cast %reduce_min3A_27 : vector<1024xi32> to vector<1024x1xi32>
    %swap3A = arith.constant 0 : index
    %swap3A_29 = arith.constant 0 : index
    %swap3A_30 = arith.constant 0 : index
    %swap3A_31 = vector.load %arg4[%swap3A, %swap3A_29, %swap3A_30] : memref<1x1024x1xf32, #tpu.memory_space<vmem>>, vector<1x1024x1xf32>
    %swap3A_32 = vector.shape_cast %swap3A_31 : vector<1x1024x1xf32> to vector<1024x1xf32>
    %swap3A_33 = vector.shape_cast %broadcast_in_dim3A_23 : vector<1024x1xf32> to vector<1x1024x1xf32>
    tpu.vector_store %arg4[%swap3A, %swap3A_29, %swap3A_30], %swap3A_33 {strides = array<i32>} : memref<1x1024x1xf32, #tpu.memory_space<vmem>>, vector<1x1024x1xf32>,
    %swap3A_34 = arith.constant 0 : index
    %swap3A_35 = arith.constant 0 : index
    %swap3A_36 = arith.constant 0 : index
    %swap3A_37 = vector.load %arg5[%swap3A_34, %swap3A_35, %swap3A_36] : memref<1x1024x1xi32, #tpu.memory_space<vmem>>, vector<1x1024x1xi32>
    %swap3A_38 = vector.shape_cast %swap3A_37 : vector<1x1024x1xi32> to vector<1024x1xi32>
    %swap3A_39 = vector.shape_cast %broadcast_in_dim3A_28 : vector<1024x1xi32> to vector<1x1024x1xi32>
    tpu.vector_store %arg5[%swap3A_34, %swap3A_35, %swap3A_36], %swap3A_39 {strides = array<i32>} : memref<1x1024x1xi32, #tpu.memory_space<vmem>>, vector<1x1024x1xi32>,
    %reduce_min3A_40 = arith.constant dense<0x7F800000> : vector<4096xf32>
    %reduce_min3A_41 = vector.multi_reduction <minimumf>, %max3A_21, %reduce_min3A_40 [0] : vector<1024x4096xf32> to vector<4096xf32>
    %broadcast_in_dim3A_42 = vector.shape_cast %reduce_min3A_41 : vector<4096xf32> to vector<1x4096xf32>
    %iota3A_43 = tpu.iota {dimensions = array<i32: 0>} : vector<1024x4096xi32>
    %mul3A_44 = arith.constant 1024 : i32
    %mul3A_45 = arith.muli %arg1, %mul3A_44 : i32
    %add3A_46 = vector.broadcast %mul3A_45 : i32 to vector<1024x4096xi32>
    %add3A_47 = arith.addi %iota3A_43, %add3A_46 : vector<1024x4096xi32>
    %eq3A_48 = vector.broadcast %broadcast_in_dim3A_42 : vector<1x4096xf32> to vector<1024x4096xf32>
    %eq3A_49 = arith.cmpf oeq, %max3A_21, %eq3A_48 : vector<1024x4096xf32>
    %jit3A_50 = arith.constant 1073741824 : i32
    %broadcast_in_dim3A_51 = vector.broadcast %jit3A_50 : i32 to vector<1024x4096xi32>
    %select_n3A_52 = arith.select %eq3A_49, %add3A_47, %broadcast_in_dim3A_51 : vector<1024x4096xi1>, vector<1024x4096xi32>
    %reduce_min3A_53 = arith.constant dense<2147483647> : vector<4096xi32>
    %reduce_min3A_54 = vector.multi_reduction <minsi>, %select_n3A_52, %reduce_min3A_53 [0] : vector<1024x4096xi32> to vector<4096xi32>
    %broadcast_in_dim3A_55 = vector.shape_cast %reduce_min3A_54 : vector<4096xi32> to vector<1x4096xi32>
    %eq3A_56 = arith.constant 0 : i32
    %eq3A_57 = arith.cmpi eq, %arg1, %eq3A_56 : i32
    %convert_element_type3A = arith.extui %eq3A_57 : i1 to i32
    %cond3A = arith.constant 0 : i32
    %cond3A_58 = arith.cmpi ne, %convert_element_type3A, %cond3A : i32
    scf.if %cond3A_58 {
      %swap3A_63 = arith.constant 0 : index
      %swap3A_64 = arith.constant 0 : index
      %swap3A_65 = arith.constant 0 : index
      %swap3A_66 = vector.load %arg6[%swap3A_63, %swap3A_64, %swap3A_65] : memref<1x1x4096xf32, #tpu.memory_space<vmem>>, vector<1x1x4096xf32>
      %swap3A_67 = vector.shape_cast %swap3A_66 : vector<1x1x4096xf32> to vector<1x4096xf32>
      %swap3A_68 = vector.shape_cast %broadcast_in_dim3A_42 : vector<1x4096xf32> to vector<1x1x4096xf32>
      tpu.vector_store %arg6[%swap3A_63, %swap3A_64, %swap3A_65], %swap3A_68 {strides = array<i32>} : memref<1x1x4096xf32, #tpu.memory_space<vmem>>, vector<1x1x4096xf32>,
      %swap3A_69 = arith.constant 0 : index
      %swap3A_70 = arith.constant 0 : index
      %swap3A_71 = arith.constant 0 : index
      %swap3A_72 = vector.load %arg7[%swap3A_69, %swap3A_70, %swap3A_71] : memref<1x1x4096xi32, #tpu.memory_space<vmem>>, vector<1x1x4096xi32>
      %swap3A_73 = vector.shape_cast %swap3A_72 : vector<1x1x4096xi32> to vector<1x4096xi32>
      %swap3A_74 = vector.shape_cast %broadcast_in_dim3A_55 : vector<1x4096xi32> to vector<1x1x4096xi32>
      tpu.vector_store %arg7[%swap3A_69, %swap3A_70, %swap3A_71], %swap3A_74 {strides = array<i32>} : memref<1x1x4096xi32, #tpu.memory_space<vmem>>, vector<1x1x4096xi32>,
    } else {
    }
    %ne3A = arith.constant 0 : i32
    %ne3A_59 = arith.cmpi ne, %arg1, %ne3A : i32
    %convert_element_type3A_60 = arith.extui %ne3A_59 : i1 to i32
    %cond3A_61 = arith.constant 0 : i32
    %cond3A_62 = arith.cmpi ne, %convert_element_type3A_60, %cond3A_61 : i32
    scf.if %cond3A_62 {
      %get3A_63 = arith.constant 0 : index
      %get3A_64 = arith.constant 0 : index
      %get3A_65 = arith.constant 0 : index
      %get3A_66 = vector.load %arg6[%get3A_63, %get3A_64, %get3A_65] : memref<1x1x4096xf32, #tpu.memory_space<vmem>>, vector<1x1x4096xf32>
      %get3A_67 = vector.shape_cast %get3A_66 : vector<1x1x4096xf32> to vector<1x4096xf32>
      %get3A_68 = arith.constant 0 : index
      %get3A_69 = arith.constant 0 : index
      %get3A_70 = arith.constant 0 : index
      %get3A_71 = vector.load %arg7[%get3A_68, %get3A_69, %get3A_70] : memref<1x1x4096xi32, #tpu.memory_space<vmem>>, vector<1x1x4096xi32>
      %get3A_72 = vector.shape_cast %get3A_71 : vector<1x1x4096xi32> to vector<1x4096xi32>
      %lt3A = arith.cmpf olt, %broadcast_in_dim3A_42, %get3A_67 : vector<1x4096xf32>
      %select_n3A_73 = arith.select %lt3A, %broadcast_in_dim3A_42, %get3A_67 : vector<1x4096xi1>, vector<1x4096xf32>
      %swap3A_74 = arith.constant 0 : index
      %swap3A_75 = arith.constant 0 : index
      %swap3A_76 = arith.constant 0 : index
      %swap3A_77 = vector.load %arg6[%swap3A_74, %swap3A_75, %swap3A_76] : memref<1x1x4096xf32, #tpu.memory_space<vmem>>, vector<1x1x4096xf32>
      %swap3A_78 = vector.shape_cast %swap3A_77 : vector<1x1x4096xf32> to vector<1x4096xf32>
      %swap3A_79 = vector.shape_cast %select_n3A_73 : vector<1x4096xf32> to vector<1x1x4096xf32>
      tpu.vector_store %arg6[%swap3A_74, %swap3A_75, %swap3A_76], %swap3A_79 {strides = array<i32>} : memref<1x1x4096xf32, #tpu.memory_space<vmem>>, vector<1x1x4096xf32>,
      %select_n3A_80 = arith.select %lt3A, %broadcast_in_dim3A_55, %get3A_72 : vector<1x4096xi1>, vector<1x4096xi32>
      %swap3A_81 = arith.constant 0 : index
      %swap3A_82 = arith.constant 0 : index
      %swap3A_83 = arith.constant 0 : index
      %swap3A_84 = vector.load %arg7[%swap3A_81, %swap3A_82, %swap3A_83] : memref<1x1x4096xi32, #tpu.memory_space<vmem>>, vector<1x1x4096xi32>
      %swap3A_85 = vector.shape_cast %swap3A_84 : vector<1x1x4096xi32> to vector<1x4096xi32>
      %swap3A_86 = vector.shape_cast %select_n3A_80 : vector<1x4096xi32> to vector<1x1x4096xi32>
      tpu.vector_store %arg7[%swap3A_81, %swap3A_82, %swap3A_83], %swap3A_86 {strides = array<i32>} : memref<1x1x4096xi32, #tpu.memory_space<vmem>>, vector<1x1x4096xi32>,
    } else {
    }
    return
  }
  func.func @transform_0(%arg0: i32, %arg1: i32) -> (i32, i32, i32) {
    %c0_i32 = arith.constant 0 : i32
    %c0_i32_0 = arith.constant 0 : i32
    return %arg0, %arg1, %c0_i32 : i32, i32, i32
  }
  func.func @transform_1(%arg0: i32, %arg1: i32) -> (i32, i32, i32) {
    %c0_i32 = arith.constant 0 : i32
    %c0_i32_0 = arith.constant 0 : i32
    %c0_i32_1 = arith.constant 0 : i32
    return %arg0, %c0_i32, %c0_i32_0 : i32, i32, i32
  }
  func.func @transform_2(%arg0: i32, %arg1: i32) -> (i32, i32, i32) {
    %c0_i32 = arith.constant 0 : i32
    %c0_i32_0 = arith.constant 0 : i32
    return %arg0, %arg1, %c0_i32 : i32, i32, i32
  }
  func.func @transform_3(%arg0: i32, %arg1: i32) -> (i32, i32, i32) {
    %c0_i32 = arith.constant 0 : i32
    %c0_i32_0 = arith.constant 0 : i32
    return %arg0, %arg1, %c0_i32 : i32, i32, i32
  }
  func.func @transform_4(%arg0: i32, %arg1: i32) -> (i32, i32, i32) {
    %c0_i32 = arith.constant 0 : i32
    %c0_i32_0 = arith.constant 0 : i32
    %c0_i32_1 = arith.constant 0 : i32
    return %arg0, %c0_i32, %c0_i32_0 : i32, i32, i32
  }
  func.func @transform_5(%arg0: i32, %arg1: i32) -> (i32, i32, i32) {
    %c0_i32 = arith.constant 0 : i32
    %c0_i32_0 = arith.constant 0 : i32
    %c0_i32_1 = arith.constant 0 : i32
    return %arg0, %c0_i32, %c0_i32_0 : i32, i32, i32
  }
}

</mosaic_0001>

<sc_bundles>
// kernel: kernel.4.cloned.1.call-start
scs
__scs_entry_jumppad:
0x0: {  	(pc) =	sbr.rel $0x88, $3  }
0x1: {  	(tag) =	ssettag $0x0;
	lr =	simm.s32 $0x1  }
0x2: {  	[smem:$0x3F9F] =	sst lr;
	_ =	strace $0xD0000000  }
0x3: {  	_ = 	snop  }
0x4: {  	_ = 	snop  }
0x5: {  	_ = 	snop  }
0x6: {  	_ = 	snop  }
0x7: {  	_ = 	snop  }
__scs_overlays_trampoline_lowered:
0x8: {  	[smem:$0x3FAE] =	sst s0  }
0x9: {  	[smem:$0x3FAF] =	sst s1  }
0xa: {  	[smem:$0x3FB0] =	sst s2  }
0xb: {  	[smem:$0x3FB1] =	sst s3  }
0xc: {  	[smem:$0x3FB2] =	sst s4  }
0xd: {  	[smem:$0x3FB3] =	sst s5  }
0xe: {  	[smem:$0x3FB4] =	sst s6  }
0xf: {  	[smem:$0x3FB5] =	sst s7  }
0x10: {  	[smem:$0x3FB6] =	sst s8  }
0x11: {  	[smem:$0x3FB7] =	sst s9;
	s0 =	simm.s32 @!p0 $0x0  }
0x12: {  	s1 =	sld [smem:$0x3F9D];
	s0 =	simm.s32 @p0 $0x1  }
0x13: {  	[smem:$0x3FB8] =	sst s0;
	s0 =	simm.s32 @!p1 $0x0  }
0x14: {  	s2 =	sld [smem:$0x3F9C];
	s0 =	simm.s32 @p1 $0x1  }
0x15: {  	[smem:$0x3FB9] =	sst s0;
	s0 =	simm.s32 @!p2 $0x0  }
0x16: {  	s3 =	sld [smem:$0x3FDB];
	s0 =	simm.s32 @p2 $0x1  }
0x17: {  	s4 =	simm.s32 $0x1BF5;
	[smem:$0x3FBB] =	sst s0  }
0x18: {  	s0 =	sld [smem:$0x3F9E];
	_ =	swait.ge [sflag:s4], $0x0  }
0x19: {  	s7 =	sld [smem:$0x3F9F]  }
0x1a: {  	s8 =	sadd.s32 $0xFFFFE003, lr  }
0x1b: {  	s9 =	sadd.s32 $0xFFFFFEF7, lr;
	s5 =	simm.s32 $0xFFFFFFFF;
	p2 =	slt.u32 s8, $0xFFFFF086  }
0x1c: {  	p1 =	slt.u32 s9, $0xF7A;
	s5 =	simm.s32 @!p2 $0x0  }
0x1d: {  	s5 =	simm.s32 @p1 $0x1;
	p0 =	seq.s32 s7, s2  }
0x1e: {  	s7 =	smul.u32 @!p0 $0xF7A, s2;
	p2 =	seq.s32 @!p0 s5, $0x0  }
0x1f: {  	s9 =	smul.u32 $0xF7A, s1;
	s8 =	simm.s32 @!p0 $0x1BF5;
	p2 =	por !p2, p0  }
0x20: {  	[sflag:s8] =	ssyncset.s32 @!p0 $0xFFFFF086;
	s6 =	sadd.s32 @!p0 s3, s7;
	s7 =	simm.s32 @!p0 $0x108  }
0x21: {  	s3 =	sadd.s32 s3, s9;
	s6 =	sadd.s32 @!p0 $0x88, s6;
	s7 =	simm.s32 @p2 $0x1082  }
0x22: {  	[simem:s7], [sflag:s8] =	dma.local @!p0 [hbm:s6], $0xF7A  }
0x23: {  	s9 =	sor.u32 $0xD0000000, s2;
	s6 =	simm.s32 $0x108;
	_ =	swait.ge @!p0 [sflag:s8], $0x0  }
0x24: {  	s3 =	sadd.s32 $0x88, s3;
	s6 =	simm.s32 @!p1 $0x1082;
	[sflag:s4] =	ssyncset.s32 $0xFFFFF086  }
0x25: {  	[simem:s6], [sflag:s4] =	dma.local [hbm:s3], $0xF7A  }
0x26: {  	[smem:$0x3F9F] =	sst s1;
	(tag) =	ssettag s2;
	_ =	strace s9  }
0x27: {  	s1 =	sld [smem:$0x3FAF]  }
0x28: {  	s2 =	sld [smem:$0x3FB0]  }
0x29: {  	s4 =	sld [smem:$0x3FB2]  }
0x2a: {  	p0 =	seq.s32 s5, $0x0;
	s5 =	sld [smem:$0x3FB3]  }
0x2b: {  	s6 =	sld [smem:$0x3FB4]  }
0x2c: {  	s7 =	sld [smem:$0x3FB5]  }
0x2d: {  	s3 =	simm.s32 $0x108;
	s8 =	sld [smem:$0x3FB6]  }
0x2e: {  	s3 =	simm.s32 @!p0 $0x1082;
	s9 =	sld [smem:$0x3FB7]  }
0x2f: {  	lr =	sadd.s32 s0, s3;
	s0 =	sld [smem:$0x3FAE]  }
0x30: {  	s3 =	sld [smem:$0x3FB1]  }
0x31: {  	[smem:$0x3FBA] =	sst s10  }
0x32: {  	s10 =	sld [smem:$0x3FB8];
	_ =	sdelay $0x3  }
0x33: {  	p0 =	seq.s32 s10, $0x1;
	s10 =	sld [smem:$0x3FBA];
	_ =	sdelay $0x3  }
0x34: {  	[smem:$0x3FBA] =	sst s10  }
0x35: {  	s10 =	sld [smem:$0x3FB9];
	_ =	sdelay $0x3  }
0x36: {  	p1 =	seq.s32 s10, $0x1;
	s10 =	sld [smem:$0x3FBA];
	_ =	sdelay $0x3  }
0x37: {  	[smem:$0x3FBA] =	sst s10  }
0x38: {  	s10 =	sld [smem:$0x3FBB]  }
0x39: {  	_ = 	snop;
	(pc) =	sbr.ind lr, $3  }
0x3a: {  	_ = 	snop  }
0x3b: {  	_ = 	snop  }
0x3c: {  	p2 =	seq.s32 s10, $0x1;
	s10 =	sld [smem:$0x3FBA]  }
0x3d: {  	_ =	shalt  }
0x3e: {  	_ =	shalt  }
0x3f: {  	_ =	shalt  }
0x40: {  	_ =	shalt  }
0x41: {  	_ =	shalt  }
0x42: {  	_ =	shalt  }
0x43: {  	_ =	shalt  }
0x44: {  	_ =	shalt  }
0x45: {  	_ =	shalt  }
0x46: {  	_ =	shalt  }
0x47: {  	_ =	shalt  }
0x48: {  	_ =	shalt  }
0x49: {  	_ =	shalt  }
0x4a: {  	_ =	shalt  }
0x4b: {  	_ =	shalt  }
0x4c: {  	_ =	shalt  }
0x4d: {  	_ =	shalt  }
0x4e: {  	_ =	shalt  }
0x4f: {  	_ =	shalt  }
0x50: {  	_ =	shalt  }
0x51: {  	_ =	shalt  }
0x52: {  	_ =	shalt  }
0x53: {  	_ =	shalt  }
0x54: {  	_ =	shalt  }
0x55: {  	_ =	shalt  }
0x56: {  	_ =	shalt  }
0x57: {  	_ =	shalt  }
0x58: {  	_ =	shalt  }
0x59: {  	_ =	shalt  }
0x5a: {  	_ =	shalt  }
0x5b: {  	_ =	shalt  }
0x5c: {  	_ =	shalt  }
0x5d: {  	_ =	shalt  }
0x5e: {  	_ =	shalt  }
0x5f: {  	_ =	shalt  }
0x60: {  	_ =	shalt  }
0x61: {  	_ =	shalt  }
0x62: {  	_ =	shalt  }
0x63: {  	_ =	shalt  }
0x64: {  	_ =	shalt  }
0x65: {  	_ =	shalt  }
0x66: {  	_ =	shalt  }
0x67: {  	_ =	shalt  }
0x68: {  	_ =	shalt  }
0x69: {  	_ =	shalt  }
0x6a: {  	_ =	shalt  }
0x6b: {  	_ =	shalt  }
0x6c: {  	_ =	shalt  }
0x6d: {  	_ =	shalt  }
0x6e: {  	_ =	shalt  }
0x6f: {  	_ =	shalt  }
0x70: {  	_ =	shalt  }
0x71: {  	_ =	shalt  }
0x72: {  	_ =	shalt  }
0x73: {  	_ =	shalt  }
0x74: {  	_ =	shalt  }
0x75: {  	_ =	shalt  }
0x76: {  	_ =	shalt  }
0x77: {  	_ =	shalt  }
0x78: {  	_ =	shalt  }
0x79: {  	_ =	shalt  }
0x7a: {  	_ =	shalt  }
0x7b: {  	_ =	shalt  }
0x7c: {  	_ =	shalt  }
0x7d: {  	_ =	shalt  }
0x7e: {  	_ =	shalt  }
0x7f: {  	_ =	shalt  }
0x80: {  	_ =	shalt  }
0x81: {  	_ =	shalt  }
0x82: {  	_ =	shalt  }
0x83: {  	_ =	shalt  }
0x84: {  	_ =	shalt  }
0x85: {  	_ =	shalt  }
0x86: {  	_ =	shalt  }
0x87: {  	_ =	shalt  }
.Lfunc_end0:
.L_simem_size_0:
called_computation_lowered:
.L_overlay_start_0:
0x88: {  	s2 =	sld [smem:$0x3FD9]  }
0x89: {  	s3 =	sld [smem:$0x3FFE];
	_ =	sdelay $0x1  }
0x8a: {  	s1 =	srdreg.scid  }
0x8b: {  	s0 =	sand.u32 $0x1, s1  }
0x8c: {  	s14 =	sshll.u32 s0, $0xA;
	s2 =	sadd.s32 s3, s2  }
0x8d: {  	s2 =	sadd.s32 s2, s14  }
0x8e: {  	[smem:$0x3FC6] =	sst s2  }
0x8f: {  	_ = 	snop  }
0x90: {  	s2 =	sld [smem:$0x3FD0];
	_ =	sdelay $0x2  }
0x91: {  	s15 =	simm.s32 $0xA;
	s4 =	simm.s32 $0x10  }
0x92: {  	[smem:s4], [sflag:s15] =	dma.local [hbm:s2], $0x1  }
0x93: {  	_ =	swait.eq [sflag:s15], $0x1  }
0x94: {  	s16 =	sld [smem:$0x10]  }
0x95: {  	s17 =	sld [smem:$0x11];
	[sflag:s15] =	ssyncset.done $0x0  }
0x96: {  	s5 =	sld [smem:$0x12];
	[sflag:s15] =	ssyncadd.s32 $0xFFFFFFFF  }
0x97: {  	s18 =	sld [smem:$0x13];
	(tm) =	ssettm $0x1  }
0x98: {  	s6 =	sld [smem:$0x3FFB];
	_ =	sdelay $0x3  }
0x99: {  	_ =	strace s6  }
0x9a: {  	s6 =	sld [smem:$0x3FFC];
	_ =	sdelay $0x3  }
0x9b: {  	_ =	strace s6  }
0x9c: {  	s6 =	sld [smem:$0x3FFD];
	_ =	sdelay $0x3  }
0x9d: {  	_ =	strace s6  }
0x9e: {  	_ =	strace $0x8FFFFFFF  }
0x9f: {  	s19 =	sld [smem:$0x3FDB];
	_ =	sdelay $0x1  }
0xa0: {  	s7 =	simm.s32 $_scs_section_size  }
0xa1: {  	s8 =	simm.s32 $_size__tile_overlayer_lowered;
	s9 =	simm.s32 $_tile_overlayer_lowered  }
0xa2: {  	s22 =	simm.s32 $0x1BFF;
	s21 =	sshll.u32 s9, $0x1;
	s6 =	sadd.s32 s7, s19  }
0xa3: {  	s10 =	simm.s32 $0x0;
	s20 =	sshll.u32 s8, $0x1;
	s8 =	sadd.s32 s21, s6  }
0xa4: {  	[timem:s10], [sflag:s22] =	dma.local [hbm:s8], s20  }
0xa5: {  	_ =	swait.ge [sflag:s22], s20  }
0xa6: {  	s7 =	ssub.s32 $0x0, s20;
	[sflag:s22] =	ssyncset.done $0x0  }
0xa7: {  	[sflag:s22] =	ssyncadd.s32 s7;
	_ =	sdelay $0x1  }
0xa8: {  	s23 =	simm.s32 $0x1B8B  }
0xa9: {  	_ =	swait.ge [sflag:s23], $0x1  }
0xaa: {  	[sflag:s23] =	ssyncset.done $0x0  }
0xab: {  	s25 =	simm.s32 $0x1B8E;
	s24 =	sld [smem:$0x3FFE];
	[sflag:s23] =	ssyncadd.s32 $0xFFFFFFFF  }
0xac: {  	s26 =	simm.s32 $execute0_lowered;
	[smem:$0x3FD2] =	sst s25  }
0xad: {  	s8 =	sshll.u32 s26, $0x1;
	_ =	strace $0x80000046;
	[dreg:$0x1] =	wrdreg $0xFFFFFFFF  }
0xae: {  	s28 =	simm.s32 $_size_execute0_lowered;
	s6 =	sadd.s32 s6, s8;
	[dreg:$0x0] =	wrdreg $0x0  }
0xaf: {  	s8 =	sshll.u32 s28, $0x1;
	[dreg:$0x2] =	wrdreg s6  }
0xb0: {  	[dreg:$0x3] =	wrdreg s8  }
0xb1: {  	[dreg:$0x4] =	wrdreg $0xC0  }
0xb2: {  	_ =	task [dreg:s10], $0x5FFFF  }
0xb3: {  	[dreg:$0x1] =	wrdreg $0xFFFFFFFF  }
0xb4: {  	[dreg:$0x0] =	wrdreg $0x60  }
0xb5: {  	[dreg:$0x2] =	wrdreg s18  }
0xb6: {  	[dreg:$0x3] =	wrdreg s17  }
0xb7: {  	[dreg:$0x4] =	wrdreg s5  }
0xb8: {  	[dreg:$0x5] =	wrdreg s16  }
0xb9: {  	[dreg:$0x6] =	wrdreg s24  }
0xba: {  	[dreg:$0x7] =	wrdreg $0x104000  }
0xbb: {  	[dreg:$0x8] =	wrdreg $0x114000  }
0xbc: {  	[dreg:$0x9] =	wrdreg $0x9  }
0xbd: {  	_ =	task.clear_ibuf [dreg:s10], $0xAFFFF;
	_ =	strace $0x90000046  }
0xbe: {  	s29 =	simm.s32 $0x9;
	_ =	strace $0x80000048  }
0xbf: {  	_ =	swait.ge [sflag:s29], $0x1  }
0xc0: {  	[sflag:s29] =	ssyncadd.s32 $0xFFFFFFFF  }
0xc1: {  	_ =	strace $0x90000048  }
0xc2: {  	_ =	sfence  }
0xc3: {  	s30 =	sld [smem:$0x0];
	_ =	sdelay $0x2  }
0xc4: {  	s31 =	sshll.u32 s1, $0xD;
	s1 =	sshrl.u32 s1, $0x2  }
0xc5: {  	s3 =	sand.u32 $0x4000, s31;
	s1 =	sadd.s32 s1, s30  }
0xc6: {  	s0 =	sor.u32 s3, s0;
	s1 =	sshll.u32 s1, $0x11  }
0xc7: {  	s0 =	sor.u32 s1, s0  }
0xc8: {  	s0 =	sadd.s32 $0x8F2B, s0  }
0xc9: {  	[sflag:s0] =	ssyncadd.remote.s32 $0x1  }
0xca: {  	_ =	sfence.sel $0xFFFF  }
0xcb: {  	[dreg:$0x0] =	wrdreg $0xFFFFFFFF;
	(pc) =	sbr.abs _section_cstart, $3  }
0xcc: {  	[dreg:$0x1] =	wrdreg $0xFFFFFFFF  }
0xcd: {  	_ =	task.clear_ibuf [dreg:s10], $0x2FFFF;
	_ =	strace $0x9FFFFFFF  }
0xce: {  	(tm) =	ssettm $0x7FFFFFFF  }
0xcf: {  	_ =	shalt  }
tec
execute0_lowered:
.L_overlay_start_1:
0x0: {  	(tag) =	ssettag $0x1  }
0x1: {  	s0 =	rddreg [dreg:$0x0]  }
0x2: {  	s4 =	rddreg [dreg:$0x1]  }
0x3: {  	s5 =	rddreg [dreg:$0x2]  }
0x4: {  	s6 =	rddreg [dreg:$0x3]  }
0x5: {  	s7 =	rddreg [dreg:$0x4]  }
0x6: {  	s1 =	rddreg [dreg:$0x5]  }
0x7: {  	s2 =	rddreg [dreg:$0x6]  }
0x8: {  	s3 =	simm.s32 $0x0;
	s8 =	srdreg.scid;
	s13 =	stileid.u32  }
0x9: {  	s29 =	simm.s32 $0x10000;
	s30 =	simm.s32 $0x10100;
	s31 =	simm.s32 $0x80  }
0xa: {  	[smem:$0x7FF] =	sst s3;
	s8 =	sand.u32 $0x1, s8;
	s10 =	sshll.u32 s13, $0x5  }
0xb: {  	s20 =	sshll.u32 s13, $0xC;
	s21 =	sshll.u32 s13, $0x7;
	s15 =	sshll.u32 s13, $0xB  }
0xc: {  	s9 =	sshll.u32 s8, $0x9;
	s8 =	ssub.s32 $0x2, s8;
	s28 =	sadd.s32 s15, s1  }
0xd: {  	_ =	strace $0x80000047;
	s0 =	sadd.s32 s0, s9;
	[dreg:$0x12] =	wrdreg s28  }
0xe: {  	v0 =	vimm.f32 $3.000000010e+38;
	v2 =	vimm.s32 $0x76543210;
	v3 =	vimm.s32 $0xFEDCBA98;
	s10 =	sor.u32 s10, s9;
	s17 =	sadd.s32 s4, s9;
	[dreg:$0x8] =	wrdreg s0  }
0xf: {  	v4 =	vimm.s32 $0xBA98FEDC;
	v5 =	vimm.s32 $0x32107654;
	v6 =	vimm.s32 $0xDCFE98BA;
	s11 =	sshrl.u32 s8, $0x1;
	s18 =	sadd.s32 s5, s9;
	[dreg:$0x9] =	wrdreg s17  }
0x10: {  	v7 =	vimm.s32 $0x54761032;
	v8 =	vimm.s32 $0xEFCDAB89;
	v9 =	vimm.s32 $0x67452301;
	s12 =	sadd.s32 s9, s7;
	s19 =	sadd.s32 s6, s9;
	[dreg:$0xa] =	wrdreg s18  }
0x11: {  	v2 =	vunpack.c.l.s4.s8 v2;
	v3 =	vunpack.c.l.s4.s8 v3;
	v4 =	vunpack.c.l.s4.s8 v4;
	s7 =	sadd.s32 s10, s7;
	s8 =	ssub.s32 s8, s11;
	[dreg:$0xb] =	wrdreg s19  }
0x12: {  	v5 =	vunpack.c.l.s4.s8 v5;
	v6 =	vunpack.c.l.s4.s8 v6;
	v7 =	vunpack.c.l.s4.s8 v7;
	s22 =	sadd.s32 $0x1200, s12;
	s23 =	sadd.s32 $0xE00, s12;
	s0 =	sor.u32 s21, s20  }
0x13: {  	v8 =	vunpack.c.l.s4.s8 v8;
	v9 =	vunpack.c.l.s4.s8 v9;
	v4 =	vunpack.c.0.s8.s32 v4;
	s11 =	sshll.u32 s13, $0x8;
	s18 =	sadd.s32 s15, s2;
	[dreg:$0xc] =	wrdreg s22  }
0x14: {  	v5 =	vunpack.c.0.s8.s32 v5;
	v6 =	vunpack.c.0.s8.s32 v6;
	v7 =	vunpack.c.0.s8.s32 v7;
	[dreg:$0xd] =	wrdreg s23;
	s24 =	sadd.s32 $0x1600, s7;
	s0 =	sand.u32 $0x8380, s0  }
0x15: {  	v3 =	vunpack.c.0.s8.s32 v3;
	v8 =	vunpack.c.0.s8.s32 v8;
	v9 =	vunpack.c.0.s8.s32 v9;
	s25 =	sadd.s32 $0x1E00, s7;
	s19 =	sadd.s32 $0x1A00, s7;
	s20 =	sadd.s32 $0x2200, s7  }
0x16: {  	v1 =	vimm.s32 $0x0;
	v2 =	vunpack.c.0.s8.s32 v2;
	v4 =	vcombine.low v5, v4;
	s21 =	smax.u32 s8, $0x1;
	s22 =	simm.s32 $0x1;
	[dreg:$0xe] =	wrdreg s24  }
0x17: {  	v7 =	vcombine.low v7, v6;
	v3 =	vand.u32 $0xF, v3;
	v8 =	vcombine.low v9, v8;
	[dreg:$0xf] =	wrdreg s25;
	s26 =	sadd.s32 s0, s1;
	s0 =	sadd.s32 s0, s2  }
0x18: {  	v59 =	vlaneseq.u32;
	v5 =	vcombine.low v3, v2;
	v2 =	vmov s11;
	s24 =	simm.s32 $0x10200;
	s25 =	simm.s32 $0x10300;
	[dreg:$0x10] =	wrdreg s26  }
0x19: {  	[dreg:$0x11] =	wrdreg s0;
	v6 =	vand.u32 $0xF, v4;
	v7 =	vand.u32 $0xF, v7;
	v8 =	vand.u32 $0xF, v8;
	s0 =	simm.s32 $0x400;
	[tilespmem:$0x1FFF0] =	vst v2;
	s26 =	simm.s32 $0x0  }
.LBB2_1:
0x1a: {  	s4 =	rddreg [dreg:$0x8]  }
0x1b: {  	[tilespmem:s3], [sflag:$0x1] =	stream.linear.gather [hbm4b:s4+s3], $0x1000, $0x38;
	[tilespmem:$0x12400] =	vst v63  }
0x1c: {  	_ =	swait.ge [sflag:s22], $0x1000  }
0x1d: {  	[sflag:s22] =	ssyncset.done $0x0  }
0x1e: {  	s5 =	simm.s32 $0x1000;
	s9 =	rddreg [dreg:$0x9];
	[sflag:s22] =	ssyncadd.s32 $0xFFFFF000  }
0x1f: {  	[tilespmem:s5], [sflag:$0x1] =	stream.linear.gather [hbm4b:s9+s3], $0x1000, $0x38;
	[tilespmem:$0x12400] =	vst v63  }
0x20: {  	_ =	swait.ge [sflag:s22], $0x1000  }
0x21: {  	[sflag:s22] =	ssyncset.done $0x0  }
0x22: {  	s12 =	simm.s32 $0x2000;
	s10 =	rddreg [dreg:$0xa];
	[sflag:s22] =	ssyncadd.s32 $0xFFFFF000  }
0x23: {  	[tilespmem:s12], [sflag:$0x1] =	stream.linear.gather [hbm4b:s10+s3], $0x1000, $0x38;
	[tilespmem:$0x12400] =	vst v63  }
0x24: {  	_ =	swait.ge [sflag:s22], $0x1000  }
0x25: {  	[sflag:s22] =	ssyncset.done $0x0  }
0x26: {  	s14 =	simm.s32 $0x3000;
	s13 =	rddreg [dreg:$0xb];
	[sflag:s22] =	ssyncadd.s32 $0xFFFFF000  }
0x27: {  	[tilespmem:s14], [sflag:$0x1] =	stream.linear.gather [hbm4b:s13+s3], $0x1000, $0x38;
	[tilespmem:$0x12400] =	vst v63  }
0x28: {  	_ =	swait.ge [sflag:s22], $0x1000  }
0x29: {  	[sflag:s22] =	ssyncset.done $0x0  }
0x2a: {  	s17 =	simm.s32 $0x4000;
	s16 =	rddreg [dreg:$0xc];
	[sflag:s22] =	ssyncadd.s32 $0xFFFFF000  }
0x2b: {  	[tilespmem:s17], [sflag:$0x1] =	stream.linear.gather [hbm4b:s16+s3], $0x1000, $0x38;
	[tilespmem:$0x12400] =	vst v63  }
0x2c: {  	_ =	swait.ge [sflag:s22], $0x1000  }
0x2d: {  	[sflag:s22] =	ssyncset.done $0x0  }
0x2e: {  	s28 =	simm.s32 $0x5000;
	s23 =	rddreg [dreg:$0xd];
	[sflag:s22] =	ssyncadd.s32 $0xFFFFF000  }
0x2f: {  	[tilespmem:s28], [sflag:$0x1] =	stream.linear.gather [hbm4b:s23+s3], $0x1000, $0x38;
	[tilespmem:$0x12400] =	vst v63  }
0x30: {  	_ =	swait.ge [sflag:s22], $0x1000  }
0x31: {  	[sflag:s22] =	ssyncset.done $0x0  }
0x32: {  	s5 =	simm.s32 $0x0;
	[sflag:s22] =	ssyncadd.s32 $0xFFFFF000  }
0x33: {  	v2 =	vld [tilespmem:s5+$0x0]  }
0x34: {  	v3 =	vld [tilespmem:s5+$0x1000]  }
0x35: {  	v10 =	vld [tilespmem:s5+$0x2000];
	_ =	sdelay $0x3  }
0x36: {  	s4 =	simm.s32 $0x10;
	v9 =	vmul.f32 v2, v2;
	v11 =	vmul.f32 v3, v3;
	v12 =	vshrl.u32 v2, $0x10  }
0x37: {  	v4 =	vld [tilespmem:s4+$0x0];
	v13 =	vshrl.u32 v3, $0x10;
	v14 =	vmul.f32 v10, v10;
	v15 =	vshrl.u32 v10, $0x10  }
0x38: {  	v12 =	vand.u32 $0x1, v12;
	v13 =	vand.u32 $0x1, v13;
	v11 =	vadd.f32 v11, v9;
	v9 =	vld [tilespmem:s4+$0x1000]  }
0x39: {  	v2 =	vadd.s32 v12, v2;
	v12 =	vadd.s32 v13, v3;
	v13 =	vand.u32 $0x1, v15  }
0x3a: {  	v3 =	vld [tilespmem:s4+$0x2000];
	v2 =	vadd.s32 $0x7FFF, v2;
	v10 =	vadd.s32 v13, v10  }
0x3b: {  	v12 =	vadd.s32 $0x7FFF, v12;
	v11 =	vadd.f32 v14, v11;
	v2 =	vand.u32 $0xFFFF0000, v2  }
0x3c: {  	v10 =	vadd.s32 $0x7FFF, v10;
	v14 =	vshrl.u32 v4, $0x10;
	v15 =	vand.u32 $0xFFFF0000, v12;
	[tilespmem:s5+$0x6000] =	vst v2  }
0x3d: {  	s6 =	simm.s32 $0x20;
	[tilespmem:s5+$0xC000] =	vst v11;
	v11 =	vmul.f32 v4, v4;
	v12 =	vshrl.u32 v9, $0x10;
	v13 =	vmul.f32 v9, v9  }
0x3e: {  	s7 =	simm.s32 $0xC0;
	v10 =	vand.u32 $0xFFFF0000, v10;
	v14 =	vand.u32 $0x1, v14;
	v2 =	vld [tilespmem:s6+$0x0];
	[tilespmem:s5+$0x7000] =	vst v15;
	v12 =	vand.u32 $0x1, v12  }
.LBB2_2:
0x3f: {  	p0 =	sne.s32 s7, $0x3FC0;
	v15 =	vld [tilespmem:s6+$0x1000];
	v16 =	vshrl.u32 v3, $0x10;
	v11 =	vadd.f32 v13, v11;
	v13 =	vmul.f32 v3, v3;
	[tilespmem:s5+$0x8000] =	vst v10;
	s5 =	smov.u32 s4;
	s4 =	smov.u32 s6  }
0x40: {  	v4 =	vadd.s32 v14, v4;
	v9 =	vadd.s32 v12, v9;
	v10 =	vand.u32 $0x1, v16  }
.Ltmp0:
0x41: {  	v17 =	vadd.s32 $0x7FFF, v4;
	v10 =	vadd.s32 v10, v3;
	v3 =	vld [tilespmem:s4+$0x2000];
	v11 =	vadd.f32 v13, v11;
	(pc) =	sbr.rel @p0 .LBB2_2-.Ltmp0, $4  }
0x42: {  	v12 =	vand.u32 $0xFFFF0000, v17;
	v13 =	vadd.s32 $0x7FFF, v9;
	v18 =	vadd.s32 $0x7FFF, v10  }
0x43: {  	v16 =	vand.u32 $0xFFFF0000, v13;
	v14 =	vshrl.u32 v2, $0x10;
	v10 =	vand.u32 $0xFFFF0000, v18;
	[tilespmem:s5+$0xC000] =	vst v11;
	v4 =	vmovc v2  }
0x44: {  	s6 =	sshra.s32 s7, $0x2;
	v17 =	vshrl.u32 v15, $0x10;
	v11 =	vmul.f32 v2, v4;
	v13 =	vmul.f32 v15, v15;
	[tilespmem:s5+$0x6000] =	vst v12;
	v9 =	vmovc v15  }
0x45: {  	s7 =	sadd.s32 $0x40, s7;
	v14 =	vand.u32 $0x1, v14;
	v2 =	vld [tilespmem:s6+$0x0];
	v12 =	vand.u32 $0x1, v17;
	[tilespmem:s5+$0x7000] =	vst v16  }
0x46: {  	v15 =	vld [tilespmem:s6+$0x1000];
	v16 =	vshrl.u32 v3, $0x10;
	[tilespmem:s5+$0x8000] =	vst v10;
	v10 =	vadd.f32 v13, v11  }
0x47: {  	v11 =	vmul.f32 v3, v3;
	v4 =	vadd.s32 v14, v4;
	v9 =	vadd.s32 v12, v9;
	v58 =	vld [tilespmem:s6+$0x2000]  }
0x48: {  	v60 =	vand.u32 $0x1, v16;
	v4 =	vadd.s32 $0x7FFF, v4;
	v9 =	vadd.s32 $0x7FFF, v9  }
0x49: {  	v3 =	vadd.s32 v60, v3;
	v10 =	vadd.f32 v11, v10;
	v4 =	vand.u32 $0xFFFF0000, v4  }
0x4a: {  	v9 =	vand.u32 $0xFFFF0000, v9;
	v3 =	vadd.s32 $0x7FFF, v3;
	v11 =	vmul.f32 v2, v2  }
0x4b: {  	[tilespmem:s4+$0x6000] =	vst v4;
	v62 =	vshrl.u32 v2, $0x10;
	v3 =	vand.u32 $0xFFFF0000, v3;
	v61 =	vmul.f32 v15, v15  }
0x4c: {  	[tilespmem:s4+$0xC000] =	vst v10;
	v10 =	vshrl.u32 v15, $0x10;
	v4 =	vand.u32 $0x1, v62;
	v63 =	vmul.f32 v58, v58  }
0x4d: {  	[tilespmem:s4+$0x7000] =	vst v9;
	v10 =	vand.u32 $0x1, v10;
	v2 =	vadd.s32 v4, v2;
	v11 =	vadd.f32 v61, v11  }
0x4e: {  	[tilespmem:s4+$0x8000] =	vst v3;
	v9 =	vshrl.u32 v58, $0x10;
	v3 =	vadd.s32 v10, v15;
	v2 =	vadd.s32 $0x7FFF, v2  }
0x4f: {  	p0 =	por $0x1, $0x1;
	v9 =	vand.u32 $0x1, v9;
	v2 =	vand.u32 $0xFFFF0000, v2;
	v4 =	vadd.f32 v63, v11  }
.Ltmp1:
0x50: {  	v9 =	vadd.s32 v9, v58;
	v3 =	vadd.s32 $0x7FFF, v3;
	[tilespmem:s6+$0x6000] =	vst v2;
	(pc) =	sbr.rel @!p0 .LBB2_4-.Ltmp1, $4  }
0x51: {  	v3 =	vand.u32 $0xFFFF0000, v3;
	[tilespmem:s6+$0xC000] =	vst v4;
	v4 =	vadd.s32 $0x7FFF, v9  }
0x52: {  	[tilespmem:s6+$0x7000] =	vst v3;
	v2 =	vand.u32 $0xFFFF0000, v4  }
0x53: {  	s5 =	simm.s32 $0x0;
	[tilespmem:s6+$0x8000] =	vst v2  }
0x54: {  	p1 =	por $0x0, $0x0;
	p2 =	por $0x0, $0x0;
	s4 =	simm.s32 $0x40;
	v2 =	vld [tilespmem:s5+$0x3000]  }
0x55: {  	v4 =	vld [tilespmem:s5+$0x4000]  }
0x56: {  	p3 =	por $0x1, $0x1  }
.Ltmp2:
0x57: {  	s7 =	simm.s32 $0x10;
	(pc) =	sbr.rel @!p3 .LBB2_6-.Ltmp2, $3  }
0x58: {  	v3 =	vld [tilespmem:s7+$0x3000];
	_ =	sdelay $0x1  }
0x59: {  	v10 =	vshrl.u32 v2, $0x10;
	v9 =	vmul.f32 v2, v2;
	v11 =	vshrl.u32 v4, $0x10  }
0x5a: {  	v13 =	vld [tilespmem:s5+$0x5000];
	p1 =	por $0x1, $0x1;
	v12 =	vmul.f32 v4, v4;
	v16 =	vand.u32 $0x1, v10;
	v14 =	vand.u32 $0x1, v11  }
0x5b: {  	_ =	sdelay $0x1  }
0x5c: {  	v15 =	vld [tilespmem:s7+$0x4000]  }
0x5d: {  	v2 =	vadd.s32 v16, v2  }
0x5e: {  	v9 =	vadd.f32 v12, v9;
	v2 =	vadd.s32 $0x7FFF, v2;
	v10 =	vmul.f32 v13, v13  }
0x5f: {  	p3 =	por $0x1, $0x1;
	v2 =	vand.u32 $0xFFFF0000, v2;
	v11 =	vshrl.u32 v13, $0x10  }
.Ltmp3:
0x60: {  	v11 =	vand.u32 $0x1, v11;
	v9 =	vadd.f32 v10, v9;
	v10 =	vadd.s32 v14, v4;
	v4 =	vld [tilespmem:s7+$0x5000];
	(pc) =	sbr.rel @!p3 .LBB2_8-.Ltmp3, $4  }
0x61: {  	v12 =	vmul.f32 v15, v15;
	v11 =	vadd.s32 v11, v13;
	v13 =	vshrl.u32 v3, $0x10  }
0x62: {  	v14 =	vshrl.u32 v15, $0x10;
	v10 =	vadd.s32 $0x7FFF, v10;
	[tilespmem:s5+$0xD000] =	vst v9;
	v9 =	vadd.s32 $0x7FFF, v11  }
0x63: {  	s6 =	simm.s32 $0x20;
	[tilespmem:s5+$0x9000] =	vst v2;
	v10 =	vand.u32 $0xFFFF0000, v10;
	v11 =	vand.u32 $0xFFFF0000, v9;
	v9 =	vmul.f32 v3, v3  }
0x64: {  	s8 =	simm.s32 $0xC0;
	p2 =	por $0x1, $0x1;
	v16 =	vand.u32 $0x1, v13;
	v14 =	vand.u32 $0x1, v14;
	v2 =	vld [tilespmem:s6+$0x3000];
	[tilespmem:s5+$0xA000] =	vst v10  }
.LBB2_9:
0x65: {  	p3 =	sne.s32 s8, $0x3FC0;
	v10 =	vld [tilespmem:s6+$0x4000];
	v13 =	vshrl.u32 v4, $0x10;
	v9 =	vadd.f32 v12, v9;
	v12 =	vmul.f32 v4, v4;
	[tilespmem:s5+$0xB000] =	vst v11;
	s5 =	smov.u32 s7;
	s7 =	smov.u32 s6  }
0x66: {  	v3 =	vadd.s32 v16, v3;
	v11 =	vadd.s32 v14, v15;
	v13 =	vand.u32 $0x1, v13  }
.Ltmp4:
0x67: {  	v15 =	vadd.s32 $0x7FFF, v3;
	v13 =	vadd.s32 v13, v4;
	v4 =	vld [tilespmem:s7+$0x5000];
	v9 =	vadd.f32 v12, v9;
	(pc) =	sbr.rel @p3 .LBB2_9-.Ltmp4, $4  }
0x68: {  	v14 =	vand.u32 $0xFFFF0000, v15;
	v12 =	vadd.s32 $0x7FFF, v11;
	v11 =	vadd.s32 $0x7FFF, v13  }
0x69: {  	v17 =	vand.u32 $0xFFFF0000, v12;
	v13 =	vshrl.u32 v2, $0x10;
	v11 =	vand.u32 $0xFFFF0000, v11;
	[tilespmem:s5+$0xD000] =	vst v9;
	v3 =	vmovc v2  }
0x6a: {  	s6 =	sshra.s32 s8, $0x2;
	v18 =	vshrl.u32 v10, $0x10;
	v9 =	vmul.f32 v2, v3;
	v12 =	vmul.f32 v10, v10;
	[tilespmem:s5+$0x9000] =	vst v14;
	v15 =	vmovc v10  }
0x6b: {  	s8 =	sadd.s32 $0x40, s8;
	v16 =	vand.u32 $0x1, v13;
	v2 =	vld [tilespmem:s6+$0x3000];
	v14 =	vand.u32 $0x1, v18;
	[tilespmem:s5+$0xA000] =	vst v17  }
0x6c: {  	s8 =	smov.u32 s5;
	v13 =	vmov v4;
	s5 =	smov.u32 s7;
	v10 =	vmov v3;
	v4 =	vmov v15  }
.LBB2_11:
0x6d: {  	v3 =	vld [tilespmem:s6+$0x4000];
	v15 =	vshrl.u32 @p1 v13, $0x10;
	v9 =	vadd.f32 @p1 v12, v9;
	[tilespmem:s8+$0xB000] =	vst @p2 v11;
	v11 =	vmul.f32 @p1 v13, v13  }
0x6e: {  	v10 =	vadd.s32 @p1 v16, v10;
	v4 =	vadd.s32 @p1 v14, v4;
	v12 =	vand.u32 @p1 $0x1, v15  }
0x6f: {  	v58 =	vld [tilespmem:s6+$0x5000];
	v10 =	vadd.s32 @p1 $0x7FFF, v10;
	v4 =	vadd.s32 @p1 $0x7FFF, v4;
	v12 =	vadd.s32 @p1 v12, v13  }
0x70: {  	v9 =	vadd.f32 @p1 v11, v9;
	v10 =	vand.u32 @p1 $0xFFFF0000, v10;
	v4 =	vand.u32 @p1 $0xFFFF0000, v4  }
0x71: {  	v11 =	vadd.s32 @p1 $0x7FFF, v12;
	v60 =	vmul.f32 v2, v2;
	v62 =	vshrl.u32 v2, $0x10  }
0x72: {  	[tilespmem:s5+$0x9000] =	vst @p1 v10;
	v11 =	vand.u32 @p1 $0xFFFF0000, v11;
	v10 =	vand.u32 $0x1, v62;
	v61 =	vmul.f32 v3, v3  }
0x73: {  	[tilespmem:s5+$0xD000] =	vst @p1 v9;
	v9 =	vshrl.u32 v3, $0x10;
	v11 =	vpsel p1, v11, v0;
	v2 =	vadd.s32 v10, v2  }
0x74: {  	[tilespmem:s5+$0xA000] =	vst @p1 v4;
	v63 =	vmul.f32 v58, v58;
	v9 =	vand.u32 $0x1, v9;
	v4 =	vshrl.u32 v58, $0x10  }
0x75: {  	s5 =	smov.u32 @p1 s5;
	v2 =	vadd.s32 $0x7FFF, v2;
	v12 =	vadd.f32 v61, v60;
	v3 =	vadd.s32 v9, v3  }
.Ltmp5:
0x76: {  	[tilespmem:s5+$0xB000] =	vst @p1 v11;
	v4 =	vand.u32 $0x1, v4;
	v2 =	vand.u32 $0xFFFF0000, v2;
	v3 =	vadd.s32 $0x7FFF, v3;
	(pc) =	sbr.rel @!p0 .LBB2_13-.Ltmp5, $4  }
0x77: {  	v4 =	vadd.s32 v4, v58;
	[tilespmem:s6+$0x9000] =	vst v2;
	v10 =	vadd.f32 v63, v12;
	v3 =	vand.u32 $0xFFFF0000, v3  }
0x78: {  	v4 =	vadd.s32 $0x7FFF, v4;
	[tilespmem:s6+$0xA000] =	vst v3  }
0x79: {  	v2 =	vand.u32 $0xFFFF0000, v4;
	[tilespmem:s6+$0xD000] =	vst v10  }
0x7a: {  	s5 =	simm.s32 $0x0;
	[tilespmem:s6+$0xB000] =	vst v2  }
.LBB2_12:
0x7b: {  	p0 =	sne.s32 s4, $0x3FC0;
	[tilespmem:s5+$0xE000] =	vst v0;
	s6 =	smov.u32 s4;
	s4 =	sadd.s32 $0x40, s4  }
.Ltmp6:
0x7c: {  	[tilespmem:s5+$0xF000] =	vst v1;
	(pc) =	sbr.rel @p0 .LBB2_12-.Ltmp6, $2  }
0x7d: {  	_ =	sdelay $0x2  }
0x7e: {  	s5 =	sshra.s32 s6, $0x2  }
.LBB2_13:
0x7f: {  	[tilespmem:s5+$0xE000] =	vst v0  }
0x80: {  	s28 =	simm.s32 $0x0;
	[tilespmem:s5+$0xF000] =	vst v1  }
.LBB2_14:
0x81: {  	v9 =	vld [tilespmem:$0x1FFF0];
	_ =	sdelay $0x6  }
0x82: {  	s4 =	sshll.u32 s28, $0x4  }
0x83: {  	v2 =	vld.idx.msk [tilespmem:v9+s4+$0x0 ss:$0x1], $0xffff  }
0x84: {  	v3 =	vld.idx.msk [tilespmem:v9+s4+$0x1000 ss:$0x1], $0xffff  }
0x85: {  	v25 =	vld.idx.msk [tilespmem:v9+s4+$0x7000 ss:$0x1], $0xffff  }
0x86: {  	v24 =	vld.idx.msk [tilespmem:v9+s4+$0x8000 ss:$0x1], $0xffff  }
0x87: {  	v4 =	vld.idx.msk [tilespmem:v9+s4+$0x2000 ss:$0x1], $0xffff  }
0x88: {  	v26 =	vld.idx.msk [tilespmem:v9+s4+$0x6000 ss:$0x1], $0xffff  }
0x89: {  	v27 =	vimm.s32 $0x0;
	v16 =	vimm.s32 $0x1;
	v2 =	vmul.f32 v2, v2  }
0x8a: {  	v17 =	vimm.s32 $0x2;
	s7 =	simm.s32 $0xA000;
	v3 =	vmul.f32 v3, v3;
	v9 =	vperm.xlane v25, v27  }
0x8b: {  	v18 =	vimm.s32 $0x3;
	s9 =	simm.s32 $0xB000;
	v19 =	vld [tilespmem:s7+$0x0];
	v10 =	vperm.xlane v25, v16;
	v11 =	vperm.xlane v24, v27  }
0x8c: {  	v34 =	vld [tilespmem:s9+$0x0];
	v12 =	vperm.xlane v24, v16;
	v13 =	vperm.xlane v24, v17;
	v2 =	vadd.f32 v3, v2  }
0x8d: {  	v3 =	vmul.f32 v4, v4;
	v4 =	vperm.xlane v26, v27;
	v30 =	vadd.f32 v10, v10  }
0x8e: {  	s8 =	simm.s32 $0x9000;
	v10 =	vperm.xlane v25, v18;
	v11 =	vadd.f32 v11, v11;
	v12 =	vadd.f32 v12, v12  }
0x8f: {  	v22 =	vld [tilespmem:s8+$0x0];
	v13 =	vadd.f32 v13, v13;
	v23 =	vadd.f32 v3, v2;
	v2 =	vperm.xlane v26, v16  }
0x90: {  	v3 =	vperm.xlane v26, v17;
	v28 =	vadd.f32 v4, v4;
	v4 =	vperm.xlane v26, v18  }
0x91: {  	v20 =	vimm.f32 $3.000000010e+38;
	v37 =	vmul.f32 v19, v30;
	v55 =	vmul.f32 v34, v11  }
0x92: {  	v56 =	vmul.f32 v34, v12;
	v43 =	vmul.f32 v34, v13;
	v2 =	vadd.f32 v2, v2  }
0x93: {  	v29 =	vadd.f32 v4, v4;
	v4 =	vadd.f32 v9, v9;
	v9 =	vperm.xlane v25, v17  }
0x94: {  	s23 =	sadd.s32 s11, s4;
	v3 =	vadd.f32 v3, v3;
	v14 =	vperm.xlane v23, v27;
	v36 =	vmul.f32 v22, v28  }
0x95: {  	s5 =	sor.u32 $0x1, s23;
	v31 =	vadd.f32 v9, v9;
	v9 =	vadd.f32 v10, v10;
	v10 =	vperm.xlane v24, v18  }
0x96: {  	s6 =	simm.s32 $0xD000;
	v21 =	vmov s5;
	v35 =	vmul.f32 v19, v4;
	v38 =	vmul.f32 v22, v2  }
0x97: {  	v41 =	vmul.f32 v22, v3;
	v15 =	vadd.f32 v10, v10;
	v10 =	vld [tilespmem:s6+$0x0];
	v40 =	vmul.f32 v19, v31  }
0x98: {  	v16 =	vperm.xlane v23, v16;
	v35 =	vadd.f32 v35, v36;
	v37 =	vadd.f32 v37, v38  }
0x99: {  	v22 =	vmul.f32 v22, v29;
	v19 =	vmul.f32 v19, v9;
	v60 =	vadd.f32 v40, v41  }
0x9a: {  	v17 =	vperm.xlane v23, v17;
	v35 =	vadd.f32 v55, v35;
	v37 =	vadd.f32 v56, v37  }
0x9b: {  	s5 =	simm.s32 $0xE000;
	v18 =	vperm.xlane v23, v18;
	v19 =	vadd.f32 v19, v22;
	v36 =	vadd.f32 v43, v60  }
0x9c: {  	v42 =	vld [tilespmem:s5+$0x0];
	v22 =	vmul.f32 v34, v15;
	v57 =	vadd.f32 v10, v14;
	v58 =	vadd.f32 v10, v16  }
0x9d: {  	s10 =	sor.u32 $0x2, s23;
	v32 =	vmov s23;
	v61 =	vadd.f32 v10, v18;
	v10 =	vadd.f32 v10, v17  }
0x9e: {  	s17 =	sor.u32 $0x3, s23;
	v33 =	vmov s10;
	s6 =	simm.s32 $0xF000;
	v19 =	vadd.f32 v22, v19;
	v35 =	vsub.f32 v57, v35  }
0x9f: {  	v39 =	vmov s17;
	v38 =	vimm.f32 $3.000000010e+38;
	v62 =	vld [tilespmem:s6+$0x0];
	v10 =	vsub.f32 v10, v36  }
0xa0: {  	v37 =	vsub.f32 v58, v37;
	v19 =	vsub.f32 v61, v19;
	v35 =	vmax.f32 v35, $0.0e+00  }
0xa1: {  	v36 =	vimm.s32 $0x0;
	v10 =	vmax.f32 v10, $0.0e+00;
	vm0 =	vlt.f32 v35, v42  }
0xa2: {  	v40 =	vmax.f32 v19, $0.0e+00;
	v63 =	vsel vm0, v35, v42;
	v42 =	vmax.f32 v37, $0.0e+00  }
0xa3: {  	vm2 =	vlt.f32 v35, v20;
	vm3 =	vlt.f32 v10, v20;
	vm1 =	vlt.f32 v42, v63  }
0xa4: {  	v22 =	vsel vm0, v32, v62;
	v37 =	vsel vm2, v35, v20;
	v34 =	vsel vm1, v42, v63  }
0xa5: {  	v19 =	vsel vm3, v10, v20;
	v35 =	vimm.s32 $0x0;
	vm0 =	vlt.f32 v10, v34  }
0xa6: {  	s12 =	simm.s32 $0x1;
	s13 =	simm.s32 $0xD010;
	v22 =	vsel vm1, v21, v22;
	vm1 =	vlt.f32 v40, v20;
	v41 =	vsel vm0, v10, v34  }
0xa7: {  	s14 =	simm.s32 $0xE010;
	s16 =	simm.s32 $0xF010;
	s10 =	simm.s32 $0x0;
	v22 =	vsel vm0, v33, v22;
	v34 =	vimm.s32 $0x0;
	vm0 =	vlt.f32 v40, v41  }
.LBB2_15:
0xa8: {  	v27 =	vsel vm2, s10, v27;
	v36 =	vsel vm3, s10, v36;
	v10 =	vsel vm0, v40, v41;
	s8 =	sadd.s32 $0x10, s8;
	s7 =	sadd.s32 $0x10, s7;
	s9 =	sadd.s32 $0x10, s9  }
0xa9: {  	p0 =	sne.s32 s12, $0xFF;
	vm2 =	vlt.f32 v42, v20;
	v22 =	vsel vm0, v39, v22;
	s17 =	smov.u32 s12;
	s12 =	sadd.s32 $0x1, s12;
	[tilespmem:s5+$0x0] =	vst v10  }
0xaa: {  	v38 =	vsel vm1, v40, v38;
	v34 =	vsel vm1, s10, v34;
	v20 =	vsel vm2, v42, v20;
	s5 =	smov.u32 s14;
	[tilespmem:s6+$0x0] =	vst v22;
	s6 =	smov.u32 s16  }
0xab: {  	v35 =	vsel vm2, s10, v35;
	s10 =	smov.u32 s17;
	v10 =	vld [tilespmem:s7+$0x0]  }
0xac: {  	v22 =	vld [tilespmem:s8+$0x0]  }
0xad: {  	v40 =	vld [tilespmem:s9+$0x0]  }
0xae: {  	v41 =	vld [tilespmem:s13+$0x0];
	_ =	sdelay $0x1  }
0xaf: {  	v42 =	vmul.f32 v10, v4;
	v43 =	vmul.f32 v10, v9  }
0xb0: {  	v45 =	vmul.f32 v10, v30;
	v44 =	vmul.f32 v22, v28  }
0xb1: {  	v10 =	vmul.f32 v10, v31;
	v46 =	vmul.f32 v22, v2  }
0xb2: {  	v47 =	vmul.f32 v22, v3;
	v42 =	vadd.f32 v42, v44;
	v44 =	vmul.f32 v40, v11  }
0xb3: {  	v45 =	vadd.f32 v45, v46;
	v46 =	vmul.f32 v40, v12;
	v48 =	vadd.f32 v41, v18  }
0xb4: {  	v50 =	vmul.f32 v40, v13;
	v49 =	vld [tilespmem:s14+$0x0];
	v42 =	vadd.f32 v44, v42;
	v44 =	vadd.f32 v41, v14  }
0xb5: {  	v22 =	vmul.f32 v22, v29;
	v45 =	vadd.f32 v46, v45;
	v46 =	vadd.f32 v41, v16  }
0xb6: {  	v10 =	vadd.f32 v10, v47;
	v51 =	vld [tilespmem:s16+$0x0];
	v42 =	vsub.f32 v44, v42  }
0xb7: {  	v22 =	vadd.f32 v43, v22;
	v40 =	vmul.f32 v40, v15;
	v44 =	vsub.f32 v46, v45  }
0xb8: {  	v10 =	vadd.f32 v50, v10;
	v41 =	vadd.f32 v41, v17;
	v43 =	vmax.f32 v42, $0.0e+00  }
0xb9: {  	v22 =	vadd.f32 v40, v22;
	vm2 =	vlt.f32 v43, v37;
	vm0 =	vlt.f32 v43, v49  }
0xba: {  	v10 =	vsub.f32 v41, v10;
	v42 =	vmax.f32 v44, $0.0e+00;
	v40 =	vsel vm0, v43, v49  }
.Ltmp7:
0xbb: {  	v44 =	vsub.f32 v48, v22;
	v41 =	vsel vm0, v32, v51;
	vm0 =	vlt.f32 v42, v40;
	(pc) =	sbr.rel @p0 .LBB2_15-.Ltmp7, $4  }
0xbc: {  	v10 =	vmax.f32 v10, $0.0e+00;
	v22 =	vsel vm0, v42, v40;
	v40 =	vsel vm0, v21, v41  }
0xbd: {  	vm3 =	vlt.f32 v10, v19;
	v37 =	vsel vm2, v43, v37;
	vm0 =	vlt.f32 v10, v22  }
0xbe: {  	v41 =	vsel vm0, v10, v22;
	v22 =	vsel vm0, v33, v40;
	v40 =	vmax.f32 v44, $0.0e+00  }
0xbf: {  	s13 =	sadd.s32 $0x10, s13;
	s14 =	sadd.s32 $0x10, s14;
	s16 =	sadd.s32 $0x10, s16;
	v19 =	vsel vm3, v10, v19;
	vm1 =	vlt.f32 v40, v38;
	vm0 =	vlt.f32 v40, v41  }
0xc0: {  	v2 =	vperm.xlane v37, v5;
	_ =	sdelay $0x1  }
0xc1: {  	v2 =	vmin.f32 v37, v2  }
0xc2: {  	v3 =	vperm.xlane v2, v6;
	_ =	sdelay $0x1  }
0xc3: {  	v2 =	vmin.f32 v2, v3  }
0xc4: {  	v3 =	vperm.xlane v2, v7;
	_ =	sdelay $0x1  }
0xc5: {  	v2 =	vmin.f32 v2, v3  }
0xc6: {  	v3 =	vperm.xlane v2, v8  }
0xc7: {  	v4 =	vsel vm2, s10, v27;
	vm2 =	vlt.f32 v42, v20  }
0xc8: {  	v9 =	vsel vm2, v42, v20;
	v3 =	vmin.f32 v2, v3  }
0xc9: {  	[tilespmem:$0x1FF30] =	vst v3;
	vm4 =	veq.f32 v37, v3;
	v3 =	vperm.xlane v9, v5  }
0xca: {  	v10 =	vsel vm1, v40, v38;
	v2 =	vshll.u32 v4, $0x4  }
0xcb: {  	v12 =	vperm.xlane v19, v5;
	v2 =	vor.u32 v59, v2;
	v3 =	vmin.f32 v9, v3  }
0xcc: {  	v13 =	vperm.xlane v10, v5;
	v2 =	vnsel vm4, $0x40000000, v2;
	v11 =	vperm.xlane v3, v6  }
0xcd: {  	v4 =	vperm.xlane v2, v5  }
0xce: {  	v13 =	vmin.f32 v10, v13;
	v3 =	vmin.f32 v3, v11;
	v11 =	vmin.f32 v19, v12  }
0xcf: {  	vm4 =	vlt.s32 v2, v4;
	v12 =	vperm.xlane v3, v7;
	v14 =	vperm.xlane v11, v6  }
0xd0: {  	v15 =	vsel vm3, s10, v36;
	v2 =	vsel vm4, v2, v4;
	v4 =	vperm.xlane v13, v6  }
0xd1: {  	v16 =	vperm.xlane v2, v6;
	v3 =	vmin.f32 v3, v12;
	v11 =	vmin.f32 v11, v14  }
0xd2: {  	v4 =	vmin.f32 v13, v4;
	v12 =	vperm.xlane v3, v8;
	v14 =	vperm.xlane v11, v7  }
0xd3: {  	v17 =	vsel vm2, s10, v35;
	v13 =	vsel vm1, s10, v34;
	v18 =	vperm.xlane v4, v7  }
0xd4: {  	vm1 =	vlt.s32 v2, v16;
	v20 =	vmin.f32 v3, v12;
	v3 =	vmin.f32 v11, v14  }
0xd5: {  	v4 =	vmin.f32 v4, v18;
	v11 =	vshll.u32 v17, $0x4;
	v12 =	vperm.xlane v3, v8  }
0xd6: {  	v11 =	vor.u32 v59, v11;
	vm2 =	veq.f32 v9, v20;
	v9 =	vperm.xlane v4, v8  }
0xd7: {  	v11 =	vnsel vm2, $0x40000000, v11;
	v12 =	vmin.f32 v3, v12;
	v3 =	vshll.u32 v15, $0x4  }
0xd8: {  	v9 =	vmin.f32 v4, v9;
	v4 =	vshll.u32 v13, $0x4;
	v3 =	vor.u32 v59, v3  }
0xd9: {  	vm2 =	veq.f32 v19, v12;
	[tilespmem:$0x1FF60] =	vst v9;
	vm3 =	veq.f32 v10, v9;
	v9 =	vperm.xlane v11, v5  }
0xda: {  	v2 =	vsel vm1, v2, v16;
	v4 =	vor.u32 v59, v4;
	v3 =	vnsel vm2, $0x40000000, v3  }
0xdb: {  	v4 =	vnsel vm3, $0x40000000, v4;
	v10 =	vperm.xlane v3, v5;
	vm1 =	vlt.s32 v11, v9  }
0xdc: {  	[tilespmem:$0x1FF50] =	vst v12;
	v12 =	vperm.xlane v4, v5;
	v9 =	vsel vm1, v11, v9  }
0xdd: {  	vm1 =	vlt.s32 v3, v10;
	v11 =	vperm.xlane v9, v6  }
0xde: {  	vm2 =	vlt.s32 v4, v12;
	v3 =	vsel vm1, v3, v10  }
0xdf: {  	v4 =	vsel vm2, v4, v12;
	v10 =	vperm.xlane v3, v6;
	vm2 =	vlt.s32 v9, v11  }
0xe0: {  	v13 =	vperm.xlane v2, v7;
	v12 =	vperm.xlane v4, v6;
	v9 =	vsel vm2, v9, v11  }
0xe1: {  	vm2 =	vlt.s32 v3, v10;
	v11 =	vperm.xlane v9, v7  }
0xe2: {  	vm1 =	vlt.s32 v2, v13;
	vm3 =	vlt.s32 v4, v12;
	v3 =	vsel vm2, v3, v10  }
0xe3: {  	v4 =	vsel vm3, v4, v12;
	v12 =	vsel vm1, v2, v13;
	vm1 =	vlt.s32 v9, v11  }
0xe4: {  	v2 =	vperm.xlane v3, v7;
	[tilespmem:$0x1FF70] =	vst v12;
	v12 =	vperm.xlane v12, v8;
	v9 =	vsel vm1, v9, v11  }
0xe5: {  	v10 =	vperm.xlane v4, v7;
	[tilespmem:$0x1FF90] =	vst v9;
	v9 =	vperm.xlane v9, v8  }
0xe6: {  	[tilespmem:$0x1FF80] =	vst v12;
	vm1 =	vlt.s32 v3, v2  }
0xe7: {  	s14 =	sor.u32 $0x4, s23;
	v27 =	vimm.s32 $0x0;
	vm2 =	vlt.s32 v4, v10;
	v3 =	vsel vm1, v3, v2;
	[tilespmem:$0x1FFA0] =	vst v9  }
0xe8: {  	s16 =	sor.u32 $0x5, s23;
	v43 =	vmov s14;
	v2 =	vsel vm2, v4, v10;
	[tilespmem:$0x1FFB0] =	vst v3;
	v3 =	vperm.xlane v3, v8  }
0xe9: {  	v21 =	vmov s16;
	v18 =	vimm.s32 $0x7;
	[tilespmem:$0x1FFD0] =	vst v2;
	v2 =	vperm.xlane v2, v8  }
0xea: {  	v14 =	vimm.s32 $0x4;
	v17 =	vimm.s32 $0x6;
	v15 =	vimm.s32 $0x5;
	[tilespmem:$0x1FFC0] =	vst v3  }
0xeb: {  	v16 =	vperm.xlane v24, v18;
	v4 =	vperm.xlane v26, v15;
	[tilespmem:$0x1FFE0] =	vst v2;
	v2 =	vsel vm0, v40, v41  }
0xec: {  	v11 =	vperm.xlane v26, v18;
	v10 =	vperm.xlane v26, v17;
	v9 =	vsel vm0, v39, v22;
	[tilespmem:s5+$0x0] =	vst v2  }
0xed: {  	s7 =	simm.s32 $0xA000;
	v12 =	vperm.xlane v24, v15;
	v3 =	vperm.xlane v26, v14;
	v40 =	vadd.f32 v4, v4;
	[tilespmem:s6+$0x0] =	vst v9  }
0xee: {  	s8 =	simm.s32 $0x9000;
	s17 =	sor.u32 $0x6, s23;
	[tilespmem:$0x1FF40] =	vst v20;
	v41 =	vadd.f32 v10, v10;
	v4 =	vperm.xlane v25, v15;
	v10 =	vperm.xlane v25, v18;
	v20 =	vld [tilespmem:s7+$0x0]  }
0xef: {  	v28 =	vmov s17;
	v15 =	vperm.xlane v23, v15;
	v9 =	vperm.xlane v25, v17;
	v22 =	vld [tilespmem:s8+$0x0]  }
0xf0: {  	v18 =	vperm.xlane v23, v18;
	v39 =	vadd.f32 v3, v3;
	v3 =	vperm.xlane v25, v14  }
0xf1: {  	s12 =	simm.s32 $0xD000;
	v42 =	vadd.f32 v9, v9;
	v9 =	vadd.f32 v10, v10;
	v10 =	vperm.xlane v24, v17  }
0xf2: {  	s9 =	simm.s32 $0xB000;
	v2 =	vadd.f32 v11, v11;
	v11 =	vperm.xlane v24, v14;
	v29 =	vld [tilespmem:s12+$0x0];
	v3 =	vadd.f32 v3, v3  }
0xf3: {  	v4 =	vadd.f32 v4, v4;
	v14 =	vperm.xlane v23, v14;
	v13 =	vadd.f32 v10, v10;
	v10 =	vld [tilespmem:s9+$0x0]  }
0xf4: {  	v16 =	vadd.f32 v16, v16;
	v30 =	vmul.f32 v20, v3;
	v31 =	vmul.f32 v22, v39  }
0xf5: {  	v12 =	vadd.f32 v12, v12;
	v33 =	vmul.f32 v20, v4;
	v57 =	vmul.f32 v22, v40  }
0xf6: {  	v11 =	vadd.f32 v11, v11;
	v58 =	vmul.f32 v20, v42;
	v61 =	vmul.f32 v22, v41  }
0xf7: {  	v20 =	vmul.f32 v20, v9;
	v62 =	vadd.f32 v29, v15;
	v22 =	vmul.f32 v22, v2  }
0xf8: {  	v30 =	vadd.f32 v30, v31;
	v33 =	vadd.f32 v33, v57;
	v31 =	vmul.f32 v10, v11  }
0xf9: {  	v20 =	vadd.f32 v20, v22;
	v60 =	vmul.f32 v10, v12;
	v45 =	vmul.f32 v10, v13  }
0xfa: {  	s13 =	sor.u32 $0x7, s23;
	s5 =	simm.s32 $0xE000;
	v10 =	vmul.f32 v10, v16;
	v30 =	vadd.f32 v31, v30;
	v31 =	vadd.f32 v29, v14  }
0xfb: {  	v51 =	vmov s13;
	s6 =	simm.s32 $0xF000;
	v44 =	vld [tilespmem:s5+$0x0];
	v63 =	vadd.f32 v29, v18;
	v33 =	vadd.f32 v60, v33  }
0xfc: {  	v46 =	vld [tilespmem:s6+$0x0];
	v17 =	vperm.xlane v23, v17;
	v10 =	vadd.f32 v10, v20;
	v30 =	vsub.f32 v31, v30  }
0xfd: {  	v34 =	vimm.f32 $3.000000010e+38;
	v31 =	vadd.f32 v58, v61;
	v33 =	vsub.f32 v62, v33  }
0xfe: {  	v19 =	vimm.f32 $3.000000010e+38;
	v29 =	vadd.f32 v29, v17;
	v10 =	vsub.f32 v63, v10  }
0xff: {  	v30 =	vmax.f32 v30, $0.0e+00;
	v31 =	vadd.f32 v45, v31;
	v37 =	vmax.f32 v33, $0.0e+00  }
0x100: {  	v52 =	vmax.f32 v10, $0.0e+00;
	vm0 =	vlt.f32 v30, v44;
	vm2 =	vlt.f32 v30, v19  }
0x101: {  	v22 =	vsel vm0, v30, v44;
	v29 =	vsub.f32 v29, v31;
	v20 =	vsel vm0, v43, v46  }
0x102: {  	v45 =	vsel vm2, v30, v19;
	v44 =	vimm.s32 $0x0;
	vm1 =	vlt.f32 v37, v22  }
0x103: {  	v30 =	vimm.s32 $0x0;
	v22 =	vsel vm1, v37, v22;
	v29 =	vmax.f32 v29, $0.0e+00  }
0x104: {  	v20 =	vsel vm1, v21, v20;
	vm1 =	vlt.f32 v52, v19;
	vm0 =	vlt.f32 v29, v22  }
0x105: {  	s13 =	simm.s32 $0xD010;
	s14 =	simm.s32 $0xE010;
	vm3 =	vlt.f32 v29, v19;
	v33 =	vsel vm0, v29, v22;
	v22 =	vsel vm0, v28, v20  }
0x106: {  	s16 =	simm.s32 $0xF010;
	s10 =	simm.s32 $0x0;
	s12 =	simm.s32 $0x1;
	v20 =	vsel vm3, v29, v19;
	v29 =	vimm.s32 $0x0;
	vm0 =	vlt.f32 v52, v33  }
.LBB2_17:
0x107: {  	v27 =	vsel vm2, s10, v27;
	v44 =	vsel vm3, s10, v44;
	v10 =	vsel vm0, v52, v33;
	s8 =	sadd.s32 $0x10, s8;
	s7 =	sadd.s32 $0x10, s7;
	s9 =	sadd.s32 $0x10, s9  }
0x108: {  	p0 =	sne.s32 s12, $0xFF;
	vm2 =	vlt.f32 v37, v19;
	v22 =	vsel vm0, v51, v22;
	s17 =	smov.u32 s12;
	s12 =	sadd.s32 $0x1, s12;
	[tilespmem:s5+$0x0] =	vst v10  }
0x109: {  	v34 =	vsel vm1, v52, v34;
	v29 =	vsel vm1, s10, v29;
	v19 =	vsel vm2, v37, v19;
	s5 =	smov.u32 s14;
	[tilespmem:s6+$0x0] =	vst v22;
	s6 =	smov.u32 s16  }
0x10a: {  	v30 =	vsel vm2, s10, v30;
	s10 =	smov.u32 s17;
	v10 =	vld [tilespmem:s7+$0x0]  }
0x10b: {  	v22 =	vld [tilespmem:s8+$0x0]  }
0x10c: {  	v31 =	vld [tilespmem:s9+$0x0]  }
0x10d: {  	v33 =	vld [tilespmem:s13+$0x0];
	_ =	sdelay $0x1  }
0x10e: {  	v37 =	vmul.f32 v10, v3;
	v38 =	vmul.f32 v10, v9  }
0x10f: {  	v47 =	vmul.f32 v10, v4;
	v46 =	vmul.f32 v22, v39  }
0x110: {  	v10 =	vmul.f32 v10, v42;
	v48 =	vmul.f32 v22, v40  }
0x111: {  	v49 =	vmul.f32 v22, v41;
	v37 =	vadd.f32 v37, v46;
	v46 =	vmul.f32 v31, v11  }
0x112: {  	v47 =	vadd.f32 v47, v48;
	v48 =	vmul.f32 v31, v12;
	v50 =	vadd.f32 v33, v18  }
0x113: {  	v53 =	vmul.f32 v31, v13;
	v52 =	vld [tilespmem:s14+$0x0];
	v37 =	vadd.f32 v46, v37;
	v46 =	vadd.f32 v33, v14  }
0x114: {  	v22 =	vmul.f32 v22, v2;
	v47 =	vadd.f32 v48, v47;
	v48 =	vadd.f32 v33, v15  }
0x115: {  	v10 =	vadd.f32 v10, v49;
	v54 =	vld [tilespmem:s16+$0x0];
	v37 =	vsub.f32 v46, v37  }
0x116: {  	v22 =	vadd.f32 v38, v22;
	v31 =	vmul.f32 v31, v16;
	v46 =	vsub.f32 v48, v47  }
0x117: {  	v10 =	vadd.f32 v53, v10;
	v33 =	vadd.f32 v33, v17;
	v38 =	vmax.f32 v37, $0.0e+00  }
0x118: {  	v22 =	vadd.f32 v31, v22;
	vm2 =	vlt.f32 v38, v45;
	vm0 =	vlt.f32 v38, v52  }
0x119: {  	v10 =	vsub.f32 v33, v10;
	v37 =	vmax.f32 v46, $0.0e+00;
	v31 =	vsel vm0, v38, v52  }
.Ltmp8:
0x11a: {  	v46 =	vsub.f32 v50, v22;
	v33 =	vsel vm0, v43, v54;
	vm0 =	vlt.f32 v37, v31;
	(pc) =	sbr.rel @p0 .LBB2_17-.Ltmp8, $4  }
0x11b: {  	v10 =	vmax.f32 v10, $0.0e+00;
	v22 =	vsel vm0, v37, v31;
	v31 =	vsel vm0, v21, v33  }
0x11c: {  	vm3 =	vlt.f32 v10, v20;
	v45 =	vsel vm2, v38, v45;
	vm0 =	vlt.f32 v10, v22  }
0x11d: {  	v52 =	vmax.f32 v46, $0.0e+00;
	v33 =	vsel vm0, v10, v22;
	v22 =	vsel vm0, v28, v31  }
0x11e: {  	s13 =	sadd.s32 $0x10, s13;
	s14 =	sadd.s32 $0x10, s14;
	s16 =	sadd.s32 $0x10, s16;
	v20 =	vsel vm3, v10, v20;
	vm1 =	vlt.f32 v52, v34;
	vm0 =	vlt.f32 v52, v33  }
0x11f: {  	v2 =	vperm.xlane v45, v5;
	_ =	sdelay $0x1  }
0x120: {  	v2 =	vmin.f32 v45, v2  }
0x121: {  	v3 =	vperm.xlane v2, v6;
	_ =	sdelay $0x1  }
0x122: {  	v2 =	vmin.f32 v2, v3  }
0x123: {  	v3 =	vperm.xlane v2, v7;
	_ =	sdelay $0x1  }
0x124: {  	v2 =	vmin.f32 v2, v3  }
0x125: {  	v3 =	vperm.xlane v2, v8  }
0x126: {  	v4 =	vsel vm2, s10, v27;
	vm2 =	vlt.f32 v37, v19  }
0x127: {  	v9 =	vsel vm2, v37, v19;
	v3 =	vmin.f32 v2, v3  }
0x128: {  	[tilespmem:$0x1FEB0] =	vst v3;
	vm4 =	veq.f32 v45, v3;
	v3 =	vperm.xlane v9, v5  }
0x129: {  	v10 =	vsel vm1, v52, v34;
	v2 =	vshll.u32 v4, $0x4  }
0x12a: {  	v12 =	vperm.xlane v20, v5;
	v2 =	vor.u32 v59, v2;
	v3 =	vmin.f32 v9, v3  }
0x12b: {  	v13 =	vperm.xlane v10, v5;
	v2 =	vnsel vm4, $0x40000000, v2;
	v11 =	vperm.xlane v3, v6  }
0x12c: {  	v4 =	vperm.xlane v2, v5  }
0x12d: {  	v13 =	vmin.f32 v10, v13;
	v3 =	vmin.f32 v3, v11;
	v11 =	vmin.f32 v20, v12  }
0x12e: {  	vm4 =	vlt.s32 v2, v4;
	v12 =	vperm.xlane v3, v7;
	v14 =	vperm.xlane v11, v6  }
0x12f: {  	v2 =	vsel vm4, v2, v4;
	v4 =	vperm.xlane v13, v6  }
0x130: {  	v3 =	vmin.f32 v3, v12;
	v11 =	vmin.f32 v11, v14  }
0x131: {  	v4 =	vmin.f32 v13, v4;
	v12 =	vperm.xlane v3, v8;
	v14 =	vperm.xlane v11, v7  }
0x132: {  	v15 =	vsel vm3, s10, v44;
	v18 =	vperm.xlane v4, v7  }
0x133: {  	v17 =	vsel vm2, s10, v30;
	v19 =	vmin.f32 v3, v12;
	v3 =	vmin.f32 v11, v14  }
0x134: {  	v4 =	vmin.f32 v4, v18;
	v11 =	vshll.u32 v17, $0x4;
	v12 =	vperm.xlane v3, v8  }
0x135: {  	v11 =	vor.u32 v59, v11;
	vm2 =	veq.f32 v9, v19;
	v9 =	vperm.xlane v4, v8  }
0x136: {  	v16 =	vperm.xlane v2, v6;
	v13 =	vsel vm1, s10, v29;
	v11 =	vnsel vm2, $0x40000000, v11  }
0x137: {  	v12 =	vmin.f32 v3, v12;
	v3 =	vshll.u32 v15, $0x4;
	v9 =	vmin.f32 v4, v9  }
0x138: {  	v4 =	vshll.u32 v13, $0x4;
	v3 =	vor.u32 v59, v3;
	vm2 =	veq.f32 v20, v12  }
0x139: {  	[tilespmem:$0x1FEE0] =	vst v9;
	vm3 =	veq.f32 v10, v9;
	v9 =	vperm.xlane v11, v5;
	v3 =	vnsel vm2, $0x40000000, v3  }
0x13a: {  	vm1 =	vlt.s32 v2, v16;
	v4 =	vor.u32 v59, v4;
	v10 =	vperm.xlane v3, v5  }
0x13b: {  	v2 =	vsel vm1, v2, v16;
	v4 =	vnsel vm3, $0x40000000, v4;
	vm1 =	vlt.s32 v11, v9  }
0x13c: {  	[tilespmem:$0x1FED0] =	vst v12;
	v12 =	vperm.xlane v4, v5;
	v9 =	vsel vm1, v11, v9;
	vm1 =	vlt.s32 v3, v10  }
0x13d: {  	v11 =	vperm.xlane v9, v6;
	v3 =	vsel vm1, v3, v10  }
0x13e: {  	vm2 =	vlt.s32 v4, v12;
	v10 =	vperm.xlane v3, v6  }
0x13f: {  	v13 =	vperm.xlane v2, v7;
	v4 =	vsel vm2, v4, v12;
	vm2 =	vlt.s32 v9, v11  }
0x140: {  	v12 =	vperm.xlane v4, v6;
	v9 =	vsel vm2, v9, v11;
	vm2 =	vlt.s32 v3, v10  }
0x141: {  	vm1 =	vlt.s32 v2, v13;
	v11 =	vperm.xlane v9, v7;
	v3 =	vsel vm2, v3, v10  }
0x142: {  	v49 =	vsel vm1, v2, v13;
	vm3 =	vlt.s32 v4, v12;
	v2 =	vperm.xlane v3, v7  }
0x143: {  	v4 =	vsel vm3, v4, v12;
	vm1 =	vlt.s32 v9, v11  }
0x144: {  	v10 =	vperm.xlane v4, v7;
	v46 =	vsel vm1, v9, v11;
	vm1 =	vlt.s32 v3, v2  }
0x145: {  	v12 =	vperm.xlane v49, v8;
	v45 =	vsel vm1, v3, v2  }
0x146: {  	v27 =	vimm.s32 $0x0;
	vm2 =	vlt.s32 v4, v10;
	v2 =	vperm.xlane v45, v8  }
0x147: {  	s14 =	sor.u32 $0x8, s23;
	v58 =	vimm.f32 $3.000000010e+38;
	[tilespmem:$0x1FEF0] =	vst v12;
	v9 =	vperm.xlane v46, v8;
	v43 =	vsel vm2, v4, v10  }
0x148: {  	v55 =	vmov s14;
	v18 =	vimm.s32 $0xB;
	[tilespmem:$0x1FF10] =	vst v2;
	v2 =	vperm.xlane v43, v8  }
0x149: {  	v14 =	vimm.s32 $0x8;
	v17 =	vimm.s32 $0xA;
	v16 =	vperm.xlane v24, v18;
	[tilespmem:$0x1FF00] =	vst v9  }
0x14a: {  	v15 =	vimm.s32 $0x9;
	v3 =	vperm.xlane v26, v14;
	[tilespmem:$0x1FF20] =	vst v2;
	v2 =	vsel vm0, v52, v33  }
0x14b: {  	v11 =	vperm.xlane v26, v18;
	v10 =	vperm.xlane v26, v17;
	v9 =	vsel vm0, v51, v22;
	[tilespmem:s5+$0x0] =	vst v2  }
0x14c: {  	s7 =	simm.s32 $0xA000;
	v12 =	vperm.xlane v24, v15;
	v4 =	vperm.xlane v26, v15;
	v51 =	vadd.f32 v3, v3;
	[tilespmem:s6+$0x0] =	vst v9  }
0x14d: {  	s8 =	simm.s32 $0x9000;
	s16 =	sor.u32 $0x9, s23;
	v3 =	vperm.xlane v25, v14;
	v53 =	vadd.f32 v10, v10;
	v10 =	vperm.xlane v25, v18;
	v20 =	vld [tilespmem:s7+$0x0]  }
0x14e: {  	v21 =	vmov s16;
	v18 =	vperm.xlane v23, v18;
	v9 =	vperm.xlane v25, v17;
	v22 =	vld [tilespmem:s8+$0x0]  }
0x14f: {  	v3 =	vadd.f32 v3, v3;
	v52 =	vadd.f32 v4, v4;
	v4 =	vperm.xlane v25, v15  }
0x150: {  	s12 =	simm.s32 $0xD000;
	v54 =	vadd.f32 v9, v9;
	v9 =	vadd.f32 v10, v10;
	v10 =	vperm.xlane v24, v17  }
0x151: {  	s9 =	simm.s32 $0xB000;
	v15 =	vperm.xlane v23, v15;
	v2 =	vadd.f32 v11, v11;
	v11 =	vperm.xlane v24, v14;
	v29 =	vld [tilespmem:s12+$0x0]  }
0x152: {  	v14 =	vperm.xlane v23, v14;
	v4 =	vadd.f32 v4, v4;
	v13 =	vadd.f32 v10, v10;
	v10 =	vld [tilespmem:s9+$0x0]  }
0x153: {  	v16 =	vadd.f32 v16, v16;
	v30 =	vmul.f32 v20, v3;
	v31 =	vmul.f32 v22, v51  }
0x154: {  	v12 =	vadd.f32 v12, v12;
	v47 =	vmul.f32 v20, v4;
	v48 =	vmul.f32 v22, v52  }
0x155: {  	v11 =	vadd.f32 v11, v11;
	v50 =	vmul.f32 v20, v54;
	v38 =	vmul.f32 v22, v53  }
0x156: {  	v20 =	vmul.f32 v20, v9;
	v61 =	vadd.f32 v29, v15;
	v22 =	vmul.f32 v22, v2  }
0x157: {  	v62 =	vadd.f32 v29, v18;
	v30 =	vadd.f32 v30, v31;
	v31 =	vmul.f32 v10, v11  }
0x158: {  	s5 =	simm.s32 $0xE000;
	v33 =	vadd.f32 v47, v48;
	v20 =	vadd.f32 v20, v22;
	v60 =	vmul.f32 v10, v12  }
0x159: {  	v39 =	vld [tilespmem:s5+$0x0];
	v17 =	vperm.xlane v23, v17;
	v30 =	vadd.f32 v31, v30;
	v31 =	vadd.f32 v29, v14  }
0x15a: {  	s17 =	sor.u32 $0xA, s23;
	v56 =	vmul.f32 v10, v13;
	v10 =	vmul.f32 v10, v16;
	v33 =	vadd.f32 v60, v33  }
0x15b: {  	s13 =	sor.u32 $0xB, s23;
	v28 =	vmov s17;
	s6 =	simm.s32 $0xF000;
	v30 =	vsub.f32 v31, v30;
	v31 =	vadd.f32 v50, v38  }
0x15c: {  	v63 =	vmov s13;
	v57 =	vld [tilespmem:s6+$0x0];
	v29 =	vadd.f32 v29, v17;
	v10 =	vadd.f32 v10, v20  }
0x15d: {  	v33 =	vsub.f32 v61, v33;
	v30 =	vmax.f32 v30, $0.0e+00;
	v31 =	vadd.f32 v56, v31  }
0x15e: {  	[tilespmem:$0x1FEC0] =	vst v19;
	v19 =	vimm.f32 $3.000000010e+38;
	v10 =	vsub.f32 v62, v10;
	vm0 =	vlt.f32 v30, v39  }
0x15f: {  	v37 =	vmax.f32 v33, $0.0e+00;
	v22 =	vsel vm0, v30, v39;
	v29 =	vsub.f32 v29, v31  }
0x160: {  	v56 =	vimm.s32 $0x0;
	vm2 =	vlt.f32 v30, v19;
	vm1 =	vlt.f32 v37, v22  }
0x161: {  	v20 =	vsel vm0, v55, v57;
	v22 =	vsel vm1, v37, v22;
	v29 =	vmax.f32 v29, $0.0e+00  }
0x162: {  	v57 =	vsel vm2, v30, v19;
	v30 =	vimm.s32 $0x0;
	vm0 =	vlt.f32 v29, v22  }
0x163: {  	v20 =	vsel vm1, v21, v20;
	vm3 =	vlt.f32 v29, v19;
	v34 =	vsel vm0, v29, v22  }
0x164: {  	s13 =	simm.s32 $0xD010;
	s14 =	simm.s32 $0xE010;
	v33 =	vsel vm0, v28, v20;
	v22 =	vmax.f32 v10, $0.0e+00;
	v20 =	vsel vm3, v29, v19  }
0x165: {  	s16 =	simm.s32 $0xF010;
	s10 =	simm.s32 $0x0;
	s12 =	simm.s32 $0x1;
	v29 =	vimm.s32 $0x0;
	vm1 =	vlt.f32 v22, v19;
	vm0 =	vlt.f32 v22, v34  }
.LBB2_19:
0x166: {  	v27 =	vsel vm2, s10, v27;
	v56 =	vsel vm3, s10, v56;
	v10 =	vsel vm0, v22, v34;
	s8 =	sadd.s32 $0x10, s8;
	s7 =	sadd.s32 $0x10, s7;
	s9 =	sadd.s32 $0x10, s9  }
0x167: {  	p0 =	sne.s32 s12, $0xFF;
	vm2 =	vlt.f32 v37, v19;
	v31 =	vsel vm0, v63, v33;
	s17 =	smov.u32 s12;
	s12 =	sadd.s32 $0x1, s12;
	[tilespmem:s5+$0x0] =	vst v10  }
0x168: {  	v58 =	vsel vm1, v22, v58;
	v29 =	vsel vm1, s10, v29;
	v19 =	vsel vm2, v37, v19;
	s5 =	smov.u32 s14;
	[tilespmem:s6+$0x0] =	vst v31;
	s6 =	smov.u32 s16  }
0x169: {  	v30 =	vsel vm2, s10, v30;
	s10 =	smov.u32 s17;
	v10 =	vld [tilespmem:s7+$0x0]  }
0x16a: {  	v22 =	vld [tilespmem:s8+$0x0]  }
0x16b: {  	v31 =	vld [tilespmem:s9+$0x0]  }
0x16c: {  	v33 =	vld [tilespmem:s13+$0x0];
	_ =	sdelay $0x1  }
0x16d: {  	v34 =	vmul.f32 v10, v3;
	v37 =	vmul.f32 v10, v9  }
0x16e: {  	v39 =	vmul.f32 v10, v4;
	v38 =	vmul.f32 v22, v51  }
0x16f: {  	v10 =	vmul.f32 v10, v54;
	v59 =	vmul.f32 v22, v52  }
0x170: {  	v60 =	vmul.f32 v22, v53;
	v34 =	vadd.f32 v34, v38;
	v38 =	vmul.f32 v31, v11  }
0x171: {  	v39 =	vadd.f32 v39, v59;
	v59 =	vmul.f32 v31, v12;
	v61 =	vadd.f32 v33, v18  }
0x172: {  	v32 =	vmul.f32 v31, v13;
	v62 =	vld [tilespmem:s14+$0x0];
	v34 =	vadd.f32 v38, v34;
	v38 =	vadd.f32 v33, v14  }
0x173: {  	v22 =	vmul.f32 v22, v2;
	v39 =	vadd.f32 v59, v39;
	v59 =	vadd.f32 v33, v15  }
0x174: {  	v10 =	vadd.f32 v10, v60;
	v35 =	vld [tilespmem:s16+$0x0];
	v34 =	vsub.f32 v38, v34  }
0x175: {  	v22 =	vadd.f32 v37, v22;
	v31 =	vmul.f32 v31, v16;
	v38 =	vsub.f32 v59, v39  }
0x176: {  	v10 =	vadd.f32 v32, v10;
	v32 =	vadd.f32 v33, v17;
	v34 =	vmax.f32 v34, $0.0e+00  }
0x177: {  	v22 =	vadd.f32 v31, v22;
	vm2 =	vlt.f32 v34, v57;
	vm0 =	vlt.f32 v34, v62  }
0x178: {  	v10 =	vsub.f32 v32, v10;
	v37 =	vmax.f32 v38, $0.0e+00;
	v31 =	vsel vm0, v34, v62  }
.Ltmp9:
0x179: {  	v22 =	vsub.f32 v61, v22;
	v32 =	vsel vm0, v55, v35;
	vm0 =	vlt.f32 v37, v31;
	(pc) =	sbr.rel @p0 .LBB2_19-.Ltmp9, $4  }
0x17a: {  	v10 =	vmax.f32 v10, $0.0e+00;
	v31 =	vsel vm0, v37, v31;
	v32 =	vsel vm0, v21, v32  }
0x17b: {  	vm3 =	vlt.f32 v10, v20;
	v57 =	vsel vm2, v34, v57;
	vm0 =	vlt.f32 v10, v31  }
0x17c: {  	v22 =	vmax.f32 v22, $0.0e+00;
	v34 =	vsel vm0, v10, v31;
	v33 =	vsel vm0, v28, v32  }
0x17d: {  	s13 =	sadd.s32 $0x10, s13;
	s14 =	sadd.s32 $0x10, s14;
	s16 =	sadd.s32 $0x10, s16;
	vm1 =	vlt.f32 v22, v58;
	v20 =	vsel vm3, v10, v20;
	vm0 =	vlt.f32 v22, v34  }
0x17e: {  	v2 =	vperm.xlane v57, v5;
	_ =	sdelay $0x1  }
0x17f: {  	v2 =	vmin.f32 v57, v2  }
0x180: {  	v3 =	vperm.xlane v2, v6;
	_ =	sdelay $0x1  }
0x181: {  	v2 =	vmin.f32 v2, v3  }
0x182: {  	v3 =	vperm.xlane v2, v7;
	_ =	sdelay $0x1  }
0x183: {  	v4 =	vsel vm2, s10, v27;
	v2 =	vmin.f32 v2, v3  }
0x184: {  	vm2 =	vlt.f32 v37, v19;
	v10 =	vsel vm1, v22, v58;
	v3 =	vperm.xlane v2, v8  }
0x185: {  	v12 =	vperm.xlane v20, v5;
	v15 =	vsel vm3, s10, v56;
	v9 =	vsel vm2, v37, v19  }
0x186: {  	v27 =	vimm.f32 $3.000000010e+38;
	v52 =	vmin.f32 v2, v3;
	v3 =	vperm.xlane v9, v5  }
0x187: {  	v19 =	vlaneseq.u32;
	v13 =	vperm.xlane v10, v5;
	v2 =	vshll.u32 v4, $0x4  }
0x188: {  	v2 =	vor.u32 v19, v2;
	vm4 =	veq.f32 v57, v52;
	v3 =	vmin.f32 v9, v3  }
0x189: {  	s16 =	sor.u32 $0xC, s23;
	s9 =	sor.u32 $0xD, s23;
	v17 =	vsel vm2, s10, v30;
	v2 =	vnsel vm4, $0x40000000, v2;
	v11 =	vperm.xlane v3, v6  }
0x18a: {  	v21 =	vmov s16;
	v28 =	vmov s9;
	v4 =	vperm.xlane v2, v5  }
0x18b: {  	v30 =	vimm.s32 $0x0;
	v13 =	vmin.f32 v10, v13;
	v3 =	vmin.f32 v3, v11  }
0x18c: {  	vm4 =	vlt.s32 v2, v4;
	v11 =	vmin.f32 v20, v12;
	v12 =	vperm.xlane v3, v7  }
0x18d: {  	v14 =	vperm.xlane v11, v6;
	v2 =	vsel vm4, v2, v4;
	v4 =	vperm.xlane v13, v6  }
0x18e: {  	v37 =	vimm.s32 $0x0;
	v16 =	vperm.xlane v2, v6;
	v3 =	vmin.f32 v3, v12  }
0x18f: {  	v11 =	vmin.f32 v11, v14;
	v4 =	vmin.f32 v13, v4;
	v13 =	vsel vm1, s10, v29  }
0x190: {  	s17 =	sor.u32 $0xE, s23;
	v12 =	vperm.xlane v3, v8;
	v14 =	vperm.xlane v11, v7;
	vm1 =	vlt.s32 v2, v16  }
0x191: {  	v29 =	vmov s17;
	v18 =	vperm.xlane v4, v7;
	v2 =	vsel vm1, v2, v16  }
0x192: {  	v16 =	vimm.s32 $0xD;
	v53 =	vmin.f32 v3, v12;
	v3 =	vmin.f32 v11, v14  }
0x193: {  	v11 =	vshll.u32 v17, $0x4;
	v4 =	vmin.f32 v4, v18;
	v12 =	vperm.xlane v3, v8  }
0x194: {  	v11 =	vor.u32 v19, v11;
	vm2 =	veq.f32 v9, v53;
	v9 =	vperm.xlane v4, v8  }
0x195: {  	v11 =	vnsel vm2, $0x40000000, v11;
	v54 =	vmin.f32 v3, v12;
	v3 =	vshll.u32 v15, $0x4  }
0x196: {  	v51 =	vmin.f32 v4, v9;
	v4 =	vshll.u32 v13, $0x4;
	v3 =	vor.u32 v19, v3  }
0x197: {  	vm2 =	veq.f32 v20, v54;
	v4 =	vor.u32 v19, v4;
	vm3 =	veq.f32 v10, v51  }
0x198: {  	v9 =	vperm.xlane v11, v5;
	v3 =	vnsel vm2, $0x40000000, v3;
	v4 =	vnsel vm3, $0x40000000, v4  }
0x199: {  	v18 =	vimm.s32 $0xE;
	v10 =	vperm.xlane v3, v5;
	v12 =	vperm.xlane v4, v5  }
0x19a: {  	v14 =	vperm.xlane v24, v18;
	v13 =	vperm.xlane v2, v7;
	vm1 =	vlt.s32 v11, v9  }
0x19b: {  	v9 =	vsel vm1, v11, v9;
	vm1 =	vlt.s32 v3, v10;
	vm2 =	vlt.s32 v4, v12  }
0x19c: {  	v11 =	vperm.xlane v9, v6;
	v3 =	vsel vm1, v3, v10;
	v4 =	vsel vm2, v4, v12  }
0x19d: {  	v15 =	vimm.s32 $0xC;
	v10 =	vperm.xlane v3, v6;
	v12 =	vperm.xlane v4, v6  }
0x19e: {  	v14 =	vadd.f32 v14, v14;
	vm1 =	vlt.s32 v2, v13;
	vm2 =	vlt.s32 v9, v11  }
0x19f: {  	v9 =	vsel vm2, v9, v11;
	vm2 =	vlt.s32 v3, v10;
	vm3 =	vlt.s32 v4, v12  }
0x1a0: {  	v11 =	vperm.xlane v9, v7;
	v3 =	vsel vm2, v3, v10;
	v4 =	vsel vm3, v4, v12  }
0x1a1: {  	v60 =	vsel vm1, v2, v13;
	v2 =	vperm.xlane v3, v7;
	v10 =	vperm.xlane v4, v7  }
0x1a2: {  	v19 =	vimm.s32 $0xF;
	v13 =	vperm.xlane v24, v16;
	vm1 =	vlt.s32 v9, v11  }
0x1a3: {  	v59 =	vsel vm1, v9, v11;
	vm1 =	vlt.s32 v3, v2;
	vm2 =	vlt.s32 v4, v10  }
0x1a4: {  	v57 =	vsel vm1, v3, v2;
	v55 =	vsel vm2, v4, v10;
	v3 =	vperm.xlane v26, v15  }
0x1a5: {  	v2 =	vsel vm0, v22, v34;
	v4 =	vperm.xlane v26, v16;
	v10 =	vperm.xlane v26, v18  }
0x1a6: {  	v9 =	vsel vm0, v63, v33;
	v11 =	vperm.xlane v26, v19;
	[tilespmem:s5+$0x0] =	vst v2;
	v26 =	vadd.f32 v3, v3  }
0x1a7: {  	v63 =	vadd.f32 v4, v4;
	v2 =	vadd.f32 v10, v10;
	v10 =	vperm.xlane v25, v16;
	[tilespmem:s6+$0x0] =	vst v9;
	s6 =	simm.s32 $0xA000  }
0x1a8: {  	s7 =	simm.s32 $0x9000;
	v4 =	vperm.xlane v25, v15;
	v3 =	vadd.f32 v11, v11;
	v9 =	vperm.xlane v25, v18;
	v22 =	vld [tilespmem:s6+$0x0]  }
0x1a9: {  	s13 =	sor.u32 $0xF, s23;
	v11 =	vperm.xlane v25, v19;
	v31 =	vld [tilespmem:s7+$0x0];
	v25 =	vadd.f32 v10, v10;
	v10 =	vperm.xlane v24, v15  }
0x1aa: {  	s8 =	simm.s32 $0xB000;
	v20 =	vmov s13;
	v62 =	vperm.xlane v60, v8;
	v61 =	vperm.xlane v59, v8  }
0x1ab: {  	v58 =	vperm.xlane v57, v8;
	v12 =	vadd.f32 v10, v10;
	v10 =	vperm.xlane v24, v19;
	v24 =	vld [tilespmem:s8+$0x0]  }
0x1ac: {  	v16 =	vperm.xlane v23, v16;
	v18 =	vperm.xlane v23, v18;
	v4 =	vadd.f32 v4, v4  }
0x1ad: {  	s12 =	simm.s32 $0xD000;
	v13 =	vadd.f32 v13, v13;
	v15 =	vperm.xlane v23, v15;
	v19 =	vperm.xlane v23, v19  }
0x1ae: {  	v17 =	vadd.f32 v10, v10;
	v10 =	vld [tilespmem:s12+$0x0];
	v23 =	vmul.f32 v22, v4;
	v32 =	vmul.f32 v31, v26  }
0x1af: {  	v34 =	vimm.s32 $0x0;
	v42 =	vmul.f32 v22, v25;
	v44 =	vmul.f32 v31, v63  }
0x1b0: {  	v9 =	vadd.f32 v9, v9;
	v23 =	vadd.f32 v23, v32;
	v47 =	vmul.f32 v24, v12  }
0x1b1: {  	v11 =	vadd.f32 v11, v11;
	v33 =	vadd.f32 v42, v44;
	v48 =	vmul.f32 v24, v13  }
0x1b2: {  	s23 =	simm.s32 $0xE000;
	v35 =	vmul.f32 v22, v9;
	v50 =	vmul.f32 v31, v2;
	v23 =	vadd.f32 v47, v23  }
0x1b3: {  	v38 =	vld [tilespmem:s23+$0x0];
	v22 =	vmul.f32 v22, v11;
	v42 =	vadd.f32 v10, v15;
	v33 =	vadd.f32 v48, v33  }
0x1b4: {  	s5 =	simm.s32 $0xF000;
	v39 =	vmul.f32 v24, v14;
	v44 =	vadd.f32 v10, v16;
	v47 =	vadd.f32 v35, v50  }
0x1b5: {  	v31 =	vmul.f32 v31, v3;
	v48 =	vadd.f32 v10, v19;
	v50 =	vld [tilespmem:s5+$0x0];
	v23 =	vsub.f32 v42, v23  }
0x1b6: {  	v56 =	vperm.xlane v55, v8;
	v10 =	vadd.f32 v10, v18;
	v32 =	vadd.f32 v39, v47  }
0x1b7: {  	v22 =	vadd.f32 v22, v31;
	v24 =	vmul.f32 v24, v17;
	v23 =	vmax.f32 v23, $0.0e+00  }
0x1b8: {  	v33 =	vsub.f32 v44, v33;
	v10 =	vsub.f32 v10, v32;
	vm1 =	vlt.f32 v23, v38  }
0x1b9: {  	v22 =	vadd.f32 v24, v22;
	vm0 =	vlt.f32 v23, v27;
	v31 =	vsel vm1, v23, v38  }
0x1ba: {  	v38 =	vmax.f32 v33, $0.0e+00;
	v24 =	vsel vm1, v21, v50;
	v32 =	vmax.f32 v10, $0.0e+00  }
0x1bb: {  	v10 =	vsub.f32 v48, v22;
	v33 =	vimm.f32 $3.000000010e+38;
	vm2 =	vlt.f32 v38, v31  }
0x1bc: {  	v31 =	vsel vm2, v38, v31;
	v22 =	vsel vm2, v28, v24;
	v24 =	vsel vm0, v23, v27  }
0x1bd: {  	vm2 =	vlt.f32 v32, v27;
	v10 =	vmax.f32 v10, $0.0e+00;
	vm1 =	vlt.f32 v32, v31  }
0x1be: {  	s14 =	simm.s32 $0xF010;
	s9 =	simm.s32 $0x0;
	v23 =	vsel vm2, v32, v27;
	v31 =	vsel vm1, v32, v31;
	v39 =	vsel vm1, v29, v22  }
0x1bf: {  	s10 =	simm.s32 $0x1;
	s13 =	simm.s32 $0xE010;
	s12 =	simm.s32 $0xD010;
	vm1 =	vlt.f32 v10, v27;
	v22 =	vimm.s32 $0x0;
	vm3 =	vlt.f32 v10, v31  }
.LBB2_21:
0x1c0: {  	v30 =	vsel vm0, s9, v30;
	v37 =	vsel vm2, s9, v37;
	v31 =	vsel vm3, v10, v31;
	s7 =	sadd.s32 $0x10, s7;
	s6 =	sadd.s32 $0x10, s6;
	s8 =	sadd.s32 $0x10, s8  }
0x1c1: {  	p0 =	sne.s32 s10, $0xFF;
	vm0 =	vlt.f32 v38, v27;
	v32 =	vsel vm3, v20, v39;
	s16 =	smov.u32 s10;
	s10 =	sadd.s32 $0x1, s10;
	[tilespmem:s23+$0x0] =	vst v31  }
0x1c2: {  	v33 =	vsel vm1, v10, v33;
	v34 =	vsel vm1, s9, v34;
	v27 =	vsel vm0, v38, v27;
	s23 =	smov.u32 s13;
	[tilespmem:s5+$0x0] =	vst v32;
	s5 =	smov.u32 s14  }
0x1c3: {  	v22 =	vsel vm0, s9, v22;
	s9 =	smov.u32 s16;
	v10 =	vld [tilespmem:s6+$0x0]  }
0x1c4: {  	v31 =	vld [tilespmem:s7+$0x0]  }
0x1c5: {  	v32 =	vld [tilespmem:s8+$0x0]  }
0x1c6: {  	v35 =	vld [tilespmem:s12+$0x0];
	_ =	sdelay $0x1  }
0x1c7: {  	v38 =	vmul.f32 v10, v4;
	v39 =	vmul.f32 v10, v11  }
0x1c8: {  	v40 =	vmul.f32 v10, v25;
	v36 =	vmul.f32 v31, v26  }
0x1c9: {  	v10 =	vmul.f32 v10, v9;
	v41 =	vmul.f32 v31, v63  }
0x1ca: {  	v42 =	vmul.f32 v31, v2;
	v36 =	vadd.f32 v38, v36;
	v38 =	vmul.f32 v32, v12  }
0x1cb: {  	v40 =	vadd.f32 v40, v41;
	v41 =	vmul.f32 v32, v13;
	v44 =	vadd.f32 v35, v19  }
0x1cc: {  	v48 =	vmul.f32 v32, v14;
	v47 =	vld [tilespmem:s13+$0x0];
	v36 =	vadd.f32 v38, v36;
	v38 =	vadd.f32 v35, v15  }
0x1cd: {  	v31 =	vmul.f32 v31, v3;
	v40 =	vadd.f32 v41, v40;
	v41 =	vadd.f32 v35, v16  }
0x1ce: {  	v10 =	vadd.f32 v10, v42;
	v50 =	vld [tilespmem:s14+$0x0];
	v36 =	vsub.f32 v38, v36  }
0x1cf: {  	v31 =	vadd.f32 v39, v31;
	v32 =	vmul.f32 v32, v17;
	v38 =	vsub.f32 v41, v40  }
0x1d0: {  	v10 =	vadd.f32 v48, v10;
	v35 =	vadd.f32 v35, v18;
	v36 =	vmax.f32 v36, $0.0e+00  }
0x1d1: {  	v31 =	vadd.f32 v32, v31;
	vm0 =	vlt.f32 v36, v24;
	vm1 =	vlt.f32 v36, v47  }
0x1d2: {  	v10 =	vsub.f32 v35, v10;
	v38 =	vmax.f32 v38, $0.0e+00;
	v32 =	vsel vm1, v36, v47  }
.Ltmp10:
0x1d3: {  	v40 =	vsub.f32 v44, v31;
	v35 =	vsel vm1, v21, v50;
	vm1 =	vlt.f32 v38, v32;
	(pc) =	sbr.rel @p0 .LBB2_21-.Ltmp10, $4  }
0x1d4: {  	v31 =	vsel vm1, v38, v32;
	v32 =	vsel vm1, v28, v35;
	v35 =	vmax.f32 v10, $0.0e+00  }
0x1d5: {  	v24 =	vsel vm0, v36, v24;
	vm2 =	vlt.f32 v35, v23;
	vm1 =	vlt.f32 v35, v31  }
0x1d6: {  	v10 =	vmax.f32 v40, $0.0e+00;
	v31 =	vsel vm1, v35, v31;
	v39 =	vsel vm1, v29, v32  }
0x1d7: {  	s12 =	sadd.s32 $0x10, s12;
	s13 =	sadd.s32 $0x10, s13;
	s14 =	sadd.s32 $0x10, s14;
	v23 =	vsel vm2, v35, v23;
	vm1 =	vlt.f32 v10, v33;
	vm3 =	vlt.f32 v10, v31  }
0x1d8: {  	v13 =	vld [tilespmem:$0x1FF70]  }
0x1d9: {  	v14 =	vld [tilespmem:$0x1FF80]  }
0x1da: {  	v15 =	vld [tilespmem:$0x1FF90]  }
0x1db: {  	v16 =	vld [tilespmem:$0x1FFA0]  }
0x1dc: {  	v63 =	vld [tilespmem:$0x1FF30]  }
0x1dd: {  	v2 =	vsel vm3, v20, v39;
	v20 =	vld [tilespmem:$0x1FF40]  }
0x1de: {  	v21 =	vld [tilespmem:$0x1FFB0]  }
0x1df: {  	v4 =	vsel vm0, s9, v30;
	v9 =	vsel vm2, s9, v37;
	v25 =	vld [tilespmem:$0x1FFC0]  }
0x1e0: {  	v3 =	vsel vm3, v10, v31;
	vm15 =	vlt.f32 v38, v27;
	v10 =	vsel vm1, v10, v33;
	v17 =	vld [tilespmem:$0x1FFE0]  }
0x1e1: {  	v12 =	vsel vm1, s9, v34;
	vm8 =	vmmov $0x1;
	vm10 =	vmmov $0x3;
	v30 =	vld [tilespmem:$0x1FEF0]  }
0x1e2: {  	vm12 =	vmmov $0x7;
	vm14 =	vmmov $0xf;
	v31 =	vperm.xlane v24, v5;
	v33 =	vld [tilespmem:$0x1FF00]  }
0x1e3: {  	vm4 =	vmmov $0x1f;
	v39 =	vld [tilespmem:$0x1FF20];
	v48 =	vperm.xlane v23, v5;
	v11 =	vsel vm15, v38, v27  }
0x1e4: {  	v27 =	vld [tilespmem:$0x1FFD0];
	v32 =	vsel vm15, s9, v22;
	v4 =	vshll.u32 v4, $0x4;
	v9 =	vshll.u32 v9, $0x4  }
0x1e5: {  	v38 =	vld [tilespmem:$0x1FF10];
	v12 =	vshll.u32 v12, $0x4;
	v34 =	vmin.f32 v24, v31;
	v44 =	vperm.xlane v11, v5  }
0x1e6: {  	v37 =	vperm.xlane v34, v6;
	vm6 =	vlt.s32 v13, v14;
	vm7 =	vlt.s32 v15, v16  }
0x1e7: {  	v26 =	vld [tilespmem:$0x1FF50];
	vm9 =	vlt.s32 v21, v25;
	vm13 =	vlt.s32 v49, v30;
	vm15 =	vlt.s32 v46, v33  }
0x1e8: {  	v13 =	vsel vm6, v13, v14;
	v50 =	vsel vm7, v15, v16;
	v15 =	vsel vm8, v63, v20  }
0x1e9: {  	v14 =	vsel vm9, v21, v25;
	vm11 =	vlt.s32 v27, v17;
	v35 =	vsel vm15, v46, v33  }
0x1ea: {  	v29 =	vld [tilespmem:$0x1FF60];
	vm5 =	vlt.s32 v45, v38;
	vm6 =	vmmov $0x3f;
	vm7 =	vlt.s32 v43, v39  }
0x1eb: {  	vm9 =	vlt.s32 v60, v62;
	vm15 =	vmmov $0x3ff;
	v21 =	vperm.xlane v10, v5  }
0x1ec: {  	v18 =	vld [tilespmem:$0x1FEB0];
	v13 =	vsel vm8, v13, v50;
	v15 =	vsel vm10, v15, v26;
	v28 =	vsel vm11, v27, v17  }
0x1ed: {  	v16 =	vsel vm5, v45, v38;
	vm8 =	vmmov $0x7f;
	v40 =	vsel vm7, v43, v39  }
0x1ee: {  	v42 =	vsel vm9, v60, v62;
	vm11 =	vlt.s32 v59, v61;
	v17 =	vshll.u32 v32, $0x4  }
0x1ef: {  	v36 =	vld [tilespmem:$0x1FEC0];
	vm7 =	vmmov $0x7ff;
	v13 =	vsel vm10, v13, v14;
	v15 =	vsel vm12, v15, v29  }
0x1f0: {  	v14 =	vsel vm13, v49, v30;
	vm10 =	vmmov $0xff;
	v43 =	vsel vm11, v59, v61  }
0x1f1: {  	v19 =	vld [tilespmem:$0x1FED0];
	v59 =	vlaneseq.u32;
	v13 =	vsel vm12, v13, v28;
	v15 =	vsel vm14, v15, v18  }
0x1f2: {  	v41 =	vld [tilespmem:$0x1FEE0];
	vm12 =	vmmov $0x1ff;
	v13 =	vsel vm14, v13, v14;
	v14 =	vmin.f32 v34, v37  }
0x1f3: {  	v4 =	vor.u32 v59, v4;
	v17 =	vor.u32 v59, v17;
	v18 =	vperm.xlane v14, v7  }
0x1f4: {  	v9 =	vor.u32 v59, v9;
	v12 =	vor.u32 v59, v12;
	v15 =	vsel vm4, v15, v36  }
0x1f5: {  	vm14 =	vlt.s32 v57, v58;
	v13 =	vsel vm4, v13, v35;
	v14 =	vmin.f32 v14, v18  }
0x1f6: {  	v15 =	vsel vm6, v15, v19;
	v46 =	vsel vm14, v57, v58;
	v18 =	vperm.xlane v14, v8  }
0x1f7: {  	vm4 =	vlt.s32 v55, v56;
	v13 =	vsel vm6, v13, v16;
	v15 =	vsel vm8, v15, v41  }
0x1f8: {  	v16 =	vmin.f32 v23, v48;
	v14 =	vmin.f32 v14, v18;
	v18 =	vmin.f32 v11, v44  }
0x1f9: {  	v50 =	vsel vm4, v55, v56;
	v13 =	vsel vm8, v13, v40;
	v47 =	vperm.xlane v18, v6  }
0x1fa: {  	v15 =	vsel vm10, v15, v52;
	v52 =	vperm.xlane v16, v6;
	v13 =	vsel vm10, v13, v42  }
0x1fb: {  	v15 =	vsel vm12, v15, v53;
	vm13 =	veq.f32 v24, v14;
	v18 =	vmin.f32 v18, v47  }
0x1fc: {  	v53 =	vmin.f32 v10, v21;
	v4 =	vnsel vm13, $0x40000000, v4;
	v20 =	vperm.xlane v18, v7  }
0x1fd: {  	v13 =	vsel vm12, v13, v43;
	v15 =	vsel vm15, v15, v54;
	v45 =	vperm.xlane v4, v5  }
0x1fe: {  	v16 =	vmin.f32 v16, v52;
	v21 =	vperm.xlane v53, v6;
	v18 =	vmin.f32 v18, v20  }
0x1ff: {  	v13 =	vsel vm15, v13, v46;
	vm1 =	vlt.s32 v4, v45;
	v20 =	vperm.xlane v18, v8  }
0x200: {  	v25 =	vperm.xlane v16, v7;
	v19 =	vmin.f32 v53, v21;
	v4 =	vsel vm1, v4, v45  }
0x201: {  	v55 =	vperm.xlane v19, v7;
	v49 =	vperm.xlane v4, v6;
	v18 =	vmin.f32 v18, v20  }
0x202: {  	v15 =	vsel vm7, v15, v51;
	vm6 =	veq.f32 v11, v18;
	v11 =	vmin.f32 v16, v25  }
0x203: {  	vm5 =	vlt.s32 v4, v49;
	v16 =	vmin.f32 v19, v55;
	v56 =	vperm.xlane v11, v8  }
0x204: {  	v13 =	vsel vm7, v13, v50;
	v4 =	vsel vm5, v4, v49;
	v19 =	vperm.xlane v16, v8  }
0x205: {  	v54 =	vperm.xlane v4, v7;
	v17 =	vnsel vm6, $0x40000000, v17;
	v11 =	vmin.f32 v11, v56  }
0x206: {  	v57 =	vperm.xlane v17, v5;
	v16 =	vmin.f32 v16, v19;
	vm10 =	veq.f32 v23, v11  }
0x207: {  	vm8 =	vlt.s32 v4, v54;
	vm11 =	veq.f32 v10, v16;
	v9 =	vnsel vm10, $0x40000000, v9  }
0x208: {  	vm9 =	vlt.s32 v17, v57;
	v12 =	vnsel vm11, $0x40000000, v12;
	v58 =	vperm.xlane v9, v5  }
0x209: {  	v4 =	vsel vm8, v4, v54;
	vm8 =	vmmov $0xfff;
	v60 =	vperm.xlane v12, v5  }
0x20a: {  	v10 =	vsel vm9, v17, v57;
	v61 =	vperm.xlane v4, v8;
	vm12 =	vlt.s32 v9, v58  }
0x20b: {  	v17 =	vperm.xlane v10, v6;
	vm14 =	vlt.s32 v12, v60;
	v9 =	vsel vm12, v9, v58  }
0x20c: {  	v14 =	vsel vm8, v15, v14;
	v12 =	vsel vm14, v12, v60;
	v19 =	vperm.xlane v9, v6  }
0x20d: {  	vm11 =	vmmov $0x1fff;
	vm13 =	vlt.s32 v10, v17;
	v20 =	vperm.xlane v12, v6  }
0x20e: {  	v14 =	vsel vm11, v14, v18;
	v10 =	vsel vm13, v10, v17;
	vm5 =	vlt.s32 v9, v19  }
0x20f: {  	v17 =	vperm.xlane v10, v7;
	vm7 =	vlt.s32 v12, v20;
	v9 =	vsel vm5, v9, v19  }
0x210: {  	vm15 =	vlt.s32 v4, v61;
	v12 =	vsel vm7, v12, v20;
	v19 =	vperm.xlane v9, v7  }
0x211: {  	v4 =	vsel vm15, v4, v61;
	vm6 =	vlt.s32 v10, v17;
	v20 =	vperm.xlane v12, v7  }
0x212: {  	vm15 =	vmmov $0x7fff;
	v10 =	vsel vm6, v10, v17;
	vm9 =	vlt.s32 v9, v19  }
0x213: {  	v17 =	vperm.xlane v10, v8;
	vm1 =	vlt.s32 v12, v20;
	v9 =	vsel vm9, v9, v19  }
0x214: {  	s28 =	sadd.s32 $0x1, s28;
	v4 =	vsel vm8, v13, v4;
	v12 =	vsel vm1, v12, v20;
	v62 =	vperm.xlane v9, v8  }
0x215: {  	p0 =	sne.s32 s28, $0x10;
	vm13 =	vmmov $0x3fff;
	vm10 =	vlt.s32 v10, v17;
	v63 =	vperm.xlane v12, v8  }
.Ltmp11:
0x216: {  	[tilespmem:s23+$0x0] =	vst v3;
	v3 =	vsel vm13, v14, v11;
	v10 =	vsel vm10, v10, v17;
	vm12 =	vlt.s32 v9, v62;
	(pc) =	sbr.rel @p0 .LBB2_14-.Ltmp11, $4  }
0x217: {  	v4 =	vsel vm11, v4, v10;
	vm14 =	vlt.s32 v12, v63;
	v9 =	vsel vm12, v9, v62  }
0x218: {  	[tilespmem:s5+$0x0] =	vst v2;
	v3 =	vsel vm15, v3, v16;
	v2 =	vsel vm13, v4, v9;
	v4 =	vsel vm14, v12, v63  }
0x219: {  	[tilespmem:s4+$0x10000] =	vst v3;
	v2 =	vsel vm15, v2, v4  }
0x21a: {  	[tilespmem:s4+$0x10100] =	vst v2  }
0x21b: {  	s4 =	rddreg [dreg:$0xe]  }
0x21c: {  	[hbm4b:s4+s3] =	stream.linear.scatter [tilespmem:s29], [sflag:$0x1], $0x100, $0x38;
	[tilespmem:$0x12400] =	vst v63  }
0x21d: {  	s4 =	simm.s32 $0x1  }
0x21e: {  	_ =	swait.ge [sflag:s4], $0x100  }
0x21f: {  	[sflag:s4] =	ssyncset.done $0x0  }
0x220: {  	s5 =	rddreg [dreg:$0xf];
	[sflag:s4] =	ssyncadd.s32 $0xFFFFFF00  }
0x221: {  	[hbm4b:s5+s3] =	stream.linear.scatter [tilespmem:s30], [sflag:$0x1], $0x100, $0x38;
	[tilespmem:$0x12400] =	vst v63  }
0x222: {  	_ =	swait.ge [sflag:s4], $0x100  }
0x223: {  	[sflag:s4] =	ssyncset.done $0x0  }
0x224: {  	s6 =	simm.s32 $0xE000;
	s16 =	rddreg [dreg:$0x10];
	[sflag:s4] =	ssyncadd.s32 $0xFFFFFF00  }
0x225: {  	[spmem:s16] =	stream.strided.scatter [tilespmem:s6], [sflag:$0x1], $0x1000, s0, s31, $0x38;
	[tilespmem:$0x12400] =	vst v63  }
0x226: {  	_ =	swait.ge [sflag:s4], $0x1000  }
0x227: {  	[sflag:s4] =	ssyncset.done $0x0  }
0x228: {  	s23 =	simm.s32 $0xF000;
	s17 =	rddreg [dreg:$0x11];
	[sflag:s4] =	ssyncadd.s32 $0xFFFFF000  }
0x229: {  	[spmem:s17] =	stream.strided.scatter [tilespmem:s23], [sflag:$0x1], $0x1000, s0, s31, $0x38;
	[tilespmem:$0x12400] =	vst v63  }
0x22a: {  	_ =	swait.ge [sflag:s4], $0x1000  }
0x22b: {  	[sflag:s4] =	ssyncset.done $0x0  }
0x22c: {  	[sflag:s4] =	ssyncadd.s32 $0xFFFFF000  }
0x22d: {  	[bflag:$0x0] =	sbarrier.arrive $0xFFFF  }
0x22e: {  	s28 =	rddreg [dreg:$0x12]  }
0x22f: {  	[tilespmem:s29], [sflag:$0x1] =	stream.strided.gather [spmem:s28], $0x100, s0, s31, $0x38;
	[tilespmem:$0x12400] =	vst v63  }
0x230: {  	_ =	swait.ge [sflag:s4], $0x100  }
0x231: {  	[sflag:s4] =	ssyncset.done $0x0  }
0x232: {  	[sflag:s4] =	ssyncadd.s32 $0xFFFFFF00  }
0x233: {  	[tilespmem:s30], [sflag:$0x1] =	stream.strided.gather [spmem:s18], $0x100, s0, s31, $0x38;
	[tilespmem:$0x12400] =	vst v63  }
0x234: {  	_ =	swait.ge [sflag:s4], $0x100  }
0x235: {  	[sflag:s4] =	ssyncset.done $0x0  }
0x236: {  	[sflag:s4] =	ssyncadd.s32 $0xFFFFFF00  }
.LBB2_24:
0x237: {  	s5 =	sshll.u32 s4, $0xC;
	s6 =	sshll.u32 s4, $0x7  }
0x238: {  	s5 =	sand.u32 $0x8000, s5;
	s6 =	sand.u32 $0x380, s6  }
0x239: {  	s5 =	sor.u32 s5, s6  }
0x23a: {  	s5 =	sor.u32 s15, s5  }
0x23b: {  	s28 =	sadd.s32 s5, s1  }
0x23c: {  	[tilespmem:s24], [sflag:$0x1] =	stream.strided.gather [spmem:s28], $0x100, s0, s31, $0x38;
	[tilespmem:$0x12400] =	vst v63  }
0x23d: {  	_ =	swait.ge [sflag:s22], $0x100  }
0x23e: {  	[sflag:s22] =	ssyncset.done $0x0  }
0x23f: {  	s5 =	sadd.s32 s5, s2;
	[sflag:s22] =	ssyncadd.s32 $0xFFFFFF00  }
0x240: {  	[tilespmem:s25], [sflag:$0x1] =	stream.strided.gather [spmem:s5], $0x100, s0, s31, $0x38;
	[tilespmem:$0x12400] =	vst v63  }
0x241: {  	_ =	swait.ge [sflag:s22], $0x100  }
0x242: {  	[sflag:s22] =	ssyncset.done $0x0  }
0x243: {  	s5 =	simm.s32 $0x0;
	[sflag:s22] =	ssyncadd.s32 $0xFFFFFF00  }
0x244: {  	v3 =	vld [tilespmem:s5+$0x10200]  }
0x245: {  	v4 =	vld [tilespmem:s5+$0x10000]  }
0x246: {  	v9 =	vld [tilespmem:s5+$0x10300]  }
0x247: {  	v10 =	vld [tilespmem:s5+$0x10100];
	_ =	sdelay $0x2  }
0x248: {  	s6 =	simm.s32 $0x10;
	vm0 =	vlt.f32 v3, v4  }
0x249: {  	v2 =	vld [tilespmem:s6+$0x10300];
	v11 =	vsel vm0, v3, v4  }
0x24a: {  	s7 =	simm.s32 $0x80;
	v3 =	vld [tilespmem:s6+$0x10200];
	v4 =	vsel vm0, v9, v10;
	[tilespmem:s5+$0x10000] =	vst v11  }
.LBB2_25:
0x24b: {  	p0 =	sne.s32 s7, $0x3C0;
	v9 =	vld [tilespmem:s6+$0x10000];
	[tilespmem:s5+$0x10100] =	vst v4;
	s5 =	smov.u32 s6  }
0x24c: {  	v4 =	vld [tilespmem:s5+$0x10100];
	_ =	sdelay $0x1  }
.Ltmp12:
0x24d: {  	(pc) =	sbr.rel @p0 .LBB2_25-.Ltmp12, $4  }
0x24e: {  	_ = 	snop  }
0x24f: {  	s6 =	sshra.s32 s7, $0x2;
	vm0 =	vlt.f32 v3, v9  }
0x250: {  	v9 =	vsel vm0, v3, v9;
	v4 =	vsel vm0, v2, v4;
	v2 =	vld [tilespmem:s6+$0x10300]  }
0x251: {  	s7 =	sadd.s32 $0x40, s7;
	v3 =	vld [tilespmem:s6+$0x10200];
	[tilespmem:s5+$0x10000] =	vst v9  }
0x252: {  	v9 =	vld [tilespmem:s6+$0x10000]  }
0x253: {  	[tilespmem:s5+$0x10100] =	vst v4  }
0x254: {  	s4 =	sadd.s32 $0x1, s4;
	v4 =	vld [tilespmem:s6+$0x10100]  }
0x255: {  	p0 =	sne.s32 s4, $0x10  }
.Ltmp13:
0x256: {  	_ = 	snop;
	(pc) =	sbr.rel @p0 .LBB2_24-.Ltmp13, $4  }
0x257: {  	vm0 =	vlt.f32 v3, v9  }
0x258: {  	v3 =	vsel vm0, v3, v9  }
0x259: {  	v2 =	vsel vm0, v2, v4;
	[tilespmem:s6+$0x10000] =	vst v3  }
0x25a: {  	[tilespmem:s6+$0x10100] =	vst v2  }
0x25b: {  	[hbm4b:s19+s3] =	stream.linear.scatter [tilespmem:s29], [sflag:$0x1], $0x100, $0x38;
	[tilespmem:$0x12400] =	vst v63  }
0x25c: {  	_ =	swait.ge [sflag:s22], $0x100  }
0x25d: {  	s26 =	sadd.s32 $0x1, s26;
	[sflag:s22] =	ssyncset.done $0x0  }
0x25e: {  	p0 =	sne.s32 s26, s21;
	[sflag:s22] =	ssyncadd.s32 $0xFFFFFF00  }
0x25f: {  	[hbm4b:s20+s3] =	stream.linear.scatter [tilespmem:s30], [sflag:$0x1], $0x100, $0x38;
	[tilespmem:$0x12400] =	vst v63  }
.Ltmp14:
0x260: {  	_ = 	snop;
	(pc) =	sbr.rel @p0 .LBB2_1-.Ltmp14, $4  }
.Ltmp15:
0x261: {  	_ = 	snop;
	(pc) =	sbr.rel @!p0 .LBB2_28-.Ltmp15, $4  }
0x262: {  	_ =	swait.ge [sflag:s22], $0x100  }
0x263: {  	[sflag:s22] =	ssyncset.done $0x0  }
0x264: {  	[sflag:s22] =	ssyncadd.s32 $0xFFFFFF00  }
0x265: {  	_ = 	snop  }
.LBB2_4:
.Ltmp16:
0x266: {  	(pc) =	sbr.rel .LBB2_11-.Ltmp16, $2  }
0x267: {  	_ =	sdelay $0x2  }
0x268: {  	s6 =	simm.s32 $0x0  }
.LBB2_6:
.Ltmp17:
0x269: {  	(pc) =	sbr.rel .LBB2_11-.Ltmp17, $2  }
0x26a: {  	_ =	sdelay $0x2  }
0x26b: {  	v10 =	vmov v2;
	s6 =	simm.s32 $0x10;
	v2 =	vmov v3  }
.LBB2_8:
.Ltmp18:
0x26c: {  	(pc) =	sbr.rel .LBB2_11-.Ltmp18, $2  }
0x26d: {  	_ =	sdelay $0x2  }
0x26e: {  	v13 =	vmov v4;
	s8 =	simm.s32 $0x0;
	s5 =	simm.s32 $0x10;
	v10 =	vmov v3;
	v4 =	vmov v15  }
.LBB2_28:
0x26f: {  	_ =	sfence.sel $0x180000  }
0x270: {  	[bflag:$0x0] =	sbarrier.arrive $0xFFFF  }
0x271: {  	_ =	strace $0x90000047  }
0x272: {  	s0 =	stileid.u32;
	[bflag:$0x2] =	sbarrier.arrive $0xFFFF  }
0x273: {  	p0 =	sne.s32 s0, $0x0;
	s0 =	rddreg [dreg:$0x7]  }
0x274: {  	s0 =	sadd.s32 @!p0 $0x100000, s0  }
0x275: {  	[sflag:s0] =	ssyncadd.tile.s32 @!p0 $0x1;
	_ =	shalt  }
.Lfunc_end2:
_tile_overlayer_lowered:
.L_overlay_start_2:
0x276: {  	(tag) =	ssettag $0x2  }
0x277: {  	s0 =	rddreg [dreg:$0x0];
	s2 =	stileid.u32  }
0x278: {  	s1 =	rddreg [dreg:$0x1];
	p0 =	sne.s32 s2, $0x0  }
0x279: {  	s3 =	rddreg [dreg:$0x2];
	[bflag:$0x3] =	sbarrier.arrive $0xFFFF;
	s2 =	simm.s32 @!p0 $0x1C01  }
0x27a: {  	[timem:s3], [sflag:s2] =	dma.local @!p0 [hbm:s0], s1  }
0x27b: {  	s0 =	simm.s32 @!p0 $0x1  }
0x27c: {  	_ =	swait.ge @!p0 [sflag:s0], s1  }
0x27d: {  	s1 =	ssub.s32 @!p0 $0x0, s1;
	[sflag:s0] =	ssyncset.done @!p0 $0x0  }
0x27e: {  	[sflag:s0] =	ssyncadd.s32 @!p0 s1  }
0x27f: {  	[bflag:$0x3] =	sbarrier.arrive $0xFFFF  }
0x280: {  	_ =	shalt  }

</sc_bundles>
